<compile_context>
chip_gen: v7x
topology: tpu7x:2x2x1
jax: 0.10.2.dev20260603
libtpu: 0.0.44.dev20260713+nightly
codegen_flags: <defaults>
</compile_context>

<pallas_src>
import functools

import jax
import jax.numpy as jnp
from jax import lax
from jax.experimental import pallas as pl
from jax.experimental.pallas import tpu as pltpu
from jax.experimental.pallas import tpu_sc as plsc

KNN = 20
B = 8
N = 2048
BN = B * N
TN = 256
NT = N // TN
NW = 32
EDGES = BN * KNN
EPW = EDGES // NW
ECH = 128
NCHUNK = EPW // ECH
TW = 128
TP = 256


def _make_topk_body(C):
    def body(p_ref, pf_ref, idx_ref):
        b = pl.program_id(0)
        pr = p_ref[0][:, :C]
        pf = pf_ref[0][:, :C]
        g = lax.dot_general(pr, pf, (((1,), (1,)), ((), ())),
                            preferred_element_type=jnp.float32)
        rr = jnp.sum(pr * pr, axis=1)
        rf = jnp.sum(pf * pf, axis=1)
        d = 2.0 * g - rr[:, None] - rf[None, :]

        cols = lax.broadcasted_iota(jnp.int32, (TN, N), 1)
        kcol = lax.broadcasted_iota(jnp.int32, (TN, KNN), 1)
        idx_out = jnp.zeros((TN, KNN), jnp.int32)
        for k in range(KNN):
            rowmax = jnp.max(d, axis=1, keepdims=True)
            cand = jnp.where(d == rowmax, cols, jnp.int32(1 << 30))
            sel = jnp.min(cand, axis=1)
            idx_out = jnp.where(kcol == k, sel[:, None], idx_out)
            d = jnp.where(cols == sel[:, None], -jnp.inf, d)
        idx_ref[0] = idx_out + b * N
    return body


@functools.lru_cache(maxsize=None)
def _sc_gather():
    mesh = plsc.VectorSubcoreMesh(core_axis_name="c", subcore_axis_name="s")

    @functools.partial(
        pl.kernel, mesh=mesh,
        out_type=jax.ShapeDtypeStruct((EDGES, TW), jnp.float32),
        scratch_types=[
            pltpu.VMEM((ECH,), jnp.int32),
            pltpu.VMEM((ECH,), jnp.int32),
            pltpu.VMEM((ECH, TW), jnp.float32),
            pltpu.VMEM((ECH, TW), jnp.float32),
            pltpu.SemaphoreType.DMA,
            pltpu.SemaphoreType.DMA,
        ],
    )
    def sc_fn(tab_hbm, idxf_hbm, e_hbm, idx0, idx1, rows0, rows1, s0, s1):
        wid = lax.axis_index("s") * 2 + lax.axis_index("c")
        base = wid * EPW
        nh = NCHUNK // 2

        pltpu.sync_copy(idxf_hbm.at[pl.ds(base, ECH)], idx0)
        pltpu.async_copy(tab_hbm.at[idx0], rows0, s0)

        def chunk_body(j, carry):
            e0 = base + 2 * j * ECH
            e1 = e0 + ECH
            pltpu.sync_copy(idxf_hbm.at[pl.ds(e1, ECH)], idx1)
            pltpu.async_copy(tab_hbm.at[idx1], rows1, s1)
            pltpu.make_async_copy(tab_hbm.at[idx0], rows0, s0).wait()
            pltpu.sync_copy(rows0, e_hbm.at[pl.ds(e0, ECH)])

            @pl.when(j < nh - 1)
            def _():
                pltpu.sync_copy(idxf_hbm.at[pl.ds(e1 + ECH, ECH)], idx0)
                pltpu.async_copy(tab_hbm.at[idx0], rows0, s0)

            pltpu.make_async_copy(tab_hbm.at[idx1], rows1, s1).wait()
            pltpu.sync_copy(rows1, e_hbm.at[pl.ds(e1, ECH)])
            return carry

        lax.fori_loop(0, nh, chunk_body, 0)

    return sc_fn


def _make_conv_body(C, O):
    def body(e_ref, p_ref, w_ref, m_ref):
        p = p_ref[...][:, :C]
        w = w_ref[...]
        m = None
        for k in range(KNN):
            ek = e_ref[:, k, :C]
            f = jnp.concatenate([ek - p, p], axis=1)
            y = lax.dot_general(f, w, (((1,), (0,)), ((), ())),
                                preferred_element_type=jnp.float32)
            m = y if m is None else jnp.maximum(m, y)
        m_ref[...] = m
    return body


def _make_finalize_body(O):
    def body(m_ref, mean_ref, den_ref, g_ref, b_ref, o_ref):
        zn = (m_ref[...] - mean_ref[...]) / den_ref[...]
        zn = zn * g_ref[...] + b_ref[...]
        a = jnp.where(zn > 0, zn, 0.2 * zn)
        if O < TW:
            a = jnp.concatenate(
                [a, jnp.zeros((a.shape[0], TW - O), jnp.float32)], axis=1)
        o_ref[...] = a
    return body


def _layer(Ppad, W, gamma, beta, C, O):
    P3 = Ppad.reshape(B, N, TW)
    idx = pl.pallas_call(
        _make_topk_body(C),
        grid=(B, NT),
        in_specs=[
            pl.BlockSpec((1, TN, TW), lambda b, t: (b, t, 0)),
            pl.BlockSpec((1, N, TW), lambda b, t: (b, 0, 0)),
        ],
        out_specs=pl.BlockSpec((1, TN, KNN), lambda b, t: (b, t, 0)),
        out_shape=jax.ShapeDtypeStruct((B, N, KNN), jnp.int32),
    )(P3, P3)

    E = _sc_gather()(Ppad, idx.reshape(EDGES))

    NG = BN // TP
    wt = jnp.transpose(W)
    m = pl.pallas_call(
        _make_conv_body(C, O),
        grid=(NG,),
        in_specs=[
            pl.BlockSpec((TP, KNN, TW), lambda i: (i, 0, 0)),
            pl.BlockSpec((TP, TW), lambda i: (i, 0)),
            pl.BlockSpec((2 * C, O), lambda i: (0, 0)),
        ],
        out_specs=pl.BlockSpec((TP, O), lambda i: (i, 0)),
        out_shape=jax.ShapeDtypeStruct((BN, O), jnp.float32),
    )(E.reshape(BN, KNN, TW), Ppad, wt)

    E4 = E.reshape(B, N, KNN, TW)
    feat = E4[:, :, :, :C]
    x_t = P3[:, :, :C]
    x_rep = jnp.broadcast_to(x_t[:, :, None, :], (B, N, KNN, C))
    fo = jnp.concatenate([feat - x_rep, x_rep], axis=3)
    f4 = jnp.transpose(fo, (0, 3, 1, 2))
    y4 = jnp.einsum('oc,bcnk->bonk', W, f4)
    mean4 = jnp.mean(y4, axis=(0, 2, 3), keepdims=True)
    var4 = jnp.var(y4, axis=(0, 2, 3), keepdims=True)
    mean = mean4[0, :, 0, 0]
    den = jnp.sqrt(var4 + 1e-5)[0, :, 0, 0]

    TB = 2048
    out = pl.pallas_call(
        _make_finalize_body(O),
        grid=(BN // TB,),
        in_specs=[
            pl.BlockSpec((TB, O), lambda i: (i, 0)),
            pl.BlockSpec((1, O), lambda i: (0, 0)),
            pl.BlockSpec((1, O), lambda i: (0, 0)),
            pl.BlockSpec((1, O), lambda i: (0, 0)),
            pl.BlockSpec((1, O), lambda i: (0, 0)),
        ],
        out_specs=pl.BlockSpec((TB, TW), lambda i: (i, 0)),
        out_shape=jax.ShapeDtypeStruct((BN, TW), jnp.float32),
    )(m, mean[None], den[None], gamma[None], beta[None])
    return out


def kernel(x, W1, g1, b1, W2, g2, b2, W3, g3, b3, W4, g4, b4):
    P = jnp.transpose(x, (0, 2, 1)).reshape(BN, 5)
    Ppad = jnp.concatenate(
        [P, jnp.zeros((BN, TW - 5), jnp.float32)], axis=1)
    Ppad = _layer(Ppad, W1, g1, b1, 5, 64)
    Ppad = _layer(Ppad, W2, g2, b2, 64, 64)
    Ppad = _layer(Ppad, W3, g3, b3, 64, 128)
    Ppad = _layer(Ppad, W4, g4, b4, 128, 128)
    h = Ppad.reshape(B, N, TW)
    return jnp.transpose(h, (0, 2, 1))

# --- scband reference (transcript-rebuilt; emitter-appended) ---
"""Pipeline reference for scband-dgcnnspatial-branch-5274219839629 (READ-ONLY COPY).

The authoritative reference and input builder live on the scoring server;
editing this copy changes nothing except your own understanding.
"""

import jax, jax.numpy as jnp
import numpy as np

K = 20

def knn(x, k):
    # x: (B, C, N)
    inner = -2.0 * jnp.einsum('bcn,bcm->bnm', x, x)
    xx = jnp.sum(x ** 2, axis=1)  # (B, N)
    dist = -xx[:, :, None] - inner - xx[:, None, :]
    return jax.lax.top_k(dist, k)[1]  # (B, N, K)


def get_graph_feature(x, k):
    B, C, N = x.shape
    idx = knn(x, k)  # (B, N, K)
    x_t = jnp.transpose(x, (0, 2, 1))  # (B, N, C)
    feat = jax.vmap(lambda xt, i: xt[i])(x_t, idx)  # (B, N, K, C) gather
    x_rep = jnp.broadcast_to(x_t[:, :, None, :], (B, N, k, C))
    out = jnp.concatenate([feat - x_rep, x_rep], axis=3)  # (B, N, K, 2C)
    return jnp.transpose(out, (0, 3, 1, 2))  # (B, 2C, N, K)


def conv_bn_lrelu(x, W, gamma, beta):
    # 1x1 Conv2d (no bias) + BatchNorm2d (training-mode batch stats) + LeakyReLU(0.2)
    y = jnp.einsum('oc,bcnk->bonk', W, x)
    mean = jnp.mean(y, axis=(0, 2, 3), keepdims=True)
    var = jnp.var(y, axis=(0, 2, 3), keepdims=True)
    yn = (y - mean) / jnp.sqrt(var + 1e-5)
    yn = yn * gamma[None, :, None, None] + beta[None, :, None, None]
    return jnp.where(yn > 0, yn, 0.2 * yn)


def setup_inputs(seed: int = 0) -> dict:
    key = jax.random.key(seed)
    ks = jax.random.split(key, 8)
    x = jax.random.normal(ks[0], (8, 5, 2048), dtype=jnp.float32)
    W1 = jax.random.normal(ks[1], (64, 10), dtype=jnp.float32) * 0.1
    W2 = jax.random.normal(ks[2], (64, 128), dtype=jnp.float32) * 0.05
    W3 = jax.random.normal(ks[3], (128, 128), dtype=jnp.float32) * 0.05
    W4 = jax.random.normal(ks[4], (128, 256), dtype=jnp.float32) * 0.05
    return {
        'x': x,
        'W1': W1, 'g1': jnp.ones((64,), jnp.float32), 'b1': jnp.zeros((64,), jnp.float32),
        'W2': W2, 'g2': jnp.ones((64,), jnp.float32), 'b2': jnp.zeros((64,), jnp.float32),
        'W3': W3, 'g3': jnp.ones((128,), jnp.float32), 'b3': jnp.zeros((128,), jnp.float32),
        'W4': W4, 'g4': jnp.ones((128,), jnp.float32), 'b4': jnp.zeros((128,), jnp.float32),
    }


def reference(x, W1, g1, b1, W2, g2, b2, W3, g3, b3, W4, g4, b4):
    h = get_graph_feature(x, K)
    h = conv_bn_lrelu(h, W1, g1, b1)
    h = jnp.max(h, axis=-1)  # (B, 64, N)
    h = get_graph_feature(h, K)
    h = conv_bn_lrelu(h, W2, g2, b2)
    h = jnp.max(h, axis=-1)  # (B, 64, N)
    h = get_graph_feature(h, K)
    h = conv_bn_lrelu(h, W3, g3, b3)
    h = jnp.max(h, axis=-1)  # (B, 128, N)
    h = get_graph_feature(h, K)
    h = conv_bn_lrelu(h, W4, g4, b4)
    h = jnp.max(h, axis=-1)  # (B, 128, N)
    return h

if __name__ == "__main__":
    import jax
    _d = setup_inputs()
    print(jax.jit(kernel)(*tuple(_d.values())))

</pallas_src>

<mosaic_0001>
#map = affine_map<(d0, d1) -> (0, 0)>
#map1 = affine_map<(d0, d1) -> (0)>
module attributes {stable_mosaic.version = 14 : i64} {
  func.func @sc_fn(%arg0: i32, %arg1: i32, %arg2: memref<16384x128xf32, #tpu.memory_space<hbm>>, %arg3: memref<327680xi32, #tpu.memory_space<hbm>>, %arg4: memref<327680x128xf32, #tpu.memory_space<hbm>>, %arg5: memref<128xi32, #tpu.memory_space<vmem>>, %arg6: memref<128xi32, #tpu.memory_space<vmem>>, %arg7: memref<128x128xf32, #tpu.memory_space<vmem>>, %arg8: memref<128x128xf32, #tpu.memory_space<vmem>>, %arg9: memref<!tpu.dma_semaphore, #tpu.memory_space<semaphore_mem>>, %arg10: memref<!tpu.dma_semaphore, #tpu.memory_space<semaphore_mem>>) attributes {dimension_semantics = [#tpu.dimension_semantics<core_parallel>, #tpu.dimension_semantics<subcore_parallel>], iteration_bounds = array<i64: 2, 16>, scalar_prefetch = 0 : i64, scratch_operands = 6 : i64, tpu.core_type = #tpu.core_type<sc_vector_subcore>, window_params = [{transform_indices = #map}, {transform_indices = #map1}, {transform_indices = #map}]} {
    %mul3A = arith.constant 2 : i32
    %mul3A_0 = arith.muli %arg1, %mul3A : i32
    %add3A = arith.addi %mul3A_0, %arg0 : i32
    %mul3A_1 = arith.constant 10240 : i32
    %mul3A_2 = arith.muli %add3A, %mul3A_1 : i32
    "tpu.region"() ({
      %run_scoped3A = tpu.sem_alloc : memref<!tpu.dma_semaphore, #tpu.memory_space<semaphore_mem>>
      %dma_start3A_10 = tpu.memref_slice %arg3[%mul3A_2] : memref<327680xi32, #tpu.memory_space<hbm>> -> memref<128xi32, #tpu.memory_space<hbm>>
      %dma_start3A_11 = tpu.memref_slice %arg3[%mul3A_2] : memref<327680xi32, #tpu.memory_space<hbm>> -> memref<128xi32, #tpu.memory_space<hbm>>
      tpu.enqueue_dma source(%dma_start3A_11 : memref<128xi32, #tpu.memory_space<hbm>>) target(%arg5 : memref<128xi32, #tpu.memory_space<vmem>>) target_semaphore(%run_scoped3A : memref<!tpu.dma_semaphore, #tpu.memory_space<semaphore_mem>>)
      %dma_wait3A = tpu.memref_slice %arg3[%mul3A_2] : memref<327680xi32, #tpu.memory_space<hbm>> -> memref<128xi32, #tpu.memory_space<hbm>>
      %dma_wait3A_12 = tpu.memref_slice %arg3[%mul3A_2] : memref<327680xi32, #tpu.memory_space<hbm>> -> memref<128xi32, #tpu.memory_space<hbm>>
      tpu.wait_dma2 semaphore(%run_scoped3A : memref<!tpu.dma_semaphore, #tpu.memory_space<semaphore_mem>>) src(%dma_wait3A_12 : memref<128xi32, #tpu.memory_space<hbm>>) dst(%arg5 : memref<128xi32, #tpu.memory_space<vmem>>)
      tpu.yield
    }) : () -> ()
    %dma_start3A = arith.constant 0 : i32
    %dma_start3A_3 = arith.constant 0 : i32
    %dma_start3A_4 = tpu.memref_slice %arg2[%dma_start3A, %dma_start3A_3] : memref<16384x128xf32, #tpu.memory_space<hbm>> -> memref<16384x128xf32, #tpu.memory_space<hbm>>
    tpu.enqueue_indirect_dma source(%dma_start3A_4 : memref<16384x128xf32, #tpu.memory_space<hbm>>) target(%arg7 : memref<128x128xf32, #tpu.memory_space<vmem>>) offsets(%arg5 : memref<128xi32, #tpu.memory_space<vmem>>) semaphore(%arg9 : memref<!tpu.dma_semaphore, #tpu.memory_space<semaphore_mem>>)
    %scan3A = arith.constant 0 : i32
    %scan3A_5 = arith.constant 0 : i32
    %scan3A_6 = arith.constant 40 : i32
    %scan3A_7 = arith.addi %scan3A_5, %scan3A_6 : i32
    %scan3A_8 = arith.constant 1 : i32
    scf.for %scan3A_10 = %scan3A_5 to %scan3A_7 step %scan3A_8  : i32 {
      %mul3A_11 = arith.constant 2 : i32
      %mul3A_12 = arith.muli %mul3A_11, %scan3A_10 : i32
      %mul3A_13 = arith.constant 128 : i32
      %mul3A_14 = arith.muli %mul3A_12, %mul3A_13 : i32
      %add3A_15 = arith.addi %mul3A_2, %mul3A_14 : i32
      %add3A_16 = arith.constant 128 : i32
      %add3A_17 = arith.addi %add3A_15, %add3A_16 : i32
      "tpu.region"() ({
        %run_scoped3A = tpu.sem_alloc : memref<!tpu.dma_semaphore, #tpu.memory_space<semaphore_mem>>
        %dma_start3A_28 = tpu.memref_slice %arg3[%add3A_17] : memref<327680xi32, #tpu.memory_space<hbm>> -> memref<128xi32, #tpu.memory_space<hbm>>
        %dma_start3A_29 = tpu.memref_slice %arg3[%add3A_17] : memref<327680xi32, #tpu.memory_space<hbm>> -> memref<128xi32, #tpu.memory_space<hbm>>
        tpu.enqueue_dma source(%dma_start3A_29 : memref<128xi32, #tpu.memory_space<hbm>>) target(%arg6 : memref<128xi32, #tpu.memory_space<vmem>>) target_semaphore(%run_scoped3A : memref<!tpu.dma_semaphore, #tpu.memory_space<semaphore_mem>>)
        %dma_wait3A_30 = tpu.memref_slice %arg3[%add3A_17] : memref<327680xi32, #tpu.memory_space<hbm>> -> memref<128xi32, #tpu.memory_space<hbm>>
        %dma_wait3A_31 = tpu.memref_slice %arg3[%add3A_17] : memref<327680xi32, #tpu.memory_space<hbm>> -> memref<128xi32, #tpu.memory_space<hbm>>
        tpu.wait_dma2 semaphore(%run_scoped3A : memref<!tpu.dma_semaphore, #tpu.memory_space<semaphore_mem>>) src(%dma_wait3A_31 : memref<128xi32, #tpu.memory_space<hbm>>) dst(%arg6 : memref<128xi32, #tpu.memory_space<vmem>>)
        tpu.yield
      }) : () -> ()
      %dma_start3A_18 = arith.constant 0 : i32
      %dma_start3A_19 = arith.constant 0 : i32
      %dma_start3A_20 = tpu.memref_slice %arg2[%dma_start3A_18, %dma_start3A_19] : memref<16384x128xf32, #tpu.memory_space<hbm>> -> memref<16384x128xf32, #tpu.memory_space<hbm>>
      tpu.enqueue_indirect_dma source(%dma_start3A_20 : memref<16384x128xf32, #tpu.memory_space<hbm>>) target(%arg8 : memref<128x128xf32, #tpu.memory_space<vmem>>) offsets(%arg6 : memref<128xi32, #tpu.memory_space<vmem>>) semaphore(%arg10 : memref<!tpu.dma_semaphore, #tpu.memory_space<semaphore_mem>>)
      %dma_wait3A = arith.constant 0 : i32
      %dma_wait3A_21 = arith.constant 0 : i32
      %dma_wait3A_22 = tpu.memref_slice %arg2[%dma_wait3A, %dma_wait3A_21] : memref<16384x128xf32, #tpu.memory_space<hbm>> -> memref<16384x128xf32, #tpu.memory_space<hbm>>
      tpu.wait_indirect_dma semaphore(%arg9 : memref<!tpu.dma_semaphore, #tpu.memory_space<semaphore_mem>>) src(%dma_wait3A_22 : memref<16384x128xf32, #tpu.memory_space<hbm>>) dst(%arg7 : memref<128x128xf32, #tpu.memory_space<vmem>>)
      "tpu.region"() ({
        %run_scoped3A = tpu.sem_alloc : memref<!tpu.dma_semaphore, #tpu.memory_space<semaphore_mem>>
        %dma_start3A_28 = arith.constant 0 : i32
        %dma_start3A_29 = tpu.memref_slice %arg4[%add3A_15, %dma_start3A_28] : memref<327680x128xf32, #tpu.memory_space<hbm>> -> memref<128x128xf32, #tpu.memory_space<hbm>>
        %dma_start3A_30 = arith.constant 0 : i32
        %dma_start3A_31 = tpu.memref_slice %arg4[%add3A_15, %dma_start3A_30] : memref<327680x128xf32, #tpu.memory_space<hbm>> -> memref<128x128xf32, #tpu.memory_space<hbm>>
        tpu.enqueue_dma source(%arg7 : memref<128x128xf32, #tpu.memory_space<vmem>>) target(%dma_start3A_31 : memref<128x128xf32, #tpu.memory_space<hbm>>) target_semaphore(%run_scoped3A : memref<!tpu.dma_semaphore, #tpu.memory_space<semaphore_mem>>)
        %dma_wait3A_32 = arith.constant 0 : i32
        %dma_wait3A_33 = tpu.memref_slice %arg4[%add3A_15, %dma_wait3A_32] : memref<327680x128xf32, #tpu.memory_space<hbm>> -> memref<128x128xf32, #tpu.memory_space<hbm>>
        %dma_wait3A_34 = arith.constant 0 : i32
        %dma_wait3A_35 = tpu.memref_slice %arg4[%add3A_15, %dma_wait3A_34] : memref<327680x128xf32, #tpu.memory_space<hbm>> -> memref<128x128xf32, #tpu.memory_space<hbm>>
        tpu.wait_dma2 semaphore(%run_scoped3A : memref<!tpu.dma_semaphore, #tpu.memory_space<semaphore_mem>>) src(%arg7 : memref<128x128xf32, #tpu.memory_space<vmem>>) dst(%dma_wait3A_35 : memref<128x128xf32, #tpu.memory_space<hbm>>)
        tpu.yield
      }) : () -> ()
      %lt3A = arith.constant 39 : i32
      %lt3A_23 = arith.cmpi slt, %scan3A_10, %lt3A : i32
      %convert_element_type3A = arith.extui %lt3A_23 : i1 to i32
      %cond3A = arith.constant 0 : i32
      %cond3A_24 = arith.cmpi ne, %convert_element_type3A, %cond3A : i32
      scf.if %cond3A_24 {
        %add3A_28 = arith.constant 128 : i32
        %add3A_29 = arith.addi %add3A_17, %add3A_28 : i32
        "tpu.region"() ({
          %run_scoped3A = tpu.sem_alloc : memref<!tpu.dma_semaphore, #tpu.memory_space<semaphore_mem>>
          %dma_start3A_33 = tpu.memref_slice %arg3[%add3A_29] : memref<327680xi32, #tpu.memory_space<hbm>> -> memref<128xi32, #tpu.memory_space<hbm>>
          %dma_start3A_34 = tpu.memref_slice %arg3[%add3A_29] : memref<327680xi32, #tpu.memory_space<hbm>> -> memref<128xi32, #tpu.memory_space<hbm>>
          tpu.enqueue_dma source(%dma_start3A_34 : memref<128xi32, #tpu.memory_space<hbm>>) target(%arg5 : memref<128xi32, #tpu.memory_space<vmem>>) target_semaphore(%run_scoped3A : memref<!tpu.dma_semaphore, #tpu.memory_space<semaphore_mem>>)
          %dma_wait3A_35 = tpu.memref_slice %arg3[%add3A_29] : memref<327680xi32, #tpu.memory_space<hbm>> -> memref<128xi32, #tpu.memory_space<hbm>>
          %dma_wait3A_36 = tpu.memref_slice %arg3[%add3A_29] : memref<327680xi32, #tpu.memory_space<hbm>> -> memref<128xi32, #tpu.memory_space<hbm>>
          tpu.wait_dma2 semaphore(%run_scoped3A : memref<!tpu.dma_semaphore, #tpu.memory_space<semaphore_mem>>) src(%dma_wait3A_36 : memref<128xi32, #tpu.memory_space<hbm>>) dst(%arg5 : memref<128xi32, #tpu.memory_space<vmem>>)
          tpu.yield
        }) : () -> ()
        %dma_start3A_30 = arith.constant 0 : i32
        %dma_start3A_31 = arith.constant 0 : i32
        %dma_start3A_32 = tpu.memref_slice %arg2[%dma_start3A_30, %dma_start3A_31] : memref<16384x128xf32, #tpu.memory_space<hbm>> -> memref<16384x128xf32, #tpu.memory_space<hbm>>
        tpu.enqueue_indirect_dma source(%dma_start3A_32 : memref<16384x128xf32, #tpu.memory_space<hbm>>) target(%arg7 : memref<128x128xf32, #tpu.memory_space<vmem>>) offsets(%arg5 : memref<128xi32, #tpu.memory_space<vmem>>) semaphore(%arg9 : memref<!tpu.dma_semaphore, #tpu.memory_space<semaphore_mem>>)
      } else {
      }
      %dma_wait3A_25 = arith.constant 0 : i32
      %dma_wait3A_26 = arith.constant 0 : i32
      %dma_wait3A_27 = tpu.memref_slice %arg2[%dma_wait3A_25, %dma_wait3A_26] : memref<16384x128xf32, #tpu.memory_space<hbm>> -> memref<16384x128xf32, #tpu.memory_space<hbm>>
      tpu.wait_indirect_dma semaphore(%arg10 : memref<!tpu.dma_semaphore, #tpu.memory_space<semaphore_mem>>) src(%dma_wait3A_27 : memref<16384x128xf32, #tpu.memory_space<hbm>>) dst(%arg8 : memref<128x128xf32, #tpu.memory_space<vmem>>)
      "tpu.region"() ({
        %run_scoped3A = tpu.sem_alloc : memref<!tpu.dma_semaphore, #tpu.memory_space<semaphore_mem>>
        %dma_start3A_28 = arith.constant 0 : i32
        %dma_start3A_29 = tpu.memref_slice %arg4[%add3A_17, %dma_start3A_28] : memref<327680x128xf32, #tpu.memory_space<hbm>> -> memref<128x128xf32, #tpu.memory_space<hbm>>
        %dma_start3A_30 = arith.constant 0 : i32
        %dma_start3A_31 = tpu.memref_slice %arg4[%add3A_17, %dma_start3A_30] : memref<327680x128xf32, #tpu.memory_space<hbm>> -> memref<128x128xf32, #tpu.memory_space<hbm>>
        tpu.enqueue_dma source(%arg8 : memref<128x128xf32, #tpu.memory_space<vmem>>) target(%dma_start3A_31 : memref<128x128xf32, #tpu.memory_space<hbm>>) target_semaphore(%run_scoped3A : memref<!tpu.dma_semaphore, #tpu.memory_space<semaphore_mem>>)
        %dma_wait3A_32 = arith.constant 0 : i32
        %dma_wait3A_33 = tpu.memref_slice %arg4[%add3A_17, %dma_wait3A_32] : memref<327680x128xf32, #tpu.memory_space<hbm>> -> memref<128x128xf32, #tpu.memory_space<hbm>>
        %dma_wait3A_34 = arith.constant 0 : i32
        %dma_wait3A_35 = tpu.memref_slice %arg4[%add3A_17, %dma_wait3A_34] : memref<327680x128xf32, #tpu.memory_space<hbm>> -> memref<128x128xf32, #tpu.memory_space<hbm>>
        tpu.wait_dma2 semaphore(%run_scoped3A : memref<!tpu.dma_semaphore, #tpu.memory_space<semaphore_mem>>) src(%arg8 : memref<128x128xf32, #tpu.memory_space<vmem>>) dst(%dma_wait3A_35 : memref<128x128xf32, #tpu.memory_space<hbm>>)
        tpu.yield
      }) : () -> ()
    }
    %scan3A_9 = arith.constant 40 : i32
    return
  }
}

#map = affine_map<(d0, d1) -> (0, 0)>
#map1 = affine_map<(d0, d1) -> (0)>
module attributes {stable_mosaic.version = 14 : i64} {
  func.func @sc_fn(%arg0: i32, %arg1: i32, %arg2: memref<16384x128xf32, #tpu.memory_space<hbm>>, %arg3: memref<327680xi32, #tpu.memory_space<hbm>>, %arg4: memref<327680x128xf32, #tpu.memory_space<hbm>>, %arg5: memref<128xi32, #tpu.memory_space<vmem>>, %arg6: memref<128xi32, #tpu.memory_space<vmem>>, %arg7: memref<128x128xf32, #tpu.memory_space<vmem>>, %arg8: memref<128x128xf32, #tpu.memory_space<vmem>>, %arg9: memref<!tpu.dma_semaphore, #tpu.memory_space<semaphore_mem>>, %arg10: memref<!tpu.dma_semaphore, #tpu.memory_space<semaphore_mem>>) attributes {dimension_semantics = [#tpu.dimension_semantics<core_parallel>, #tpu.dimension_semantics<subcore_parallel>], iteration_bounds = array<i64: 2, 16>, scalar_prefetch = 0 : i64, scratch_operands = 6 : i64, tpu.core_type = #tpu.core_type<sc_vector_subcore>, window_params = [{transform_indices = #map}, {transform_indices = #map1}, {transform_indices = #map}]} {
    %mul3A = arith.constant 2 : i32
    %mul3A_0 = arith.muli %arg1, %mul3A : i32
    %add3A = arith.addi %mul3A_0, %arg0 : i32
    %mul3A_1 = arith.constant 10240 : i32
    %mul3A_2 = arith.muli %add3A, %mul3A_1 : i32
    "tpu.region"() ({
      %run_scoped3A = tpu.sem_alloc : memref<!tpu.dma_semaphore, #tpu.memory_space<semaphore_mem>>
      %dma_start3A_10 = tpu.memref_slice %arg3[%mul3A_2] : memref<327680xi32, #tpu.memory_space<hbm>> -> memref<128xi32, #tpu.memory_space<hbm>>
      %dma_start3A_11 = tpu.memref_slice %arg3[%mul3A_2] : memref<327680xi32, #tpu.memory_space<hbm>> -> memref<128xi32, #tpu.memory_space<hbm>>
      tpu.enqueue_dma source(%dma_start3A_11 : memref<128xi32, #tpu.memory_space<hbm>>) target(%arg5 : memref<128xi32, #tpu.memory_space<vmem>>) target_semaphore(%run_scoped3A : memref<!tpu.dma_semaphore, #tpu.memory_space<semaphore_mem>>)
      %dma_wait3A = tpu.memref_slice %arg3[%mul3A_2] : memref<327680xi32, #tpu.memory_space<hbm>> -> memref<128xi32, #tpu.memory_space<hbm>>
      %dma_wait3A_12 = tpu.memref_slice %arg3[%mul3A_2] : memref<327680xi32, #tpu.memory_space<hbm>> -> memref<128xi32, #tpu.memory_space<hbm>>
      tpu.wait_dma2 semaphore(%run_scoped3A : memref<!tpu.dma_semaphore, #tpu.memory_space<semaphore_mem>>) src(%dma_wait3A_12 : memref<128xi32, #tpu.memory_space<hbm>>) dst(%arg5 : memref<128xi32, #tpu.memory_space<vmem>>)
      tpu.yield
    }) : () -> ()
    %dma_start3A = arith.constant 0 : i32
    %dma_start3A_3 = arith.constant 0 : i32
    %dma_start3A_4 = tpu.memref_slice %arg2[%dma_start3A, %dma_start3A_3] : memref<16384x128xf32, #tpu.memory_space<hbm>> -> memref<16384x128xf32, #tpu.memory_space<hbm>>
    tpu.enqueue_indirect_dma source(%dma_start3A_4 : memref<16384x128xf32, #tpu.memory_space<hbm>>) target(%arg7 : memref<128x128xf32, #tpu.memory_space<vmem>>) offsets(%arg5 : memref<128xi32, #tpu.memory_space<vmem>>) semaphore(%arg9 : memref<!tpu.dma_semaphore, #tpu.memory_space<semaphore_mem>>)
    %scan3A = arith.constant 0 : i32
    %scan3A_5 = arith.constant 0 : i32
    %scan3A_6 = arith.constant 40 : i32
    %scan3A_7 = arith.addi %scan3A_5, %scan3A_6 : i32
    %scan3A_8 = arith.constant 1 : i32
    scf.for %scan3A_10 = %scan3A_5 to %scan3A_7 step %scan3A_8  : i32 {
      %mul3A_11 = arith.constant 2 : i32
      %mul3A_12 = arith.muli %mul3A_11, %scan3A_10 : i32
      %mul3A_13 = arith.constant 128 : i32
      %mul3A_14 = arith.muli %mul3A_12, %mul3A_13 : i32
      %add3A_15 = arith.addi %mul3A_2, %mul3A_14 : i32
      %add3A_16 = arith.constant 128 : i32
      %add3A_17 = arith.addi %add3A_15, %add3A_16 : i32
      "tpu.region"() ({
        %run_scoped3A = tpu.sem_alloc : memref<!tpu.dma_semaphore, #tpu.memory_space<semaphore_mem>>
        %dma_start3A_28 = tpu.memref_slice %arg3[%add3A_17] : memref<327680xi32, #tpu.memory_space<hbm>> -> memref<128xi32, #tpu.memory_space<hbm>>
        %dma_start3A_29 = tpu.memref_slice %arg3[%add3A_17] : memref<327680xi32, #tpu.memory_space<hbm>> -> memref<128xi32, #tpu.memory_space<hbm>>
        tpu.enqueue_dma source(%dma_start3A_29 : memref<128xi32, #tpu.memory_space<hbm>>) target(%arg6 : memref<128xi32, #tpu.memory_space<vmem>>) target_semaphore(%run_scoped3A : memref<!tpu.dma_semaphore, #tpu.memory_space<semaphore_mem>>)
        %dma_wait3A_30 = tpu.memref_slice %arg3[%add3A_17] : memref<327680xi32, #tpu.memory_space<hbm>> -> memref<128xi32, #tpu.memory_space<hbm>>
        %dma_wait3A_31 = tpu.memref_slice %arg3[%add3A_17] : memref<327680xi32, #tpu.memory_space<hbm>> -> memref<128xi32, #tpu.memory_space<hbm>>
        tpu.wait_dma2 semaphore(%run_scoped3A : memref<!tpu.dma_semaphore, #tpu.memory_space<semaphore_mem>>) src(%dma_wait3A_31 : memref<128xi32, #tpu.memory_space<hbm>>) dst(%arg6 : memref<128xi32, #tpu.memory_space<vmem>>)
        tpu.yield
      }) : () -> ()
      %dma_start3A_18 = arith.constant 0 : i32
      %dma_start3A_19 = arith.constant 0 : i32
      %dma_start3A_20 = tpu.memref_slice %arg2[%dma_start3A_18, %dma_start3A_19] : memref<16384x128xf32, #tpu.memory_space<hbm>> -> memref<16384x128xf32, #tpu.memory_space<hbm>>
      tpu.enqueue_indirect_dma source(%dma_start3A_20 : memref<16384x128xf32, #tpu.memory_space<hbm>>) target(%arg8 : memref<128x128xf32, #tpu.memory_space<vmem>>) offsets(%arg6 : memref<128xi32, #tpu.memory_space<vmem>>) semaphore(%arg10 : memref<!tpu.dma_semaphore, #tpu.memory_space<semaphore_mem>>)
      %dma_wait3A = arith.constant 0 : i32
      %dma_wait3A_21 = arith.constant 0 : i32
      %dma_wait3A_22 = tpu.memref_slice %arg2[%dma_wait3A, %dma_wait3A_21] : memref<16384x128xf32, #tpu.memory_space<hbm>> -> memref<16384x128xf32, #tpu.memory_space<hbm>>
      tpu.wait_indirect_dma semaphore(%arg9 : memref<!tpu.dma_semaphore, #tpu.memory_space<semaphore_mem>>) src(%dma_wait3A_22 : memref<16384x128xf32, #tpu.memory_space<hbm>>) dst(%arg7 : memref<128x128xf32, #tpu.memory_space<vmem>>)
      "tpu.region"() ({
        %run_scoped3A = tpu.sem_alloc : memref<!tpu.dma_semaphore, #tpu.memory_space<semaphore_mem>>
        %dma_start3A_28 = arith.constant 0 : i32
        %dma_start3A_29 = tpu.memref_slice %arg4[%add3A_15, %dma_start3A_28] : memref<327680x128xf32, #tpu.memory_space<hbm>> -> memref<128x128xf32, #tpu.memory_space<hbm>>
        %dma_start3A_30 = arith.constant 0 : i32
        %dma_start3A_31 = tpu.memref_slice %arg4[%add3A_15, %dma_start3A_30] : memref<327680x128xf32, #tpu.memory_space<hbm>> -> memref<128x128xf32, #tpu.memory_space<hbm>>
        tpu.enqueue_dma source(%arg7 : memref<128x128xf32, #tpu.memory_space<vmem>>) target(%dma_start3A_31 : memref<128x128xf32, #tpu.memory_space<hbm>>) target_semaphore(%run_scoped3A : memref<!tpu.dma_semaphore, #tpu.memory_space<semaphore_mem>>)
        %dma_wait3A_32 = arith.constant 0 : i32
        %dma_wait3A_33 = tpu.memref_slice %arg4[%add3A_15, %dma_wait3A_32] : memref<327680x128xf32, #tpu.memory_space<hbm>> -> memref<128x128xf32, #tpu.memory_space<hbm>>
        %dma_wait3A_34 = arith.constant 0 : i32
        %dma_wait3A_35 = tpu.memref_slice %arg4[%add3A_15, %dma_wait3A_34] : memref<327680x128xf32, #tpu.memory_space<hbm>> -> memref<128x128xf32, #tpu.memory_space<hbm>>
        tpu.wait_dma2 semaphore(%run_scoped3A : memref<!tpu.dma_semaphore, #tpu.memory_space<semaphore_mem>>) src(%arg7 : memref<128x128xf32, #tpu.memory_space<vmem>>) dst(%dma_wait3A_35 : memref<128x128xf32, #tpu.memory_space<hbm>>)
        tpu.yield
      }) : () -> ()
      %lt3A = arith.constant 39 : i32
      %lt3A_23 = arith.cmpi slt, %scan3A_10, %lt3A : i32
      %convert_element_type3A = arith.extui %lt3A_23 : i1 to i32
      %cond3A = arith.constant 0 : i32
      %cond3A_24 = arith.cmpi ne, %convert_element_type3A, %cond3A : i32
      scf.if %cond3A_24 {
        %add3A_28 = arith.constant 128 : i32
        %add3A_29 = arith.addi %add3A_17, %add3A_28 : i32
        "tpu.region"() ({
          %run_scoped3A = tpu.sem_alloc : memref<!tpu.dma_semaphore, #tpu.memory_space<semaphore_mem>>
          %dma_start3A_33 = tpu.memref_slice %arg3[%add3A_29] : memref<327680xi32, #tpu.memory_space<hbm>> -> memref<128xi32, #tpu.memory_space<hbm>>
          %dma_start3A_34 = tpu.memref_slice %arg3[%add3A_29] : memref<327680xi32, #tpu.memory_space<hbm>> -> memref<128xi32, #tpu.memory_space<hbm>>
          tpu.enqueue_dma source(%dma_start3A_34 : memref<128xi32, #tpu.memory_space<hbm>>) target(%arg5 : memref<128xi32, #tpu.memory_space<vmem>>) target_semaphore(%run_scoped3A : memref<!tpu.dma_semaphore, #tpu.memory_space<semaphore_mem>>)
          %dma_wait3A_35 = tpu.memref_slice %arg3[%add3A_29] : memref<327680xi32, #tpu.memory_space<hbm>> -> memref<128xi32, #tpu.memory_space<hbm>>
          %dma_wait3A_36 = tpu.memref_slice %arg3[%add3A_29] : memref<327680xi32, #tpu.memory_space<hbm>> -> memref<128xi32, #tpu.memory_space<hbm>>
          tpu.wait_dma2 semaphore(%run_scoped3A : memref<!tpu.dma_semaphore, #tpu.memory_space<semaphore_mem>>) src(%dma_wait3A_36 : memref<128xi32, #tpu.memory_space<hbm>>) dst(%arg5 : memref<128xi32, #tpu.memory_space<vmem>>)
          tpu.yield
        }) : () -> ()
        %dma_start3A_30 = arith.constant 0 : i32
        %dma_start3A_31 = arith.constant 0 : i32
        %dma_start3A_32 = tpu.memref_slice %arg2[%dma_start3A_30, %dma_start3A_31] : memref<16384x128xf32, #tpu.memory_space<hbm>> -> memref<16384x128xf32, #tpu.memory_space<hbm>>
        tpu.enqueue_indirect_dma source(%dma_start3A_32 : memref<16384x128xf32, #tpu.memory_space<hbm>>) target(%arg7 : memref<128x128xf32, #tpu.memory_space<vmem>>) offsets(%arg5 : memref<128xi32, #tpu.memory_space<vmem>>) semaphore(%arg9 : memref<!tpu.dma_semaphore, #tpu.memory_space<semaphore_mem>>)
      } else {
      }
      %dma_wait3A_25 = arith.constant 0 : i32
      %dma_wait3A_26 = arith.constant 0 : i32
      %dma_wait3A_27 = tpu.memref_slice %arg2[%dma_wait3A_25, %dma_wait3A_26] : memref<16384x128xf32, #tpu.memory_space<hbm>> -> memref<16384x128xf32, #tpu.memory_space<hbm>>
      tpu.wait_indirect_dma semaphore(%arg10 : memref<!tpu.dma_semaphore, #tpu.memory_space<semaphore_mem>>) src(%dma_wait3A_27 : memref<16384x128xf32, #tpu.memory_space<hbm>>) dst(%arg8 : memref<128x128xf32, #tpu.memory_space<vmem>>)
      "tpu.region"() ({
        %run_scoped3A = tpu.sem_alloc : memref<!tpu.dma_semaphore, #tpu.memory_space<semaphore_mem>>
        %dma_start3A_28 = arith.constant 0 : i32
        %dma_start3A_29 = tpu.memref_slice %arg4[%add3A_17, %dma_start3A_28] : memref<327680x128xf32, #tpu.memory_space<hbm>> -> memref<128x128xf32, #tpu.memory_space<hbm>>
        %dma_start3A_30 = arith.constant 0 : i32
        %dma_start3A_31 = tpu.memref_slice %arg4[%add3A_17, %dma_start3A_30] : memref<327680x128xf32, #tpu.memory_space<hbm>> -> memref<128x128xf32, #tpu.memory_space<hbm>>
        tpu.enqueue_dma source(%arg8 : memref<128x128xf32, #tpu.memory_space<vmem>>) target(%dma_start3A_31 : memref<128x128xf32, #tpu.memory_space<hbm>>) target_semaphore(%run_scoped3A : memref<!tpu.dma_semaphore, #tpu.memory_space<semaphore_mem>>)
        %dma_wait3A_32 = arith.constant 0 : i32
        %dma_wait3A_33 = tpu.memref_slice %arg4[%add3A_17, %dma_wait3A_32] : memref<327680x128xf32, #tpu.memory_space<hbm>> -> memref<128x128xf32, #tpu.memory_space<hbm>>
        %dma_wait3A_34 = arith.constant 0 : i32
        %dma_wait3A_35 = tpu.memref_slice %arg4[%add3A_17, %dma_wait3A_34] : memref<327680x128xf32, #tpu.memory_space<hbm>> -> memref<128x128xf32, #tpu.memory_space<hbm>>
        tpu.wait_dma2 semaphore(%run_scoped3A : memref<!tpu.dma_semaphore, #tpu.memory_space<semaphore_mem>>) src(%arg8 : memref<128x128xf32, #tpu.memory_space<vmem>>) dst(%dma_wait3A_35 : memref<128x128xf32, #tpu.memory_space<hbm>>)
        tpu.yield
      }) : () -> ()
    }
    %scan3A_9 = arith.constant 40 : i32
    return
  }
}

#map = affine_map<(d0, d1) -> (0, 0)>
#map1 = affine_map<(d0, d1) -> (0)>
module attributes {stable_mosaic.version = 14 : i64} {
  func.func @sc_fn(%arg0: i32, %arg1: i32, %arg2: memref<16384x128xf32, #tpu.memory_space<hbm>>, %arg3: memref<327680xi32, #tpu.memory_space<hbm>>, %arg4: memref<327680x128xf32, #tpu.memory_space<hbm>>, %arg5: memref<128xi32, #tpu.memory_space<vmem>>, %arg6: memref<128xi32, #tpu.memory_space<vmem>>, %arg7: memref<128x128xf32, #tpu.memory_space<vmem>>, %arg8: memref<128x128xf32, #tpu.memory_space<vmem>>, %arg9: memref<!tpu.dma_semaphore, #tpu.memory_space<semaphore_mem>>, %arg10: memref<!tpu.dma_semaphore, #tpu.memory_space<semaphore_mem>>) attributes {dimension_semantics = [#tpu.dimension_semantics<core_parallel>, #tpu.dimension_semantics<subcore_parallel>], iteration_bounds = array<i64: 2, 16>, scalar_prefetch = 0 : i64, scratch_operands = 6 : i64, tpu.core_type = #tpu.core_type<sc_vector_subcore>, window_params = [{transform_indices = #map}, {transform_indices = #map1}, {transform_indices = #map}]} {
    %mul3A = arith.constant 2 : i32
    %mul3A_0 = arith.muli %arg1, %mul3A : i32
    %add3A = arith.addi %mul3A_0, %arg0 : i32
    %mul3A_1 = arith.constant 10240 : i32
    %mul3A_2 = arith.muli %add3A, %mul3A_1 : i32
    "tpu.region"() ({
      %run_scoped3A = tpu.sem_alloc : memref<!tpu.dma_semaphore, #tpu.memory_space<semaphore_mem>>
      %dma_start3A_10 = tpu.memref_slice %arg3[%mul3A_2] : memref<327680xi32, #tpu.memory_space<hbm>> -> memref<128xi32, #tpu.memory_space<hbm>>
      %dma_start3A_11 = tpu.memref_slice %arg3[%mul3A_2] : memref<327680xi32, #tpu.memory_space<hbm>> -> memref<128xi32, #tpu.memory_space<hbm>>
      tpu.enqueue_dma source(%dma_start3A_11 : memref<128xi32, #tpu.memory_space<hbm>>) target(%arg5 : memref<128xi32, #tpu.memory_space<vmem>>) target_semaphore(%run_scoped3A : memref<!tpu.dma_semaphore, #tpu.memory_space<semaphore_mem>>)
      %dma_wait3A = tpu.memref_slice %arg3[%mul3A_2] : memref<327680xi32, #tpu.memory_space<hbm>> -> memref<128xi32, #tpu.memory_space<hbm>>
      %dma_wait3A_12 = tpu.memref_slice %arg3[%mul3A_2] : memref<327680xi32, #tpu.memory_space<hbm>> -> memref<128xi32, #tpu.memory_space<hbm>>
      tpu.wait_dma2 semaphore(%run_scoped3A : memref<!tpu.dma_semaphore, #tpu.memory_space<semaphore_mem>>) src(%dma_wait3A_12 : memref<128xi32, #tpu.memory_space<hbm>>) dst(%arg5 : memref<128xi32, #tpu.memory_space<vmem>>)
      tpu.yield
    }) : () -> ()
    %dma_start3A = arith.constant 0 : i32
    %dma_start3A_3 = arith.constant 0 : i32
    %dma_start3A_4 = tpu.memref_slice %arg2[%dma_start3A, %dma_start3A_3] : memref<16384x128xf32, #tpu.memory_space<hbm>> -> memref<16384x128xf32, #tpu.memory_space<hbm>>
    tpu.enqueue_indirect_dma source(%dma_start3A_4 : memref<16384x128xf32, #tpu.memory_space<hbm>>) target(%arg7 : memref<128x128xf32, #tpu.memory_space<vmem>>) offsets(%arg5 : memref<128xi32, #tpu.memory_space<vmem>>) semaphore(%arg9 : memref<!tpu.dma_semaphore, #tpu.memory_space<semaphore_mem>>)
    %scan3A = arith.constant 0 : i32
    %scan3A_5 = arith.constant 0 : i32
    %scan3A_6 = arith.constant 40 : i32
    %scan3A_7 = arith.addi %scan3A_5, %scan3A_6 : i32
    %scan3A_8 = arith.constant 1 : i32
    scf.for %scan3A_10 = %scan3A_5 to %scan3A_7 step %scan3A_8  : i32 {
      %mul3A_11 = arith.constant 2 : i32
      %mul3A_12 = arith.muli %mul3A_11, %scan3A_10 : i32
      %mul3A_13 = arith.constant 128 : i32
      %mul3A_14 = arith.muli %mul3A_12, %mul3A_13 : i32
      %add3A_15 = arith.addi %mul3A_2, %mul3A_14 : i32
      %add3A_16 = arith.constant 128 : i32
      %add3A_17 = arith.addi %add3A_15, %add3A_16 : i32
      "tpu.region"() ({
        %run_scoped3A = tpu.sem_alloc : memref<!tpu.dma_semaphore, #tpu.memory_space<semaphore_mem>>
        %dma_start3A_28 = tpu.memref_slice %arg3[%add3A_17] : memref<327680xi32, #tpu.memory_space<hbm>> -> memref<128xi32, #tpu.memory_space<hbm>>
        %dma_start3A_29 = tpu.memref_slice %arg3[%add3A_17] : memref<327680xi32, #tpu.memory_space<hbm>> -> memref<128xi32, #tpu.memory_space<hbm>>
        tpu.enqueue_dma source(%dma_start3A_29 : memref<128xi32, #tpu.memory_space<hbm>>) target(%arg6 : memref<128xi32, #tpu.memory_space<vmem>>) target_semaphore(%run_scoped3A : memref<!tpu.dma_semaphore, #tpu.memory_space<semaphore_mem>>)
        %dma_wait3A_30 = tpu.memref_slice %arg3[%add3A_17] : memref<327680xi32, #tpu.memory_space<hbm>> -> memref<128xi32, #tpu.memory_space<hbm>>
        %dma_wait3A_31 = tpu.memref_slice %arg3[%add3A_17] : memref<327680xi32, #tpu.memory_space<hbm>> -> memref<128xi32, #tpu.memory_space<hbm>>
        tpu.wait_dma2 semaphore(%run_scoped3A : memref<!tpu.dma_semaphore, #tpu.memory_space<semaphore_mem>>) src(%dma_wait3A_31 : memref<128xi32, #tpu.memory_space<hbm>>) dst(%arg6 : memref<128xi32, #tpu.memory_space<vmem>>)
        tpu.yield
      }) : () -> ()
      %dma_start3A_18 = arith.constant 0 : i32
      %dma_start3A_19 = arith.constant 0 : i32
      %dma_start3A_20 = tpu.memref_slice %arg2[%dma_start3A_18, %dma_start3A_19] : memref<16384x128xf32, #tpu.memory_space<hbm>> -> memref<16384x128xf32, #tpu.memory_space<hbm>>
      tpu.enqueue_indirect_dma source(%dma_start3A_20 : memref<16384x128xf32, #tpu.memory_space<hbm>>) target(%arg8 : memref<128x128xf32, #tpu.memory_space<vmem>>) offsets(%arg6 : memref<128xi32, #tpu.memory_space<vmem>>) semaphore(%arg10 : memref<!tpu.dma_semaphore, #tpu.memory_space<semaphore_mem>>)
      %dma_wait3A = arith.constant 0 : i32
      %dma_wait3A_21 = arith.constant 0 : i32
      %dma_wait3A_22 = tpu.memref_slice %arg2[%dma_wait3A, %dma_wait3A_21] : memref<16384x128xf32, #tpu.memory_space<hbm>> -> memref<16384x128xf32, #tpu.memory_space<hbm>>
      tpu.wait_indirect_dma semaphore(%arg9 : memref<!tpu.dma_semaphore, #tpu.memory_space<semaphore_mem>>) src(%dma_wait3A_22 : memref<16384x128xf32, #tpu.memory_space<hbm>>) dst(%arg7 : memref<128x128xf32, #tpu.memory_space<vmem>>)
      "tpu.region"() ({
        %run_scoped3A = tpu.sem_alloc : memref<!tpu.dma_semaphore, #tpu.memory_space<semaphore_mem>>
        %dma_start3A_28 = arith.constant 0 : i32
        %dma_start3A_29 = tpu.memref_slice %arg4[%add3A_15, %dma_start3A_28] : memref<327680x128xf32, #tpu.memory_space<hbm>> -> memref<128x128xf32, #tpu.memory_space<hbm>>
        %dma_start3A_30 = arith.constant 0 : i32
        %dma_start3A_31 = tpu.memref_slice %arg4[%add3A_15, %dma_start3A_30] : memref<327680x128xf32, #tpu.memory_space<hbm>> -> memref<128x128xf32, #tpu.memory_space<hbm>>
        tpu.enqueue_dma source(%arg7 : memref<128x128xf32, #tpu.memory_space<vmem>>) target(%dma_start3A_31 : memref<128x128xf32, #tpu.memory_space<hbm>>) target_semaphore(%run_scoped3A : memref<!tpu.dma_semaphore, #tpu.memory_space<semaphore_mem>>)
        %dma_wait3A_32 = arith.constant 0 : i32
        %dma_wait3A_33 = tpu.memref_slice %arg4[%add3A_15, %dma_wait3A_32] : memref<327680x128xf32, #tpu.memory_space<hbm>> -> memref<128x128xf32, #tpu.memory_space<hbm>>
        %dma_wait3A_34 = arith.constant 0 : i32
        %dma_wait3A_35 = tpu.memref_slice %arg4[%add3A_15, %dma_wait3A_34] : memref<327680x128xf32, #tpu.memory_space<hbm>> -> memref<128x128xf32, #tpu.memory_space<hbm>>
        tpu.wait_dma2 semaphore(%run_scoped3A : memref<!tpu.dma_semaphore, #tpu.memory_space<semaphore_mem>>) src(%arg7 : memref<128x128xf32, #tpu.memory_space<vmem>>) dst(%dma_wait3A_35 : memref<128x128xf32, #tpu.memory_space<hbm>>)
        tpu.yield
      }) : () -> ()
      %lt3A = arith.constant 39 : i32
      %lt3A_23 = arith.cmpi slt, %scan3A_10, %lt3A : i32
      %convert_element_type3A = arith.extui %lt3A_23 : i1 to i32
      %cond3A = arith.constant 0 : i32
      %cond3A_24 = arith.cmpi ne, %convert_element_type3A, %cond3A : i32
      scf.if %cond3A_24 {
        %add3A_28 = arith.constant 128 : i32
        %add3A_29 = arith.addi %add3A_17, %add3A_28 : i32
        "tpu.region"() ({
          %run_scoped3A = tpu.sem_alloc : memref<!tpu.dma_semaphore, #tpu.memory_space<semaphore_mem>>
          %dma_start3A_33 = tpu.memref_slice %arg3[%add3A_29] : memref<327680xi32, #tpu.memory_space<hbm>> -> memref<128xi32, #tpu.memory_space<hbm>>
          %dma_start3A_34 = tpu.memref_slice %arg3[%add3A_29] : memref<327680xi32, #tpu.memory_space<hbm>> -> memref<128xi32, #tpu.memory_space<hbm>>
          tpu.enqueue_dma source(%dma_start3A_34 : memref<128xi32, #tpu.memory_space<hbm>>) target(%arg5 : memref<128xi32, #tpu.memory_space<vmem>>) target_semaphore(%run_scoped3A : memref<!tpu.dma_semaphore, #tpu.memory_space<semaphore_mem>>)
          %dma_wait3A_35 = tpu.memref_slice %arg3[%add3A_29] : memref<327680xi32, #tpu.memory_space<hbm>> -> memref<128xi32, #tpu.memory_space<hbm>>
          %dma_wait3A_36 = tpu.memref_slice %arg3[%add3A_29] : memref<327680xi32, #tpu.memory_space<hbm>> -> memref<128xi32, #tpu.memory_space<hbm>>
          tpu.wait_dma2 semaphore(%run_scoped3A : memref<!tpu.dma_semaphore, #tpu.memory_space<semaphore_mem>>) src(%dma_wait3A_36 : memref<128xi32, #tpu.memory_space<hbm>>) dst(%arg5 : memref<128xi32, #tpu.memory_space<vmem>>)
          tpu.yield
        }) : () -> ()
        %dma_start3A_30 = arith.constant 0 : i32
        %dma_start3A_31 = arith.constant 0 : i32
        %dma_start3A_32 = tpu.memref_slice %arg2[%dma_start3A_30, %dma_start3A_31] : memref<16384x128xf32, #tpu.memory_space<hbm>> -> memref<16384x128xf32, #tpu.memory_space<hbm>>
        tpu.enqueue_indirect_dma source(%dma_start3A_32 : memref<16384x128xf32, #tpu.memory_space<hbm>>) target(%arg7 : memref<128x128xf32, #tpu.memory_space<vmem>>) offsets(%arg5 : memref<128xi32, #tpu.memory_space<vmem>>) semaphore(%arg9 : memref<!tpu.dma_semaphore, #tpu.memory_space<semaphore_mem>>)
      } else {
      }
      %dma_wait3A_25 = arith.constant 0 : i32
      %dma_wait3A_26 = arith.constant 0 : i32
      %dma_wait3A_27 = tpu.memref_slice %arg2[%dma_wait3A_25, %dma_wait3A_26] : memref<16384x128xf32, #tpu.memory_space<hbm>> -> memref<16384x128xf32, #tpu.memory_space<hbm>>
      tpu.wait_indirect_dma semaphore(%arg10 : memref<!tpu.dma_semaphore, #tpu.memory_space<semaphore_mem>>) src(%dma_wait3A_27 : memref<16384x128xf32, #tpu.memory_space<hbm>>) dst(%arg8 : memref<128x128xf32, #tpu.memory_space<vmem>>)
      "tpu.region"() ({
        %run_scoped3A = tpu.sem_alloc : memref<!tpu.dma_semaphore, #tpu.memory_space<semaphore_mem>>
        %dma_start3A_28 = arith.constant 0 : i32
        %dma_start3A_29 = tpu.memref_slice %arg4[%add3A_17, %dma_start3A_28] : memref<327680x128xf32, #tpu.memory_space<hbm>> -> memref<128x128xf32, #tpu.memory_space<hbm>>
        %dma_start3A_30 = arith.constant 0 : i32
        %dma_start3A_31 = tpu.memref_slice %arg4[%add3A_17, %dma_start3A_30] : memref<327680x128xf32, #tpu.memory_space<hbm>> -> memref<128x128xf32, #tpu.memory_space<hbm>>
        tpu.enqueue_dma source(%arg8 : memref<128x128xf32, #tpu.memory_space<vmem>>) target(%dma_start3A_31 : memref<128x128xf32, #tpu.memory_space<hbm>>) target_semaphore(%run_scoped3A : memref<!tpu.dma_semaphore, #tpu.memory_space<semaphore_mem>>)
        %dma_wait3A_32 = arith.constant 0 : i32
        %dma_wait3A_33 = tpu.memref_slice %arg4[%add3A_17, %dma_wait3A_32] : memref<327680x128xf32, #tpu.memory_space<hbm>> -> memref<128x128xf32, #tpu.memory_space<hbm>>
        %dma_wait3A_34 = arith.constant 0 : i32
        %dma_wait3A_35 = tpu.memref_slice %arg4[%add3A_17, %dma_wait3A_34] : memref<327680x128xf32, #tpu.memory_space<hbm>> -> memref<128x128xf32, #tpu.memory_space<hbm>>
        tpu.wait_dma2 semaphore(%run_scoped3A : memref<!tpu.dma_semaphore, #tpu.memory_space<semaphore_mem>>) src(%arg8 : memref<128x128xf32, #tpu.memory_space<vmem>>) dst(%dma_wait3A_35 : memref<128x128xf32, #tpu.memory_space<hbm>>)
        tpu.yield
      }) : () -> ()
    }
    %scan3A_9 = arith.constant 40 : i32
    return
  }
}

#map = affine_map<(d0, d1) -> (0, 0)>
#map1 = affine_map<(d0, d1) -> (0)>
module attributes {stable_mosaic.version = 14 : i64} {
  func.func @sc_fn(%arg0: i32, %arg1: i32, %arg2: memref<16384x128xf32, #tpu.memory_space<hbm>>, %arg3: memref<327680xi32, #tpu.memory_space<hbm>>, %arg4: memref<327680x128xf32, #tpu.memory_space<hbm>>, %arg5: memref<128xi32, #tpu.memory_space<vmem>>, %arg6: memref<128xi32, #tpu.memory_space<vmem>>, %arg7: memref<128x128xf32, #tpu.memory_space<vmem>>, %arg8: memref<128x128xf32, #tpu.memory_space<vmem>>, %arg9: memref<!tpu.dma_semaphore, #tpu.memory_space<semaphore_mem>>, %arg10: memref<!tpu.dma_semaphore, #tpu.memory_space<semaphore_mem>>) attributes {dimension_semantics = [#tpu.dimension_semantics<core_parallel>, #tpu.dimension_semantics<subcore_parallel>], iteration_bounds = array<i64: 2, 16>, scalar_prefetch = 0 : i64, scratch_operands = 6 : i64, tpu.core_type = #tpu.core_type<sc_vector_subcore>, window_params = [{transform_indices = #map}, {transform_indices = #map1}, {transform_indices = #map}]} {
    %mul3A = arith.constant 2 : i32
    %mul3A_0 = arith.muli %arg1, %mul3A : i32
    %add3A = arith.addi %mul3A_0, %arg0 : i32
    %mul3A_1 = arith.constant 10240 : i32
    %mul3A_2 = arith.muli %add3A, %mul3A_1 : i32
    "tpu.region"() ({
      %run_scoped3A = tpu.sem_alloc : memref<!tpu.dma_semaphore, #tpu.memory_space<semaphore_mem>>
      %dma_start3A_10 = tpu.memref_slice %arg3[%mul3A_2] : memref<327680xi32, #tpu.memory_space<hbm>> -> memref<128xi32, #tpu.memory_space<hbm>>
      %dma_start3A_11 = tpu.memref_slice %arg3[%mul3A_2] : memref<327680xi32, #tpu.memory_space<hbm>> -> memref<128xi32, #tpu.memory_space<hbm>>
      tpu.enqueue_dma source(%dma_start3A_11 : memref<128xi32, #tpu.memory_space<hbm>>) target(%arg5 : memref<128xi32, #tpu.memory_space<vmem>>) target_semaphore(%run_scoped3A : memref<!tpu.dma_semaphore, #tpu.memory_space<semaphore_mem>>)
      %dma_wait3A = tpu.memref_slice %arg3[%mul3A_2] : memref<327680xi32, #tpu.memory_space<hbm>> -> memref<128xi32, #tpu.memory_space<hbm>>
      %dma_wait3A_12 = tpu.memref_slice %arg3[%mul3A_2] : memref<327680xi32, #tpu.memory_space<hbm>> -> memref<128xi32, #tpu.memory_space<hbm>>
      tpu.wait_dma2 semaphore(%run_scoped3A : memref<!tpu.dma_semaphore, #tpu.memory_space<semaphore_mem>>) src(%dma_wait3A_12 : memref<128xi32, #tpu.memory_space<hbm>>) dst(%arg5 : memref<128xi32, #tpu.memory_space<vmem>>)
      tpu.yield
    }) : () -> ()
    %dma_start3A = arith.constant 0 : i32
    %dma_start3A_3 = arith.constant 0 : i32
    %dma_start3A_4 = tpu.memref_slice %arg2[%dma_start3A, %dma_start3A_3] : memref<16384x128xf32, #tpu.memory_space<hbm>> -> memref<16384x128xf32, #tpu.memory_space<hbm>>
    tpu.enqueue_indirect_dma source(%dma_start3A_4 : memref<16384x128xf32, #tpu.memory_space<hbm>>) target(%arg7 : memref<128x128xf32, #tpu.memory_space<vmem>>) offsets(%arg5 : memref<128xi32, #tpu.memory_space<vmem>>) semaphore(%arg9 : memref<!tpu.dma_semaphore, #tpu.memory_space<semaphore_mem>>)
    %scan3A = arith.constant 0 : i32
    %scan3A_5 = arith.constant 0 : i32
    %scan3A_6 = arith.constant 40 : i32
    %scan3A_7 = arith.addi %scan3A_5, %scan3A_6 : i32
    %scan3A_8 = arith.constant 1 : i32
    scf.for %scan3A_10 = %scan3A_5 to %scan3A_7 step %scan3A_8  : i32 {
      %mul3A_11 = arith.constant 2 : i32
      %mul3A_12 = arith.muli %mul3A_11, %scan3A_10 : i32
      %mul3A_13 = arith.constant 128 : i32
      %mul3A_14 = arith.muli %mul3A_12, %mul3A_13 : i32
      %add3A_15 = arith.addi %mul3A_2, %mul3A_14 : i32
      %add3A_16 = arith.constant 128 : i32
      %add3A_17 = arith.addi %add3A_15, %add3A_16 : i32
      "tpu.region"() ({
        %run_scoped3A = tpu.sem_alloc : memref<!tpu.dma_semaphore, #tpu.memory_space<semaphore_mem>>
        %dma_start3A_28 = tpu.memref_slice %arg3[%add3A_17] : memref<327680xi32, #tpu.memory_space<hbm>> -> memref<128xi32, #tpu.memory_space<hbm>>
        %dma_start3A_29 = tpu.memref_slice %arg3[%add3A_17] : memref<327680xi32, #tpu.memory_space<hbm>> -> memref<128xi32, #tpu.memory_space<hbm>>
        tpu.enqueue_dma source(%dma_start3A_29 : memref<128xi32, #tpu.memory_space<hbm>>) target(%arg6 : memref<128xi32, #tpu.memory_space<vmem>>) target_semaphore(%run_scoped3A : memref<!tpu.dma_semaphore, #tpu.memory_space<semaphore_mem>>)
        %dma_wait3A_30 = tpu.memref_slice %arg3[%add3A_17] : memref<327680xi32, #tpu.memory_space<hbm>> -> memref<128xi32, #tpu.memory_space<hbm>>
        %dma_wait3A_31 = tpu.memref_slice %arg3[%add3A_17] : memref<327680xi32, #tpu.memory_space<hbm>> -> memref<128xi32, #tpu.memory_space<hbm>>
        tpu.wait_dma2 semaphore(%run_scoped3A : memref<!tpu.dma_semaphore, #tpu.memory_space<semaphore_mem>>) src(%dma_wait3A_31 : memref<128xi32, #tpu.memory_space<hbm>>) dst(%arg6 : memref<128xi32, #tpu.memory_space<vmem>>)
        tpu.yield
      }) : () -> ()
      %dma_start3A_18 = arith.constant 0 : i32
      %dma_start3A_19 = arith.constant 0 : i32
      %dma_start3A_20 = tpu.memref_slice %arg2[%dma_start3A_18, %dma_start3A_19] : memref<16384x128xf32, #tpu.memory_space<hbm>> -> memref<16384x128xf32, #tpu.memory_space<hbm>>
      tpu.enqueue_indirect_dma source(%dma_start3A_20 : memref<16384x128xf32, #tpu.memory_space<hbm>>) target(%arg8 : memref<128x128xf32, #tpu.memory_space<vmem>>) offsets(%arg6 : memref<128xi32, #tpu.memory_space<vmem>>) semaphore(%arg10 : memref<!tpu.dma_semaphore, #tpu.memory_space<semaphore_mem>>)
      %dma_wait3A = arith.constant 0 : i32
      %dma_wait3A_21 = arith.constant 0 : i32
      %dma_wait3A_22 = tpu.memref_slice %arg2[%dma_wait3A, %dma_wait3A_21] : memref<16384x128xf32, #tpu.memory_space<hbm>> -> memref<16384x128xf32, #tpu.memory_space<hbm>>
      tpu.wait_indirect_dma semaphore(%arg9 : memref<!tpu.dma_semaphore, #tpu.memory_space<semaphore_mem>>) src(%dma_wait3A_22 : memref<16384x128xf32, #tpu.memory_space<hbm>>) dst(%arg7 : memref<128x128xf32, #tpu.memory_space<vmem>>)
      "tpu.region"() ({
        %run_scoped3A = tpu.sem_alloc : memref<!tpu.dma_semaphore, #tpu.memory_space<semaphore_mem>>
        %dma_start3A_28 = arith.constant 0 : i32
        %dma_start3A_29 = tpu.memref_slice %arg4[%add3A_15, %dma_start3A_28] : memref<327680x128xf32, #tpu.memory_space<hbm>> -> memref<128x128xf32, #tpu.memory_space<hbm>>
        %dma_start3A_30 = arith.constant 0 : i32
        %dma_start3A_31 = tpu.memref_slice %arg4[%add3A_15, %dma_start3A_30] : memref<327680x128xf32, #tpu.memory_space<hbm>> -> memref<128x128xf32, #tpu.memory_space<hbm>>
        tpu.enqueue_dma source(%arg7 : memref<128x128xf32, #tpu.memory_space<vmem>>) target(%dma_start3A_31 : memref<128x128xf32, #tpu.memory_space<hbm>>) target_semaphore(%run_scoped3A : memref<!tpu.dma_semaphore, #tpu.memory_space<semaphore_mem>>)
        %dma_wait3A_32 = arith.constant 0 : i32
        %dma_wait3A_33 = tpu.memref_slice %arg4[%add3A_15, %dma_wait3A_32] : memref<327680x128xf32, #tpu.memory_space<hbm>> -> memref<128x128xf32, #tpu.memory_space<hbm>>
        %dma_wait3A_34 = arith.constant 0 : i32
        %dma_wait3A_35 = tpu.memref_slice %arg4[%add3A_15, %dma_wait3A_34] : memref<327680x128xf32, #tpu.memory_space<hbm>> -> memref<128x128xf32, #tpu.memory_space<hbm>>
        tpu.wait_dma2 semaphore(%run_scoped3A : memref<!tpu.dma_semaphore, #tpu.memory_space<semaphore_mem>>) src(%arg7 : memref<128x128xf32, #tpu.memory_space<vmem>>) dst(%dma_wait3A_35 : memref<128x128xf32, #tpu.memory_space<hbm>>)
        tpu.yield
      }) : () -> ()
      %lt3A = arith.constant 39 : i32
      %lt3A_23 = arith.cmpi slt, %scan3A_10, %lt3A : i32
      %convert_element_type3A = arith.extui %lt3A_23 : i1 to i32
      %cond3A = arith.constant 0 : i32
      %cond3A_24 = arith.cmpi ne, %convert_element_type3A, %cond3A : i32
      scf.if %cond3A_24 {
        %add3A_28 = arith.constant 128 : i32
        %add3A_29 = arith.addi %add3A_17, %add3A_28 : i32
        "tpu.region"() ({
          %run_scoped3A = tpu.sem_alloc : memref<!tpu.dma_semaphore, #tpu.memory_space<semaphore_mem>>
          %dma_start3A_33 = tpu.memref_slice %arg3[%add3A_29] : memref<327680xi32, #tpu.memory_space<hbm>> -> memref<128xi32, #tpu.memory_space<hbm>>
          %dma_start3A_34 = tpu.memref_slice %arg3[%add3A_29] : memref<327680xi32, #tpu.memory_space<hbm>> -> memref<128xi32, #tpu.memory_space<hbm>>
          tpu.enqueue_dma source(%dma_start3A_34 : memref<128xi32, #tpu.memory_space<hbm>>) target(%arg5 : memref<128xi32, #tpu.memory_space<vmem>>) target_semaphore(%run_scoped3A : memref<!tpu.dma_semaphore, #tpu.memory_space<semaphore_mem>>)
          %dma_wait3A_35 = tpu.memref_slice %arg3[%add3A_29] : memref<327680xi32, #tpu.memory_space<hbm>> -> memref<128xi32, #tpu.memory_space<hbm>>
          %dma_wait3A_36 = tpu.memref_slice %arg3[%add3A_29] : memref<327680xi32, #tpu.memory_space<hbm>> -> memref<128xi32, #tpu.memory_space<hbm>>
          tpu.wait_dma2 semaphore(%run_scoped3A : memref<!tpu.dma_semaphore, #tpu.memory_space<semaphore_mem>>) src(%dma_wait3A_36 : memref<128xi32, #tpu.memory_space<hbm>>) dst(%arg5 : memref<128xi32, #tpu.memory_space<vmem>>)
          tpu.yield
        }) : () -> ()
        %dma_start3A_30 = arith.constant 0 : i32
        %dma_start3A_31 = arith.constant 0 : i32
        %dma_start3A_32 = tpu.memref_slice %arg2[%dma_start3A_30, %dma_start3A_31] : memref<16384x128xf32, #tpu.memory_space<hbm>> -> memref<16384x128xf32, #tpu.memory_space<hbm>>
        tpu.enqueue_indirect_dma source(%dma_start3A_32 : memref<16384x128xf32, #tpu.memory_space<hbm>>) target(%arg7 : memref<128x128xf32, #tpu.memory_space<vmem>>) offsets(%arg5 : memref<128xi32, #tpu.memory_space<vmem>>) semaphore(%arg9 : memref<!tpu.dma_semaphore, #tpu.memory_space<semaphore_mem>>)
      } else {
      }
      %dma_wait3A_25 = arith.constant 0 : i32
      %dma_wait3A_26 = arith.constant 0 : i32
      %dma_wait3A_27 = tpu.memref_slice %arg2[%dma_wait3A_25, %dma_wait3A_26] : memref<16384x128xf32, #tpu.memory_space<hbm>> -> memref<16384x128xf32, #tpu.memory_space<hbm>>
      tpu.wait_indirect_dma semaphore(%arg10 : memref<!tpu.dma_semaphore, #tpu.memory_space<semaphore_mem>>) src(%dma_wait3A_27 : memref<16384x128xf32, #tpu.memory_space<hbm>>) dst(%arg8 : memref<128x128xf32, #tpu.memory_space<vmem>>)
      "tpu.region"() ({
        %run_scoped3A = tpu.sem_alloc : memref<!tpu.dma_semaphore, #tpu.memory_space<semaphore_mem>>
        %dma_start3A_28 = arith.constant 0 : i32
        %dma_start3A_29 = tpu.memref_slice %arg4[%add3A_17, %dma_start3A_28] : memref<327680x128xf32, #tpu.memory_space<hbm>> -> memref<128x128xf32, #tpu.memory_space<hbm>>
        %dma_start3A_30 = arith.constant 0 : i32
        %dma_start3A_31 = tpu.memref_slice %arg4[%add3A_17, %dma_start3A_30] : memref<327680x128xf32, #tpu.memory_space<hbm>> -> memref<128x128xf32, #tpu.memory_space<hbm>>
        tpu.enqueue_dma source(%arg8 : memref<128x128xf32, #tpu.memory_space<vmem>>) target(%dma_start3A_31 : memref<128x128xf32, #tpu.memory_space<hbm>>) target_semaphore(%run_scoped3A : memref<!tpu.dma_semaphore, #tpu.memory_space<semaphore_mem>>)
        %dma_wait3A_32 = arith.constant 0 : i32
        %dma_wait3A_33 = tpu.memref_slice %arg4[%add3A_17, %dma_wait3A_32] : memref<327680x128xf32, #tpu.memory_space<hbm>> -> memref<128x128xf32, #tpu.memory_space<hbm>>
        %dma_wait3A_34 = arith.constant 0 : i32
        %dma_wait3A_35 = tpu.memref_slice %arg4[%add3A_17, %dma_wait3A_34] : memref<327680x128xf32, #tpu.memory_space<hbm>> -> memref<128x128xf32, #tpu.memory_space<hbm>>
        tpu.wait_dma2 semaphore(%run_scoped3A : memref<!tpu.dma_semaphore, #tpu.memory_space<semaphore_mem>>) src(%arg8 : memref<128x128xf32, #tpu.memory_space<vmem>>) dst(%dma_wait3A_35 : memref<128x128xf32, #tpu.memory_space<hbm>>)
        tpu.yield
      }) : () -> ()
    }
    %scan3A_9 = arith.constant 40 : i32
    return
  }
}

module attributes {stable_mosaic.version = 14 : i64} {
  func.func @body(%arg0: i32, %arg1: i32, %arg2: memref<1x256x128xf32, #tpu.memory_space<vmem>>, %arg3: memref<1x2048x128xf32, #tpu.memory_space<vmem>>, %arg4: memref<1x256x20xi32, #tpu.memory_space<vmem>>) attributes {dimension_semantics = [#tpu.dimension_semantics<arbitrary>, #tpu.dimension_semantics<arbitrary>], iteration_bounds = array<i64: 8, 8>, scalar_prefetch = 0 : i64, scratch_operands = 0 : i64, tpu.core_type = #tpu.core_type<tc>, window_params = [{transform_indices = @transform_0, window_bounds = array<i64: 1, 256, 128>}, {transform_indices = @transform_1, window_bounds = array<i64: 1, 2048, 128>}, {transform_indices = @transform_2, window_bounds = array<i64: 1, 256, 20>}]} {
    %get3A = arith.constant 0 : index
    %get3A_0 = arith.constant 0 : index
    %get3A_1 = arith.constant 0 : index
    %get3A_2 = vector.load %arg2[%get3A, %get3A_0, %get3A_1] : memref<1x256x128xf32, #tpu.memory_space<vmem>>, vector<1x256x128xf32>
    %get3A_3 = vector.shape_cast %get3A_2 : vector<1x256x128xf32> to vector<256x128xf32>
    %slice3A = vector.extract_strided_slice %get3A_3 {offsets = [0, 0], sizes = [256, 5], strides = [1, 1]} : vector<256x128xf32> to vector<256x5xf32>
    %get3A_4 = arith.constant 0 : index
    %get3A_5 = arith.constant 0 : index
    %get3A_6 = arith.constant 0 : index
    %get3A_7 = vector.load %arg3[%get3A_4, %get3A_5, %get3A_6] : memref<1x2048x128xf32, #tpu.memory_space<vmem>>, vector<1x2048x128xf32>
    %get3A_8 = vector.shape_cast %get3A_7 : vector<1x2048x128xf32> to vector<2048x128xf32>
    %slice3A_9 = vector.extract_strided_slice %get3A_8 {offsets = [0, 0], sizes = [2048, 5], strides = [1, 1]} : vector<2048x128xf32> to vector<2048x5xf32>
    %dot_general3A = arith.constant dense<0.000000e+00> : vector<256x2048xf32>
    %dot_general3A_10 = tpu.matmul %slice3A, %slice3A_9, %dot_general3A {dimension_numbers = #tpu.dot_dimension_numbers<[1], [1], [0], [0], [0, 0, 1, 0], [], []>, transpose_lhs_hint = false} : vector<256x5xf32>, vector<2048x5xf32>, vector<256x2048xf32> -> vector<256x2048xf32>
    %mul3A = arith.mulf %slice3A, %slice3A : vector<256x5xf32>
    %reduce_sum3A = arith.constant dense<0.000000e+00> : vector<256xf32>
    %reduce_sum3A_11 = vector.multi_reduction <add>, %mul3A, %reduce_sum3A [1] : vector<256x5xf32> to vector<256xf32>
    %mul3A_12 = arith.mulf %slice3A_9, %slice3A_9 : vector<2048x5xf32>
    %reduce_sum3A_13 = arith.constant dense<0.000000e+00> : vector<2048xf32>
    %reduce_sum3A_14 = vector.multi_reduction <add>, %mul3A_12, %reduce_sum3A_13 [1] : vector<2048x5xf32> to vector<2048xf32>
    %mul3A_15 = arith.constant 2.000000e+00 : f32
    %mul3A_16 = vector.broadcast %mul3A_15 : f32 to vector<256x2048xf32>
    %mul3A_17 = arith.mulf %mul3A_16, %dot_general3A_10 : vector<256x2048xf32>
    %broadcast_in_dim3A = vector.shape_cast %reduce_sum3A_11 : vector<256xf32> to vector<256x1xf32>
    %sub3A = vector.broadcast %broadcast_in_dim3A : vector<256x1xf32> to vector<256x2048xf32>
    %sub3A_18 = arith.subf %mul3A_17, %sub3A : vector<256x2048xf32>
    %broadcast_in_dim3A_19 = vector.shape_cast %reduce_sum3A_14 : vector<2048xf32> to vector<1x2048xf32>
    %sub3A_20 = vector.broadcast %broadcast_in_dim3A_19 : vector<1x2048xf32> to vector<256x2048xf32>
    %sub3A_21 = arith.subf %sub3A_18, %sub3A_20 : vector<256x2048xf32>
    %iota3A = tpu.iota {dimensions = array<i32: 1>} : vector<256x2048xi32>
    %iota3A_22 = tpu.iota {dimensions = array<i32: 1>} : vector<256x20xi32>
    %broadcast_in_dim3A_23 = arith.constant 0 : i32
    %broadcast_in_dim3A_24 = vector.broadcast %broadcast_in_dim3A_23 : i32 to vector<256x20xi32>
    %reduce_max3A = arith.constant dense<0xFF800000> : vector<256xf32>
    %reduce_max3A_25 = vector.multi_reduction <maximumf>, %sub3A_21, %reduce_max3A [1] : vector<256x2048xf32> to vector<256xf32>
    %broadcast_in_dim3A_26 = vector.shape_cast %reduce_max3A_25 : vector<256xf32> to vector<256x1xf32>
    %eq3A = vector.broadcast %broadcast_in_dim3A_26 : vector<256x1xf32> to vector<256x2048xf32>
    %eq3A_27 = arith.cmpf oeq, %sub3A_21, %eq3A : vector<256x2048xf32>
    %jit3A = arith.constant 1073741824 : i32
    %broadcast_in_dim3A_28 = vector.broadcast %jit3A : i32 to vector<256x2048xi32>
    %select_n3A = arith.select %eq3A_27, %iota3A, %broadcast_in_dim3A_28 : vector<256x2048xi1>, vector<256x2048xi32>
    %reduce_min3A = arith.constant dense<2147483647> : vector<256xi32>
    %reduce_min3A_29 = vector.multi_reduction <minsi>, %select_n3A, %reduce_min3A [1] : vector<256x2048xi32> to vector<256xi32>
    %eq3A_30 = arith.constant 0 : i32
    %eq3A_31 = vector.broadcast %eq3A_30 : i32 to vector<256x20xi32>
    %eq3A_32 = arith.cmpi eq, %iota3A_22, %eq3A_31 : vector<256x20xi32>
    %broadcast_in_dim3A_33 = vector.shape_cast %reduce_min3A_29 : vector<256xi32> to vector<256x1xi32>
    %broadcast_in_dim3A_34 = vector.shape_cast %broadcast_in_dim3A_33 : vector<256x1xi32> to vector<256x1xi32>
    %broadcast_in_dim3A_35 = vector.broadcast %broadcast_in_dim3A_34 : vector<256x1xi32> to vector<256x20xi32>
    %select_n3A_36 = arith.select %eq3A_32, %broadcast_in_dim3A_35, %broadcast_in_dim3A_24 : vector<256x20xi1>, vector<256x20xi32>
    %broadcast_in_dim3A_37 = vector.shape_cast %reduce_min3A_29 : vector<256xi32> to vector<256x1xi32>
    %eq3A_38 = vector.broadcast %broadcast_in_dim3A_37 : vector<256x1xi32> to vector<256x2048xi32>
    %eq3A_39 = arith.cmpi eq, %iota3A, %eq3A_38 : vector<256x2048xi32>
    %jit3A_40 = arith.constant 0xFF800000 : f32
    %broadcast_in_dim3A_41 = vector.broadcast %jit3A_40 : f32 to vector<256x2048xf32>
    %select_n3A_42 = arith.select %eq3A_39, %broadcast_in_dim3A_41, %sub3A_21 : vector<256x2048xi1>, vector<256x2048xf32>
    %reduce_max3A_43 = arith.constant dense<0xFF800000> : vector<256xf32>
    %reduce_max3A_44 = vector.multi_reduction <maximumf>, %select_n3A_42, %reduce_max3A_43 [1] : vector<256x2048xf32> to vector<256xf32>
    %broadcast_in_dim3A_45 = vector.shape_cast %reduce_max3A_44 : vector<256xf32> to vector<256x1xf32>
    %eq3A_46 = vector.broadcast %broadcast_in_dim3A_45 : vector<256x1xf32> to vector<256x2048xf32>
    %eq3A_47 = arith.cmpf oeq, %select_n3A_42, %eq3A_46 : vector<256x2048xf32>
    %jit3A_48 = arith.constant 1073741824 : i32
    %broadcast_in_dim3A_49 = vector.broadcast %jit3A_48 : i32 to vector<256x2048xi32>
    %select_n3A_50 = arith.select %eq3A_47, %iota3A, %broadcast_in_dim3A_49 : vector<256x2048xi1>, vector<256x2048xi32>
    %reduce_min3A_51 = arith.constant dense<2147483647> : vector<256xi32>
    %reduce_min3A_52 = vector.multi_reduction <minsi>, %select_n3A_50, %reduce_min3A_51 [1] : vector<256x2048xi32> to vector<256xi32>
    %eq3A_53 = arith.constant 1 : i32
    %eq3A_54 = vector.broadcast %eq3A_53 : i32 to vector<256x20xi32>
    %eq3A_55 = arith.cmpi eq, %iota3A_22, %eq3A_54 : vector<256x20xi32>
    %broadcast_in_dim3A_56 = vector.shape_cast %reduce_min3A_52 : vector<256xi32> to vector<256x1xi32>
    %broadcast_in_dim3A_57 = vector.shape_cast %broadcast_in_dim3A_56 : vector<256x1xi32> to vector<256x1xi32>
    %broadcast_in_dim3A_58 = vector.broadcast %broadcast_in_dim3A_57 : vector<256x1xi32> to vector<256x20xi32>
    %select_n3A_59 = arith.select %eq3A_55, %broadcast_in_dim3A_58, %select_n3A_36 : vector<256x20xi1>, vector<256x20xi32>
    %broadcast_in_dim3A_60 = vector.shape_cast %reduce_min3A_52 : vector<256xi32> to vector<256x1xi32>
    %eq3A_61 = vector.broadcast %broadcast_in_dim3A_60 : vector<256x1xi32> to vector<256x2048xi32>
    %eq3A_62 = arith.cmpi eq, %iota3A, %eq3A_61 : vector<256x2048xi32>
    %jit3A_63 = arith.constant 0xFF800000 : f32
    %broadcast_in_dim3A_64 = vector.broadcast %jit3A_63 : f32 to vector<256x2048xf32>
    %select_n3A_65 = arith.select %eq3A_62, %broadcast_in_dim3A_64, %select_n3A_42 : vector<256x2048xi1>, vector<256x2048xf32>
    %reduce_max3A_66 = arith.constant dense<0xFF800000> : vector<256xf32>
    %reduce_max3A_67 = vector.multi_reduction <maximumf>, %select_n3A_65, %reduce_max3A_66 [1] : vector<256x2048xf32> to vector<256xf32>
    %broadcast_in_dim3A_68 = vector.shape_cast %reduce_max3A_67 : vector<256xf32> to vector<256x1xf32>
    %eq3A_69 = vector.broadcast %broadcast_in_dim3A_68 : vector<256x1xf32> to vector<256x2048xf32>
    %eq3A_70 = arith.cmpf oeq, %select_n3A_65, %eq3A_69 : vector<256x2048xf32>
    %jit3A_71 = arith.constant 1073741824 : i32
    %broadcast_in_dim3A_72 = vector.broadcast %jit3A_71 : i32 to vector<256x2048xi32>
    %select_n3A_73 = arith.select %eq3A_70, %iota3A, %broadcast_in_dim3A_72 : vector<256x2048xi1>, vector<256x2048xi32>
    %reduce_min3A_74 = arith.constant dense<2147483647> : vector<256xi32>
    %reduce_min3A_75 = vector.multi_reduction <minsi>, %select_n3A_73, %reduce_min3A_74 [1] : vector<256x2048xi32> to vector<256xi32>
    %eq3A_76 = arith.constant 2 : i32
    %eq3A_77 = vector.broadcast %eq3A_76 : i32 to vector<256x20xi32>
    %eq3A_78 = arith.cmpi eq, %iota3A_22, %eq3A_77 : vector<256x20xi32>
    %broadcast_in_dim3A_79 = vector.shape_cast %reduce_min3A_75 : vector<256xi32> to vector<256x1xi32>
    %broadcast_in_dim3A_80 = vector.shape_cast %broadcast_in_dim3A_79 : vector<256x1xi32> to vector<256x1xi32>
    %broadcast_in_dim3A_81 = vector.broadcast %broadcast_in_dim3A_80 : vector<256x1xi32> to vector<256x20xi32>
    %select_n3A_82 = arith.select %eq3A_78, %broadcast_in_dim3A_81, %select_n3A_59 : vector<256x20xi1>, vector<256x20xi32>
    %broadcast_in_dim3A_83 = vector.shape_cast %reduce_min3A_75 : vector<256xi32> to vector<256x1xi32>
    %eq3A_84 = vector.broadcast %broadcast_in_dim3A_83 : vector<256x1xi32> to vector<256x2048xi32>
    %eq3A_85 = arith.cmpi eq, %iota3A, %eq3A_84 : vector<256x2048xi32>
    %jit3A_86 = arith.constant 0xFF800000 : f32
    %broadcast_in_dim3A_87 = vector.broadcast %jit3A_86 : f32 to vector<256x2048xf32>
    %select_n3A_88 = arith.select %eq3A_85, %broadcast_in_dim3A_87, %select_n3A_65 : vector<256x2048xi1>, vector<256x2048xf32>
    %reduce_max3A_89 = arith.constant dense<0xFF800000> : vector<256xf32>
    %reduce_max3A_90 = vector.multi_reduction <maximumf>, %select_n3A_88, %reduce_max3A_89 [1] : vector<256x2048xf32> to vector<256xf32>
    %broadcast_in_dim3A_91 = vector.shape_cast %reduce_max3A_90 : vector<256xf32> to vector<256x1xf32>
    %eq3A_92 = vector.broadcast %broadcast_in_dim3A_91 : vector<256x1xf32> to vector<256x2048xf32>
    %eq3A_93 = arith.cmpf oeq, %select_n3A_88, %eq3A_92 : vector<256x2048xf32>
    %jit3A_94 = arith.constant 1073741824 : i32
    %broadcast_in_dim3A_95 = vector.broadcast %jit3A_94 : i32 to vector<256x2048xi32>
    %select_n3A_96 = arith.select %eq3A_93, %iota3A, %broadcast_in_dim3A_95 : vector<256x2048xi1>, vector<256x2048xi32>
    %reduce_min3A_97 = arith.constant dense<2147483647> : vector<256xi32>
    %reduce_min3A_98 = vector.multi_reduction <minsi>, %select_n3A_96, %reduce_min3A_97 [1] : vector<256x2048xi32> to vector<256xi32>
    %eq3A_99 = arith.constant 3 : i32
    %eq3A_100 = vector.broadcast %eq3A_99 : i32 to vector<256x20xi32>
    %eq3A_101 = arith.cmpi eq, %iota3A_22, %eq3A_100 : vector<256x20xi32>
    %broadcast_in_dim3A_102 = vector.shape_cast %reduce_min3A_98 : vector<256xi32> to vector<256x1xi32>
    %broadcast_in_dim3A_103 = vector.shape_cast %broadcast_in_dim3A_102 : vector<256x1xi32> to vector<256x1xi32>
    %broadcast_in_dim3A_104 = vector.broadcast %broadcast_in_dim3A_103 : vector<256x1xi32> to vector<256x20xi32>
    %select_n3A_105 = arith.select %eq3A_101, %broadcast_in_dim3A_104, %select_n3A_82 : vector<256x20xi1>, vector<256x20xi32>
    %broadcast_in_dim3A_106 = vector.shape_cast %reduce_min3A_98 : vector<256xi32> to vector<256x1xi32>
    %eq3A_107 = vector.broadcast %broadcast_in_dim3A_106 : vector<256x1xi32> to vector<256x2048xi32>
    %eq3A_108 = arith.cmpi eq, %iota3A, %eq3A_107 : vector<256x2048xi32>
    %jit3A_109 = arith.constant 0xFF800000 : f32
    %broadcast_in_dim3A_110 = vector.broadcast %jit3A_109 : f32 to vector<256x2048xf32>
    %select_n3A_111 = arith.select %eq3A_108, %broadcast_in_dim3A_110, %select_n3A_88 : vector<256x2048xi1>, vector<256x2048xf32>
    %reduce_max3A_112 = arith.constant dense<0xFF800000> : vector<256xf32>
    %reduce_max3A_113 = vector.multi_reduction <maximumf>, %select_n3A_111, %reduce_max3A_112 [1] : vector<256x2048xf32> to vector<256xf32>
    %broadcast_in_dim3A_114 = vector.shape_cast %reduce_max3A_113 : vector<256xf32> to vector<256x1xf32>
    %eq3A_115 = vector.broadcast %broadcast_in_dim3A_114 : vector<256x1xf32> to vector<256x2048xf32>
    %eq3A_116 = arith.cmpf oeq, %select_n3A_111, %eq3A_115 : vector<256x2048xf32>
    %jit3A_117 = arith.constant 1073741824 : i32
    %broadcast_in_dim3A_118 = vector.broadcast %jit3A_117 : i32 to vector<256x2048xi32>
    %select_n3A_119 = arith.select %eq3A_116, %iota3A, %broadcast_in_dim3A_118 : vector<256x2048xi1>, vector<256x2048xi32>
    %reduce_min3A_120 = arith.constant dense<2147483647> : vector<256xi32>
    %reduce_min3A_121 = vector.multi_reduction <minsi>, %select_n3A_119, %reduce_min3A_120 [1] : vector<256x2048xi32> to vector<256xi32>
    %eq3A_122 = arith.constant 4 : i32
    %eq3A_123 = vector.broadcast %eq3A_122 : i32 to vector<256x20xi32>
    %eq3A_124 = arith.cmpi eq, %iota3A_22, %eq3A_123 : vector<256x20xi32>
    %broadcast_in_dim3A_125 = vector.shape_cast %reduce_min3A_121 : vector<256xi32> to vector<256x1xi32>
    %broadcast_in_dim3A_126 = vector.shape_cast %broadcast_in_dim3A_125 : vector<256x1xi32> to vector<256x1xi32>
    %broadcast_in_dim3A_127 = vector.broadcast %broadcast_in_dim3A_126 : vector<256x1xi32> to vector<256x20xi32>
    %select_n3A_128 = arith.select %eq3A_124, %broadcast_in_dim3A_127, %select_n3A_105 : vector<256x20xi1>, vector<256x20xi32>
    %broadcast_in_dim3A_129 = vector.shape_cast %reduce_min3A_121 : vector<256xi32> to vector<256x1xi32>
    %eq3A_130 = vector.broadcast %broadcast_in_dim3A_129 : vector<256x1xi32> to vector<256x2048xi32>
    %eq3A_131 = arith.cmpi eq, %iota3A, %eq3A_130 : vector<256x2048xi32>
    %jit3A_132 = arith.constant 0xFF800000 : f32
    %broadcast_in_dim3A_133 = vector.broadcast %jit3A_132 : f32 to vector<256x2048xf32>
    %select_n3A_134 = arith.select %eq3A_131, %broadcast_in_dim3A_133, %select_n3A_111 : vector<256x2048xi1>, vector<256x2048xf32>
    %reduce_max3A_135 = arith.constant dense<0xFF800000> : vector<256xf32>
    %reduce_max3A_136 = vector.multi_reduction <maximumf>, %select_n3A_134, %reduce_max3A_135 [1] : vector<256x2048xf32> to vector<256xf32>
    %broadcast_in_dim3A_137 = vector.shape_cast %reduce_max3A_136 : vector<256xf32> to vector<256x1xf32>
    %eq3A_138 = vector.broadcast %broadcast_in_dim3A_137 : vector<256x1xf32> to vector<256x2048xf32>
    %eq3A_139 = arith.cmpf oeq, %select_n3A_134, %eq3A_138 : vector<256x2048xf32>
    %jit3A_140 = arith.constant 1073741824 : i32
    %broadcast_in_dim3A_141 = vector.broadcast %jit3A_140 : i32 to vector<256x2048xi32>
    %select_n3A_142 = arith.select %eq3A_139, %iota3A, %broadcast_in_dim3A_141 : vector<256x2048xi1>, vector<256x2048xi32>
    %reduce_min3A_143 = arith.constant dense<2147483647> : vector<256xi32>
    %reduce_min3A_144 = vector.multi_reduction <minsi>, %select_n3A_142, %reduce_min3A_143 [1] : vector<256x2048xi32> to vector<256xi32>
    %eq3A_145 = arith.constant 5 : i32
    %eq3A_146 = vector.broadcast %eq3A_145 : i32 to vector<256x20xi32>
    %eq3A_147 = arith.cmpi eq, %iota3A_22, %eq3A_146 : vector<256x20xi32>
    %broadcast_in_dim3A_148 = vector.shape_cast %reduce_min3A_144 : vector<256xi32> to vector<256x1xi32>
    %broadcast_in_dim3A_149 = vector.shape_cast %broadcast_in_dim3A_148 : vector<256x1xi32> to vector<256x1xi32>
    %broadcast_in_dim3A_150 = vector.broadcast %broadcast_in_dim3A_149 : vector<256x1xi32> to vector<256x20xi32>
    %select_n3A_151 = arith.select %eq3A_147, %broadcast_in_dim3A_150, %select_n3A_128 : vector<256x20xi1>, vector<256x20xi32>
    %broadcast_in_dim3A_152 = vector.shape_cast %reduce_min3A_144 : vector<256xi32> to vector<256x1xi32>
    %eq3A_153 = vector.broadcast %broadcast_in_dim3A_152 : vector<256x1xi32> to vector<256x2048xi32>
    %eq3A_154 = arith.cmpi eq, %iota3A, %eq3A_153 : vector<256x2048xi32>
    %jit3A_155 = arith.constant 0xFF800000 : f32
    %broadcast_in_dim3A_156 = vector.broadcast %jit3A_155 : f32 to vector<256x2048xf32>
    %select_n3A_157 = arith.select %eq3A_154, %broadcast_in_dim3A_156, %select_n3A_134 : vector<256x2048xi1>, vector<256x2048xf32>
    %reduce_max3A_158 = arith.constant dense<0xFF800000> : vector<256xf32>
    %reduce_max3A_159 = vector.multi_reduction <maximumf>, %select_n3A_157, %reduce_max3A_158 [1] : vector<256x2048xf32> to vector<256xf32>
    %broadcast_in_dim3A_160 = vector.shape_cast %reduce_max3A_159 : vector<256xf32> to vector<256x1xf32>
    %eq3A_161 = vector.broadcast %broadcast_in_dim3A_160 : vector<256x1xf32> to vector<256x2048xf32>
    %eq3A_162 = arith.cmpf oeq, %select_n3A_157, %eq3A_161 : vector<256x2048xf32>
    %jit3A_163 = arith.constant 1073741824 : i32
    %broadcast_in_dim3A_164 = vector.broadcast %jit3A_163 : i32 to vector<256x2048xi32>
    %select_n3A_165 = arith.select %eq3A_162, %iota3A, %broadcast_in_dim3A_164 : vector<256x2048xi1>, vector<256x2048xi32>
    %reduce_min3A_166 = arith.constant dense<2147483647> : vector<256xi32>
    %reduce_min3A_167 = vector.multi_reduction <minsi>, %select_n3A_165, %reduce_min3A_166 [1] : vector<256x2048xi32> to vector<256xi32>
    %eq3A_168 = arith.constant 6 : i32
    %eq3A_169 = vector.broadcast %eq3A_168 : i32 to vector<256x20xi32>
    %eq3A_170 = arith.cmpi eq, %iota3A_22, %eq3A_169 : vector<256x20xi32>
    %broadcast_in_dim3A_171 = vector.shape_cast %reduce_min3A_167 : vector<256xi32> to vector<256x1xi32>
    %broadcast_in_dim3A_172 = vector.shape_cast %broadcast_in_dim3A_171 : vector<256x1xi32> to vector<256x1xi32>
    %broadcast_in_dim3A_173 = vector.broadcast %broadcast_in_dim3A_172 : vector<256x1xi32> to vector<256x20xi32>
    %select_n3A_174 = arith.select %eq3A_170, %broadcast_in_dim3A_173, %select_n3A_151 : vector<256x20xi1>, vector<256x20xi32>
    %broadcast_in_dim3A_175 = vector.shape_cast %reduce_min3A_167 : vector<256xi32> to vector<256x1xi32>
    %eq3A_176 = vector.broadcast %broadcast_in_dim3A_175 : vector<256x1xi32> to vector<256x2048xi32>
    %eq3A_177 = arith.cmpi eq, %iota3A, %eq3A_176 : vector<256x2048xi32>
    %jit3A_178 = arith.constant 0xFF800000 : f32
    %broadcast_in_dim3A_179 = vector.broadcast %jit3A_178 : f32 to vector<256x2048xf32>
    %select_n3A_180 = arith.select %eq3A_177, %broadcast_in_dim3A_179, %select_n3A_157 : vector<256x2048xi1>, vector<256x2048xf32>
    %reduce_max3A_181 = arith.constant dense<0xFF800000> : vector<256xf32>
    %reduce_max3A_182 = vector.multi_reduction <maximumf>, %select_n3A_180, %reduce_max3A_181 [1] : vector<256x2048xf32> to vector<256xf32>
    %broadcast_in_dim3A_183 = vector.shape_cast %reduce_max3A_182 : vector<256xf32> to vector<256x1xf32>
    %eq3A_184 = vector.broadcast %broadcast_in_dim3A_183 : vector<256x1xf32> to vector<256x2048xf32>
    %eq3A_185 = arith.cmpf oeq, %select_n3A_180, %eq3A_184 : vector<256x2048xf32>
    %jit3A_186 = arith.constant 1073741824 : i32
    %broadcast_in_dim3A_187 = vector.broadcast %jit3A_186 : i32 to vector<256x2048xi32>
    %select_n3A_188 = arith.select %eq3A_185, %iota3A, %broadcast_in_dim3A_187 : vector<256x2048xi1>, vector<256x2048xi32>
    %reduce_min3A_189 = arith.constant dense<2147483647> : vector<256xi32>
    %reduce_min3A_190 = vector.multi_reduction <minsi>, %select_n3A_188, %reduce_min3A_189 [1] : vector<256x2048xi32> to vector<256xi32>
    %eq3A_191 = arith.constant 7 : i32
    %eq3A_192 = vector.broadcast %eq3A_191 : i32 to vector<256x20xi32>
    %eq3A_193 = arith.cmpi eq, %iota3A_22, %eq3A_192 : vector<256x20xi32>
    %broadcast_in_dim3A_194 = vector.shape_cast %reduce_min3A_190 : vector<256xi32> to vector<256x1xi32>
    %broadcast_in_dim3A_195 = vector.shape_cast %broadcast_in_dim3A_194 : vector<256x1xi32> to vector<256x1xi32>
    %broadcast_in_dim3A_196 = vector.broadcast %broadcast_in_dim3A_195 : vector<256x1xi32> to vector<256x20xi32>
    %select_n3A_197 = arith.select %eq3A_193, %broadcast_in_dim3A_196, %select_n3A_174 : vector<256x20xi1>, vector<256x20xi32>
    %broadcast_in_dim3A_198 = vector.shape_cast %reduce_min3A_190 : vector<256xi32> to vector<256x1xi32>
    %eq3A_199 = vector.broadcast %broadcast_in_dim3A_198 : vector<256x1xi32> to vector<256x2048xi32>
    %eq3A_200 = arith.cmpi eq, %iota3A, %eq3A_199 : vector<256x2048xi32>
    %jit3A_201 = arith.constant 0xFF800000 : f32
    %broadcast_in_dim3A_202 = vector.broadcast %jit3A_201 : f32 to vector<256x2048xf32>
    %select_n3A_203 = arith.select %eq3A_200, %broadcast_in_dim3A_202, %select_n3A_180 : vector<256x2048xi1>, vector<256x2048xf32>
    %reduce_max3A_204 = arith.constant dense<0xFF800000> : vector<256xf32>
    %reduce_max3A_205 = vector.multi_reduction <maximumf>, %select_n3A_203, %reduce_max3A_204 [1] : vector<256x2048xf32> to vector<256xf32>
    %broadcast_in_dim3A_206 = vector.shape_cast %reduce_max3A_205 : vector<256xf32> to vector<256x1xf32>
    %eq3A_207 = vector.broadcast %broadcast_in_dim3A_206 : vector<256x1xf32> to vector<256x2048xf32>
    %eq3A_208 = arith.cmpf oeq, %select_n3A_203, %eq3A_207 : vector<256x2048xf32>
    %jit3A_209 = arith.constant 1073741824 : i32
    %broadcast_in_dim3A_210 = vector.broadcast %jit3A_209 : i32 to vector<256x2048xi32>
    %select_n3A_211 = arith.select %eq3A_208, %iota3A, %broadcast_in_dim3A_210 : vector<256x2048xi1>, vector<256x2048xi32>
    %reduce_min3A_212 = arith.constant dense<2147483647> : vector<256xi32>
    %reduce_min3A_213 = vector.multi_reduction <minsi>, %select_n3A_211, %reduce_min3A_212 [1] : vector<256x2048xi32> to vector<256xi32>
    %eq3A_214 = arith.constant 8 : i32
    %eq3A_215 = vector.broadcast %eq3A_214 : i32 to vector<256x20xi32>
    %eq3A_216 = arith.cmpi eq, %iota3A_22, %eq3A_215 : vector<256x20xi32>
    %broadcast_in_dim3A_217 = vector.shape_cast %reduce_min3A_213 : vector<256xi32> to vector<256x1xi32>
    %broadcast_in_dim3A_218 = vector.shape_cast %broadcast_in_dim3A_217 : vector<256x1xi32> to vector<256x1xi32>
    %broadcast_in_dim3A_219 = vector.broadcast %broadcast_in_dim3A_218 : vector<256x1xi32> to vector<256x20xi32>
    %select_n3A_220 = arith.select %eq3A_216, %broadcast_in_dim3A_219, %select_n3A_197 : vector<256x20xi1>, vector<256x20xi32>
    %broadcast_in_dim3A_221 = vector.shape_cast %reduce_min3A_213 : vector<256xi32> to vector<256x1xi32>
    %eq3A_222 = vector.broadcast %broadcast_in_dim3A_221 : vector<256x1xi32> to vector<256x2048xi32>
    %eq3A_223 = arith.cmpi eq, %iota3A, %eq3A_222 : vector<256x2048xi32>
    %jit3A_224 = arith.constant 0xFF800000 : f32
    %broadcast_in_dim3A_225 = vector.broadcast %jit3A_224 : f32 to vector<256x2048xf32>
    %select_n3A_226 = arith.select %eq3A_223, %broadcast_in_dim3A_225, %select_n3A_203 : vector<256x2048xi1>, vector<256x2048xf32>
    %reduce_max3A_227 = arith.constant dense<0xFF800000> : vector<256xf32>
    %reduce_max3A_228 = vector.multi_reduction <maximumf>, %select_n3A_226, %reduce_max3A_227 [1] : vector<256x2048xf32> to vector<256xf32>
    %broadcast_in_dim3A_229 = vector.shape_cast %reduce_max3A_228 : vector<256xf32> to vector<256x1xf32>
    %eq3A_230 = vector.broadcast %broadcast_in_dim3A_229 : vector<256x1xf32> to vector<256x2048xf32>
    %eq3A_231 = arith.cmpf oeq, %select_n3A_226, %eq3A_230 : vector<256x2048xf32>
    %jit3A_232 = arith.constant 1073741824 : i32
    %broadcast_in_dim3A_233 = vector.broadcast %jit3A_232 : i32 to vector<256x2048xi32>
    %select_n3A_234 = arith.select %eq3A_231, %iota3A, %broadcast_in_dim3A_233 : vector<256x2048xi1>, vector<256x2048xi32>
    %reduce_min3A_235 = arith.constant dense<2147483647> : vector<256xi32>
    %reduce_min3A_236 = vector.multi_reduction <minsi>, %select_n3A_234, %reduce_min3A_235 [1] : vector<256x2048xi32> to vector<256xi32>
    %eq3A_237 = arith.constant 9 : i32
    %eq3A_238 = vector.broadcast %eq3A_237 : i32 to vector<256x20xi32>
    %eq3A_239 = arith.cmpi eq, %iota3A_22, %eq3A_238 : vector<256x20xi32>
    %broadcast_in_dim3A_240 = vector.shape_cast %reduce_min3A_236 : vector<256xi32> to vector<256x1xi32>
    %broadcast_in_dim3A_241 = vector.shape_cast %broadcast_in_dim3A_240 : vector<256x1xi32> to vector<256x1xi32>
    %broadcast_in_dim3A_242 = vector.broadcast %broadcast_in_dim3A_241 : vector<256x1xi32> to vector<256x20xi32>
    %select_n3A_243 = arith.select %eq3A_239, %broadcast_in_dim3A_242, %select_n3A_220 : vector<256x20xi1>, vector<256x20xi32>
    %broadcast_in_dim3A_244 = vector.shape_cast %reduce_min3A_236 : vector<256xi32> to vector<256x1xi32>
    %eq3A_245 = vector.broadcast %broadcast_in_dim3A_244 : vector<256x1xi32> to vector<256x2048xi32>
    %eq3A_246 = arith.cmpi eq, %iota3A, %eq3A_245 : vector<256x2048xi32>
    %jit3A_247 = arith.constant 0xFF800000 : f32
    %broadcast_in_dim3A_248 = vector.broadcast %jit3A_247 : f32 to vector<256x2048xf32>
    %select_n3A_249 = arith.select %eq3A_246, %broadcast_in_dim3A_248, %select_n3A_226 : vector<256x2048xi1>, vector<256x2048xf32>
    %reduce_max3A_250 = arith.constant dense<0xFF800000> : vector<256xf32>
    %reduce_max3A_251 = vector.multi_reduction <maximumf>, %select_n3A_249, %reduce_max3A_250 [1] : vector<256x2048xf32> to vector<256xf32>
    %broadcast_in_dim3A_252 = vector.shape_cast %reduce_max3A_251 : vector<256xf32> to vector<256x1xf32>
    %eq3A_253 = vector.broadcast %broadcast_in_dim3A_252 : vector<256x1xf32> to vector<256x2048xf32>
    %eq3A_254 = arith.cmpf oeq, %select_n3A_249, %eq3A_253 : vector<256x2048xf32>
    %jit3A_255 = arith.constant 1073741824 : i32
    %broadcast_in_dim3A_256 = vector.broadcast %jit3A_255 : i32 to vector<256x2048xi32>
    %select_n3A_257 = arith.select %eq3A_254, %iota3A, %broadcast_in_dim3A_256 : vector<256x2048xi1>, vector<256x2048xi32>
    %reduce_min3A_258 = arith.constant dense<2147483647> : vector<256xi32>
    %reduce_min3A_259 = vector.multi_reduction <minsi>, %select_n3A_257, %reduce_min3A_258 [1] : vector<256x2048xi32> to vector<256xi32>
    %eq3A_260 = arith.constant 10 : i32
    %eq3A_261 = vector.broadcast %eq3A_260 : i32 to vector<256x20xi32>
    %eq3A_262 = arith.cmpi eq, %iota3A_22, %eq3A_261 : vector<256x20xi32>
    %broadcast_in_dim3A_263 = vector.shape_cast %reduce_min3A_259 : vector<256xi32> to vector<256x1xi32>
    %broadcast_in_dim3A_264 = vector.shape_cast %broadcast_in_dim3A_263 : vector<256x1xi32> to vector<256x1xi32>
    %broadcast_in_dim3A_265 = vector.broadcast %broadcast_in_dim3A_264 : vector<256x1xi32> to vector<256x20xi32>
    %select_n3A_266 = arith.select %eq3A_262, %broadcast_in_dim3A_265, %select_n3A_243 : vector<256x20xi1>, vector<256x20xi32>
    %broadcast_in_dim3A_267 = vector.shape_cast %reduce_min3A_259 : vector<256xi32> to vector<256x1xi32>
    %eq3A_268 = vector.broadcast %broadcast_in_dim3A_267 : vector<256x1xi32> to vector<256x2048xi32>
    %eq3A_269 = arith.cmpi eq, %iota3A, %eq3A_268 : vector<256x2048xi32>
    %jit3A_270 = arith.constant 0xFF800000 : f32
    %broadcast_in_dim3A_271 = vector.broadcast %jit3A_270 : f32 to vector<256x2048xf32>
    %select_n3A_272 = arith.select %eq3A_269, %broadcast_in_dim3A_271, %select_n3A_249 : vector<256x2048xi1>, vector<256x2048xf32>
    %reduce_max3A_273 = arith.constant dense<0xFF800000> : vector<256xf32>
    %reduce_max3A_274 = vector.multi_reduction <maximumf>, %select_n3A_272, %reduce_max3A_273 [1] : vector<256x2048xf32> to vector<256xf32>
    %broadcast_in_dim3A_275 = vector.shape_cast %reduce_max3A_274 : vector<256xf32> to vector<256x1xf32>
    %eq3A_276 = vector.broadcast %broadcast_in_dim3A_275 : vector<256x1xf32> to vector<256x2048xf32>
    %eq3A_277 = arith.cmpf oeq, %select_n3A_272, %eq3A_276 : vector<256x2048xf32>
    %jit3A_278 = arith.constant 1073741824 : i32
    %broadcast_in_dim3A_279 = vector.broadcast %jit3A_278 : i32 to vector<256x2048xi32>
    %select_n3A_280 = arith.select %eq3A_277, %iota3A, %broadcast_in_dim3A_279 : vector<256x2048xi1>, vector<256x2048xi32>
    %reduce_min3A_281 = arith.constant dense<2147483647> : vector<256xi32>
    %reduce_min3A_282 = vector.multi_reduction <minsi>, %select_n3A_280, %reduce_min3A_281 [1] : vector<256x2048xi32> to vector<256xi32>
    %eq3A_283 = arith.constant 11 : i32
    %eq3A_284 = vector.broadcast %eq3A_283 : i32 to vector<256x20xi32>
    %eq3A_285 = arith.cmpi eq, %iota3A_22, %eq3A_284 : vector<256x20xi32>
    %broadcast_in_dim3A_286 = vector.shape_cast %reduce_min3A_282 : vector<256xi32> to vector<256x1xi32>
    %broadcast_in_dim3A_287 = vector.shape_cast %broadcast_in_dim3A_286 : vector<256x1xi32> to vector<256x1xi32>
    %broadcast_in_dim3A_288 = vector.broadcast %broadcast_in_dim3A_287 : vector<256x1xi32> to vector<256x20xi32>
    %select_n3A_289 = arith.select %eq3A_285, %broadcast_in_dim3A_288, %select_n3A_266 : vector<256x20xi1>, vector<256x20xi32>
    %broadcast_in_dim3A_290 = vector.shape_cast %reduce_min3A_282 : vector<256xi32> to vector<256x1xi32>
    %eq3A_291 = vector.broadcast %broadcast_in_dim3A_290 : vector<256x1xi32> to vector<256x2048xi32>
    %eq3A_292 = arith.cmpi eq, %iota3A, %eq3A_291 : vector<256x2048xi32>
    %jit3A_293 = arith.constant 0xFF800000 : f32
    %broadcast_in_dim3A_294 = vector.broadcast %jit3A_293 : f32 to vector<256x2048xf32>
    %select_n3A_295 = arith.select %eq3A_292, %broadcast_in_dim3A_294, %select_n3A_272 : vector<256x2048xi1>, vector<256x2048xf32>
    %reduce_max3A_296 = arith.constant dense<0xFF800000> : vector<256xf32>
    %reduce_max3A_297 = vector.multi_reduction <maximumf>, %select_n3A_295, %reduce_max3A_296 [1] : vector<256x2048xf32> to vector<256xf32>
    %broadcast_in_dim3A_298 = vector.shape_cast %reduce_max3A_297 : vector<256xf32> to vector<256x1xf32>
    %eq3A_299 = vector.broadcast %broadcast_in_dim3A_298 : vector<256x1xf32> to vector<256x2048xf32>
    %eq3A_300 = arith.cmpf oeq, %select_n3A_295, %eq3A_299 : vector<256x2048xf32>
    %jit3A_301 = arith.constant 1073741824 : i32
    %broadcast_in_dim3A_302 = vector.broadcast %jit3A_301 : i32 to vector<256x2048xi32>
    %select_n3A_303 = arith.select %eq3A_300, %iota3A, %broadcast_in_dim3A_302 : vector<256x2048xi1>, vector<256x2048xi32>
    %reduce_min3A_304 = arith.constant dense<2147483647> : vector<256xi32>
    %reduce_min3A_305 = vector.multi_reduction <minsi>, %select_n3A_303, %reduce_min3A_304 [1] : vector<256x2048xi32> to vector<256xi32>
    %eq3A_306 = arith.constant 12 : i32
    %eq3A_307 = vector.broadcast %eq3A_306 : i32 to vector<256x20xi32>
    %eq3A_308 = arith.cmpi eq, %iota3A_22, %eq3A_307 : vector<256x20xi32>
    %broadcast_in_dim3A_309 = vector.shape_cast %reduce_min3A_305 : vector<256xi32> to vector<256x1xi32>
    %broadcast_in_dim3A_310 = vector.shape_cast %broadcast_in_dim3A_309 : vector<256x1xi32> to vector<256x1xi32>
    %broadcast_in_dim3A_311 = vector.broadcast %broadcast_in_dim3A_310 : vector<256x1xi32> to vector<256x20xi32>
    %select_n3A_312 = arith.select %eq3A_308, %broadcast_in_dim3A_311, %select_n3A_289 : vector<256x20xi1>, vector<256x20xi32>
    %broadcast_in_dim3A_313 = vector.shape_cast %reduce_min3A_305 : vector<256xi32> to vector<256x1xi32>
    %eq3A_314 = vector.broadcast %broadcast_in_dim3A_313 : vector<256x1xi32> to vector<256x2048xi32>
    %eq3A_315 = arith.cmpi eq, %iota3A, %eq3A_314 : vector<256x2048xi32>
    %jit3A_316 = arith.constant 0xFF800000 : f32
    %broadcast_in_dim3A_317 = vector.broadcast %jit3A_316 : f32 to vector<256x2048xf32>
    %select_n3A_318 = arith.select %eq3A_315, %broadcast_in_dim3A_317, %select_n3A_295 : vector<256x2048xi1>, vector<256x2048xf32>
    %reduce_max3A_319 = arith.constant dense<0xFF800000> : vector<256xf32>
    %reduce_max3A_320 = vector.multi_reduction <maximumf>, %select_n3A_318, %reduce_max3A_319 [1] : vector<256x2048xf32> to vector<256xf32>
    %broadcast_in_dim3A_321 = vector.shape_cast %reduce_max3A_320 : vector<256xf32> to vector<256x1xf32>
    %eq3A_322 = vector.broadcast %broadcast_in_dim3A_321 : vector<256x1xf32> to vector<256x2048xf32>
    %eq3A_323 = arith.cmpf oeq, %select_n3A_318, %eq3A_322 : vector<256x2048xf32>
    %jit3A_324 = arith.constant 1073741824 : i32
    %broadcast_in_dim3A_325 = vector.broadcast %jit3A_324 : i32 to vector<256x2048xi32>
    %select_n3A_326 = arith.select %eq3A_323, %iota3A, %broadcast_in_dim3A_325 : vector<256x2048xi1>, vector<256x2048xi32>
    %reduce_min3A_327 = arith.constant dense<2147483647> : vector<256xi32>
    %reduce_min3A_328 = vector.multi_reduction <minsi>, %select_n3A_326, %reduce_min3A_327 [1] : vector<256x2048xi32> to vector<256xi32>
    %eq3A_329 = arith.constant 13 : i32
    %eq3A_330 = vector.broadcast %eq3A_329 : i32 to vector<256x20xi32>
    %eq3A_331 = arith.cmpi eq, %iota3A_22, %eq3A_330 : vector<256x20xi32>
    %broadcast_in_dim3A_332 = vector.shape_cast %reduce_min3A_328 : vector<256xi32> to vector<256x1xi32>
    %broadcast_in_dim3A_333 = vector.shape_cast %broadcast_in_dim3A_332 : vector<256x1xi32> to vector<256x1xi32>
    %broadcast_in_dim3A_334 = vector.broadcast %broadcast_in_dim3A_333 : vector<256x1xi32> to vector<256x20xi32>
    %select_n3A_335 = arith.select %eq3A_331, %broadcast_in_dim3A_334, %select_n3A_312 : vector<256x20xi1>, vector<256x20xi32>
    %broadcast_in_dim3A_336 = vector.shape_cast %reduce_min3A_328 : vector<256xi32> to vector<256x1xi32>
    %eq3A_337 = vector.broadcast %broadcast_in_dim3A_336 : vector<256x1xi32> to vector<256x2048xi32>
    %eq3A_338 = arith.cmpi eq, %iota3A, %eq3A_337 : vector<256x2048xi32>
    %jit3A_339 = arith.constant 0xFF800000 : f32
    %broadcast_in_dim3A_340 = vector.broadcast %jit3A_339 : f32 to vector<256x2048xf32>
    %select_n3A_341 = arith.select %eq3A_338, %broadcast_in_dim3A_340, %select_n3A_318 : vector<256x2048xi1>, vector<256x2048xf32>
    %reduce_max3A_342 = arith.constant dense<0xFF800000> : vector<256xf32>
    %reduce_max3A_343 = vector.multi_reduction <maximumf>, %select_n3A_341, %reduce_max3A_342 [1] : vector<256x2048xf32> to vector<256xf32>
    %broadcast_in_dim3A_344 = vector.shape_cast %reduce_max3A_343 : vector<256xf32> to vector<256x1xf32>
    %eq3A_345 = vector.broadcast %broadcast_in_dim3A_344 : vector<256x1xf32> to vector<256x2048xf32>
    %eq3A_346 = arith.cmpf oeq, %select_n3A_341, %eq3A_345 : vector<256x2048xf32>
    %jit3A_347 = arith.constant 1073741824 : i32
    %broadcast_in_dim3A_348 = vector.broadcast %jit3A_347 : i32 to vector<256x2048xi32>
    %select_n3A_349 = arith.select %eq3A_346, %iota3A, %broadcast_in_dim3A_348 : vector<256x2048xi1>, vector<256x2048xi32>
    %reduce_min3A_350 = arith.constant dense<2147483647> : vector<256xi32>
    %reduce_min3A_351 = vector.multi_reduction <minsi>, %select_n3A_349, %reduce_min3A_350 [1] : vector<256x2048xi32> to vector<256xi32>
    %eq3A_352 = arith.constant 14 : i32
    %eq3A_353 = vector.broadcast %eq3A_352 : i32 to vector<256x20xi32>
    %eq3A_354 = arith.cmpi eq, %iota3A_22, %eq3A_353 : vector<256x20xi32>
    %broadcast_in_dim3A_355 = vector.shape_cast %reduce_min3A_351 : vector<256xi32> to vector<256x1xi32>
    %broadcast_in_dim3A_356 = vector.shape_cast %broadcast_in_dim3A_355 : vector<256x1xi32> to vector<256x1xi32>
    %broadcast_in_dim3A_357 = vector.broadcast %broadcast_in_dim3A_356 : vector<256x1xi32> to vector<256x20xi32>
    %select_n3A_358 = arith.select %eq3A_354, %broadcast_in_dim3A_357, %select_n3A_335 : vector<256x20xi1>, vector<256x20xi32>
    %broadcast_in_dim3A_359 = vector.shape_cast %reduce_min3A_351 : vector<256xi32> to vector<256x1xi32>
    %eq3A_360 = vector.broadcast %broadcast_in_dim3A_359 : vector<256x1xi32> to vector<256x2048xi32>
    %eq3A_361 = arith.cmpi eq, %iota3A, %eq3A_360 : vector<256x2048xi32>
    %jit3A_362 = arith.constant 0xFF800000 : f32
    %broadcast_in_dim3A_363 = vector.broadcast %jit3A_362 : f32 to vector<256x2048xf32>
    %select_n3A_364 = arith.select %eq3A_361, %broadcast_in_dim3A_363, %select_n3A_341 : vector<256x2048xi1>, vector<256x2048xf32>
    %reduce_max3A_365 = arith.constant dense<0xFF800000> : vector<256xf32>
    %reduce_max3A_366 = vector.multi_reduction <maximumf>, %select_n3A_364, %reduce_max3A_365 [1] : vector<256x2048xf32> to vector<256xf32>
    %broadcast_in_dim3A_367 = vector.shape_cast %reduce_max3A_366 : vector<256xf32> to vector<256x1xf32>
    %eq3A_368 = vector.broadcast %broadcast_in_dim3A_367 : vector<256x1xf32> to vector<256x2048xf32>
    %eq3A_369 = arith.cmpf oeq, %select_n3A_364, %eq3A_368 : vector<256x2048xf32>
    %jit3A_370 = arith.constant 1073741824 : i32
    %broadcast_in_dim3A_371 = vector.broadcast %jit3A_370 : i32 to vector<256x2048xi32>
    %select_n3A_372 = arith.select %eq3A_369, %iota3A, %broadcast_in_dim3A_371 : vector<256x2048xi1>, vector<256x2048xi32>
    %reduce_min3A_373 = arith.constant dense<2147483647> : vector<256xi32>
    %reduce_min3A_374 = vector.multi_reduction <minsi>, %select_n3A_372, %reduce_min3A_373 [1] : vector<256x2048xi32> to vector<256xi32>
    %eq3A_375 = arith.constant 15 : i32
    %eq3A_376 = vector.broadcast %eq3A_375 : i32 to vector<256x20xi32>
    %eq3A_377 = arith.cmpi eq, %iota3A_22, %eq3A_376 : vector<256x20xi32>
    %broadcast_in_dim3A_378 = vector.shape_cast %reduce_min3A_374 : vector<256xi32> to vector<256x1xi32>
    %broadcast_in_dim3A_379 = vector.shape_cast %broadcast_in_dim3A_378 : vector<256x1xi32> to vector<256x1xi32>
    %broadcast_in_dim3A_380 = vector.broadcast %broadcast_in_dim3A_379 : vector<256x1xi32> to vector<256x20xi32>
    %select_n3A_381 = arith.select %eq3A_377, %broadcast_in_dim3A_380, %select_n3A_358 : vector<256x20xi1>, vector<256x20xi32>
    %broadcast_in_dim3A_382 = vector.shape_cast %reduce_min3A_374 : vector<256xi32> to vector<256x1xi32>
    %eq3A_383 = vector.broadcast %broadcast_in_dim3A_382 : vector<256x1xi32> to vector<256x2048xi32>
    %eq3A_384 = arith.cmpi eq, %iota3A, %eq3A_383 : vector<256x2048xi32>
    %jit3A_385 = arith.constant 0xFF800000 : f32
    %broadcast_in_dim3A_386 = vector.broadcast %jit3A_385 : f32 to vector<256x2048xf32>
    %select_n3A_387 = arith.select %eq3A_384, %broadcast_in_dim3A_386, %select_n3A_364 : vector<256x2048xi1>, vector<256x2048xf32>
    %reduce_max3A_388 = arith.constant dense<0xFF800000> : vector<256xf32>
    %reduce_max3A_389 = vector.multi_reduction <maximumf>, %select_n3A_387, %reduce_max3A_388 [1] : vector<256x2048xf32> to vector<256xf32>
    %broadcast_in_dim3A_390 = vector.shape_cast %reduce_max3A_389 : vector<256xf32> to vector<256x1xf32>
    %eq3A_391 = vector.broadcast %broadcast_in_dim3A_390 : vector<256x1xf32> to vector<256x2048xf32>
    %eq3A_392 = arith.cmpf oeq, %select_n3A_387, %eq3A_391 : vector<256x2048xf32>
    %jit3A_393 = arith.constant 1073741824 : i32
    %broadcast_in_dim3A_394 = vector.broadcast %jit3A_393 : i32 to vector<256x2048xi32>
    %select_n3A_395 = arith.select %eq3A_392, %iota3A, %broadcast_in_dim3A_394 : vector<256x2048xi1>, vector<256x2048xi32>
    %reduce_min3A_396 = arith.constant dense<2147483647> : vector<256xi32>
    %reduce_min3A_397 = vector.multi_reduction <minsi>, %select_n3A_395, %reduce_min3A_396 [1] : vector<256x2048xi32> to vector<256xi32>
    %eq3A_398 = arith.constant 16 : i32
    %eq3A_399 = vector.broadcast %eq3A_398 : i32 to vector<256x20xi32>
    %eq3A_400 = arith.cmpi eq, %iota3A_22, %eq3A_399 : vector<256x20xi32>
    %broadcast_in_dim3A_401 = vector.shape_cast %reduce_min3A_397 : vector<256xi32> to vector<256x1xi32>
    %broadcast_in_dim3A_402 = vector.shape_cast %broadcast_in_dim3A_401 : vector<256x1xi32> to vector<256x1xi32>
    %broadcast_in_dim3A_403 = vector.broadcast %broadcast_in_dim3A_402 : vector<256x1xi32> to vector<256x20xi32>
    %select_n3A_404 = arith.select %eq3A_400, %broadcast_in_dim3A_403, %select_n3A_381 : vector<256x20xi1>, vector<256x20xi32>
    %broadcast_in_dim3A_405 = vector.shape_cast %reduce_min3A_397 : vector<256xi32> to vector<256x1xi32>
    %eq3A_406 = vector.broadcast %broadcast_in_dim3A_405 : vector<256x1xi32> to vector<256x2048xi32>
    %eq3A_407 = arith.cmpi eq, %iota3A, %eq3A_406 : vector<256x2048xi32>
    %jit3A_408 = arith.constant 0xFF800000 : f32
    %broadcast_in_dim3A_409 = vector.broadcast %jit3A_408 : f32 to vector<256x2048xf32>
    %select_n3A_410 = arith.select %eq3A_407, %broadcast_in_dim3A_409, %select_n3A_387 : vector<256x2048xi1>, vector<256x2048xf32>
    %reduce_max3A_411 = arith.constant dense<0xFF800000> : vector<256xf32>
    %reduce_max3A_412 = vector.multi_reduction <maximumf>, %select_n3A_410, %reduce_max3A_411 [1] : vector<256x2048xf32> to vector<256xf32>
    %broadcast_in_dim3A_413 = vector.shape_cast %reduce_max3A_412 : vector<256xf32> to vector<256x1xf32>
    %eq3A_414 = vector.broadcast %broadcast_in_dim3A_413 : vector<256x1xf32> to vector<256x2048xf32>
    %eq3A_415 = arith.cmpf oeq, %select_n3A_410, %eq3A_414 : vector<256x2048xf32>
    %jit3A_416 = arith.constant 1073741824 : i32
    %broadcast_in_dim3A_417 = vector.broadcast %jit3A_416 : i32 to vector<256x2048xi32>
    %select_n3A_418 = arith.select %eq3A_415, %iota3A, %broadcast_in_dim3A_417 : vector<256x2048xi1>, vector<256x2048xi32>
    %reduce_min3A_419 = arith.constant dense<2147483647> : vector<256xi32>
    %reduce_min3A_420 = vector.multi_reduction <minsi>, %select_n3A_418, %reduce_min3A_419 [1] : vector<256x2048xi32> to vector<256xi32>
    %eq3A_421 = arith.constant 17 : i32
    %eq3A_422 = vector.broadcast %eq3A_421 : i32 to vector<256x20xi32>
    %eq3A_423 = arith.cmpi eq, %iota3A_22, %eq3A_422 : vector<256x20xi32>
    %broadcast_in_dim3A_424 = vector.shape_cast %reduce_min3A_420 : vector<256xi32> to vector<256x1xi32>
    %broadcast_in_dim3A_425 = vector.shape_cast %broadcast_in_dim3A_424 : vector<256x1xi32> to vector<256x1xi32>
    %broadcast_in_dim3A_426 = vector.broadcast %broadcast_in_dim3A_425 : vector<256x1xi32> to vector<256x20xi32>
    %select_n3A_427 = arith.select %eq3A_423, %broadcast_in_dim3A_426, %select_n3A_404 : vector<256x20xi1>, vector<256x20xi32>
    %broadcast_in_dim3A_428 = vector.shape_cast %reduce_min3A_420 : vector<256xi32> to vector<256x1xi32>
    %eq3A_429 = vector.broadcast %broadcast_in_dim3A_428 : vector<256x1xi32> to vector<256x2048xi32>
    %eq3A_430 = arith.cmpi eq, %iota3A, %eq3A_429 : vector<256x2048xi32>
    %jit3A_431 = arith.constant 0xFF800000 : f32
    %broadcast_in_dim3A_432 = vector.broadcast %jit3A_431 : f32 to vector<256x2048xf32>
    %select_n3A_433 = arith.select %eq3A_430, %broadcast_in_dim3A_432, %select_n3A_410 : vector<256x2048xi1>, vector<256x2048xf32>
    %reduce_max3A_434 = arith.constant dense<0xFF800000> : vector<256xf32>
    %reduce_max3A_435 = vector.multi_reduction <maximumf>, %select_n3A_433, %reduce_max3A_434 [1] : vector<256x2048xf32> to vector<256xf32>
    %broadcast_in_dim3A_436 = vector.shape_cast %reduce_max3A_435 : vector<256xf32> to vector<256x1xf32>
    %eq3A_437 = vector.broadcast %broadcast_in_dim3A_436 : vector<256x1xf32> to vector<256x2048xf32>
    %eq3A_438 = arith.cmpf oeq, %select_n3A_433, %eq3A_437 : vector<256x2048xf32>
    %jit3A_439 = arith.constant 1073741824 : i32
    %broadcast_in_dim3A_440 = vector.broadcast %jit3A_439 : i32 to vector<256x2048xi32>
    %select_n3A_441 = arith.select %eq3A_438, %iota3A, %broadcast_in_dim3A_440 : vector<256x2048xi1>, vector<256x2048xi32>
    %reduce_min3A_442 = arith.constant dense<2147483647> : vector<256xi32>
    %reduce_min3A_443 = vector.multi_reduction <minsi>, %select_n3A_441, %reduce_min3A_442 [1] : vector<256x2048xi32> to vector<256xi32>
    %eq3A_444 = arith.constant 18 : i32
    %eq3A_445 = vector.broadcast %eq3A_444 : i32 to vector<256x20xi32>
    %eq3A_446 = arith.cmpi eq, %iota3A_22, %eq3A_445 : vector<256x20xi32>
    %broadcast_in_dim3A_447 = vector.shape_cast %reduce_min3A_443 : vector<256xi32> to vector<256x1xi32>
    %broadcast_in_dim3A_448 = vector.shape_cast %broadcast_in_dim3A_447 : vector<256x1xi32> to vector<256x1xi32>
    %broadcast_in_dim3A_449 = vector.broadcast %broadcast_in_dim3A_448 : vector<256x1xi32> to vector<256x20xi32>
    %select_n3A_450 = arith.select %eq3A_446, %broadcast_in_dim3A_449, %select_n3A_427 : vector<256x20xi1>, vector<256x20xi32>
    %broadcast_in_dim3A_451 = vector.shape_cast %reduce_min3A_443 : vector<256xi32> to vector<256x1xi32>
    %eq3A_452 = vector.broadcast %broadcast_in_dim3A_451 : vector<256x1xi32> to vector<256x2048xi32>
    %eq3A_453 = arith.cmpi eq, %iota3A, %eq3A_452 : vector<256x2048xi32>
    %jit3A_454 = arith.constant 0xFF800000 : f32
    %broadcast_in_dim3A_455 = vector.broadcast %jit3A_454 : f32 to vector<256x2048xf32>
    %select_n3A_456 = arith.select %eq3A_453, %broadcast_in_dim3A_455, %select_n3A_433 : vector<256x2048xi1>, vector<256x2048xf32>
    %reduce_max3A_457 = arith.constant dense<0xFF800000> : vector<256xf32>
    %reduce_max3A_458 = vector.multi_reduction <maximumf>, %select_n3A_456, %reduce_max3A_457 [1] : vector<256x2048xf32> to vector<256xf32>
    %broadcast_in_dim3A_459 = vector.shape_cast %reduce_max3A_458 : vector<256xf32> to vector<256x1xf32>
    %eq3A_460 = vector.broadcast %broadcast_in_dim3A_459 : vector<256x1xf32> to vector<256x2048xf32>
    %eq3A_461 = arith.cmpf oeq, %select_n3A_456, %eq3A_460 : vector<256x2048xf32>
    %jit3A_462 = arith.constant 1073741824 : i32
    %broadcast_in_dim3A_463 = vector.broadcast %jit3A_462 : i32 to vector<256x2048xi32>
    %select_n3A_464 = arith.select %eq3A_461, %iota3A, %broadcast_in_dim3A_463 : vector<256x2048xi1>, vector<256x2048xi32>
    %reduce_min3A_465 = arith.constant dense<2147483647> : vector<256xi32>
    %reduce_min3A_466 = vector.multi_reduction <minsi>, %select_n3A_464, %reduce_min3A_465 [1] : vector<256x2048xi32> to vector<256xi32>
    %eq3A_467 = arith.constant 19 : i32
    %eq3A_468 = vector.broadcast %eq3A_467 : i32 to vector<256x20xi32>
    %eq3A_469 = arith.cmpi eq, %iota3A_22, %eq3A_468 : vector<256x20xi32>
    %broadcast_in_dim3A_470 = vector.shape_cast %reduce_min3A_466 : vector<256xi32> to vector<256x1xi32>
    %broadcast_in_dim3A_471 = vector.shape_cast %broadcast_in_dim3A_470 : vector<256x1xi32> to vector<256x1xi32>
    %broadcast_in_dim3A_472 = vector.broadcast %broadcast_in_dim3A_471 : vector<256x1xi32> to vector<256x20xi32>
    %select_n3A_473 = arith.select %eq3A_469, %broadcast_in_dim3A_472, %select_n3A_450 : vector<256x20xi1>, vector<256x20xi32>
    %mul3A_474 = arith.constant 2048 : i32
    %mul3A_475 = arith.muli %arg0, %mul3A_474 : i32
    %add3A = vector.broadcast %mul3A_475 : i32 to vector<256x20xi32>
    %add3A_476 = arith.addi %select_n3A_473, %add3A : vector<256x20xi32>
    %swap3A = arith.constant 0 : index
    %swap3A_477 = arith.constant 0 : index
    %swap3A_478 = arith.constant 0 : index
    %swap3A_479 = vector.load %arg4[%swap3A, %swap3A_477, %swap3A_478] : memref<1x256x20xi32, #tpu.memory_space<vmem>>, vector<1x256x20xi32>
    %swap3A_480 = vector.shape_cast %swap3A_479 : vector<1x256x20xi32> to vector<256x20xi32>
    %swap3A_481 = vector.shape_cast %add3A_476 : vector<256x20xi32> to vector<1x256x20xi32>
    tpu.vector_store %arg4[%swap3A, %swap3A_477, %swap3A_478], %swap3A_481 {strides = array<i32>} : memref<1x256x20xi32, #tpu.memory_space<vmem>>, vector<1x256x20xi32>,
    return
  }
  func.func @transform_0(%arg0: i32, %arg1: i32) -> (i32, i32, i32) {
    %c0_i32 = arith.constant 0 : i32
    %c0_i32_0 = arith.constant 0 : i32
    return %arg0, %arg1, %c0_i32 : i32, i32, i32
  }
  func.func @transform_1(%arg0: i32, %arg1: i32) -> (i32, i32, i32) {
    %c0_i32 = arith.constant 0 : i32
    %c0_i32_0 = arith.constant 0 : i32
    %c0_i32_1 = arith.constant 0 : i32
    return %arg0, %c0_i32, %c0_i32_0 : i32, i32, i32
  }
  func.func @transform_2(%arg0: i32, %arg1: i32) -> (i32, i32, i32) {
    %c0_i32 = arith.constant 0 : i32
    %c0_i32_0 = arith.constant 0 : i32
    return %arg0, %arg1, %c0_i32 : i32, i32, i32
  }
}

module attributes {stable_mosaic.version = 14 : i64} {
  func.func @body(%arg0: i32, %arg1: memref<256x20x128xf32, #tpu.memory_space<vmem>>, %arg2: memref<256x128xf32, #tpu.memory_space<vmem>>, %arg3: memref<10x64xf32, #tpu.memory_space<vmem>>, %arg4: memref<256x64xf32, #tpu.memory_space<vmem>>) attributes {dimension_semantics = [#tpu.dimension_semantics<arbitrary>], iteration_bounds = array<i64: 64>, scalar_prefetch = 0 : i64, scratch_operands = 0 : i64, tpu.core_type = #tpu.core_type<tc>, window_params = [{transform_indices = @transform_0, window_bounds = array<i64: 256, 20, 128>}, {transform_indices = @transform_1, window_bounds = array<i64: 256, 128>}, {pipeline_mode = #tpu.pipeline_mode<synchronous>, transform_indices = @transform_2, window_bounds = array<i64: 10, 64>}, {transform_indices = @transform_3, window_bounds = array<i64: 256, 64>}]} {
    %get3A = arith.constant 0 : index
    %get3A_0 = arith.constant 0 : index
    %get3A_1 = vector.load %arg2[%get3A, %get3A_0] : memref<256x128xf32, #tpu.memory_space<vmem>>, vector<256x128xf32>
    %slice3A = vector.extract_strided_slice %get3A_1 {offsets = [0, 0], sizes = [256, 5], strides = [1, 1]} : vector<256x128xf32> to vector<256x5xf32>
    %get3A_2 = arith.constant 0 : index
    %get3A_3 = arith.constant 0 : index
    %get3A_4 = vector.load %arg3[%get3A_2, %get3A_3] : memref<10x64xf32, #tpu.memory_space<vmem>>, vector<10x64xf32>
    %get3A_5 = arith.constant 0 : index
    %get3A_6 = arith.constant 0 : index
    %get3A_7 = arith.constant 0 : index
    %get3A_8 = vector.load %arg1[%get3A_5, %get3A_6, %get3A_7] : memref<256x20x128xf32, #tpu.memory_space<vmem>>, vector<256x1x5xf32>
    %get3A_9 = vector.shape_cast %get3A_8 : vector<256x1x5xf32> to vector<256x5xf32>
    %sub3A = arith.subf %get3A_9, %slice3A : vector<256x5xf32>
    %concatenate3A = tpu.concatenate %sub3A, %slice3A in 1 : vector<256x5xf32>, vector<256x5xf32> -> vector<256x10xf32>
    %dot_general3A = arith.constant dense<0.000000e+00> : vector<256x64xf32>
    %dot_general3A_10 = tpu.matmul %concatenate3A, %get3A_4, %dot_general3A {dimension_numbers = #tpu.dot_dimension_numbers<[1], [0], [0], [1], [0, 0, 1, 1], [], []>, transpose_lhs_hint = false} : vector<256x10xf32>, vector<10x64xf32>, vector<256x64xf32> -> vector<256x64xf32>
    %get3A_11 = arith.constant 0 : index
    %get3A_12 = arith.constant 1 : index
    %get3A_13 = arith.constant 0 : index
    %get3A_14 = vector.load %arg1[%get3A_11, %get3A_12, %get3A_13] : memref<256x20x128xf32, #tpu.memory_space<vmem>>, vector<256x1x5xf32>
    %get3A_15 = vector.shape_cast %get3A_14 : vector<256x1x5xf32> to vector<256x5xf32>
    %sub3A_16 = arith.subf %get3A_15, %slice3A : vector<256x5xf32>
    %concatenate3A_17 = tpu.concatenate %sub3A_16, %slice3A in 1 : vector<256x5xf32>, vector<256x5xf32> -> vector<256x10xf32>
    %dot_general3A_18 = arith.constant dense<0.000000e+00> : vector<256x64xf32>
    %dot_general3A_19 = tpu.matmul %concatenate3A_17, %get3A_4, %dot_general3A_18 {dimension_numbers = #tpu.dot_dimension_numbers<[1], [0], [0], [1], [0, 0, 1, 1], [], []>, transpose_lhs_hint = false} : vector<256x10xf32>, vector<10x64xf32>, vector<256x64xf32> -> vector<256x64xf32>
    %max3A = arith.maximumf %dot_general3A_10, %dot_general3A_19 : vector<256x64xf32>
    %get3A_20 = arith.constant 0 : index
    %get3A_21 = arith.constant 2 : index
    %get3A_22 = arith.constant 0 : index
    %get3A_23 = vector.load %arg1[%get3A_20, %get3A_21, %get3A_22] : memref<256x20x128xf32, #tpu.memory_space<vmem>>, vector<256x1x5xf32>
    %get3A_24 = vector.shape_cast %get3A_23 : vector<256x1x5xf32> to vector<256x5xf32>
    %sub3A_25 = arith.subf %get3A_24, %slice3A : vector<256x5xf32>
    %concatenate3A_26 = tpu.concatenate %sub3A_25, %slice3A in 1 : vector<256x5xf32>, vector<256x5xf32> -> vector<256x10xf32>
    %dot_general3A_27 = arith.constant dense<0.000000e+00> : vector<256x64xf32>
    %dot_general3A_28 = tpu.matmul %concatenate3A_26, %get3A_4, %dot_general3A_27 {dimension_numbers = #tpu.dot_dimension_numbers<[1], [0], [0], [1], [0, 0, 1, 1], [], []>, transpose_lhs_hint = false} : vector<256x10xf32>, vector<10x64xf32>, vector<256x64xf32> -> vector<256x64xf32>
    %max3A_29 = arith.maximumf %max3A, %dot_general3A_28 : vector<256x64xf32>
    %get3A_30 = arith.constant 0 : index
    %get3A_31 = arith.constant 3 : index
    %get3A_32 = arith.constant 0 : index
    %get3A_33 = vector.load %arg1[%get3A_30, %get3A_31, %get3A_32] : memref<256x20x128xf32, #tpu.memory_space<vmem>>, vector<256x1x5xf32>
    %get3A_34 = vector.shape_cast %get3A_33 : vector<256x1x5xf32> to vector<256x5xf32>
    %sub3A_35 = arith.subf %get3A_34, %slice3A : vector<256x5xf32>
    %concatenate3A_36 = tpu.concatenate %sub3A_35, %slice3A in 1 : vector<256x5xf32>, vector<256x5xf32> -> vector<256x10xf32>
    %dot_general3A_37 = arith.constant dense<0.000000e+00> : vector<256x64xf32>
    %dot_general3A_38 = tpu.matmul %concatenate3A_36, %get3A_4, %dot_general3A_37 {dimension_numbers = #tpu.dot_dimension_numbers<[1], [0], [0], [1], [0, 0, 1, 1], [], []>, transpose_lhs_hint = false} : vector<256x10xf32>, vector<10x64xf32>, vector<256x64xf32> -> vector<256x64xf32>
    %max3A_39 = arith.maximumf %max3A_29, %dot_general3A_38 : vector<256x64xf32>
    %get3A_40 = arith.constant 0 : index
    %get3A_41 = arith.constant 4 : index
    %get3A_42 = arith.constant 0 : index
    %get3A_43 = vector.load %arg1[%get3A_40, %get3A_41, %get3A_42] : memref<256x20x128xf32, #tpu.memory_space<vmem>>, vector<256x1x5xf32>
    %get3A_44 = vector.shape_cast %get3A_43 : vector<256x1x5xf32> to vector<256x5xf32>
    %sub3A_45 = arith.subf %get3A_44, %slice3A : vector<256x5xf32>
    %concatenate3A_46 = tpu.concatenate %sub3A_45, %slice3A in 1 : vector<256x5xf32>, vector<256x5xf32> -> vector<256x10xf32>
    %dot_general3A_47 = arith.constant dense<0.000000e+00> : vector<256x64xf32>
    %dot_general3A_48 = tpu.matmul %concatenate3A_46, %get3A_4, %dot_general3A_47 {dimension_numbers = #tpu.dot_dimension_numbers<[1], [0], [0], [1], [0, 0, 1, 1], [], []>, transpose_lhs_hint = false} : vector<256x10xf32>, vector<10x64xf32>, vector<256x64xf32> -> vector<256x64xf32>
    %max3A_49 = arith.maximumf %max3A_39, %dot_general3A_48 : vector<256x64xf32>
    %get3A_50 = arith.constant 0 : index
    %get3A_51 = arith.constant 5 : index
    %get3A_52 = arith.constant 0 : index
    %get3A_53 = vector.load %arg1[%get3A_50, %get3A_51, %get3A_52] : memref<256x20x128xf32, #tpu.memory_space<vmem>>, vector<256x1x5xf32>
    %get3A_54 = vector.shape_cast %get3A_53 : vector<256x1x5xf32> to vector<256x5xf32>
    %sub3A_55 = arith.subf %get3A_54, %slice3A : vector<256x5xf32>
    %concatenate3A_56 = tpu.concatenate %sub3A_55, %slice3A in 1 : vector<256x5xf32>, vector<256x5xf32> -> vector<256x10xf32>
    %dot_general3A_57 = arith.constant dense<0.000000e+00> : vector<256x64xf32>
    %dot_general3A_58 = tpu.matmul %concatenate3A_56, %get3A_4, %dot_general3A_57 {dimension_numbers = #tpu.dot_dimension_numbers<[1], [0], [0], [1], [0, 0, 1, 1], [], []>, transpose_lhs_hint = false} : vector<256x10xf32>, vector<10x64xf32>, vector<256x64xf32> -> vector<256x64xf32>
    %max3A_59 = arith.maximumf %max3A_49, %dot_general3A_58 : vector<256x64xf32>
    %get3A_60 = arith.constant 0 : index
    %get3A_61 = arith.constant 6 : index
    %get3A_62 = arith.constant 0 : index
    %get3A_63 = vector.load %arg1[%get3A_60, %get3A_61, %get3A_62] : memref<256x20x128xf32, #tpu.memory_space<vmem>>, vector<256x1x5xf32>
    %get3A_64 = vector.shape_cast %get3A_63 : vector<256x1x5xf32> to vector<256x5xf32>
    %sub3A_65 = arith.subf %get3A_64, %slice3A : vector<256x5xf32>
    %concatenate3A_66 = tpu.concatenate %sub3A_65, %slice3A in 1 : vector<256x5xf32>, vector<256x5xf32> -> vector<256x10xf32>
    %dot_general3A_67 = arith.constant dense<0.000000e+00> : vector<256x64xf32>
    %dot_general3A_68 = tpu.matmul %concatenate3A_66, %get3A_4, %dot_general3A_67 {dimension_numbers = #tpu.dot_dimension_numbers<[1], [0], [0], [1], [0, 0, 1, 1], [], []>, transpose_lhs_hint = false} : vector<256x10xf32>, vector<10x64xf32>, vector<256x64xf32> -> vector<256x64xf32>
    %max3A_69 = arith.maximumf %max3A_59, %dot_general3A_68 : vector<256x64xf32>
    %get3A_70 = arith.constant 0 : index
    %get3A_71 = arith.constant 7 : index
    %get3A_72 = arith.constant 0 : index
    %get3A_73 = vector.load %arg1[%get3A_70, %get3A_71, %get3A_72] : memref<256x20x128xf32, #tpu.memory_space<vmem>>, vector<256x1x5xf32>
    %get3A_74 = vector.shape_cast %get3A_73 : vector<256x1x5xf32> to vector<256x5xf32>
    %sub3A_75 = arith.subf %get3A_74, %slice3A : vector<256x5xf32>
    %concatenate3A_76 = tpu.concatenate %sub3A_75, %slice3A in 1 : vector<256x5xf32>, vector<256x5xf32> -> vector<256x10xf32>
    %dot_general3A_77 = arith.constant dense<0.000000e+00> : vector<256x64xf32>
    %dot_general3A_78 = tpu.matmul %concatenate3A_76, %get3A_4, %dot_general3A_77 {dimension_numbers = #tpu.dot_dimension_numbers<[1], [0], [0], [1], [0, 0, 1, 1], [], []>, transpose_lhs_hint = false} : vector<256x10xf32>, vector<10x64xf32>, vector<256x64xf32> -> vector<256x64xf32>
    %max3A_79 = arith.maximumf %max3A_69, %dot_general3A_78 : vector<256x64xf32>
    %get3A_80 = arith.constant 0 : index
    %get3A_81 = arith.constant 8 : index
    %get3A_82 = arith.constant 0 : index
    %get3A_83 = vector.load %arg1[%get3A_80, %get3A_81, %get3A_82] : memref<256x20x128xf32, #tpu.memory_space<vmem>>, vector<256x1x5xf32>
    %get3A_84 = vector.shape_cast %get3A_83 : vector<256x1x5xf32> to vector<256x5xf32>
    %sub3A_85 = arith.subf %get3A_84, %slice3A : vector<256x5xf32>
    %concatenate3A_86 = tpu.concatenate %sub3A_85, %slice3A in 1 : vector<256x5xf32>, vector<256x5xf32> -> vector<256x10xf32>
    %dot_general3A_87 = arith.constant dense<0.000000e+00> : vector<256x64xf32>
    %dot_general3A_88 = tpu.matmul %concatenate3A_86, %get3A_4, %dot_general3A_87 {dimension_numbers = #tpu.dot_dimension_numbers<[1], [0], [0], [1], [0, 0, 1, 1], [], []>, transpose_lhs_hint = false} : vector<256x10xf32>, vector<10x64xf32>, vector<256x64xf32> -> vector<256x64xf32>
    %max3A_89 = arith.maximumf %max3A_79, %dot_general3A_88 : vector<256x64xf32>
    %get3A_90 = arith.constant 0 : index
    %get3A_91 = arith.constant 9 : index
    %get3A_92 = arith.constant 0 : index
    %get3A_93 = vector.load %arg1[%get3A_90, %get3A_91, %get3A_92] : memref<256x20x128xf32, #tpu.memory_space<vmem>>, vector<256x1x5xf32>
    %get3A_94 = vector.shape_cast %get3A_93 : vector<256x1x5xf32> to vector<256x5xf32>
    %sub3A_95 = arith.subf %get3A_94, %slice3A : vector<256x5xf32>
    %concatenate3A_96 = tpu.concatenate %sub3A_95, %slice3A in 1 : vector<256x5xf32>, vector<256x5xf32> -> vector<256x10xf32>
    %dot_general3A_97 = arith.constant dense<0.000000e+00> : vector<256x64xf32>
    %dot_general3A_98 = tpu.matmul %concatenate3A_96, %get3A_4, %dot_general3A_97 {dimension_numbers = #tpu.dot_dimension_numbers<[1], [0], [0], [1], [0, 0, 1, 1], [], []>, transpose_lhs_hint = false} : vector<256x10xf32>, vector<10x64xf32>, vector<256x64xf32> -> vector<256x64xf32>
    %max3A_99 = arith.maximumf %max3A_89, %dot_general3A_98 : vector<256x64xf32>
    %get3A_100 = arith.constant 0 : index
    %get3A_101 = arith.constant 10 : index
    %get3A_102 = arith.constant 0 : index
    %get3A_103 = vector.load %arg1[%get3A_100, %get3A_101, %get3A_102] : memref<256x20x128xf32, #tpu.memory_space<vmem>>, vector<256x1x5xf32>
    %get3A_104 = vector.shape_cast %get3A_103 : vector<256x1x5xf32> to vector<256x5xf32>
    %sub3A_105 = arith.subf %get3A_104, %slice3A : vector<256x5xf32>
    %concatenate3A_106 = tpu.concatenate %sub3A_105, %slice3A in 1 : vector<256x5xf32>, vector<256x5xf32> -> vector<256x10xf32>
    %dot_general3A_107 = arith.constant dense<0.000000e+00> : vector<256x64xf32>
    %dot_general3A_108 = tpu.matmul %concatenate3A_106, %get3A_4, %dot_general3A_107 {dimension_numbers = #tpu.dot_dimension_numbers<[1], [0], [0], [1], [0, 0, 1, 1], [], []>, transpose_lhs_hint = false} : vector<256x10xf32>, vector<10x64xf32>, vector<256x64xf32> -> vector<256x64xf32>
    %max3A_109 = arith.maximumf %max3A_99, %dot_general3A_108 : vector<256x64xf32>
    %get3A_110 = arith.constant 0 : index
    %get3A_111 = arith.constant 11 : index
    %get3A_112 = arith.constant 0 : index
    %get3A_113 = vector.load %arg1[%get3A_110, %get3A_111, %get3A_112] : memref<256x20x128xf32, #tpu.memory_space<vmem>>, vector<256x1x5xf32>
    %get3A_114 = vector.shape_cast %get3A_113 : vector<256x1x5xf32> to vector<256x5xf32>
    %sub3A_115 = arith.subf %get3A_114, %slice3A : vector<256x5xf32>
    %concatenate3A_116 = tpu.concatenate %sub3A_115, %slice3A in 1 : vector<256x5xf32>, vector<256x5xf32> -> vector<256x10xf32>
    %dot_general3A_117 = arith.constant dense<0.000000e+00> : vector<256x64xf32>
    %dot_general3A_118 = tpu.matmul %concatenate3A_116, %get3A_4, %dot_general3A_117 {dimension_numbers = #tpu.dot_dimension_numbers<[1], [0], [0], [1], [0, 0, 1, 1], [], []>, transpose_lhs_hint = false} : vector<256x10xf32>, vector<10x64xf32>, vector<256x64xf32> -> vector<256x64xf32>
    %max3A_119 = arith.maximumf %max3A_109, %dot_general3A_118 : vector<256x64xf32>
    %get3A_120 = arith.constant 0 : index
    %get3A_121 = arith.constant 12 : index
    %get3A_122 = arith.constant 0 : index
    %get3A_123 = vector.load %arg1[%get3A_120, %get3A_121, %get3A_122] : memref<256x20x128xf32, #tpu.memory_space<vmem>>, vector<256x1x5xf32>
    %get3A_124 = vector.shape_cast %get3A_123 : vector<256x1x5xf32> to vector<256x5xf32>
    %sub3A_125 = arith.subf %get3A_124, %slice3A : vector<256x5xf32>
    %concatenate3A_126 = tpu.concatenate %sub3A_125, %slice3A in 1 : vector<256x5xf32>, vector<256x5xf32> -> vector<256x10xf32>
    %dot_general3A_127 = arith.constant dense<0.000000e+00> : vector<256x64xf32>
    %dot_general3A_128 = tpu.matmul %concatenate3A_126, %get3A_4, %dot_general3A_127 {dimension_numbers = #tpu.dot_dimension_numbers<[1], [0], [0], [1], [0, 0, 1, 1], [], []>, transpose_lhs_hint = false} : vector<256x10xf32>, vector<10x64xf32>, vector<256x64xf32> -> vector<256x64xf32>
    %max3A_129 = arith.maximumf %max3A_119, %dot_general3A_128 : vector<256x64xf32>
    %get3A_130 = arith.constant 0 : index
    %get3A_131 = arith.constant 13 : index
    %get3A_132 = arith.constant 0 : index
    %get3A_133 = vector.load %arg1[%get3A_130, %get3A_131, %get3A_132] : memref<256x20x128xf32, #tpu.memory_space<vmem>>, vector<256x1x5xf32>
    %get3A_134 = vector.shape_cast %get3A_133 : vector<256x1x5xf32> to vector<256x5xf32>
    %sub3A_135 = arith.subf %get3A_134, %slice3A : vector<256x5xf32>
    %concatenate3A_136 = tpu.concatenate %sub3A_135, %slice3A in 1 : vector<256x5xf32>, vector<256x5xf32> -> vector<256x10xf32>
    %dot_general3A_137 = arith.constant dense<0.000000e+00> : vector<256x64xf32>
    %dot_general3A_138 = tpu.matmul %concatenate3A_136, %get3A_4, %dot_general3A_137 {dimension_numbers = #tpu.dot_dimension_numbers<[1], [0], [0], [1], [0, 0, 1, 1], [], []>, transpose_lhs_hint = false} : vector<256x10xf32>, vector<10x64xf32>, vector<256x64xf32> -> vector<256x64xf32>
    %max3A_139 = arith.maximumf %max3A_129, %dot_general3A_138 : vector<256x64xf32>
    %get3A_140 = arith.constant 0 : index
    %get3A_141 = arith.constant 14 : index
    %get3A_142 = arith.constant 0 : index
    %get3A_143 = vector.load %arg1[%get3A_140, %get3A_141, %get3A_142] : memref<256x20x128xf32, #tpu.memory_space<vmem>>, vector<256x1x5xf32>
    %get3A_144 = vector.shape_cast %get3A_143 : vector<256x1x5xf32> to vector<256x5xf32>
    %sub3A_145 = arith.subf %get3A_144, %slice3A : vector<256x5xf32>
    %concatenate3A_146 = tpu.concatenate %sub3A_145, %slice3A in 1 : vector<256x5xf32>, vector<256x5xf32> -> vector<256x10xf32>
    %dot_general3A_147 = arith.constant dense<0.000000e+00> : vector<256x64xf32>
    %dot_general3A_148 = tpu.matmul %concatenate3A_146, %get3A_4, %dot_general3A_147 {dimension_numbers = #tpu.dot_dimension_numbers<[1], [0], [0], [1], [0, 0, 1, 1], [], []>, transpose_lhs_hint = false} : vector<256x10xf32>, vector<10x64xf32>, vector<256x64xf32> -> vector<256x64xf32>
    %max3A_149 = arith.maximumf %max3A_139, %dot_general3A_148 : vector<256x64xf32>
    %get3A_150 = arith.constant 0 : index
    %get3A_151 = arith.constant 15 : index
    %get3A_152 = arith.constant 0 : index
    %get3A_153 = vector.load %arg1[%get3A_150, %get3A_151, %get3A_152] : memref<256x20x128xf32, #tpu.memory_space<vmem>>, vector<256x1x5xf32>
    %get3A_154 = vector.shape_cast %get3A_153 : vector<256x1x5xf32> to vector<256x5xf32>
    %sub3A_155 = arith.subf %get3A_154, %slice3A : vector<256x5xf32>
    %concatenate3A_156 = tpu.concatenate %sub3A_155, %slice3A in 1 : vector<256x5xf32>, vector<256x5xf32> -> vector<256x10xf32>
    %dot_general3A_157 = arith.constant dense<0.000000e+00> : vector<256x64xf32>
    %dot_general3A_158 = tpu.matmul %concatenate3A_156, %get3A_4, %dot_general3A_157 {dimension_numbers = #tpu.dot_dimension_numbers<[1], [0], [0], [1], [0, 0, 1, 1], [], []>, transpose_lhs_hint = false} : vector<256x10xf32>, vector<10x64xf32>, vector<256x64xf32> -> vector<256x64xf32>
    %max3A_159 = arith.maximumf %max3A_149, %dot_general3A_158 : vector<256x64xf32>
    %get3A_160 = arith.constant 0 : index
    %get3A_161 = arith.constant 16 : index
    %get3A_162 = arith.constant 0 : index
    %get3A_163 = vector.load %arg1[%get3A_160, %get3A_161, %get3A_162] : memref<256x20x128xf32, #tpu.memory_space<vmem>>, vector<256x1x5xf32>
    %get3A_164 = vector.shape_cast %get3A_163 : vector<256x1x5xf32> to vector<256x5xf32>
    %sub3A_165 = arith.subf %get3A_164, %slice3A : vector<256x5xf32>
    %concatenate3A_166 = tpu.concatenate %sub3A_165, %slice3A in 1 : vector<256x5xf32>, vector<256x5xf32> -> vector<256x10xf32>
    %dot_general3A_167 = arith.constant dense<0.000000e+00> : vector<256x64xf32>
    %dot_general3A_168 = tpu.matmul %concatenate3A_166, %get3A_4, %dot_general3A_167 {dimension_numbers = #tpu.dot_dimension_numbers<[1], [0], [0], [1], [0, 0, 1, 1], [], []>, transpose_lhs_hint = false} : vector<256x10xf32>, vector<10x64xf32>, vector<256x64xf32> -> vector<256x64xf32>
    %max3A_169 = arith.maximumf %max3A_159, %dot_general3A_168 : vector<256x64xf32>
    %get3A_170 = arith.constant 0 : index
    %get3A_171 = arith.constant 17 : index
    %get3A_172 = arith.constant 0 : index
    %get3A_173 = vector.load %arg1[%get3A_170, %get3A_171, %get3A_172] : memref<256x20x128xf32, #tpu.memory_space<vmem>>, vector<256x1x5xf32>
    %get3A_174 = vector.shape_cast %get3A_173 : vector<256x1x5xf32> to vector<256x5xf32>
    %sub3A_175 = arith.subf %get3A_174, %slice3A : vector<256x5xf32>
    %concatenate3A_176 = tpu.concatenate %sub3A_175, %slice3A in 1 : vector<256x5xf32>, vector<256x5xf32> -> vector<256x10xf32>
    %dot_general3A_177 = arith.constant dense<0.000000e+00> : vector<256x64xf32>
    %dot_general3A_178 = tpu.matmul %concatenate3A_176, %get3A_4, %dot_general3A_177 {dimension_numbers = #tpu.dot_dimension_numbers<[1], [0], [0], [1], [0, 0, 1, 1], [], []>, transpose_lhs_hint = false} : vector<256x10xf32>, vector<10x64xf32>, vector<256x64xf32> -> vector<256x64xf32>
    %max3A_179 = arith.maximumf %max3A_169, %dot_general3A_178 : vector<256x64xf32>
    %get3A_180 = arith.constant 0 : index
    %get3A_181 = arith.constant 18 : index
    %get3A_182 = arith.constant 0 : index
    %get3A_183 = vector.load %arg1[%get3A_180, %get3A_181, %get3A_182] : memref<256x20x128xf32, #tpu.memory_space<vmem>>, vector<256x1x5xf32>
    %get3A_184 = vector.shape_cast %get3A_183 : vector<256x1x5xf32> to vector<256x5xf32>
    %sub3A_185 = arith.subf %get3A_184, %slice3A : vector<256x5xf32>
    %concatenate3A_186 = tpu.concatenate %sub3A_185, %slice3A in 1 : vector<256x5xf32>, vector<256x5xf32> -> vector<256x10xf32>
    %dot_general3A_187 = arith.constant dense<0.000000e+00> : vector<256x64xf32>
    %dot_general3A_188 = tpu.matmul %concatenate3A_186, %get3A_4, %dot_general3A_187 {dimension_numbers = #tpu.dot_dimension_numbers<[1], [0], [0], [1], [0, 0, 1, 1], [], []>, transpose_lhs_hint = false} : vector<256x10xf32>, vector<10x64xf32>, vector<256x64xf32> -> vector<256x64xf32>
    %max3A_189 = arith.maximumf %max3A_179, %dot_general3A_188 : vector<256x64xf32>
    %get3A_190 = arith.constant 0 : index
    %get3A_191 = arith.constant 19 : index
    %get3A_192 = arith.constant 0 : index
    %get3A_193 = vector.load %arg1[%get3A_190, %get3A_191, %get3A_192] : memref<256x20x128xf32, #tpu.memory_space<vmem>>, vector<256x1x5xf32>
    %get3A_194 = vector.shape_cast %get3A_193 : vector<256x1x5xf32> to vector<256x5xf32>
    %sub3A_195 = arith.subf %get3A_194, %slice3A : vector<256x5xf32>
    %concatenate3A_196 = tpu.concatenate %sub3A_195, %slice3A in 1 : vector<256x5xf32>, vector<256x5xf32> -> vector<256x10xf32>
    %dot_general3A_197 = arith.constant dense<0.000000e+00> : vector<256x64xf32>
    %dot_general3A_198 = tpu.matmul %concatenate3A_196, %get3A_4, %dot_general3A_197 {dimension_numbers = #tpu.dot_dimension_numbers<[1], [0], [0], [1], [0, 0, 1, 1], [], []>, transpose_lhs_hint = false} : vector<256x10xf32>, vector<10x64xf32>, vector<256x64xf32> -> vector<256x64xf32>
    %max3A_199 = arith.maximumf %max3A_189, %dot_general3A_198 : vector<256x64xf32>
    %swap3A = arith.constant 0 : index
    %swap3A_200 = arith.constant 0 : index
    %swap3A_201 = vector.load %arg4[%swap3A, %swap3A_200] : memref<256x64xf32, #tpu.memory_space<vmem>>, vector<256x64xf32>
    tpu.vector_store %arg4[%swap3A, %swap3A_200], %max3A_199 {strides = array<i32>} : memref<256x64xf32, #tpu.memory_space<vmem>>, vector<256x64xf32>,
    return
  }
  func.func @transform_0(%arg0: i32) -> (i32, i32, i32) {
    %c0_i32 = arith.constant 0 : i32
    %c0_i32_0 = arith.constant 0 : i32
    %c0_i32_1 = arith.constant 0 : i32
    return %arg0, %c0_i32, %c0_i32_0 : i32, i32, i32
  }
  func.func @transform_1(%arg0: i32) -> (i32, i32) {
    %c0_i32 = arith.constant 0 : i32
    %c0_i32_0 = arith.constant 0 : i32
    return %arg0, %c0_i32 : i32, i32
  }
  func.func @transform_2(%arg0: i32) -> (i32, i32) {
    %c0_i32 = arith.constant 0 : i32
    %c0_i32_0 = arith.constant 0 : i32
    %c0_i32_1 = arith.constant 0 : i32
    return %c0_i32, %c0_i32_0 : i32, i32
  }
  func.func @transform_3(%arg0: i32) -> (i32, i32) {
    %c0_i32 = arith.constant 0 : i32
    %c0_i32_0 = arith.constant 0 : i32
    return %arg0, %c0_i32 : i32, i32
  }
}

module attributes {stable_mosaic.version = 14 : i64} {
  func.func @body(%arg0: i32, %arg1: memref<2048x64xf32, #tpu.memory_space<vmem>>, %arg2: memref<1x64xf32, #tpu.memory_space<vmem>>, %arg3: memref<1x64xf32, #tpu.memory_space<vmem>>, %arg4: memref<1x64xf32, #tpu.memory_space<vmem>>, %arg5: memref<1x64xf32, #tpu.memory_space<vmem>>, %arg6: memref<2048x128xf32, #tpu.memory_space<vmem>>) attributes {dimension_semantics = [#tpu.dimension_semantics<arbitrary>], iteration_bounds = array<i64: 8>, scalar_prefetch = 0 : i64, scratch_operands = 0 : i64, tpu.core_type = #tpu.core_type<tc>, window_params = [{transform_indices = @transform_0, window_bounds = array<i64: 2048, 64>}, {pipeline_mode = #tpu.pipeline_mode<synchronous>, transform_indices = @transform_1, window_bounds = array<i64: 1, 64>}, {pipeline_mode = #tpu.pipeline_mode<synchronous>, transform_indices = @transform_2, window_bounds = array<i64: 1, 64>}, {pipeline_mode = #tpu.pipeline_mode<synchronous>, transform_indices = @transform_3, window_bounds = array<i64: 1, 64>}, {pipeline_mode = #tpu.pipeline_mode<synchronous>, transform_indices = @transform_4, window_bounds = array<i64: 1, 64>}, {transform_indices = @transform_5, window_bounds = array<i64: 2048, 128>}]} {
    %get3A = arith.constant 0 : index
    %get3A_0 = arith.constant 0 : index
    %get3A_1 = vector.load %arg1[%get3A, %get3A_0] : memref<2048x64xf32, #tpu.memory_space<vmem>>, vector<2048x64xf32>
    %get3A_2 = arith.constant 0 : index
    %get3A_3 = arith.constant 0 : index
    %get3A_4 = vector.load %arg2[%get3A_2, %get3A_3] : memref<1x64xf32, #tpu.memory_space<vmem>>, vector<1x64xf32>
    %sub3A = vector.broadcast %get3A_4 : vector<1x64xf32> to vector<2048x64xf32>
    %sub3A_5 = arith.subf %get3A_1, %sub3A : vector<2048x64xf32>
    %get3A_6 = arith.constant 0 : index
    %get3A_7 = arith.constant 0 : index
    %get3A_8 = vector.load %arg3[%get3A_6, %get3A_7] : memref<1x64xf32, #tpu.memory_space<vmem>>, vector<1x64xf32>
    %div3A = vector.broadcast %get3A_8 : vector<1x64xf32> to vector<2048x64xf32>
    %div3A_9 = arith.divf %sub3A_5, %div3A : vector<2048x64xf32>
    %get3A_10 = arith.constant 0 : index
    %get3A_11 = arith.constant 0 : index
    %get3A_12 = vector.load %arg4[%get3A_10, %get3A_11] : memref<1x64xf32, #tpu.memory_space<vmem>>, vector<1x64xf32>
    %mul3A = vector.broadcast %get3A_12 : vector<1x64xf32> to vector<2048x64xf32>
    %mul3A_13 = arith.mulf %div3A_9, %mul3A : vector<2048x64xf32>
    %get3A_14 = arith.constant 0 : index
    %get3A_15 = arith.constant 0 : index
    %get3A_16 = vector.load %arg5[%get3A_14, %get3A_15] : memref<1x64xf32, #tpu.memory_space<vmem>>, vector<1x64xf32>
    %add3A = vector.broadcast %get3A_16 : vector<1x64xf32> to vector<2048x64xf32>
    %add3A_17 = arith.addf %mul3A_13, %add3A : vector<2048x64xf32>
    %gt3A = arith.constant 0.000000e+00 : f32
    %gt3A_18 = vector.broadcast %gt3A : f32 to vector<2048x64xf32>
    %gt3A_19 = arith.cmpf ogt, %add3A_17, %gt3A_18 : vector<2048x64xf32>
    %mul3A_20 = arith.constant 2.000000e-01 : f32
    %mul3A_21 = vector.broadcast %mul3A_20 : f32 to vector<2048x64xf32>
    %mul3A_22 = arith.mulf %mul3A_21, %add3A_17 : vector<2048x64xf32>
    %select_n3A = arith.select %gt3A_19, %add3A_17, %mul3A_22 : vector<2048x64xi1>, vector<2048x64xf32>
    %broadcast_in_dim3A = arith.constant 0.000000e+00 : f32
    %broadcast_in_dim3A_23 = vector.broadcast %broadcast_in_dim3A : f32 to vector<2048x64xf32>
    %concatenate3A = tpu.concatenate %select_n3A, %broadcast_in_dim3A_23 in 1 : vector<2048x64xf32>, vector<2048x64xf32> -> vector<2048x128xf32>
    %swap3A = arith.constant 0 : index
    %swap3A_24 = arith.constant 0 : index
    %swap3A_25 = vector.load %arg6[%swap3A, %swap3A_24] : memref<2048x128xf32, #tpu.memory_space<vmem>>, vector<2048x128xf32>
    tpu.vector_store %arg6[%swap3A, %swap3A_24], %concatenate3A {strides = array<i32>} : memref<2048x128xf32, #tpu.memory_space<vmem>>, vector<2048x128xf32>,
    return
  }
  func.func @transform_0(%arg0: i32) -> (i32, i32) {
    %c0_i32 = arith.constant 0 : i32
    %c0_i32_0 = arith.constant 0 : i32
    return %arg0, %c0_i32 : i32, i32
  }
  func.func @transform_1(%arg0: i32) -> (i32, i32) {
    %c0_i32 = arith.constant 0 : i32
    %c0_i32_0 = arith.constant 0 : i32
    %c0_i32_1 = arith.constant 0 : i32
    return %c0_i32, %c0_i32_0 : i32, i32
  }
  func.func @transform_2(%arg0: i32) -> (i32, i32) {
    %c0_i32 = arith.constant 0 : i32
    %c0_i32_0 = arith.constant 0 : i32
    %c0_i32_1 = arith.constant 0 : i32
    return %c0_i32, %c0_i32_0 : i32, i32
  }
  func.func @transform_3(%arg0: i32) -> (i32, i32) {
    %c0_i32 = arith.constant 0 : i32
    %c0_i32_0 = arith.constant 0 : i32
    %c0_i32_1 = arith.constant 0 : i32
    return %c0_i32, %c0_i32_0 : i32, i32
  }
  func.func @transform_4(%arg0: i32) -> (i32, i32) {
    %c0_i32 = arith.constant 0 : i32
    %c0_i32_0 = arith.constant 0 : i32
    %c0_i32_1 = arith.constant 0 : i32
    return %c0_i32, %c0_i32_0 : i32, i32
  }
  func.func @transform_5(%arg0: i32) -> (i32, i32) {
    %c0_i32 = arith.constant 0 : i32
    %c0_i32_0 = arith.constant 0 : i32
    return %arg0, %c0_i32 : i32, i32
  }
}

module attributes {stable_mosaic.version = 14 : i64} {
  func.func @body(%arg0: i32, %arg1: i32, %arg2: memref<1x256x128xf32, #tpu.memory_space<vmem>>, %arg3: memref<1x2048x128xf32, #tpu.memory_space<vmem>>, %arg4: memref<1x256x20xi32, #tpu.memory_space<vmem>>) attributes {dimension_semantics = [#tpu.dimension_semantics<arbitrary>, #tpu.dimension_semantics<arbitrary>], iteration_bounds = array<i64: 8, 8>, scalar_prefetch = 0 : i64, scratch_operands = 0 : i64, tpu.core_type = #tpu.core_type<tc>, window_params = [{transform_indices = @transform_0, window_bounds = array<i64: 1, 256, 128>}, {transform_indices = @transform_1, window_bounds = array<i64: 1, 2048, 128>}, {transform_indices = @transform_2, window_bounds = array<i64: 1, 256, 20>}]} {
    %get3A = arith.constant 0 : index
    %get3A_0 = arith.constant 0 : index
    %get3A_1 = arith.constant 0 : index
    %get3A_2 = vector.load %arg2[%get3A, %get3A_0, %get3A_1] : memref<1x256x128xf32, #tpu.memory_space<vmem>>, vector<1x256x128xf32>
    %get3A_3 = vector.shape_cast %get3A_2 : vector<1x256x128xf32> to vector<256x128xf32>
    %slice3A = vector.extract_strided_slice %get3A_3 {offsets = [0, 0], sizes = [256, 64], strides = [1, 1]} : vector<256x128xf32> to vector<256x64xf32>
    %get3A_4 = arith.constant 0 : index
    %get3A_5 = arith.constant 0 : index
    %get3A_6 = arith.constant 0 : index
    %get3A_7 = vector.load %arg3[%get3A_4, %get3A_5, %get3A_6] : memref<1x2048x128xf32, #tpu.memory_space<vmem>>, vector<1x2048x128xf32>
    %get3A_8 = vector.shape_cast %get3A_7 : vector<1x2048x128xf32> to vector<2048x128xf32>
    %slice3A_9 = vector.extract_strided_slice %get3A_8 {offsets = [0, 0], sizes = [2048, 64], strides = [1, 1]} : vector<2048x128xf32> to vector<2048x64xf32>
    %dot_general3A = arith.constant dense<0.000000e+00> : vector<256x2048xf32>
    %dot_general3A_10 = tpu.matmul %slice3A, %slice3A_9, %dot_general3A {dimension_numbers = #tpu.dot_dimension_numbers<[1], [1], [0], [0], [0, 0, 1, 0], [], []>, transpose_lhs_hint = false} : vector<256x64xf32>, vector<2048x64xf32>, vector<256x2048xf32> -> vector<256x2048xf32>
    %mul3A = arith.mulf %slice3A, %slice3A : vector<256x64xf32>
    %reduce_sum3A = arith.constant dense<0.000000e+00> : vector<256xf32>
    %reduce_sum3A_11 = vector.multi_reduction <add>, %mul3A, %reduce_sum3A [1] : vector<256x64xf32> to vector<256xf32>
    %mul3A_12 = arith.mulf %slice3A_9, %slice3A_9 : vector<2048x64xf32>
    %reduce_sum3A_13 = arith.constant dense<0.000000e+00> : vector<2048xf32>
    %reduce_sum3A_14 = vector.multi_reduction <add>, %mul3A_12, %reduce_sum3A_13 [1] : vector<2048x64xf32> to vector<2048xf32>
    %mul3A_15 = arith.constant 2.000000e+00 : f32
    %mul3A_16 = vector.broadcast %mul3A_15 : f32 to vector<256x2048xf32>
    %mul3A_17 = arith.mulf %mul3A_16, %dot_general3A_10 : vector<256x2048xf32>
    %broadcast_in_dim3A = vector.shape_cast %reduce_sum3A_11 : vector<256xf32> to vector<256x1xf32>
    %sub3A = vector.broadcast %broadcast_in_dim3A : vector<256x1xf32> to vector<256x2048xf32>
    %sub3A_18 = arith.subf %mul3A_17, %sub3A : vector<256x2048xf32>
    %broadcast_in_dim3A_19 = vector.shape_cast %reduce_sum3A_14 : vector<2048xf32> to vector<1x2048xf32>
    %sub3A_20 = vector.broadcast %broadcast_in_dim3A_19 : vector<1x2048xf32> to vector<256x2048xf32>
    %sub3A_21 = arith.subf %sub3A_18, %sub3A_20 : vector<256x2048xf32>
    %iota3A = tpu.iota {dimensions = array<i32: 1>} : vector<256x2048xi32>
    %iota3A_22 = tpu.iota {dimensions = array<i32: 1>} : vector<256x20xi32>
    %broadcast_in_dim3A_23 = arith.constant 0 : i32
    %broadcast_in_dim3A_24 = vector.broadcast %broadcast_in_dim3A_23 : i32 to vector<256x20xi32>
    %reduce_max3A = arith.constant dense<0xFF800000> : vector<256xf32>
    %reduce_max3A_25 = vector.multi_reduction <maximumf>, %sub3A_21, %reduce_max3A [1] : vector<256x2048xf32> to vector<256xf32>
    %broadcast_in_dim3A_26 = vector.shape_cast %reduce_max3A_25 : vector<256xf32> to vector<256x1xf32>
    %eq3A = vector.broadcast %broadcast_in_dim3A_26 : vector<256x1xf32> to vector<256x2048xf32>
    %eq3A_27 = arith.cmpf oeq, %sub3A_21, %eq3A : vector<256x2048xf32>
    %jit3A = arith.constant 1073741824 : i32
    %broadcast_in_dim3A_28 = vector.broadcast %jit3A : i32 to vector<256x2048xi32>
    %select_n3A = arith.select %eq3A_27, %iota3A, %broadcast_in_dim3A_28 : vector<256x2048xi1>, vector<256x2048xi32>
    %reduce_min3A = arith.constant dense<2147483647> : vector<256xi32>
    %reduce_min3A_29 = vector.multi_reduction <minsi>, %select_n3A, %reduce_min3A [1] : vector<256x2048xi32> to vector<256xi32>
    %eq3A_30 = arith.constant 0 : i32
    %eq3A_31 = vector.broadcast %eq3A_30 : i32 to vector<256x20xi32>
    %eq3A_32 = arith.cmpi eq, %iota3A_22, %eq3A_31 : vector<256x20xi32>
    %broadcast_in_dim3A_33 = vector.shape_cast %reduce_min3A_29 : vector<256xi32> to vector<256x1xi32>
    %broadcast_in_dim3A_34 = vector.shape_cast %broadcast_in_dim3A_33 : vector<256x1xi32> to vector<256x1xi32>
    %broadcast_in_dim3A_35 = vector.broadcast %broadcast_in_dim3A_34 : vector<256x1xi32> to vector<256x20xi32>
    %select_n3A_36 = arith.select %eq3A_32, %broadcast_in_dim3A_35, %broadcast_in_dim3A_24 : vector<256x20xi1>, vector<256x20xi32>
    %broadcast_in_dim3A_37 = vector.shape_cast %reduce_min3A_29 : vector<256xi32> to vector<256x1xi32>
    %eq3A_38 = vector.broadcast %broadcast_in_dim3A_37 : vector<256x1xi32> to vector<256x2048xi32>
    %eq3A_39 = arith.cmpi eq, %iota3A, %eq3A_38 : vector<256x2048xi32>
    %jit3A_40 = arith.constant 0xFF800000 : f32
    %broadcast_in_dim3A_41 = vector.broadcast %jit3A_40 : f32 to vector<256x2048xf32>
    %select_n3A_42 = arith.select %eq3A_39, %broadcast_in_dim3A_41, %sub3A_21 : vector<256x2048xi1>, vector<256x2048xf32>
    %reduce_max3A_43 = arith.constant dense<0xFF800000> : vector<256xf32>
    %reduce_max3A_44 = vector.multi_reduction <maximumf>, %select_n3A_42, %reduce_max3A_43 [1] : vector<256x2048xf32> to vector<256xf32>
    %broadcast_in_dim3A_45 = vector.shape_cast %reduce_max3A_44 : vector<256xf32> to vector<256x1xf32>
    %eq3A_46 = vector.broadcast %broadcast_in_dim3A_45 : vector<256x1xf32> to vector<256x2048xf32>
    %eq3A_47 = arith.cmpf oeq, %select_n3A_42, %eq3A_46 : vector<256x2048xf32>
    %jit3A_48 = arith.constant 1073741824 : i32
    %broadcast_in_dim3A_49 = vector.broadcast %jit3A_48 : i32 to vector<256x2048xi32>
    %select_n3A_50 = arith.select %eq3A_47, %iota3A, %broadcast_in_dim3A_49 : vector<256x2048xi1>, vector<256x2048xi32>
    %reduce_min3A_51 = arith.constant dense<2147483647> : vector<256xi32>
    %reduce_min3A_52 = vector.multi_reduction <minsi>, %select_n3A_50, %reduce_min3A_51 [1] : vector<256x2048xi32> to vector<256xi32>
    %eq3A_53 = arith.constant 1 : i32
    %eq3A_54 = vector.broadcast %eq3A_53 : i32 to vector<256x20xi32>
    %eq3A_55 = arith.cmpi eq, %iota3A_22, %eq3A_54 : vector<256x20xi32>
    %broadcast_in_dim3A_56 = vector.shape_cast %reduce_min3A_52 : vector<256xi32> to vector<256x1xi32>
    %broadcast_in_dim3A_57 = vector.shape_cast %broadcast_in_dim3A_56 : vector<256x1xi32> to vector<256x1xi32>
    %broadcast_in_dim3A_58 = vector.broadcast %broadcast_in_dim3A_57 : vector<256x1xi32> to vector<256x20xi32>
    %select_n3A_59 = arith.select %eq3A_55, %broadcast_in_dim3A_58, %select_n3A_36 : vector<256x20xi1>, vector<256x20xi32>
    %broadcast_in_dim3A_60 = vector.shape_cast %reduce_min3A_52 : vector<256xi32> to vector<256x1xi32>
    %eq3A_61 = vector.broadcast %broadcast_in_dim3A_60 : vector<256x1xi32> to vector<256x2048xi32>
    %eq3A_62 = arith.cmpi eq, %iota3A, %eq3A_61 : vector<256x2048xi32>
    %jit3A_63 = arith.constant 0xFF800000 : f32
    %broadcast_in_dim3A_64 = vector.broadcast %jit3A_63 : f32 to vector<256x2048xf32>
    %select_n3A_65 = arith.select %eq3A_62, %broadcast_in_dim3A_64, %select_n3A_42 : vector<256x2048xi1>, vector<256x2048xf32>
    %reduce_max3A_66 = arith.constant dense<0xFF800000> : vector<256xf32>
    %reduce_max3A_67 = vector.multi_reduction <maximumf>, %select_n3A_65, %reduce_max3A_66 [1] : vector<256x2048xf32> to vector<256xf32>
    %broadcast_in_dim3A_68 = vector.shape_cast %reduce_max3A_67 : vector<256xf32> to vector<256x1xf32>
    %eq3A_69 = vector.broadcast %broadcast_in_dim3A_68 : vector<256x1xf32> to vector<256x2048xf32>
    %eq3A_70 = arith.cmpf oeq, %select_n3A_65, %eq3A_69 : vector<256x2048xf32>
    %jit3A_71 = arith.constant 1073741824 : i32
    %broadcast_in_dim3A_72 = vector.broadcast %jit3A_71 : i32 to vector<256x2048xi32>
    %select_n3A_73 = arith.select %eq3A_70, %iota3A, %broadcast_in_dim3A_72 : vector<256x2048xi1>, vector<256x2048xi32>
    %reduce_min3A_74 = arith.constant dense<2147483647> : vector<256xi32>
    %reduce_min3A_75 = vector.multi_reduction <minsi>, %select_n3A_73, %reduce_min3A_74 [1] : vector<256x2048xi32> to vector<256xi32>
    %eq3A_76 = arith.constant 2 : i32
    %eq3A_77 = vector.broadcast %eq3A_76 : i32 to vector<256x20xi32>
    %eq3A_78 = arith.cmpi eq, %iota3A_22, %eq3A_77 : vector<256x20xi32>
    %broadcast_in_dim3A_79 = vector.shape_cast %reduce_min3A_75 : vector<256xi32> to vector<256x1xi32>
    %broadcast_in_dim3A_80 = vector.shape_cast %broadcast_in_dim3A_79 : vector<256x1xi32> to vector<256x1xi32>
    %broadcast_in_dim3A_81 = vector.broadcast %broadcast_in_dim3A_80 : vector<256x1xi32> to vector<256x20xi32>
    %select_n3A_82 = arith.select %eq3A_78, %broadcast_in_dim3A_81, %select_n3A_59 : vector<256x20xi1>, vector<256x20xi32>
    %broadcast_in_dim3A_83 = vector.shape_cast %reduce_min3A_75 : vector<256xi32> to vector<256x1xi32>
    %eq3A_84 = vector.broadcast %broadcast_in_dim3A_83 : vector<256x1xi32> to vector<256x2048xi32>
    %eq3A_85 = arith.cmpi eq, %iota3A, %eq3A_84 : vector<256x2048xi32>
    %jit3A_86 = arith.constant 0xFF800000 : f32
    %broadcast_in_dim3A_87 = vector.broadcast %jit3A_86 : f32 to vector<256x2048xf32>
    %select_n3A_88 = arith.select %eq3A_85, %broadcast_in_dim3A_87, %select_n3A_65 : vector<256x2048xi1>, vector<256x2048xf32>
    %reduce_max3A_89 = arith.constant dense<0xFF800000> : vector<256xf32>
    %reduce_max3A_90 = vector.multi_reduction <maximumf>, %select_n3A_88, %reduce_max3A_89 [1] : vector<256x2048xf32> to vector<256xf32>
    %broadcast_in_dim3A_91 = vector.shape_cast %reduce_max3A_90 : vector<256xf32> to vector<256x1xf32>
    %eq3A_92 = vector.broadcast %broadcast_in_dim3A_91 : vector<256x1xf32> to vector<256x2048xf32>
    %eq3A_93 = arith.cmpf oeq, %select_n3A_88, %eq3A_92 : vector<256x2048xf32>
    %jit3A_94 = arith.constant 1073741824 : i32
    %broadcast_in_dim3A_95 = vector.broadcast %jit3A_94 : i32 to vector<256x2048xi32>
    %select_n3A_96 = arith.select %eq3A_93, %iota3A, %broadcast_in_dim3A_95 : vector<256x2048xi1>, vector<256x2048xi32>
    %reduce_min3A_97 = arith.constant dense<2147483647> : vector<256xi32>
    %reduce_min3A_98 = vector.multi_reduction <minsi>, %select_n3A_96, %reduce_min3A_97 [1] : vector<256x2048xi32> to vector<256xi32>
    %eq3A_99 = arith.constant 3 : i32
    %eq3A_100 = vector.broadcast %eq3A_99 : i32 to vector<256x20xi32>
    %eq3A_101 = arith.cmpi eq, %iota3A_22, %eq3A_100 : vector<256x20xi32>
    %broadcast_in_dim3A_102 = vector.shape_cast %reduce_min3A_98 : vector<256xi32> to vector<256x1xi32>
    %broadcast_in_dim3A_103 = vector.shape_cast %broadcast_in_dim3A_102 : vector<256x1xi32> to vector<256x1xi32>
    %broadcast_in_dim3A_104 = vector.broadcast %broadcast_in_dim3A_103 : vector<256x1xi32> to vector<256x20xi32>
    %select_n3A_105 = arith.select %eq3A_101, %broadcast_in_dim3A_104, %select_n3A_82 : vector<256x20xi1>, vector<256x20xi32>
    %broadcast_in_dim3A_106 = vector.shape_cast %reduce_min3A_98 : vector<256xi32> to vector<256x1xi32>
    %eq3A_107 = vector.broadcast %broadcast_in_dim3A_106 : vector<256x1xi32> to vector<256x2048xi32>
    %eq3A_108 = arith.cmpi eq, %iota3A, %eq3A_107 : vector<256x2048xi32>
    %jit3A_109 = arith.constant 0xFF800000 : f32
    %broadcast_in_dim3A_110 = vector.broadcast %jit3A_109 : f32 to vector<256x2048xf32>
    %select_n3A_111 = arith.select %eq3A_108, %broadcast_in_dim3A_110, %select_n3A_88 : vector<256x2048xi1>, vector<256x2048xf32>
    %reduce_max3A_112 = arith.constant dense<0xFF800000> : vector<256xf32>
    %reduce_max3A_113 = vector.multi_reduction <maximumf>, %select_n3A_111, %reduce_max3A_112 [1] : vector<256x2048xf32> to vector<256xf32>
    %broadcast_in_dim3A_114 = vector.shape_cast %reduce_max3A_113 : vector<256xf32> to vector<256x1xf32>
    %eq3A_115 = vector.broadcast %broadcast_in_dim3A_114 : vector<256x1xf32> to vector<256x2048xf32>
    %eq3A_116 = arith.cmpf oeq, %select_n3A_111, %eq3A_115 : vector<256x2048xf32>
    %jit3A_117 = arith.constant 1073741824 : i32
    %broadcast_in_dim3A_118 = vector.broadcast %jit3A_117 : i32 to vector<256x2048xi32>
    %select_n3A_119 = arith.select %eq3A_116, %iota3A, %broadcast_in_dim3A_118 : vector<256x2048xi1>, vector<256x2048xi32>
    %reduce_min3A_120 = arith.constant dense<2147483647> : vector<256xi32>
    %reduce_min3A_121 = vector.multi_reduction <minsi>, %select_n3A_119, %reduce_min3A_120 [1] : vector<256x2048xi32> to vector<256xi32>
    %eq3A_122 = arith.constant 4 : i32
    %eq3A_123 = vector.broadcast %eq3A_122 : i32 to vector<256x20xi32>
    %eq3A_124 = arith.cmpi eq, %iota3A_22, %eq3A_123 : vector<256x20xi32>
    %broadcast_in_dim3A_125 = vector.shape_cast %reduce_min3A_121 : vector<256xi32> to vector<256x1xi32>
    %broadcast_in_dim3A_126 = vector.shape_cast %broadcast_in_dim3A_125 : vector<256x1xi32> to vector<256x1xi32>
    %broadcast_in_dim3A_127 = vector.broadcast %broadcast_in_dim3A_126 : vector<256x1xi32> to vector<256x20xi32>
    %select_n3A_128 = arith.select %eq3A_124, %broadcast_in_dim3A_127, %select_n3A_105 : vector<256x20xi1>, vector<256x20xi32>
    %broadcast_in_dim3A_129 = vector.shape_cast %reduce_min3A_121 : vector<256xi32> to vector<256x1xi32>
    %eq3A_130 = vector.broadcast %broadcast_in_dim3A_129 : vector<256x1xi32> to vector<256x2048xi32>
    %eq3A_131 = arith.cmpi eq, %iota3A, %eq3A_130 : vector<256x2048xi32>
    %jit3A_132 = arith.constant 0xFF800000 : f32
    %broadcast_in_dim3A_133 = vector.broadcast %jit3A_132 : f32 to vector<256x2048xf32>
    %select_n3A_134 = arith.select %eq3A_131, %broadcast_in_dim3A_133, %select_n3A_111 : vector<256x2048xi1>, vector<256x2048xf32>
    %reduce_max3A_135 = arith.constant dense<0xFF800000> : vector<256xf32>
    %reduce_max3A_136 = vector.multi_reduction <maximumf>, %select_n3A_134, %reduce_max3A_135 [1] : vector<256x2048xf32> to vector<256xf32>
    %broadcast_in_dim3A_137 = vector.shape_cast %reduce_max3A_136 : vector<256xf32> to vector<256x1xf32>
    %eq3A_138 = vector.broadcast %broadcast_in_dim3A_137 : vector<256x1xf32> to vector<256x2048xf32>
    %eq3A_139 = arith.cmpf oeq, %select_n3A_134, %eq3A_138 : vector<256x2048xf32>
    %jit3A_140 = arith.constant 1073741824 : i32
    %broadcast_in_dim3A_141 = vector.broadcast %jit3A_140 : i32 to vector<256x2048xi32>
    %select_n3A_142 = arith.select %eq3A_139, %iota3A, %broadcast_in_dim3A_141 : vector<256x2048xi1>, vector<256x2048xi32>
    %reduce_min3A_143 = arith.constant dense<2147483647> : vector<256xi32>
    %reduce_min3A_144 = vector.multi_reduction <minsi>, %select_n3A_142, %reduce_min3A_143 [1] : vector<256x2048xi32> to vector<256xi32>
    %eq3A_145 = arith.constant 5 : i32
    %eq3A_146 = vector.broadcast %eq3A_145 : i32 to vector<256x20xi32>
    %eq3A_147 = arith.cmpi eq, %iota3A_22, %eq3A_146 : vector<256x20xi32>
    %broadcast_in_dim3A_148 = vector.shape_cast %reduce_min3A_144 : vector<256xi32> to vector<256x1xi32>
    %broadcast_in_dim3A_149 = vector.shape_cast %broadcast_in_dim3A_148 : vector<256x1xi32> to vector<256x1xi32>
    %broadcast_in_dim3A_150 = vector.broadcast %broadcast_in_dim3A_149 : vector<256x1xi32> to vector<256x20xi32>
    %select_n3A_151 = arith.select %eq3A_147, %broadcast_in_dim3A_150, %select_n3A_128 : vector<256x20xi1>, vector<256x20xi32>
    %broadcast_in_dim3A_152 = vector.shape_cast %reduce_min3A_144 : vector<256xi32> to vector<256x1xi32>
    %eq3A_153 = vector.broadcast %broadcast_in_dim3A_152 : vector<256x1xi32> to vector<256x2048xi32>
    %eq3A_154 = arith.cmpi eq, %iota3A, %eq3A_153 : vector<256x2048xi32>
    %jit3A_155 = arith.constant 0xFF800000 : f32
    %broadcast_in_dim3A_156 = vector.broadcast %jit3A_155 : f32 to vector<256x2048xf32>
    %select_n3A_157 = arith.select %eq3A_154, %broadcast_in_dim3A_156, %select_n3A_134 : vector<256x2048xi1>, vector<256x2048xf32>
    %reduce_max3A_158 = arith.constant dense<0xFF800000> : vector<256xf32>
    %reduce_max3A_159 = vector.multi_reduction <maximumf>, %select_n3A_157, %reduce_max3A_158 [1] : vector<256x2048xf32> to vector<256xf32>
    %broadcast_in_dim3A_160 = vector.shape_cast %reduce_max3A_159 : vector<256xf32> to vector<256x1xf32>
    %eq3A_161 = vector.broadcast %broadcast_in_dim3A_160 : vector<256x1xf32> to vector<256x2048xf32>
    %eq3A_162 = arith.cmpf oeq, %select_n3A_157, %eq3A_161 : vector<256x2048xf32>
    %jit3A_163 = arith.constant 1073741824 : i32
    %broadcast_in_dim3A_164 = vector.broadcast %jit3A_163 : i32 to vector<256x2048xi32>
    %select_n3A_165 = arith.select %eq3A_162, %iota3A, %broadcast_in_dim3A_164 : vector<256x2048xi1>, vector<256x2048xi32>
    %reduce_min3A_166 = arith.constant dense<2147483647> : vector<256xi32>
    %reduce_min3A_167 = vector.multi_reduction <minsi>, %select_n3A_165, %reduce_min3A_166 [1] : vector<256x2048xi32> to vector<256xi32>
    %eq3A_168 = arith.constant 6 : i32
    %eq3A_169 = vector.broadcast %eq3A_168 : i32 to vector<256x20xi32>
    %eq3A_170 = arith.cmpi eq, %iota3A_22, %eq3A_169 : vector<256x20xi32>
    %broadcast_in_dim3A_171 = vector.shape_cast %reduce_min3A_167 : vector<256xi32> to vector<256x1xi32>
    %broadcast_in_dim3A_172 = vector.shape_cast %broadcast_in_dim3A_171 : vector<256x1xi32> to vector<256x1xi32>
    %broadcast_in_dim3A_173 = vector.broadcast %broadcast_in_dim3A_172 : vector<256x1xi32> to vector<256x20xi32>
    %select_n3A_174 = arith.select %eq3A_170, %broadcast_in_dim3A_173, %select_n3A_151 : vector<256x20xi1>, vector<256x20xi32>
    %broadcast_in_dim3A_175 = vector.shape_cast %reduce_min3A_167 : vector<256xi32> to vector<256x1xi32>
    %eq3A_176 = vector.broadcast %broadcast_in_dim3A_175 : vector<256x1xi32> to vector<256x2048xi32>
    %eq3A_177 = arith.cmpi eq, %iota3A, %eq3A_176 : vector<256x2048xi32>
    %jit3A_178 = arith.constant 0xFF800000 : f32
    %broadcast_in_dim3A_179 = vector.broadcast %jit3A_178 : f32 to vector<256x2048xf32>
    %select_n3A_180 = arith.select %eq3A_177, %broadcast_in_dim3A_179, %select_n3A_157 : vector<256x2048xi1>, vector<256x2048xf32>
    %reduce_max3A_181 = arith.constant dense<0xFF800000> : vector<256xf32>
    %reduce_max3A_182 = vector.multi_reduction <maximumf>, %select_n3A_180, %reduce_max3A_181 [1] : vector<256x2048xf32> to vector<256xf32>
    %broadcast_in_dim3A_183 = vector.shape_cast %reduce_max3A_182 : vector<256xf32> to vector<256x1xf32>
    %eq3A_184 = vector.broadcast %broadcast_in_dim3A_183 : vector<256x1xf32> to vector<256x2048xf32>
    %eq3A_185 = arith.cmpf oeq, %select_n3A_180, %eq3A_184 : vector<256x2048xf32>
    %jit3A_186 = arith.constant 1073741824 : i32
    %broadcast_in_dim3A_187 = vector.broadcast %jit3A_186 : i32 to vector<256x2048xi32>
    %select_n3A_188 = arith.select %eq3A_185, %iota3A, %broadcast_in_dim3A_187 : vector<256x2048xi1>, vector<256x2048xi32>
    %reduce_min3A_189 = arith.constant dense<2147483647> : vector<256xi32>
    %reduce_min3A_190 = vector.multi_reduction <minsi>, %select_n3A_188, %reduce_min3A_189 [1] : vector<256x2048xi32> to vector<256xi32>
    %eq3A_191 = arith.constant 7 : i32
    %eq3A_192 = vector.broadcast %eq3A_191 : i32 to vector<256x20xi32>
    %eq3A_193 = arith.cmpi eq, %iota3A_22, %eq3A_192 : vector<256x20xi32>
    %broadcast_in_dim3A_194 = vector.shape_cast %reduce_min3A_190 : vector<256xi32> to vector<256x1xi32>
    %broadcast_in_dim3A_195 = vector.shape_cast %broadcast_in_dim3A_194 : vector<256x1xi32> to vector<256x1xi32>
    %broadcast_in_dim3A_196 = vector.broadcast %broadcast_in_dim3A_195 : vector<256x1xi32> to vector<256x20xi32>
    %select_n3A_197 = arith.select %eq3A_193, %broadcast_in_dim3A_196, %select_n3A_174 : vector<256x20xi1>, vector<256x20xi32>
    %broadcast_in_dim3A_198 = vector.shape_cast %reduce_min3A_190 : vector<256xi32> to vector<256x1xi32>
    %eq3A_199 = vector.broadcast %broadcast_in_dim3A_198 : vector<256x1xi32> to vector<256x2048xi32>
    %eq3A_200 = arith.cmpi eq, %iota3A, %eq3A_199 : vector<256x2048xi32>
    %jit3A_201 = arith.constant 0xFF800000 : f32
    %broadcast_in_dim3A_202 = vector.broadcast %jit3A_201 : f32 to vector<256x2048xf32>
    %select_n3A_203 = arith.select %eq3A_200, %broadcast_in_dim3A_202, %select_n3A_180 : vector<256x2048xi1>, vector<256x2048xf32>
    %reduce_max3A_204 = arith.constant dense<0xFF800000> : vector<256xf32>
    %reduce_max3A_205 = vector.multi_reduction <maximumf>, %select_n3A_203, %reduce_max3A_204 [1] : vector<256x2048xf32> to vector<256xf32>
    %broadcast_in_dim3A_206 = vector.shape_cast %reduce_max3A_205 : vector<256xf32> to vector<256x1xf32>
    %eq3A_207 = vector.broadcast %broadcast_in_dim3A_206 : vector<256x1xf32> to vector<256x2048xf32>
    %eq3A_208 = arith.cmpf oeq, %select_n3A_203, %eq3A_207 : vector<256x2048xf32>
    %jit3A_209 = arith.constant 1073741824 : i32
    %broadcast_in_dim3A_210 = vector.broadcast %jit3A_209 : i32 to vector<256x2048xi32>
    %select_n3A_211 = arith.select %eq3A_208, %iota3A, %broadcast_in_dim3A_210 : vector<256x2048xi1>, vector<256x2048xi32>
    %reduce_min3A_212 = arith.constant dense<2147483647> : vector<256xi32>
    %reduce_min3A_213 = vector.multi_reduction <minsi>, %select_n3A_211, %reduce_min3A_212 [1] : vector<256x2048xi32> to vector<256xi32>
    %eq3A_214 = arith.constant 8 : i32
    %eq3A_215 = vector.broadcast %eq3A_214 : i32 to vector<256x20xi32>
    %eq3A_216 = arith.cmpi eq, %iota3A_22, %eq3A_215 : vector<256x20xi32>
    %broadcast_in_dim3A_217 = vector.shape_cast %reduce_min3A_213 : vector<256xi32> to vector<256x1xi32>
    %broadcast_in_dim3A_218 = vector.shape_cast %broadcast_in_dim3A_217 : vector<256x1xi32> to vector<256x1xi32>
    %broadcast_in_dim3A_219 = vector.broadcast %broadcast_in_dim3A_218 : vector<256x1xi32> to vector<256x20xi32>
    %select_n3A_220 = arith.select %eq3A_216, %broadcast_in_dim3A_219, %select_n3A_197 : vector<256x20xi1>, vector<256x20xi32>
    %broadcast_in_dim3A_221 = vector.shape_cast %reduce_min3A_213 : vector<256xi32> to vector<256x1xi32>
    %eq3A_222 = vector.broadcast %broadcast_in_dim3A_221 : vector<256x1xi32> to vector<256x2048xi32>
    %eq3A_223 = arith.cmpi eq, %iota3A, %eq3A_222 : vector<256x2048xi32>
    %jit3A_224 = arith.constant 0xFF800000 : f32
    %broadcast_in_dim3A_225 = vector.broadcast %jit3A_224 : f32 to vector<256x2048xf32>
    %select_n3A_226 = arith.select %eq3A_223, %broadcast_in_dim3A_225, %select_n3A_203 : vector<256x2048xi1>, vector<256x2048xf32>
    %reduce_max3A_227 = arith.constant dense<0xFF800000> : vector<256xf32>
    %reduce_max3A_228 = vector.multi_reduction <maximumf>, %select_n3A_226, %reduce_max3A_227 [1] : vector<256x2048xf32> to vector<256xf32>
    %broadcast_in_dim3A_229 = vector.shape_cast %reduce_max3A_228 : vector<256xf32> to vector<256x1xf32>
    %eq3A_230 = vector.broadcast %broadcast_in_dim3A_229 : vector<256x1xf32> to vector<256x2048xf32>
    %eq3A_231 = arith.cmpf oeq, %select_n3A_226, %eq3A_230 : vector<256x2048xf32>
    %jit3A_232 = arith.constant 1073741824 : i32
    %broadcast_in_dim3A_233 = vector.broadcast %jit3A_232 : i32 to vector<256x2048xi32>
    %select_n3A_234 = arith.select %eq3A_231, %iota3A, %broadcast_in_dim3A_233 : vector<256x2048xi1>, vector<256x2048xi32>
    %reduce_min3A_235 = arith.constant dense<2147483647> : vector<256xi32>
    %reduce_min3A_236 = vector.multi_reduction <minsi>, %select_n3A_234, %reduce_min3A_235 [1] : vector<256x2048xi32> to vector<256xi32>
    %eq3A_237 = arith.constant 9 : i32
    %eq3A_238 = vector.broadcast %eq3A_237 : i32 to vector<256x20xi32>
    %eq3A_239 = arith.cmpi eq, %iota3A_22, %eq3A_238 : vector<256x20xi32>
    %broadcast_in_dim3A_240 = vector.shape_cast %reduce_min3A_236 : vector<256xi32> to vector<256x1xi32>
    %broadcast_in_dim3A_241 = vector.shape_cast %broadcast_in_dim3A_240 : vector<256x1xi32> to vector<256x1xi32>
    %broadcast_in_dim3A_242 = vector.broadcast %broadcast_in_dim3A_241 : vector<256x1xi32> to vector<256x20xi32>
    %select_n3A_243 = arith.select %eq3A_239, %broadcast_in_dim3A_242, %select_n3A_220 : vector<256x20xi1>, vector<256x20xi32>
    %broadcast_in_dim3A_244 = vector.shape_cast %reduce_min3A_236 : vector<256xi32> to vector<256x1xi32>
    %eq3A_245 = vector.broadcast %broadcast_in_dim3A_244 : vector<256x1xi32> to vector<256x2048xi32>
    %eq3A_246 = arith.cmpi eq, %iota3A, %eq3A_245 : vector<256x2048xi32>
    %jit3A_247 = arith.constant 0xFF800000 : f32
    %broadcast_in_dim3A_248 = vector.broadcast %jit3A_247 : f32 to vector<256x2048xf32>
    %select_n3A_249 = arith.select %eq3A_246, %broadcast_in_dim3A_248, %select_n3A_226 : vector<256x2048xi1>, vector<256x2048xf32>
    %reduce_max3A_250 = arith.constant dense<0xFF800000> : vector<256xf32>
    %reduce_max3A_251 = vector.multi_reduction <maximumf>, %select_n3A_249, %reduce_max3A_250 [1] : vector<256x2048xf32> to vector<256xf32>
    %broadcast_in_dim3A_252 = vector.shape_cast %reduce_max3A_251 : vector<256xf32> to vector<256x1xf32>
    %eq3A_253 = vector.broadcast %broadcast_in_dim3A_252 : vector<256x1xf32> to vector<256x2048xf32>
    %eq3A_254 = arith.cmpf oeq, %select_n3A_249, %eq3A_253 : vector<256x2048xf32>
    %jit3A_255 = arith.constant 1073741824 : i32
    %broadcast_in_dim3A_256 = vector.broadcast %jit3A_255 : i32 to vector<256x2048xi32>
    %select_n3A_257 = arith.select %eq3A_254, %iota3A, %broadcast_in_dim3A_256 : vector<256x2048xi1>, vector<256x2048xi32>
    %reduce_min3A_258 = arith.constant dense<2147483647> : vector<256xi32>
    %reduce_min3A_259 = vector.multi_reduction <minsi>, %select_n3A_257, %reduce_min3A_258 [1] : vector<256x2048xi32> to vector<256xi32>
    %eq3A_260 = arith.constant 10 : i32
    %eq3A_261 = vector.broadcast %eq3A_260 : i32 to vector<256x20xi32>
    %eq3A_262 = arith.cmpi eq, %iota3A_22, %eq3A_261 : vector<256x20xi32>
    %broadcast_in_dim3A_263 = vector.shape_cast %reduce_min3A_259 : vector<256xi32> to vector<256x1xi32>
    %broadcast_in_dim3A_264 = vector.shape_cast %broadcast_in_dim3A_263 : vector<256x1xi32> to vector<256x1xi32>
    %broadcast_in_dim3A_265 = vector.broadcast %broadcast_in_dim3A_264 : vector<256x1xi32> to vector<256x20xi32>
    %select_n3A_266 = arith.select %eq3A_262, %broadcast_in_dim3A_265, %select_n3A_243 : vector<256x20xi1>, vector<256x20xi32>
    %broadcast_in_dim3A_267 = vector.shape_cast %reduce_min3A_259 : vector<256xi32> to vector<256x1xi32>
    %eq3A_268 = vector.broadcast %broadcast_in_dim3A_267 : vector<256x1xi32> to vector<256x2048xi32>
    %eq3A_269 = arith.cmpi eq, %iota3A, %eq3A_268 : vector<256x2048xi32>
    %jit3A_270 = arith.constant 0xFF800000 : f32
    %broadcast_in_dim3A_271 = vector.broadcast %jit3A_270 : f32 to vector<256x2048xf32>
    %select_n3A_272 = arith.select %eq3A_269, %broadcast_in_dim3A_271, %select_n3A_249 : vector<256x2048xi1>, vector<256x2048xf32>
    %reduce_max3A_273 = arith.constant dense<0xFF800000> : vector<256xf32>
    %reduce_max3A_274 = vector.multi_reduction <maximumf>, %select_n3A_272, %reduce_max3A_273 [1] : vector<256x2048xf32> to vector<256xf32>
    %broadcast_in_dim3A_275 = vector.shape_cast %reduce_max3A_274 : vector<256xf32> to vector<256x1xf32>
    %eq3A_276 = vector.broadcast %broadcast_in_dim3A_275 : vector<256x1xf32> to vector<256x2048xf32>
    %eq3A_277 = arith.cmpf oeq, %select_n3A_272, %eq3A_276 : vector<256x2048xf32>
    %jit3A_278 = arith.constant 1073741824 : i32
    %broadcast_in_dim3A_279 = vector.broadcast %jit3A_278 : i32 to vector<256x2048xi32>
    %select_n3A_280 = arith.select %eq3A_277, %iota3A, %broadcast_in_dim3A_279 : vector<256x2048xi1>, vector<256x2048xi32>
    %reduce_min3A_281 = arith.constant dense<2147483647> : vector<256xi32>
    %reduce_min3A_282 = vector.multi_reduction <minsi>, %select_n3A_280, %reduce_min3A_281 [1] : vector<256x2048xi32> to vector<256xi32>
    %eq3A_283 = arith.constant 11 : i32
    %eq3A_284 = vector.broadcast %eq3A_283 : i32 to vector<256x20xi32>
    %eq3A_285 = arith.cmpi eq, %iota3A_22, %eq3A_284 : vector<256x20xi32>
    %broadcast_in_dim3A_286 = vector.shape_cast %reduce_min3A_282 : vector<256xi32> to vector<256x1xi32>
    %broadcast_in_dim3A_287 = vector.shape_cast %broadcast_in_dim3A_286 : vector<256x1xi32> to vector<256x1xi32>
    %broadcast_in_dim3A_288 = vector.broadcast %broadcast_in_dim3A_287 : vector<256x1xi32> to vector<256x20xi32>
    %select_n3A_289 = arith.select %eq3A_285, %broadcast_in_dim3A_288, %select_n3A_266 : vector<256x20xi1>, vector<256x20xi32>
    %broadcast_in_dim3A_290 = vector.shape_cast %reduce_min3A_282 : vector<256xi32> to vector<256x1xi32>
    %eq3A_291 = vector.broadcast %broadcast_in_dim3A_290 : vector<256x1xi32> to vector<256x2048xi32>
    %eq3A_292 = arith.cmpi eq, %iota3A, %eq3A_291 : vector<256x2048xi32>
    %jit3A_293 = arith.constant 0xFF800000 : f32
    %broadcast_in_dim3A_294 = vector.broadcast %jit3A_293 : f32 to vector<256x2048xf32>
    %select_n3A_295 = arith.select %eq3A_292, %broadcast_in_dim3A_294, %select_n3A_272 : vector<256x2048xi1>, vector<256x2048xf32>
    %reduce_max3A_296 = arith.constant dense<0xFF800000> : vector<256xf32>
    %reduce_max3A_297 = vector.multi_reduction <maximumf>, %select_n3A_295, %reduce_max3A_296 [1] : vector<256x2048xf32> to vector<256xf32>
    %broadcast_in_dim3A_298 = vector.shape_cast %reduce_max3A_297 : vector<256xf32> to vector<256x1xf32>
    %eq3A_299 = vector.broadcast %broadcast_in_dim3A_298 : vector<256x1xf32> to vector<256x2048xf32>
    %eq3A_300 = arith.cmpf oeq, %select_n3A_295, %eq3A_299 : vector<256x2048xf32>
    %jit3A_301 = arith.constant 1073741824 : i32
    %broadcast_in_dim3A_302 = vector.broadcast %jit3A_301 : i32 to vector<256x2048xi32>
    %select_n3A_303 = arith.select %eq3A_300, %iota3A, %broadcast_in_dim3A_302 : vector<256x2048xi1>, vector<256x2048xi32>
    %reduce_min3A_304 = arith.constant dense<2147483647> : vector<256xi32>
    %reduce_min3A_305 = vector.multi_reduction <minsi>, %select_n3A_303, %reduce_min3A_304 [1] : vector<256x2048xi32> to vector<256xi32>
    %eq3A_306 = arith.constant 12 : i32
    %eq3A_307 = vector.broadcast %eq3A_306 : i32 to vector<256x20xi32>
    %eq3A_308 = arith.cmpi eq, %iota3A_22, %eq3A_307 : vector<256x20xi32>
    %broadcast_in_dim3A_309 = vector.shape_cast %reduce_min3A_305 : vector<256xi32> to vector<256x1xi32>
    %broadcast_in_dim3A_310 = vector.shape_cast %broadcast_in_dim3A_309 : vector<256x1xi32> to vector<256x1xi32>
    %broadcast_in_dim3A_311 = vector.broadcast %broadcast_in_dim3A_310 : vector<256x1xi32> to vector<256x20xi32>
    %select_n3A_312 = arith.select %eq3A_308, %broadcast_in_dim3A_311, %select_n3A_289 : vector<256x20xi1>, vector<256x20xi32>
    %broadcast_in_dim3A_313 = vector.shape_cast %reduce_min3A_305 : vector<256xi32> to vector<256x1xi32>
    %eq3A_314 = vector.broadcast %broadcast_in_dim3A_313 : vector<256x1xi32> to vector<256x2048xi32>
    %eq3A_315 = arith.cmpi eq, %iota3A, %eq3A_314 : vector<256x2048xi32>
    %jit3A_316 = arith.constant 0xFF800000 : f32
    %broadcast_in_dim3A_317 = vector.broadcast %jit3A_316 : f32 to vector<256x2048xf32>
    %select_n3A_318 = arith.select %eq3A_315, %broadcast_in_dim3A_317, %select_n3A_295 : vector<256x2048xi1>, vector<256x2048xf32>
    %reduce_max3A_319 = arith.constant dense<0xFF800000> : vector<256xf32>
    %reduce_max3A_320 = vector.multi_reduction <maximumf>, %select_n3A_318, %reduce_max3A_319 [1] : vector<256x2048xf32> to vector<256xf32>
    %broadcast_in_dim3A_321 = vector.shape_cast %reduce_max3A_320 : vector<256xf32> to vector<256x1xf32>
    %eq3A_322 = vector.broadcast %broadcast_in_dim3A_321 : vector<256x1xf32> to vector<256x2048xf32>
    %eq3A_323 = arith.cmpf oeq, %select_n3A_318, %eq3A_322 : vector<256x2048xf32>
    %jit3A_324 = arith.constant 1073741824 : i32
    %broadcast_in_dim3A_325 = vector.broadcast %jit3A_324 : i32 to vector<256x2048xi32>
    %select_n3A_326 = arith.select %eq3A_323, %iota3A, %broadcast_in_dim3A_325 : vector<256x2048xi1>, vector<256x2048xi32>
    %reduce_min3A_327 = arith.constant dense<2147483647> : vector<256xi32>
    %reduce_min3A_328 = vector.multi_reduction <minsi>, %select_n3A_326, %reduce_min3A_327 [1] : vector<256x2048xi32> to vector<256xi32>
    %eq3A_329 = arith.constant 13 : i32
    %eq3A_330 = vector.broadcast %eq3A_329 : i32 to vector<256x20xi32>
    %eq3A_331 = arith.cmpi eq, %iota3A_22, %eq3A_330 : vector<256x20xi32>
    %broadcast_in_dim3A_332 = vector.shape_cast %reduce_min3A_328 : vector<256xi32> to vector<256x1xi32>
    %broadcast_in_dim3A_333 = vector.shape_cast %broadcast_in_dim3A_332 : vector<256x1xi32> to vector<256x1xi32>
    %broadcast_in_dim3A_334 = vector.broadcast %broadcast_in_dim3A_333 : vector<256x1xi32> to vector<256x20xi32>
    %select_n3A_335 = arith.select %eq3A_331, %broadcast_in_dim3A_334, %select_n3A_312 : vector<256x20xi1>, vector<256x20xi32>
    %broadcast_in_dim3A_336 = vector.shape_cast %reduce_min3A_328 : vector<256xi32> to vector<256x1xi32>
    %eq3A_337 = vector.broadcast %broadcast_in_dim3A_336 : vector<256x1xi32> to vector<256x2048xi32>
    %eq3A_338 = arith.cmpi eq, %iota3A, %eq3A_337 : vector<256x2048xi32>
    %jit3A_339 = arith.constant 0xFF800000 : f32
    %broadcast_in_dim3A_340 = vector.broadcast %jit3A_339 : f32 to vector<256x2048xf32>
    %select_n3A_341 = arith.select %eq3A_338, %broadcast_in_dim3A_340, %select_n3A_318 : vector<256x2048xi1>, vector<256x2048xf32>
    %reduce_max3A_342 = arith.constant dense<0xFF800000> : vector<256xf32>
    %reduce_max3A_343 = vector.multi_reduction <maximumf>, %select_n3A_341, %reduce_max3A_342 [1] : vector<256x2048xf32> to vector<256xf32>
    %broadcast_in_dim3A_344 = vector.shape_cast %reduce_max3A_343 : vector<256xf32> to vector<256x1xf32>
    %eq3A_345 = vector.broadcast %broadcast_in_dim3A_344 : vector<256x1xf32> to vector<256x2048xf32>
    %eq3A_346 = arith.cmpf oeq, %select_n3A_341, %eq3A_345 : vector<256x2048xf32>
    %jit3A_347 = arith.constant 1073741824 : i32
    %broadcast_in_dim3A_348 = vector.broadcast %jit3A_347 : i32 to vector<256x2048xi32>
    %select_n3A_349 = arith.select %eq3A_346, %iota3A, %broadcast_in_dim3A_348 : vector<256x2048xi1>, vector<256x2048xi32>
    %reduce_min3A_350 = arith.constant dense<2147483647> : vector<256xi32>
    %reduce_min3A_351 = vector.multi_reduction <minsi>, %select_n3A_349, %reduce_min3A_350 [1] : vector<256x2048xi32> to vector<256xi32>
    %eq3A_352 = arith.constant 14 : i32
    %eq3A_353 = vector.broadcast %eq3A_352 : i32 to vector<256x20xi32>
    %eq3A_354 = arith.cmpi eq, %iota3A_22, %eq3A_353 : vector<256x20xi32>
    %broadcast_in_dim3A_355 = vector.shape_cast %reduce_min3A_351 : vector<256xi32> to vector<256x1xi32>
    %broadcast_in_dim3A_356 = vector.shape_cast %broadcast_in_dim3A_355 : vector<256x1xi32> to vector<256x1xi32>
    %broadcast_in_dim3A_357 = vector.broadcast %broadcast_in_dim3A_356 : vector<256x1xi32> to vector<256x20xi32>
    %select_n3A_358 = arith.select %eq3A_354, %broadcast_in_dim3A_357, %select_n3A_335 : vector<256x20xi1>, vector<256x20xi32>
    %broadcast_in_dim3A_359 = vector.shape_cast %reduce_min3A_351 : vector<256xi32> to vector<256x1xi32>
    %eq3A_360 = vector.broadcast %broadcast_in_dim3A_359 : vector<256x1xi32> to vector<256x2048xi32>
    %eq3A_361 = arith.cmpi eq, %iota3A, %eq3A_360 : vector<256x2048xi32>
    %jit3A_362 = arith.constant 0xFF800000 : f32
    %broadcast_in_dim3A_363 = vector.broadcast %jit3A_362 : f32 to vector<256x2048xf32>
    %select_n3A_364 = arith.select %eq3A_361, %broadcast_in_dim3A_363, %select_n3A_341 : vector<256x2048xi1>, vector<256x2048xf32>
    %reduce_max3A_365 = arith.constant dense<0xFF800000> : vector<256xf32>
    %reduce_max3A_366 = vector.multi_reduction <maximumf>, %select_n3A_364, %reduce_max3A_365 [1] : vector<256x2048xf32> to vector<256xf32>
    %broadcast_in_dim3A_367 = vector.shape_cast %reduce_max3A_366 : vector<256xf32> to vector<256x1xf32>
    %eq3A_368 = vector.broadcast %broadcast_in_dim3A_367 : vector<256x1xf32> to vector<256x2048xf32>
    %eq3A_369 = arith.cmpf oeq, %select_n3A_364, %eq3A_368 : vector<256x2048xf32>
    %jit3A_370 = arith.constant 1073741824 : i32
    %broadcast_in_dim3A_371 = vector.broadcast %jit3A_370 : i32 to vector<256x2048xi32>
    %select_n3A_372 = arith.select %eq3A_369, %iota3A, %broadcast_in_dim3A_371 : vector<256x2048xi1>, vector<256x2048xi32>
    %reduce_min3A_373 = arith.constant dense<2147483647> : vector<256xi32>
    %reduce_min3A_374 = vector.multi_reduction <minsi>, %select_n3A_372, %reduce_min3A_373 [1] : vector<256x2048xi32> to vector<256xi32>
    %eq3A_375 = arith.constant 15 : i32
    %eq3A_376 = vector.broadcast %eq3A_375 : i32 to vector<256x20xi32>
    %eq3A_377 = arith.cmpi eq, %iota3A_22, %eq3A_376 : vector<256x20xi32>
    %broadcast_in_dim3A_378 = vector.shape_cast %reduce_min3A_374 : vector<256xi32> to vector<256x1xi32>
    %broadcast_in_dim3A_379 = vector.shape_cast %broadcast_in_dim3A_378 : vector<256x1xi32> to vector<256x1xi32>
    %broadcast_in_dim3A_380 = vector.broadcast %broadcast_in_dim3A_379 : vector<256x1xi32> to vector<256x20xi32>
    %select_n3A_381 = arith.select %eq3A_377, %broadcast_in_dim3A_380, %select_n3A_358 : vector<256x20xi1>, vector<256x20xi32>
    %broadcast_in_dim3A_382 = vector.shape_cast %reduce_min3A_374 : vector<256xi32> to vector<256x1xi32>
    %eq3A_383 = vector.broadcast %broadcast_in_dim3A_382 : vector<256x1xi32> to vector<256x2048xi32>
    %eq3A_384 = arith.cmpi eq, %iota3A, %eq3A_383 : vector<256x2048xi32>
    %jit3A_385 = arith.constant 0xFF800000 : f32
    %broadcast_in_dim3A_386 = vector.broadcast %jit3A_385 : f32 to vector<256x2048xf32>
    %select_n3A_387 = arith.select %eq3A_384, %broadcast_in_dim3A_386, %select_n3A_364 : vector<256x2048xi1>, vector<256x2048xf32>
    %reduce_max3A_388 = arith.constant dense<0xFF800000> : vector<256xf32>
    %reduce_max3A_389 = vector.multi_reduction <maximumf>, %select_n3A_387, %reduce_max3A_388 [1] : vector<256x2048xf32> to vector<256xf32>
    %broadcast_in_dim3A_390 = vector.shape_cast %reduce_max3A_389 : vector<256xf32> to vector<256x1xf32>
    %eq3A_391 = vector.broadcast %broadcast_in_dim3A_390 : vector<256x1xf32> to vector<256x2048xf32>
    %eq3A_392 = arith.cmpf oeq, %select_n3A_387, %eq3A_391 : vector<256x2048xf32>
    %jit3A_393 = arith.constant 1073741824 : i32
    %broadcast_in_dim3A_394 = vector.broadcast %jit3A_393 : i32 to vector<256x2048xi32>
    %select_n3A_395 = arith.select %eq3A_392, %iota3A, %broadcast_in_dim3A_394 : vector<256x2048xi1>, vector<256x2048xi32>
    %reduce_min3A_396 = arith.constant dense<2147483647> : vector<256xi32>
    %reduce_min3A_397 = vector.multi_reduction <minsi>, %select_n3A_395, %reduce_min3A_396 [1] : vector<256x2048xi32> to vector<256xi32>
    %eq3A_398 = arith.constant 16 : i32
    %eq3A_399 = vector.broadcast %eq3A_398 : i32 to vector<256x20xi32>
    %eq3A_400 = arith.cmpi eq, %iota3A_22, %eq3A_399 : vector<256x20xi32>
    %broadcast_in_dim3A_401 = vector.shape_cast %reduce_min3A_397 : vector<256xi32> to vector<256x1xi32>
    %broadcast_in_dim3A_402 = vector.shape_cast %broadcast_in_dim3A_401 : vector<256x1xi32> to vector<256x1xi32>
    %broadcast_in_dim3A_403 = vector.broadcast %broadcast_in_dim3A_402 : vector<256x1xi32> to vector<256x20xi32>
    %select_n3A_404 = arith.select %eq3A_400, %broadcast_in_dim3A_403, %select_n3A_381 : vector<256x20xi1>, vector<256x20xi32>
    %broadcast_in_dim3A_405 = vector.shape_cast %reduce_min3A_397 : vector<256xi32> to vector<256x1xi32>
    %eq3A_406 = vector.broadcast %broadcast_in_dim3A_405 : vector<256x1xi32> to vector<256x2048xi32>
    %eq3A_407 = arith.cmpi eq, %iota3A, %eq3A_406 : vector<256x2048xi32>
    %jit3A_408 = arith.constant 0xFF800000 : f32
    %broadcast_in_dim3A_409 = vector.broadcast %jit3A_408 : f32 to vector<256x2048xf32>
    %select_n3A_410 = arith.select %eq3A_407, %broadcast_in_dim3A_409, %select_n3A_387 : vector<256x2048xi1>, vector<256x2048xf32>
    %reduce_max3A_411 = arith.constant dense<0xFF800000> : vector<256xf32>
    %reduce_max3A_412 = vector.multi_reduction <maximumf>, %select_n3A_410, %reduce_max3A_411 [1] : vector<256x2048xf32> to vector<256xf32>
    %broadcast_in_dim3A_413 = vector.shape_cast %reduce_max3A_412 : vector<256xf32> to vector<256x1xf32>
    %eq3A_414 = vector.broadcast %broadcast_in_dim3A_413 : vector<256x1xf32> to vector<256x2048xf32>
    %eq3A_415 = arith.cmpf oeq, %select_n3A_410, %eq3A_414 : vector<256x2048xf32>
    %jit3A_416 = arith.constant 1073741824 : i32
    %broadcast_in_dim3A_417 = vector.broadcast %jit3A_416 : i32 to vector<256x2048xi32>
    %select_n3A_418 = arith.select %eq3A_415, %iota3A, %broadcast_in_dim3A_417 : vector<256x2048xi1>, vector<256x2048xi32>
    %reduce_min3A_419 = arith.constant dense<2147483647> : vector<256xi32>
    %reduce_min3A_420 = vector.multi_reduction <minsi>, %select_n3A_418, %reduce_min3A_419 [1] : vector<256x2048xi32> to vector<256xi32>
    %eq3A_421 = arith.constant 17 : i32
    %eq3A_422 = vector.broadcast %eq3A_421 : i32 to vector<256x20xi32>
    %eq3A_423 = arith.cmpi eq, %iota3A_22, %eq3A_422 : vector<256x20xi32>
    %broadcast_in_dim3A_424 = vector.shape_cast %reduce_min3A_420 : vector<256xi32> to vector<256x1xi32>
    %broadcast_in_dim3A_425 = vector.shape_cast %broadcast_in_dim3A_424 : vector<256x1xi32> to vector<256x1xi32>
    %broadcast_in_dim3A_426 = vector.broadcast %broadcast_in_dim3A_425 : vector<256x1xi32> to vector<256x20xi32>
    %select_n3A_427 = arith.select %eq3A_423, %broadcast_in_dim3A_426, %select_n3A_404 : vector<256x20xi1>, vector<256x20xi32>
    %broadcast_in_dim3A_428 = vector.shape_cast %reduce_min3A_420 : vector<256xi32> to vector<256x1xi32>
    %eq3A_429 = vector.broadcast %broadcast_in_dim3A_428 : vector<256x1xi32> to vector<256x2048xi32>
    %eq3A_430 = arith.cmpi eq, %iota3A, %eq3A_429 : vector<256x2048xi32>
    %jit3A_431 = arith.constant 0xFF800000 : f32
    %broadcast_in_dim3A_432 = vector.broadcast %jit3A_431 : f32 to vector<256x2048xf32>
    %select_n3A_433 = arith.select %eq3A_430, %broadcast_in_dim3A_432, %select_n3A_410 : vector<256x2048xi1>, vector<256x2048xf32>
    %reduce_max3A_434 = arith.constant dense<0xFF800000> : vector<256xf32>
    %reduce_max3A_435 = vector.multi_reduction <maximumf>, %select_n3A_433, %reduce_max3A_434 [1] : vector<256x2048xf32> to vector<256xf32>
    %broadcast_in_dim3A_436 = vector.shape_cast %reduce_max3A_435 : vector<256xf32> to vector<256x1xf32>
    %eq3A_437 = vector.broadcast %broadcast_in_dim3A_436 : vector<256x1xf32> to vector<256x2048xf32>
    %eq3A_438 = arith.cmpf oeq, %select_n3A_433, %eq3A_437 : vector<256x2048xf32>
    %jit3A_439 = arith.constant 1073741824 : i32
    %broadcast_in_dim3A_440 = vector.broadcast %jit3A_439 : i32 to vector<256x2048xi32>
    %select_n3A_441 = arith.select %eq3A_438, %iota3A, %broadcast_in_dim3A_440 : vector<256x2048xi1>, vector<256x2048xi32>
    %reduce_min3A_442 = arith.constant dense<2147483647> : vector<256xi32>
    %reduce_min3A_443 = vector.multi_reduction <minsi>, %select_n3A_441, %reduce_min3A_442 [1] : vector<256x2048xi32> to vector<256xi32>
    %eq3A_444 = arith.constant 18 : i32
    %eq3A_445 = vector.broadcast %eq3A_444 : i32 to vector<256x20xi32>
    %eq3A_446 = arith.cmpi eq, %iota3A_22, %eq3A_445 : vector<256x20xi32>
    %broadcast_in_dim3A_447 = vector.shape_cast %reduce_min3A_443 : vector<256xi32> to vector<256x1xi32>
    %broadcast_in_dim3A_448 = vector.shape_cast %broadcast_in_dim3A_447 : vector<256x1xi32> to vector<256x1xi32>
    %broadcast_in_dim3A_449 = vector.broadcast %broadcast_in_dim3A_448 : vector<256x1xi32> to vector<256x20xi32>
    %select_n3A_450 = arith.select %eq3A_446, %broadcast_in_dim3A_449, %select_n3A_427 : vector<256x20xi1>, vector<256x20xi32>
    %broadcast_in_dim3A_451 = vector.shape_cast %reduce_min3A_443 : vector<256xi32> to vector<256x1xi32>
    %eq3A_452 = vector.broadcast %broadcast_in_dim3A_451 : vector<256x1xi32> to vector<256x2048xi32>
    %eq3A_453 = arith.cmpi eq, %iota3A, %eq3A_452 : vector<256x2048xi32>
    %jit3A_454 = arith.constant 0xFF800000 : f32
    %broadcast_in_dim3A_455 = vector.broadcast %jit3A_454 : f32 to vector<256x2048xf32>
    %select_n3A_456 = arith.select %eq3A_453, %broadcast_in_dim3A_455, %select_n3A_433 : vector<256x2048xi1>, vector<256x2048xf32>
    %reduce_max3A_457 = arith.constant dense<0xFF800000> : vector<256xf32>
    %reduce_max3A_458 = vector.multi_reduction <maximumf>, %select_n3A_456, %reduce_max3A_457 [1] : vector<256x2048xf32> to vector<256xf32>
    %broadcast_in_dim3A_459 = vector.shape_cast %reduce_max3A_458 : vector<256xf32> to vector<256x1xf32>
    %eq3A_460 = vector.broadcast %broadcast_in_dim3A_459 : vector<256x1xf32> to vector<256x2048xf32>
    %eq3A_461 = arith.cmpf oeq, %select_n3A_456, %eq3A_460 : vector<256x2048xf32>
    %jit3A_462 = arith.constant 1073741824 : i32
    %broadcast_in_dim3A_463 = vector.broadcast %jit3A_462 : i32 to vector<256x2048xi32>
    %select_n3A_464 = arith.select %eq3A_461, %iota3A, %broadcast_in_dim3A_463 : vector<256x2048xi1>, vector<256x2048xi32>
    %reduce_min3A_465 = arith.constant dense<2147483647> : vector<256xi32>
    %reduce_min3A_466 = vector.multi_reduction <minsi>, %select_n3A_464, %reduce_min3A_465 [1] : vector<256x2048xi32> to vector<256xi32>
    %eq3A_467 = arith.constant 19 : i32
    %eq3A_468 = vector.broadcast %eq3A_467 : i32 to vector<256x20xi32>
    %eq3A_469 = arith.cmpi eq, %iota3A_22, %eq3A_468 : vector<256x20xi32>
    %broadcast_in_dim3A_470 = vector.shape_cast %reduce_min3A_466 : vector<256xi32> to vector<256x1xi32>
    %broadcast_in_dim3A_471 = vector.shape_cast %broadcast_in_dim3A_470 : vector<256x1xi32> to vector<256x1xi32>
    %broadcast_in_dim3A_472 = vector.broadcast %broadcast_in_dim3A_471 : vector<256x1xi32> to vector<256x20xi32>
    %select_n3A_473 = arith.select %eq3A_469, %broadcast_in_dim3A_472, %select_n3A_450 : vector<256x20xi1>, vector<256x20xi32>
    %mul3A_474 = arith.constant 2048 : i32
    %mul3A_475 = arith.muli %arg0, %mul3A_474 : i32
    %add3A = vector.broadcast %mul3A_475 : i32 to vector<256x20xi32>
    %add3A_476 = arith.addi %select_n3A_473, %add3A : vector<256x20xi32>
    %swap3A = arith.constant 0 : index
    %swap3A_477 = arith.constant 0 : index
    %swap3A_478 = arith.constant 0 : index
    %swap3A_479 = vector.load %arg4[%swap3A, %swap3A_477, %swap3A_478] : memref<1x256x20xi32, #tpu.memory_space<vmem>>, vector<1x256x20xi32>
    %swap3A_480 = vector.shape_cast %swap3A_479 : vector<1x256x20xi32> to vector<256x20xi32>
    %swap3A_481 = vector.shape_cast %add3A_476 : vector<256x20xi32> to vector<1x256x20xi32>
    tpu.vector_store %arg4[%swap3A, %swap3A_477, %swap3A_478], %swap3A_481 {strides = array<i32>} : memref<1x256x20xi32, #tpu.memory_space<vmem>>, vector<1x256x20xi32>,
    return
  }
  func.func @transform_0(%arg0: i32, %arg1: i32) -> (i32, i32, i32) {
    %c0_i32 = arith.constant 0 : i32
    %c0_i32_0 = arith.constant 0 : i32
    return %arg0, %arg1, %c0_i32 : i32, i32, i32
  }
  func.func @transform_1(%arg0: i32, %arg1: i32) -> (i32, i32, i32) {
    %c0_i32 = arith.constant 0 : i32
    %c0_i32_0 = arith.constant 0 : i32
    %c0_i32_1 = arith.constant 0 : i32
    return %arg0, %c0_i32, %c0_i32_0 : i32, i32, i32
  }
  func.func @transform_2(%arg0: i32, %arg1: i32) -> (i32, i32, i32) {
    %c0_i32 = arith.constant 0 : i32
    %c0_i32_0 = arith.constant 0 : i32
    return %arg0, %arg1, %c0_i32 : i32, i32, i32
  }
}

module attributes {stable_mosaic.version = 14 : i64} {
  func.func @body(%arg0: i32, %arg1: memref<256x20x128xf32, #tpu.memory_space<vmem>>, %arg2: memref<256x128xf32, #tpu.memory_space<vmem>>, %arg3: memref<128x64xf32, #tpu.memory_space<vmem>>, %arg4: memref<256x64xf32, #tpu.memory_space<vmem>>) attributes {dimension_semantics = [#tpu.dimension_semantics<arbitrary>], iteration_bounds = array<i64: 64>, scalar_prefetch = 0 : i64, scratch_operands = 0 : i64, tpu.core_type = #tpu.core_type<tc>, window_params = [{transform_indices = @transform_0, window_bounds = array<i64: 256, 20, 128>}, {transform_indices = @transform_1, window_bounds = array<i64: 256, 128>}, {pipeline_mode = #tpu.pipeline_mode<synchronous>, transform_indices = @transform_2, window_bounds = array<i64: 128, 64>}, {transform_indices = @transform_3, window_bounds = array<i64: 256, 64>}]} {
    %get3A = arith.constant 0 : index
    %get3A_0 = arith.constant 0 : index
    %get3A_1 = vector.load %arg2[%get3A, %get3A_0] : memref<256x128xf32, #tpu.memory_space<vmem>>, vector<256x128xf32>
    %slice3A = vector.extract_strided_slice %get3A_1 {offsets = [0, 0], sizes = [256, 64], strides = [1, 1]} : vector<256x128xf32> to vector<256x64xf32>
    %get3A_2 = arith.constant 0 : index
    %get3A_3 = arith.constant 0 : index
    %get3A_4 = vector.load %arg3[%get3A_2, %get3A_3] : memref<128x64xf32, #tpu.memory_space<vmem>>, vector<128x64xf32>
    %get3A_5 = arith.constant 0 : index
    %get3A_6 = arith.constant 0 : index
    %get3A_7 = arith.constant 0 : index
    %get3A_8 = vector.load %arg1[%get3A_5, %get3A_6, %get3A_7] : memref<256x20x128xf32, #tpu.memory_space<vmem>>, vector<256x1x64xf32>
    %get3A_9 = vector.shape_cast %get3A_8 : vector<256x1x64xf32> to vector<256x64xf32>
    %sub3A = arith.subf %get3A_9, %slice3A : vector<256x64xf32>
    %concatenate3A = tpu.concatenate %sub3A, %slice3A in 1 : vector<256x64xf32>, vector<256x64xf32> -> vector<256x128xf32>
    %dot_general3A = arith.constant dense<0.000000e+00> : vector<256x64xf32>
    %dot_general3A_10 = tpu.matmul %concatenate3A, %get3A_4, %dot_general3A {dimension_numbers = #tpu.dot_dimension_numbers<[1], [0], [0], [1], [0, 0, 1, 1], [], []>, transpose_lhs_hint = false} : vector<256x128xf32>, vector<128x64xf32>, vector<256x64xf32> -> vector<256x64xf32>
    %get3A_11 = arith.constant 0 : index
    %get3A_12 = arith.constant 1 : index
    %get3A_13 = arith.constant 0 : index
    %get3A_14 = vector.load %arg1[%get3A_11, %get3A_12, %get3A_13] : memref<256x20x128xf32, #tpu.memory_space<vmem>>, vector<256x1x64xf32>
    %get3A_15 = vector.shape_cast %get3A_14 : vector<256x1x64xf32> to vector<256x64xf32>
    %sub3A_16 = arith.subf %get3A_15, %slice3A : vector<256x64xf32>
    %concatenate3A_17 = tpu.concatenate %sub3A_16, %slice3A in 1 : vector<256x64xf32>, vector<256x64xf32> -> vector<256x128xf32>
    %dot_general3A_18 = arith.constant dense<0.000000e+00> : vector<256x64xf32>
    %dot_general3A_19 = tpu.matmul %concatenate3A_17, %get3A_4, %dot_general3A_18 {dimension_numbers = #tpu.dot_dimension_numbers<[1], [0], [0], [1], [0, 0, 1, 1], [], []>, transpose_lhs_hint = false} : vector<256x128xf32>, vector<128x64xf32>, vector<256x64xf32> -> vector<256x64xf32>
    %max3A = arith.maximumf %dot_general3A_10, %dot_general3A_19 : vector<256x64xf32>
    %get3A_20 = arith.constant 0 : index
    %get3A_21 = arith.constant 2 : index
    %get3A_22 = arith.constant 0 : index
    %get3A_23 = vector.load %arg1[%get3A_20, %get3A_21, %get3A_22] : memref<256x20x128xf32, #tpu.memory_space<vmem>>, vector<256x1x64xf32>
    %get3A_24 = vector.shape_cast %get3A_23 : vector<256x1x64xf32> to vector<256x64xf32>
    %sub3A_25 = arith.subf %get3A_24, %slice3A : vector<256x64xf32>
    %concatenate3A_26 = tpu.concatenate %sub3A_25, %slice3A in 1 : vector<256x64xf32>, vector<256x64xf32> -> vector<256x128xf32>
    %dot_general3A_27 = arith.constant dense<0.000000e+00> : vector<256x64xf32>
    %dot_general3A_28 = tpu.matmul %concatenate3A_26, %get3A_4, %dot_general3A_27 {dimension_numbers = #tpu.dot_dimension_numbers<[1], [0], [0], [1], [0, 0, 1, 1], [], []>, transpose_lhs_hint = false} : vector<256x128xf32>, vector<128x64xf32>, vector<256x64xf32> -> vector<256x64xf32>
    %max3A_29 = arith.maximumf %max3A, %dot_general3A_28 : vector<256x64xf32>
    %get3A_30 = arith.constant 0 : index
    %get3A_31 = arith.constant 3 : index
    %get3A_32 = arith.constant 0 : index
    %get3A_33 = vector.load %arg1[%get3A_30, %get3A_31, %get3A_32] : memref<256x20x128xf32, #tpu.memory_space<vmem>>, vector<256x1x64xf32>
    %get3A_34 = vector.shape_cast %get3A_33 : vector<256x1x64xf32> to vector<256x64xf32>
    %sub3A_35 = arith.subf %get3A_34, %slice3A : vector<256x64xf32>
    %concatenate3A_36 = tpu.concatenate %sub3A_35, %slice3A in 1 : vector<256x64xf32>, vector<256x64xf32> -> vector<256x128xf32>
    %dot_general3A_37 = arith.constant dense<0.000000e+00> : vector<256x64xf32>
    %dot_general3A_38 = tpu.matmul %concatenate3A_36, %get3A_4, %dot_general3A_37 {dimension_numbers = #tpu.dot_dimension_numbers<[1], [0], [0], [1], [0, 0, 1, 1], [], []>, transpose_lhs_hint = false} : vector<256x128xf32>, vector<128x64xf32>, vector<256x64xf32> -> vector<256x64xf32>
    %max3A_39 = arith.maximumf %max3A_29, %dot_general3A_38 : vector<256x64xf32>
    %get3A_40 = arith.constant 0 : index
    %get3A_41 = arith.constant 4 : index
    %get3A_42 = arith.constant 0 : index
    %get3A_43 = vector.load %arg1[%get3A_40, %get3A_41, %get3A_42] : memref<256x20x128xf32, #tpu.memory_space<vmem>>, vector<256x1x64xf32>
    %get3A_44 = vector.shape_cast %get3A_43 : vector<256x1x64xf32> to vector<256x64xf32>
    %sub3A_45 = arith.subf %get3A_44, %slice3A : vector<256x64xf32>
    %concatenate3A_46 = tpu.concatenate %sub3A_45, %slice3A in 1 : vector<256x64xf32>, vector<256x64xf32> -> vector<256x128xf32>
    %dot_general3A_47 = arith.constant dense<0.000000e+00> : vector<256x64xf32>
    %dot_general3A_48 = tpu.matmul %concatenate3A_46, %get3A_4, %dot_general3A_47 {dimension_numbers = #tpu.dot_dimension_numbers<[1], [0], [0], [1], [0, 0, 1, 1], [], []>, transpose_lhs_hint = false} : vector<256x128xf32>, vector<128x64xf32>, vector<256x64xf32> -> vector<256x64xf32>
    %max3A_49 = arith.maximumf %max3A_39, %dot_general3A_48 : vector<256x64xf32>
    %get3A_50 = arith.constant 0 : index
    %get3A_51 = arith.constant 5 : index
    %get3A_52 = arith.constant 0 : index
    %get3A_53 = vector.load %arg1[%get3A_50, %get3A_51, %get3A_52] : memref<256x20x128xf32, #tpu.memory_space<vmem>>, vector<256x1x64xf32>
    %get3A_54 = vector.shape_cast %get3A_53 : vector<256x1x64xf32> to vector<256x64xf32>
    %sub3A_55 = arith.subf %get3A_54, %slice3A : vector<256x64xf32>
    %concatenate3A_56 = tpu.concatenate %sub3A_55, %slice3A in 1 : vector<256x64xf32>, vector<256x64xf32> -> vector<256x128xf32>
    %dot_general3A_57 = arith.constant dense<0.000000e+00> : vector<256x64xf32>
    %dot_general3A_58 = tpu.matmul %concatenate3A_56, %get3A_4, %dot_general3A_57 {dimension_numbers = #tpu.dot_dimension_numbers<[1], [0], [0], [1], [0, 0, 1, 1], [], []>, transpose_lhs_hint = false} : vector<256x128xf32>, vector<128x64xf32>, vector<256x64xf32> -> vector<256x64xf32>
    %max3A_59 = arith.maximumf %max3A_49, %dot_general3A_58 : vector<256x64xf32>
    %get3A_60 = arith.constant 0 : index
    %get3A_61 = arith.constant 6 : index
    %get3A_62 = arith.constant 0 : index
    %get3A_63 = vector.load %arg1[%get3A_60, %get3A_61, %get3A_62] : memref<256x20x128xf32, #tpu.memory_space<vmem>>, vector<256x1x64xf32>
    %get3A_64 = vector.shape_cast %get3A_63 : vector<256x1x64xf32> to vector<256x64xf32>
    %sub3A_65 = arith.subf %get3A_64, %slice3A : vector<256x64xf32>
    %concatenate3A_66 = tpu.concatenate %sub3A_65, %slice3A in 1 : vector<256x64xf32>, vector<256x64xf32> -> vector<256x128xf32>
    %dot_general3A_67 = arith.constant dense<0.000000e+00> : vector<256x64xf32>
    %dot_general3A_68 = tpu.matmul %concatenate3A_66, %get3A_4, %dot_general3A_67 {dimension_numbers = #tpu.dot_dimension_numbers<[1], [0], [0], [1], [0, 0, 1, 1], [], []>, transpose_lhs_hint = false} : vector<256x128xf32>, vector<128x64xf32>, vector<256x64xf32> -> vector<256x64xf32>
    %max3A_69 = arith.maximumf %max3A_59, %dot_general3A_68 : vector<256x64xf32>
    %get3A_70 = arith.constant 0 : index
    %get3A_71 = arith.constant 7 : index
    %get3A_72 = arith.constant 0 : index
    %get3A_73 = vector.load %arg1[%get3A_70, %get3A_71, %get3A_72] : memref<256x20x128xf32, #tpu.memory_space<vmem>>, vector<256x1x64xf32>
    %get3A_74 = vector.shape_cast %get3A_73 : vector<256x1x64xf32> to vector<256x64xf32>
    %sub3A_75 = arith.subf %get3A_74, %slice3A : vector<256x64xf32>
    %concatenate3A_76 = tpu.concatenate %sub3A_75, %slice3A in 1 : vector<256x64xf32>, vector<256x64xf32> -> vector<256x128xf32>
    %dot_general3A_77 = arith.constant dense<0.000000e+00> : vector<256x64xf32>
    %dot_general3A_78 = tpu.matmul %concatenate3A_76, %get3A_4, %dot_general3A_77 {dimension_numbers = #tpu.dot_dimension_numbers<[1], [0], [0], [1], [0, 0, 1, 1], [], []>, transpose_lhs_hint = false} : vector<256x128xf32>, vector<128x64xf32>, vector<256x64xf32> -> vector<256x64xf32>
    %max3A_79 = arith.maximumf %max3A_69, %dot_general3A_78 : vector<256x64xf32>
    %get3A_80 = arith.constant 0 : index
    %get3A_81 = arith.constant 8 : index
    %get3A_82 = arith.constant 0 : index
    %get3A_83 = vector.load %arg1[%get3A_80, %get3A_81, %get3A_82] : memref<256x20x128xf32, #tpu.memory_space<vmem>>, vector<256x1x64xf32>
    %get3A_84 = vector.shape_cast %get3A_83 : vector<256x1x64xf32> to vector<256x64xf32>
    %sub3A_85 = arith.subf %get3A_84, %slice3A : vector<256x64xf32>
    %concatenate3A_86 = tpu.concatenate %sub3A_85, %slice3A in 1 : vector<256x64xf32>, vector<256x64xf32> -> vector<256x128xf32>
    %dot_general3A_87 = arith.constant dense<0.000000e+00> : vector<256x64xf32>
    %dot_general3A_88 = tpu.matmul %concatenate3A_86, %get3A_4, %dot_general3A_87 {dimension_numbers = #tpu.dot_dimension_numbers<[1], [0], [0], [1], [0, 0, 1, 1], [], []>, transpose_lhs_hint = false} : vector<256x128xf32>, vector<128x64xf32>, vector<256x64xf32> -> vector<256x64xf32>
    %max3A_89 = arith.maximumf %max3A_79, %dot_general3A_88 : vector<256x64xf32>
    %get3A_90 = arith.constant 0 : index
    %get3A_91 = arith.constant 9 : index
    %get3A_92 = arith.constant 0 : index
    %get3A_93 = vector.load %arg1[%get3A_90, %get3A_91, %get3A_92] : memref<256x20x128xf32, #tpu.memory_space<vmem>>, vector<256x1x64xf32>
    %get3A_94 = vector.shape_cast %get3A_93 : vector<256x1x64xf32> to vector<256x64xf32>
    %sub3A_95 = arith.subf %get3A_94, %slice3A : vector<256x64xf32>
    %concatenate3A_96 = tpu.concatenate %sub3A_95, %slice3A in 1 : vector<256x64xf32>, vector<256x64xf32> -> vector<256x128xf32>
    %dot_general3A_97 = arith.constant dense<0.000000e+00> : vector<256x64xf32>
    %dot_general3A_98 = tpu.matmul %concatenate3A_96, %get3A_4, %dot_general3A_97 {dimension_numbers = #tpu.dot_dimension_numbers<[1], [0], [0], [1], [0, 0, 1, 1], [], []>, transpose_lhs_hint = false} : vector<256x128xf32>, vector<128x64xf32>, vector<256x64xf32> -> vector<256x64xf32>
    %max3A_99 = arith.maximumf %max3A_89, %dot_general3A_98 : vector<256x64xf32>
    %get3A_100 = arith.constant 0 : index
    %get3A_101 = arith.constant 10 : index
    %get3A_102 = arith.constant 0 : index
    %get3A_103 = vector.load %arg1[%get3A_100, %get3A_101, %get3A_102] : memref<256x20x128xf32, #tpu.memory_space<vmem>>, vector<256x1x64xf32>
    %get3A_104 = vector.shape_cast %get3A_103 : vector<256x1x64xf32> to vector<256x64xf32>
    %sub3A_105 = arith.subf %get3A_104, %slice3A : vector<256x64xf32>
    %concatenate3A_106 = tpu.concatenate %sub3A_105, %slice3A in 1 : vector<256x64xf32>, vector<256x64xf32> -> vector<256x128xf32>
    %dot_general3A_107 = arith.constant dense<0.000000e+00> : vector<256x64xf32>
    %dot_general3A_108 = tpu.matmul %concatenate3A_106, %get3A_4, %dot_general3A_107 {dimension_numbers = #tpu.dot_dimension_numbers<[1], [0], [0], [1], [0, 0, 1, 1], [], []>, transpose_lhs_hint = false} : vector<256x128xf32>, vector<128x64xf32>, vector<256x64xf32> -> vector<256x64xf32>
    %max3A_109 = arith.maximumf %max3A_99, %dot_general3A_108 : vector<256x64xf32>
    %get3A_110 = arith.constant 0 : index
    %get3A_111 = arith.constant 11 : index
    %get3A_112 = arith.constant 0 : index
    %get3A_113 = vector.load %arg1[%get3A_110, %get3A_111, %get3A_112] : memref<256x20x128xf32, #tpu.memory_space<vmem>>, vector<256x1x64xf32>
    %get3A_114 = vector.shape_cast %get3A_113 : vector<256x1x64xf32> to vector<256x64xf32>
    %sub3A_115 = arith.subf %get3A_114, %slice3A : vector<256x64xf32>
    %concatenate3A_116 = tpu.concatenate %sub3A_115, %slice3A in 1 : vector<256x64xf32>, vector<256x64xf32> -> vector<256x128xf32>
    %dot_general3A_117 = arith.constant dense<0.000000e+00> : vector<256x64xf32>
    %dot_general3A_118 = tpu.matmul %concatenate3A_116, %get3A_4, %dot_general3A_117 {dimension_numbers = #tpu.dot_dimension_numbers<[1], [0], [0], [1], [0, 0, 1, 1], [], []>, transpose_lhs_hint = false} : vector<256x128xf32>, vector<128x64xf32>, vector<256x64xf32> -> vector<256x64xf32>
    %max3A_119 = arith.maximumf %max3A_109, %dot_general3A_118 : vector<256x64xf32>
    %get3A_120 = arith.constant 0 : index
    %get3A_121 = arith.constant 12 : index
    %get3A_122 = arith.constant 0 : index
    %get3A_123 = vector.load %arg1[%get3A_120, %get3A_121, %get3A_122] : memref<256x20x128xf32, #tpu.memory_space<vmem>>, vector<256x1x64xf32>
    %get3A_124 = vector.shape_cast %get3A_123 : vector<256x1x64xf32> to vector<256x64xf32>
    %sub3A_125 = arith.subf %get3A_124, %slice3A : vector<256x64xf32>
    %concatenate3A_126 = tpu.concatenate %sub3A_125, %slice3A in 1 : vector<256x64xf32>, vector<256x64xf32> -> vector<256x128xf32>
    %dot_general3A_127 = arith.constant dense<0.000000e+00> : vector<256x64xf32>
    %dot_general3A_128 = tpu.matmul %concatenate3A_126, %get3A_4, %dot_general3A_127 {dimension_numbers = #tpu.dot_dimension_numbers<[1], [0], [0], [1], [0, 0, 1, 1], [], []>, transpose_lhs_hint = false} : vector<256x128xf32>, vector<128x64xf32>, vector<256x64xf32> -> vector<256x64xf32>
    %max3A_129 = arith.maximumf %max3A_119, %dot_general3A_128 : vector<256x64xf32>
    %get3A_130 = arith.constant 0 : index
    %get3A_131 = arith.constant 13 : index
    %get3A_132 = arith.constant 0 : index
    %get3A_133 = vector.load %arg1[%get3A_130, %get3A_131, %get3A_132] : memref<256x20x128xf32, #tpu.memory_space<vmem>>, vector<256x1x64xf32>
    %get3A_134 = vector.shape_cast %get3A_133 : vector<256x1x64xf32> to vector<256x64xf32>
    %sub3A_135 = arith.subf %get3A_134, %slice3A : vector<256x64xf32>
    %concatenate3A_136 = tpu.concatenate %sub3A_135, %slice3A in 1 : vector<256x64xf32>, vector<256x64xf32> -> vector<256x128xf32>
    %dot_general3A_137 = arith.constant dense<0.000000e+00> : vector<256x64xf32>
    %dot_general3A_138 = tpu.matmul %concatenate3A_136, %get3A_4, %dot_general3A_137 {dimension_numbers = #tpu.dot_dimension_numbers<[1], [0], [0], [1], [0, 0, 1, 1], [], []>, transpose_lhs_hint = false} : vector<256x128xf32>, vector<128x64xf32>, vector<256x64xf32> -> vector<256x64xf32>
    %max3A_139 = arith.maximumf %max3A_129, %dot_general3A_138 : vector<256x64xf32>
    %get3A_140 = arith.constant 0 : index
    %get3A_141 = arith.constant 14 : index
    %get3A_142 = arith.constant 0 : index
    %get3A_143 = vector.load %arg1[%get3A_140, %get3A_141, %get3A_142] : memref<256x20x128xf32, #tpu.memory_space<vmem>>, vector<256x1x64xf32>
    %get3A_144 = vector.shape_cast %get3A_143 : vector<256x1x64xf32> to vector<256x64xf32>
    %sub3A_145 = arith.subf %get3A_144, %slice3A : vector<256x64xf32>
    %concatenate3A_146 = tpu.concatenate %sub3A_145, %slice3A in 1 : vector<256x64xf32>, vector<256x64xf32> -> vector<256x128xf32>
    %dot_general3A_147 = arith.constant dense<0.000000e+00> : vector<256x64xf32>
    %dot_general3A_148 = tpu.matmul %concatenate3A_146, %get3A_4, %dot_general3A_147 {dimension_numbers = #tpu.dot_dimension_numbers<[1], [0], [0], [1], [0, 0, 1, 1], [], []>, transpose_lhs_hint = false} : vector<256x128xf32>, vector<128x64xf32>, vector<256x64xf32> -> vector<256x64xf32>
    %max3A_149 = arith.maximumf %max3A_139, %dot_general3A_148 : vector<256x64xf32>
    %get3A_150 = arith.constant 0 : index
    %get3A_151 = arith.constant 15 : index
    %get3A_152 = arith.constant 0 : index
    %get3A_153 = vector.load %arg1[%get3A_150, %get3A_151, %get3A_152] : memref<256x20x128xf32, #tpu.memory_space<vmem>>, vector<256x1x64xf32>
    %get3A_154 = vector.shape_cast %get3A_153 : vector<256x1x64xf32> to vector<256x64xf32>
    %sub3A_155 = arith.subf %get3A_154, %slice3A : vector<256x64xf32>
    %concatenate3A_156 = tpu.concatenate %sub3A_155, %slice3A in 1 : vector<256x64xf32>, vector<256x64xf32> -> vector<256x128xf32>
    %dot_general3A_157 = arith.constant dense<0.000000e+00> : vector<256x64xf32>
    %dot_general3A_158 = tpu.matmul %concatenate3A_156, %get3A_4, %dot_general3A_157 {dimension_numbers = #tpu.dot_dimension_numbers<[1], [0], [0], [1], [0, 0, 1, 1], [], []>, transpose_lhs_hint = false} : vector<256x128xf32>, vector<128x64xf32>, vector<256x64xf32> -> vector<256x64xf32>
    %max3A_159 = arith.maximumf %max3A_149, %dot_general3A_158 : vector<256x64xf32>
    %get3A_160 = arith.constant 0 : index
    %get3A_161 = arith.constant 16 : index
    %get3A_162 = arith.constant 0 : index
    %get3A_163 = vector.load %arg1[%get3A_160, %get3A_161, %get3A_162] : memref<256x20x128xf32, #tpu.memory_space<vmem>>, vector<256x1x64xf32>
    %get3A_164 = vector.shape_cast %get3A_163 : vector<256x1x64xf32> to vector<256x64xf32>
    %sub3A_165 = arith.subf %get3A_164, %slice3A : vector<256x64xf32>
    %concatenate3A_166 = tpu.concatenate %sub3A_165, %slice3A in 1 : vector<256x64xf32>, vector<256x64xf32> -> vector<256x128xf32>
    %dot_general3A_167 = arith.constant dense<0.000000e+00> : vector<256x64xf32>
    %dot_general3A_168 = tpu.matmul %concatenate3A_166, %get3A_4, %dot_general3A_167 {dimension_numbers = #tpu.dot_dimension_numbers<[1], [0], [0], [1], [0, 0, 1, 1], [], []>, transpose_lhs_hint = false} : vector<256x128xf32>, vector<128x64xf32>, vector<256x64xf32> -> vector<256x64xf32>
    %max3A_169 = arith.maximumf %max3A_159, %dot_general3A_168 : vector<256x64xf32>
    %get3A_170 = arith.constant 0 : index
    %get3A_171 = arith.constant 17 : index
    %get3A_172 = arith.constant 0 : index
    %get3A_173 = vector.load %arg1[%get3A_170, %get3A_171, %get3A_172] : memref<256x20x128xf32, #tpu.memory_space<vmem>>, vector<256x1x64xf32>
    %get3A_174 = vector.shape_cast %get3A_173 : vector<256x1x64xf32> to vector<256x64xf32>
    %sub3A_175 = arith.subf %get3A_174, %slice3A : vector<256x64xf32>
    %concatenate3A_176 = tpu.concatenate %sub3A_175, %slice3A in 1 : vector<256x64xf32>, vector<256x64xf32> -> vector<256x128xf32>
    %dot_general3A_177 = arith.constant dense<0.000000e+00> : vector<256x64xf32>
    %dot_general3A_178 = tpu.matmul %concatenate3A_176, %get3A_4, %dot_general3A_177 {dimension_numbers = #tpu.dot_dimension_numbers<[1], [0], [0], [1], [0, 0, 1, 1], [], []>, transpose_lhs_hint = false} : vector<256x128xf32>, vector<128x64xf32>, vector<256x64xf32> -> vector<256x64xf32>
    %max3A_179 = arith.maximumf %max3A_169, %dot_general3A_178 : vector<256x64xf32>
    %get3A_180 = arith.constant 0 : index
    %get3A_181 = arith.constant 18 : index
    %get3A_182 = arith.constant 0 : index
    %get3A_183 = vector.load %arg1[%get3A_180, %get3A_181, %get3A_182] : memref<256x20x128xf32, #tpu.memory_space<vmem>>, vector<256x1x64xf32>
    %get3A_184 = vector.shape_cast %get3A_183 : vector<256x1x64xf32> to vector<256x64xf32>
    %sub3A_185 = arith.subf %get3A_184, %slice3A : vector<256x64xf32>
    %concatenate3A_186 = tpu.concatenate %sub3A_185, %slice3A in 1 : vector<256x64xf32>, vector<256x64xf32> -> vector<256x128xf32>
    %dot_general3A_187 = arith.constant dense<0.000000e+00> : vector<256x64xf32>
    %dot_general3A_188 = tpu.matmul %concatenate3A_186, %get3A_4, %dot_general3A_187 {dimension_numbers = #tpu.dot_dimension_numbers<[1], [0], [0], [1], [0, 0, 1, 1], [], []>, transpose_lhs_hint = false} : vector<256x128xf32>, vector<128x64xf32>, vector<256x64xf32> -> vector<256x64xf32>
    %max3A_189 = arith.maximumf %max3A_179, %dot_general3A_188 : vector<256x64xf32>
    %get3A_190 = arith.constant 0 : index
    %get3A_191 = arith.constant 19 : index
    %get3A_192 = arith.constant 0 : index
    %get3A_193 = vector.load %arg1[%get3A_190, %get3A_191, %get3A_192] : memref<256x20x128xf32, #tpu.memory_space<vmem>>, vector<256x1x64xf32>
    %get3A_194 = vector.shape_cast %get3A_193 : vector<256x1x64xf32> to vector<256x64xf32>
    %sub3A_195 = arith.subf %get3A_194, %slice3A : vector<256x64xf32>
    %concatenate3A_196 = tpu.concatenate %sub3A_195, %slice3A in 1 : vector<256x64xf32>, vector<256x64xf32> -> vector<256x128xf32>
    %dot_general3A_197 = arith.constant dense<0.000000e+00> : vector<256x64xf32>
    %dot_general3A_198 = tpu.matmul %concatenate3A_196, %get3A_4, %dot_general3A_197 {dimension_numbers = #tpu.dot_dimension_numbers<[1], [0], [0], [1], [0, 0, 1, 1], [], []>, transpose_lhs_hint = false} : vector<256x128xf32>, vector<128x64xf32>, vector<256x64xf32> -> vector<256x64xf32>
    %max3A_199 = arith.maximumf %max3A_189, %dot_general3A_198 : vector<256x64xf32>
    %swap3A = arith.constant 0 : index
    %swap3A_200 = arith.constant 0 : index
    %swap3A_201 = vector.load %arg4[%swap3A, %swap3A_200] : memref<256x64xf32, #tpu.memory_space<vmem>>, vector<256x64xf32>
    tpu.vector_store %arg4[%swap3A, %swap3A_200], %max3A_199 {strides = array<i32>} : memref<256x64xf32, #tpu.memory_space<vmem>>, vector<256x64xf32>,
    return
  }
  func.func @transform_0(%arg0: i32) -> (i32, i32, i32) {
    %c0_i32 = arith.constant 0 : i32
    %c0_i32_0 = arith.constant 0 : i32
    %c0_i32_1 = arith.constant 0 : i32
    return %arg0, %c0_i32, %c0_i32_0 : i32, i32, i32
  }
  func.func @transform_1(%arg0: i32) -> (i32, i32) {
    %c0_i32 = arith.constant 0 : i32
    %c0_i32_0 = arith.constant 0 : i32
    return %arg0, %c0_i32 : i32, i32
  }
  func.func @transform_2(%arg0: i32) -> (i32, i32) {
    %c0_i32 = arith.constant 0 : i32
    %c0_i32_0 = arith.constant 0 : i32
    %c0_i32_1 = arith.constant 0 : i32
    return %c0_i32, %c0_i32_0 : i32, i32
  }
  func.func @transform_3(%arg0: i32) -> (i32, i32) {
    %c0_i32 = arith.constant 0 : i32
    %c0_i32_0 = arith.constant 0 : i32
    return %arg0, %c0_i32 : i32, i32
  }
}

module attributes {stable_mosaic.version = 14 : i64} {
  func.func @body(%arg0: i32, %arg1: memref<256x20x128xf32, #tpu.memory_space<vmem>>, %arg2: memref<256x128xf32, #tpu.memory_space<vmem>>, %arg3: memref<128x128xf32, #tpu.memory_space<vmem>>, %arg4: memref<256x128xf32, #tpu.memory_space<vmem>>) attributes {dimension_semantics = [#tpu.dimension_semantics<arbitrary>], iteration_bounds = array<i64: 64>, scalar_prefetch = 0 : i64, scratch_operands = 0 : i64, tpu.core_type = #tpu.core_type<tc>, window_params = [{transform_indices = @transform_0, window_bounds = array<i64: 256, 20, 128>}, {transform_indices = @transform_1, window_bounds = array<i64: 256, 128>}, {pipeline_mode = #tpu.pipeline_mode<synchronous>, transform_indices = @transform_2, window_bounds = array<i64: 128, 128>}, {transform_indices = @transform_3, window_bounds = array<i64: 256, 128>}]} {
    %get3A = arith.constant 0 : index
    %get3A_0 = arith.constant 0 : index
    %get3A_1 = vector.load %arg2[%get3A, %get3A_0] : memref<256x128xf32, #tpu.memory_space<vmem>>, vector<256x128xf32>
    %slice3A = vector.extract_strided_slice %get3A_1 {offsets = [0, 0], sizes = [256, 64], strides = [1, 1]} : vector<256x128xf32> to vector<256x64xf32>
    %get3A_2 = arith.constant 0 : index
    %get3A_3 = arith.constant 0 : index
    %get3A_4 = vector.load %arg3[%get3A_2, %get3A_3] : memref<128x128xf32, #tpu.memory_space<vmem>>, vector<128x128xf32>
    %get3A_5 = arith.constant 0 : index
    %get3A_6 = arith.constant 0 : index
    %get3A_7 = arith.constant 0 : index
    %get3A_8 = vector.load %arg1[%get3A_5, %get3A_6, %get3A_7] : memref<256x20x128xf32, #tpu.memory_space<vmem>>, vector<256x1x64xf32>
    %get3A_9 = vector.shape_cast %get3A_8 : vector<256x1x64xf32> to vector<256x64xf32>
    %sub3A = arith.subf %get3A_9, %slice3A : vector<256x64xf32>
    %concatenate3A = tpu.concatenate %sub3A, %slice3A in 1 : vector<256x64xf32>, vector<256x64xf32> -> vector<256x128xf32>
    %dot_general3A = arith.constant dense<0.000000e+00> : vector<256x128xf32>
    %dot_general3A_10 = tpu.matmul %concatenate3A, %get3A_4, %dot_general3A {dimension_numbers = #tpu.dot_dimension_numbers<[1], [0], [0], [1], [0, 0, 1, 1], [], []>, transpose_lhs_hint = false} : vector<256x128xf32>, vector<128x128xf32>, vector<256x128xf32> -> vector<256x128xf32>
    %get3A_11 = arith.constant 0 : index
    %get3A_12 = arith.constant 1 : index
    %get3A_13 = arith.constant 0 : index
    %get3A_14 = vector.load %arg1[%get3A_11, %get3A_12, %get3A_13] : memref<256x20x128xf32, #tpu.memory_space<vmem>>, vector<256x1x64xf32>
    %get3A_15 = vector.shape_cast %get3A_14 : vector<256x1x64xf32> to vector<256x64xf32>
    %sub3A_16 = arith.subf %get3A_15, %slice3A : vector<256x64xf32>
    %concatenate3A_17 = tpu.concatenate %sub3A_16, %slice3A in 1 : vector<256x64xf32>, vector<256x64xf32> -> vector<256x128xf32>
    %dot_general3A_18 = arith.constant dense<0.000000e+00> : vector<256x128xf32>
    %dot_general3A_19 = tpu.matmul %concatenate3A_17, %get3A_4, %dot_general3A_18 {dimension_numbers = #tpu.dot_dimension_numbers<[1], [0], [0], [1], [0, 0, 1, 1], [], []>, transpose_lhs_hint = false} : vector<256x128xf32>, vector<128x128xf32>, vector<256x128xf32> -> vector<256x128xf32>
    %max3A = arith.maximumf %dot_general3A_10, %dot_general3A_19 : vector<256x128xf32>
    %get3A_20 = arith.constant 0 : index
    %get3A_21 = arith.constant 2 : index
    %get3A_22 = arith.constant 0 : index
    %get3A_23 = vector.load %arg1[%get3A_20, %get3A_21, %get3A_22] : memref<256x20x128xf32, #tpu.memory_space<vmem>>, vector<256x1x64xf32>
    %get3A_24 = vector.shape_cast %get3A_23 : vector<256x1x64xf32> to vector<256x64xf32>
    %sub3A_25 = arith.subf %get3A_24, %slice3A : vector<256x64xf32>
    %concatenate3A_26 = tpu.concatenate %sub3A_25, %slice3A in 1 : vector<256x64xf32>, vector<256x64xf32> -> vector<256x128xf32>
    %dot_general3A_27 = arith.constant dense<0.000000e+00> : vector<256x128xf32>
    %dot_general3A_28 = tpu.matmul %concatenate3A_26, %get3A_4, %dot_general3A_27 {dimension_numbers = #tpu.dot_dimension_numbers<[1], [0], [0], [1], [0, 0, 1, 1], [], []>, transpose_lhs_hint = false} : vector<256x128xf32>, vector<128x128xf32>, vector<256x128xf32> -> vector<256x128xf32>
    %max3A_29 = arith.maximumf %max3A, %dot_general3A_28 : vector<256x128xf32>
    %get3A_30 = arith.constant 0 : index
    %get3A_31 = arith.constant 3 : index
    %get3A_32 = arith.constant 0 : index
    %get3A_33 = vector.load %arg1[%get3A_30, %get3A_31, %get3A_32] : memref<256x20x128xf32, #tpu.memory_space<vmem>>, vector<256x1x64xf32>
    %get3A_34 = vector.shape_cast %get3A_33 : vector<256x1x64xf32> to vector<256x64xf32>
    %sub3A_35 = arith.subf %get3A_34, %slice3A : vector<256x64xf32>
    %concatenate3A_36 = tpu.concatenate %sub3A_35, %slice3A in 1 : vector<256x64xf32>, vector<256x64xf32> -> vector<256x128xf32>
    %dot_general3A_37 = arith.constant dense<0.000000e+00> : vector<256x128xf32>
    %dot_general3A_38 = tpu.matmul %concatenate3A_36, %get3A_4, %dot_general3A_37 {dimension_numbers = #tpu.dot_dimension_numbers<[1], [0], [0], [1], [0, 0, 1, 1], [], []>, transpose_lhs_hint = false} : vector<256x128xf32>, vector<128x128xf32>, vector<256x128xf32> -> vector<256x128xf32>
    %max3A_39 = arith.maximumf %max3A_29, %dot_general3A_38 : vector<256x128xf32>
    %get3A_40 = arith.constant 0 : index
    %get3A_41 = arith.constant 4 : index
    %get3A_42 = arith.constant 0 : index
    %get3A_43 = vector.load %arg1[%get3A_40, %get3A_41, %get3A_42] : memref<256x20x128xf32, #tpu.memory_space<vmem>>, vector<256x1x64xf32>
    %get3A_44 = vector.shape_cast %get3A_43 : vector<256x1x64xf32> to vector<256x64xf32>
    %sub3A_45 = arith.subf %get3A_44, %slice3A : vector<256x64xf32>
    %concatenate3A_46 = tpu.concatenate %sub3A_45, %slice3A in 1 : vector<256x64xf32>, vector<256x64xf32> -> vector<256x128xf32>
    %dot_general3A_47 = arith.constant dense<0.000000e+00> : vector<256x128xf32>
    %dot_general3A_48 = tpu.matmul %concatenate3A_46, %get3A_4, %dot_general3A_47 {dimension_numbers = #tpu.dot_dimension_numbers<[1], [0], [0], [1], [0, 0, 1, 1], [], []>, transpose_lhs_hint = false} : vector<256x128xf32>, vector<128x128xf32>, vector<256x128xf32> -> vector<256x128xf32>
    %max3A_49 = arith.maximumf %max3A_39, %dot_general3A_48 : vector<256x128xf32>
    %get3A_50 = arith.constant 0 : index
    %get3A_51 = arith.constant 5 : index
    %get3A_52 = arith.constant 0 : index
    %get3A_53 = vector.load %arg1[%get3A_50, %get3A_51, %get3A_52] : memref<256x20x128xf32, #tpu.memory_space<vmem>>, vector<256x1x64xf32>
    %get3A_54 = vector.shape_cast %get3A_53 : vector<256x1x64xf32> to vector<256x64xf32>
    %sub3A_55 = arith.subf %get3A_54, %slice3A : vector<256x64xf32>
    %concatenate3A_56 = tpu.concatenate %sub3A_55, %slice3A in 1 : vector<256x64xf32>, vector<256x64xf32> -> vector<256x128xf32>
    %dot_general3A_57 = arith.constant dense<0.000000e+00> : vector<256x128xf32>
    %dot_general3A_58 = tpu.matmul %concatenate3A_56, %get3A_4, %dot_general3A_57 {dimension_numbers = #tpu.dot_dimension_numbers<[1], [0], [0], [1], [0, 0, 1, 1], [], []>, transpose_lhs_hint = false} : vector<256x128xf32>, vector<128x128xf32>, vector<256x128xf32> -> vector<256x128xf32>
    %max3A_59 = arith.maximumf %max3A_49, %dot_general3A_58 : vector<256x128xf32>
    %get3A_60 = arith.constant 0 : index
    %get3A_61 = arith.constant 6 : index
    %get3A_62 = arith.constant 0 : index
    %get3A_63 = vector.load %arg1[%get3A_60, %get3A_61, %get3A_62] : memref<256x20x128xf32, #tpu.memory_space<vmem>>, vector<256x1x64xf32>
    %get3A_64 = vector.shape_cast %get3A_63 : vector<256x1x64xf32> to vector<256x64xf32>
    %sub3A_65 = arith.subf %get3A_64, %slice3A : vector<256x64xf32>
    %concatenate3A_66 = tpu.concatenate %sub3A_65, %slice3A in 1 : vector<256x64xf32>, vector<256x64xf32> -> vector<256x128xf32>
    %dot_general3A_67 = arith.constant dense<0.000000e+00> : vector<256x128xf32>
    %dot_general3A_68 = tpu.matmul %concatenate3A_66, %get3A_4, %dot_general3A_67 {dimension_numbers = #tpu.dot_dimension_numbers<[1], [0], [0], [1], [0, 0, 1, 1], [], []>, transpose_lhs_hint = false} : vector<256x128xf32>, vector<128x128xf32>, vector<256x128xf32> -> vector<256x128xf32>
    %max3A_69 = arith.maximumf %max3A_59, %dot_general3A_68 : vector<256x128xf32>
    %get3A_70 = arith.constant 0 : index
    %get3A_71 = arith.constant 7 : index
    %get3A_72 = arith.constant 0 : index
    %get3A_73 = vector.load %arg1[%get3A_70, %get3A_71, %get3A_72] : memref<256x20x128xf32, #tpu.memory_space<vmem>>, vector<256x1x64xf32>
    %get3A_74 = vector.shape_cast %get3A_73 : vector<256x1x64xf32> to vector<256x64xf32>
    %sub3A_75 = arith.subf %get3A_74, %slice3A : vector<256x64xf32>
    %concatenate3A_76 = tpu.concatenate %sub3A_75, %slice3A in 1 : vector<256x64xf32>, vector<256x64xf32> -> vector<256x128xf32>
    %dot_general3A_77 = arith.constant dense<0.000000e+00> : vector<256x128xf32>
    %dot_general3A_78 = tpu.matmul %concatenate3A_76, %get3A_4, %dot_general3A_77 {dimension_numbers = #tpu.dot_dimension_numbers<[1], [0], [0], [1], [0, 0, 1, 1], [], []>, transpose_lhs_hint = false} : vector<256x128xf32>, vector<128x128xf32>, vector<256x128xf32> -> vector<256x128xf32>
    %max3A_79 = arith.maximumf %max3A_69, %dot_general3A_78 : vector<256x128xf32>
    %get3A_80 = arith.constant 0 : index
    %get3A_81 = arith.constant 8 : index
    %get3A_82 = arith.constant 0 : index
    %get3A_83 = vector.load %arg1[%get3A_80, %get3A_81, %get3A_82] : memref<256x20x128xf32, #tpu.memory_space<vmem>>, vector<256x1x64xf32>
    %get3A_84 = vector.shape_cast %get3A_83 : vector<256x1x64xf32> to vector<256x64xf32>
    %sub3A_85 = arith.subf %get3A_84, %slice3A : vector<256x64xf32>
    %concatenate3A_86 = tpu.concatenate %sub3A_85, %slice3A in 1 : vector<256x64xf32>, vector<256x64xf32> -> vector<256x128xf32>
    %dot_general3A_87 = arith.constant dense<0.000000e+00> : vector<256x128xf32>
    %dot_general3A_88 = tpu.matmul %concatenate3A_86, %get3A_4, %dot_general3A_87 {dimension_numbers = #tpu.dot_dimension_numbers<[1], [0], [0], [1], [0, 0, 1, 1], [], []>, transpose_lhs_hint = false} : vector<256x128xf32>, vector<128x128xf32>, vector<256x128xf32> -> vector<256x128xf32>
    %max3A_89 = arith.maximumf %max3A_79, %dot_general3A_88 : vector<256x128xf32>
    %get3A_90 = arith.constant 0 : index
    %get3A_91 = arith.constant 9 : index
    %get3A_92 = arith.constant 0 : index
    %get3A_93 = vector.load %arg1[%get3A_90, %get3A_91, %get3A_92] : memref<256x20x128xf32, #tpu.memory_space<vmem>>, vector<256x1x64xf32>
    %get3A_94 = vector.shape_cast %get3A_93 : vector<256x1x64xf32> to vector<256x64xf32>
    %sub3A_95 = arith.subf %get3A_94, %slice3A : vector<256x64xf32>
    %concatenate3A_96 = tpu.concatenate %sub3A_95, %slice3A in 1 : vector<256x64xf32>, vector<256x64xf32> -> vector<256x128xf32>
    %dot_general3A_97 = arith.constant dense<0.000000e+00> : vector<256x128xf32>
    %dot_general3A_98 = tpu.matmul %concatenate3A_96, %get3A_4, %dot_general3A_97 {dimension_numbers = #tpu.dot_dimension_numbers<[1], [0], [0], [1], [0, 0, 1, 1], [], []>, transpose_lhs_hint = false} : vector<256x128xf32>, vector<128x128xf32>, vector<256x128xf32> -> vector<256x128xf32>
    %max3A_99 = arith.maximumf %max3A_89, %dot_general3A_98 : vector<256x128xf32>
    %get3A_100 = arith.constant 0 : index
    %get3A_101 = arith.constant 10 : index
    %get3A_102 = arith.constant 0 : index
    %get3A_103 = vector.load %arg1[%get3A_100, %get3A_101, %get3A_102] : memref<256x20x128xf32, #tpu.memory_space<vmem>>, vector<256x1x64xf32>
    %get3A_104 = vector.shape_cast %get3A_103 : vector<256x1x64xf32> to vector<256x64xf32>
    %sub3A_105 = arith.subf %get3A_104, %slice3A : vector<256x64xf32>
    %concatenate3A_106 = tpu.concatenate %sub3A_105, %slice3A in 1 : vector<256x64xf32>, vector<256x64xf32> -> vector<256x128xf32>
    %dot_general3A_107 = arith.constant dense<0.000000e+00> : vector<256x128xf32>
    %dot_general3A_108 = tpu.matmul %concatenate3A_106, %get3A_4, %dot_general3A_107 {dimension_numbers = #tpu.dot_dimension_numbers<[1], [0], [0], [1], [0, 0, 1, 1], [], []>, transpose_lhs_hint = false} : vector<256x128xf32>, vector<128x128xf32>, vector<256x128xf32> -> vector<256x128xf32>
    %max3A_109 = arith.maximumf %max3A_99, %dot_general3A_108 : vector<256x128xf32>
    %get3A_110 = arith.constant 0 : index
    %get3A_111 = arith.constant 11 : index
    %get3A_112 = arith.constant 0 : index
    %get3A_113 = vector.load %arg1[%get3A_110, %get3A_111, %get3A_112] : memref<256x20x128xf32, #tpu.memory_space<vmem>>, vector<256x1x64xf32>
    %get3A_114 = vector.shape_cast %get3A_113 : vector<256x1x64xf32> to vector<256x64xf32>
    %sub3A_115 = arith.subf %get3A_114, %slice3A : vector<256x64xf32>
    %concatenate3A_116 = tpu.concatenate %sub3A_115, %slice3A in 1 : vector<256x64xf32>, vector<256x64xf32> -> vector<256x128xf32>
    %dot_general3A_117 = arith.constant dense<0.000000e+00> : vector<256x128xf32>
    %dot_general3A_118 = tpu.matmul %concatenate3A_116, %get3A_4, %dot_general3A_117 {dimension_numbers = #tpu.dot_dimension_numbers<[1], [0], [0], [1], [0, 0, 1, 1], [], []>, transpose_lhs_hint = false} : vector<256x128xf32>, vector<128x128xf32>, vector<256x128xf32> -> vector<256x128xf32>
    %max3A_119 = arith.maximumf %max3A_109, %dot_general3A_118 : vector<256x128xf32>
    %get3A_120 = arith.constant 0 : index
    %get3A_121 = arith.constant 12 : index
    %get3A_122 = arith.constant 0 : index
    %get3A_123 = vector.load %arg1[%get3A_120, %get3A_121, %get3A_122] : memref<256x20x128xf32, #tpu.memory_space<vmem>>, vector<256x1x64xf32>
    %get3A_124 = vector.shape_cast %get3A_123 : vector<256x1x64xf32> to vector<256x64xf32>
    %sub3A_125 = arith.subf %get3A_124, %slice3A : vector<256x64xf32>
    %concatenate3A_126 = tpu.concatenate %sub3A_125, %slice3A in 1 : vector<256x64xf32>, vector<256x64xf32> -> vector<256x128xf32>
    %dot_general3A_127 = arith.constant dense<0.000000e+00> : vector<256x128xf32>
    %dot_general3A_128 = tpu.matmul %concatenate3A_126, %get3A_4, %dot_general3A_127 {dimension_numbers = #tpu.dot_dimension_numbers<[1], [0], [0], [1], [0, 0, 1, 1], [], []>, transpose_lhs_hint = false} : vector<256x128xf32>, vector<128x128xf32>, vector<256x128xf32> -> vector<256x128xf32>
    %max3A_129 = arith.maximumf %max3A_119, %dot_general3A_128 : vector<256x128xf32>
    %get3A_130 = arith.constant 0 : index
    %get3A_131 = arith.constant 13 : index
    %get3A_132 = arith.constant 0 : index
    %get3A_133 = vector.load %arg1[%get3A_130, %get3A_131, %get3A_132] : memref<256x20x128xf32, #tpu.memory_space<vmem>>, vector<256x1x64xf32>
    %get3A_134 = vector.shape_cast %get3A_133 : vector<256x1x64xf32> to vector<256x64xf32>
    %sub3A_135 = arith.subf %get3A_134, %slice3A : vector<256x64xf32>
    %concatenate3A_136 = tpu.concatenate %sub3A_135, %slice3A in 1 : vector<256x64xf32>, vector<256x64xf32> -> vector<256x128xf32>
    %dot_general3A_137 = arith.constant dense<0.000000e+00> : vector<256x128xf32>
    %dot_general3A_138 = tpu.matmul %concatenate3A_136, %get3A_4, %dot_general3A_137 {dimension_numbers = #tpu.dot_dimension_numbers<[1], [0], [0], [1], [0, 0, 1, 1], [], []>, transpose_lhs_hint = false} : vector<256x128xf32>, vector<128x128xf32>, vector<256x128xf32> -> vector<256x128xf32>
    %max3A_139 = arith.maximumf %max3A_129, %dot_general3A_138 : vector<256x128xf32>
    %get3A_140 = arith.constant 0 : index
    %get3A_141 = arith.constant 14 : index
    %get3A_142 = arith.constant 0 : index
    %get3A_143 = vector.load %arg1[%get3A_140, %get3A_141, %get3A_142] : memref<256x20x128xf32, #tpu.memory_space<vmem>>, vector<256x1x64xf32>
    %get3A_144 = vector.shape_cast %get3A_143 : vector<256x1x64xf32> to vector<256x64xf32>
    %sub3A_145 = arith.subf %get3A_144, %slice3A : vector<256x64xf32>
    %concatenate3A_146 = tpu.concatenate %sub3A_145, %slice3A in 1 : vector<256x64xf32>, vector<256x64xf32> -> vector<256x128xf32>
    %dot_general3A_147 = arith.constant dense<0.000000e+00> : vector<256x128xf32>
    %dot_general3A_148 = tpu.matmul %concatenate3A_146, %get3A_4, %dot_general3A_147 {dimension_numbers = #tpu.dot_dimension_numbers<[1], [0], [0], [1], [0, 0, 1, 1], [], []>, transpose_lhs_hint = false} : vector<256x128xf32>, vector<128x128xf32>, vector<256x128xf32> -> vector<256x128xf32>
    %max3A_149 = arith.maximumf %max3A_139, %dot_general3A_148 : vector<256x128xf32>
    %get3A_150 = arith.constant 0 : index
    %get3A_151 = arith.constant 15 : index
    %get3A_152 = arith.constant 0 : index
    %get3A_153 = vector.load %arg1[%get3A_150, %get3A_151, %get3A_152] : memref<256x20x128xf32, #tpu.memory_space<vmem>>, vector<256x1x64xf32>
    %get3A_154 = vector.shape_cast %get3A_153 : vector<256x1x64xf32> to vector<256x64xf32>
    %sub3A_155 = arith.subf %get3A_154, %slice3A : vector<256x64xf32>
    %concatenate3A_156 = tpu.concatenate %sub3A_155, %slice3A in 1 : vector<256x64xf32>, vector<256x64xf32> -> vector<256x128xf32>
    %dot_general3A_157 = arith.constant dense<0.000000e+00> : vector<256x128xf32>
    %dot_general3A_158 = tpu.matmul %concatenate3A_156, %get3A_4, %dot_general3A_157 {dimension_numbers = #tpu.dot_dimension_numbers<[1], [0], [0], [1], [0, 0, 1, 1], [], []>, transpose_lhs_hint = false} : vector<256x128xf32>, vector<128x128xf32>, vector<256x128xf32> -> vector<256x128xf32>
    %max3A_159 = arith.maximumf %max3A_149, %dot_general3A_158 : vector<256x128xf32>
    %get3A_160 = arith.constant 0 : index
    %get3A_161 = arith.constant 16 : index
    %get3A_162 = arith.constant 0 : index
    %get3A_163 = vector.load %arg1[%get3A_160, %get3A_161, %get3A_162] : memref<256x20x128xf32, #tpu.memory_space<vmem>>, vector<256x1x64xf32>
    %get3A_164 = vector.shape_cast %get3A_163 : vector<256x1x64xf32> to vector<256x64xf32>
    %sub3A_165 = arith.subf %get3A_164, %slice3A : vector<256x64xf32>
    %concatenate3A_166 = tpu.concatenate %sub3A_165, %slice3A in 1 : vector<256x64xf32>, vector<256x64xf32> -> vector<256x128xf32>
    %dot_general3A_167 = arith.constant dense<0.000000e+00> : vector<256x128xf32>
    %dot_general3A_168 = tpu.matmul %concatenate3A_166, %get3A_4, %dot_general3A_167 {dimension_numbers = #tpu.dot_dimension_numbers<[1], [0], [0], [1], [0, 0, 1, 1], [], []>, transpose_lhs_hint = false} : vector<256x128xf32>, vector<128x128xf32>, vector<256x128xf32> -> vector<256x128xf32>
    %max3A_169 = arith.maximumf %max3A_159, %dot_general3A_168 : vector<256x128xf32>
    %get3A_170 = arith.constant 0 : index
    %get3A_171 = arith.constant 17 : index
    %get3A_172 = arith.constant 0 : index
    %get3A_173 = vector.load %arg1[%get3A_170, %get3A_171, %get3A_172] : memref<256x20x128xf32, #tpu.memory_space<vmem>>, vector<256x1x64xf32>
    %get3A_174 = vector.shape_cast %get3A_173 : vector<256x1x64xf32> to vector<256x64xf32>
    %sub3A_175 = arith.subf %get3A_174, %slice3A : vector<256x64xf32>
    %concatenate3A_176 = tpu.concatenate %sub3A_175, %slice3A in 1 : vector<256x64xf32>, vector<256x64xf32> -> vector<256x128xf32>
    %dot_general3A_177 = arith.constant dense<0.000000e+00> : vector<256x128xf32>
    %dot_general3A_178 = tpu.matmul %concatenate3A_176, %get3A_4, %dot_general3A_177 {dimension_numbers = #tpu.dot_dimension_numbers<[1], [0], [0], [1], [0, 0, 1, 1], [], []>, transpose_lhs_hint = false} : vector<256x128xf32>, vector<128x128xf32>, vector<256x128xf32> -> vector<256x128xf32>
    %max3A_179 = arith.maximumf %max3A_169, %dot_general3A_178 : vector<256x128xf32>
    %get3A_180 = arith.constant 0 : index
    %get3A_181 = arith.constant 18 : index
    %get3A_182 = arith.constant 0 : index
    %get3A_183 = vector.load %arg1[%get3A_180, %get3A_181, %get3A_182] : memref<256x20x128xf32, #tpu.memory_space<vmem>>, vector<256x1x64xf32>
    %get3A_184 = vector.shape_cast %get3A_183 : vector<256x1x64xf32> to vector<256x64xf32>
    %sub3A_185 = arith.subf %get3A_184, %slice3A : vector<256x64xf32>
    %concatenate3A_186 = tpu.concatenate %sub3A_185, %slice3A in 1 : vector<256x64xf32>, vector<256x64xf32> -> vector<256x128xf32>
    %dot_general3A_187 = arith.constant dense<0.000000e+00> : vector<256x128xf32>
    %dot_general3A_188 = tpu.matmul %concatenate3A_186, %get3A_4, %dot_general3A_187 {dimension_numbers = #tpu.dot_dimension_numbers<[1], [0], [0], [1], [0, 0, 1, 1], [], []>, transpose_lhs_hint = false} : vector<256x128xf32>, vector<128x128xf32>, vector<256x128xf32> -> vector<256x128xf32>
    %max3A_189 = arith.maximumf %max3A_179, %dot_general3A_188 : vector<256x128xf32>
    %get3A_190 = arith.constant 0 : index
    %get3A_191 = arith.constant 19 : index
    %get3A_192 = arith.constant 0 : index
    %get3A_193 = vector.load %arg1[%get3A_190, %get3A_191, %get3A_192] : memref<256x20x128xf32, #tpu.memory_space<vmem>>, vector<256x1x64xf32>
    %get3A_194 = vector.shape_cast %get3A_193 : vector<256x1x64xf32> to vector<256x64xf32>
    %sub3A_195 = arith.subf %get3A_194, %slice3A : vector<256x64xf32>
    %concatenate3A_196 = tpu.concatenate %sub3A_195, %slice3A in 1 : vector<256x64xf32>, vector<256x64xf32> -> vector<256x128xf32>
    %dot_general3A_197 = arith.constant dense<0.000000e+00> : vector<256x128xf32>
    %dot_general3A_198 = tpu.matmul %concatenate3A_196, %get3A_4, %dot_general3A_197 {dimension_numbers = #tpu.dot_dimension_numbers<[1], [0], [0], [1], [0, 0, 1, 1], [], []>, transpose_lhs_hint = false} : vector<256x128xf32>, vector<128x128xf32>, vector<256x128xf32> -> vector<256x128xf32>
    %max3A_199 = arith.maximumf %max3A_189, %dot_general3A_198 : vector<256x128xf32>
    %swap3A = arith.constant 0 : index
    %swap3A_200 = arith.constant 0 : index
    %swap3A_201 = vector.load %arg4[%swap3A, %swap3A_200] : memref<256x128xf32, #tpu.memory_space<vmem>>, vector<256x128xf32>
    tpu.vector_store %arg4[%swap3A, %swap3A_200], %max3A_199 {strides = array<i32>} : memref<256x128xf32, #tpu.memory_space<vmem>>, vector<256x128xf32>,
    return
  }
  func.func @transform_0(%arg0: i32) -> (i32, i32, i32) {
    %c0_i32 = arith.constant 0 : i32
    %c0_i32_0 = arith.constant 0 : i32
    %c0_i32_1 = arith.constant 0 : i32
    return %arg0, %c0_i32, %c0_i32_0 : i32, i32, i32
  }
  func.func @transform_1(%arg0: i32) -> (i32, i32) {
    %c0_i32 = arith.constant 0 : i32
    %c0_i32_0 = arith.constant 0 : i32
    return %arg0, %c0_i32 : i32, i32
  }
  func.func @transform_2(%arg0: i32) -> (i32, i32) {
    %c0_i32 = arith.constant 0 : i32
    %c0_i32_0 = arith.constant 0 : i32
    %c0_i32_1 = arith.constant 0 : i32
    return %c0_i32, %c0_i32_0 : i32, i32
  }
  func.func @transform_3(%arg0: i32) -> (i32, i32) {
    %c0_i32 = arith.constant 0 : i32
    %c0_i32_0 = arith.constant 0 : i32
    return %arg0, %c0_i32 : i32, i32
  }
}

module attributes {stable_mosaic.version = 14 : i64} {
  func.func @body(%arg0: i32, %arg1: memref<2048x128xf32, #tpu.memory_space<vmem>>, %arg2: memref<1x128xf32, #tpu.memory_space<vmem>>, %arg3: memref<1x128xf32, #tpu.memory_space<vmem>>, %arg4: memref<1x128xf32, #tpu.memory_space<vmem>>, %arg5: memref<1x128xf32, #tpu.memory_space<vmem>>, %arg6: memref<2048x128xf32, #tpu.memory_space<vmem>>) attributes {dimension_semantics = [#tpu.dimension_semantics<arbitrary>], iteration_bounds = array<i64: 8>, scalar_prefetch = 0 : i64, scratch_operands = 0 : i64, tpu.core_type = #tpu.core_type<tc>, window_params = [{transform_indices = @transform_0, window_bounds = array<i64: 2048, 128>}, {pipeline_mode = #tpu.pipeline_mode<synchronous>, transform_indices = @transform_1, window_bounds = array<i64: 1, 128>}, {pipeline_mode = #tpu.pipeline_mode<synchronous>, transform_indices = @transform_2, window_bounds = array<i64: 1, 128>}, {pipeline_mode = #tpu.pipeline_mode<synchronous>, transform_indices = @transform_3, window_bounds = array<i64: 1, 128>}, {pipeline_mode = #tpu.pipeline_mode<synchronous>, transform_indices = @transform_4, window_bounds = array<i64: 1, 128>}, {transform_indices = @transform_5, window_bounds = array<i64: 2048, 128>}]} {
    %get3A = arith.constant 0 : index
    %get3A_0 = arith.constant 0 : index
    %get3A_1 = vector.load %arg1[%get3A, %get3A_0] : memref<2048x128xf32, #tpu.memory_space<vmem>>, vector<2048x128xf32>
    %get3A_2 = arith.constant 0 : index
    %get3A_3 = arith.constant 0 : index
    %get3A_4 = vector.load %arg2[%get3A_2, %get3A_3] : memref<1x128xf32, #tpu.memory_space<vmem>>, vector<1x128xf32>
    %sub3A = vector.broadcast %get3A_4 : vector<1x128xf32> to vector<2048x128xf32>
    %sub3A_5 = arith.subf %get3A_1, %sub3A : vector<2048x128xf32>
    %get3A_6 = arith.constant 0 : index
    %get3A_7 = arith.constant 0 : index
    %get3A_8 = vector.load %arg3[%get3A_6, %get3A_7] : memref<1x128xf32, #tpu.memory_space<vmem>>, vector<1x128xf32>
    %div3A = vector.broadcast %get3A_8 : vector<1x128xf32> to vector<2048x128xf32>
    %div3A_9 = arith.divf %sub3A_5, %div3A : vector<2048x128xf32>
    %get3A_10 = arith.constant 0 : index
    %get3A_11 = arith.constant 0 : index
    %get3A_12 = vector.load %arg4[%get3A_10, %get3A_11] : memref<1x128xf32, #tpu.memory_space<vmem>>, vector<1x128xf32>
    %mul3A = vector.broadcast %get3A_12 : vector<1x128xf32> to vector<2048x128xf32>
    %mul3A_13 = arith.mulf %div3A_9, %mul3A : vector<2048x128xf32>
    %get3A_14 = arith.constant 0 : index
    %get3A_15 = arith.constant 0 : index
    %get3A_16 = vector.load %arg5[%get3A_14, %get3A_15] : memref<1x128xf32, #tpu.memory_space<vmem>>, vector<1x128xf32>
    %add3A = vector.broadcast %get3A_16 : vector<1x128xf32> to vector<2048x128xf32>
    %add3A_17 = arith.addf %mul3A_13, %add3A : vector<2048x128xf32>
    %gt3A = arith.constant 0.000000e+00 : f32
    %gt3A_18 = vector.broadcast %gt3A : f32 to vector<2048x128xf32>
    %gt3A_19 = arith.cmpf ogt, %add3A_17, %gt3A_18 : vector<2048x128xf32>
    %mul3A_20 = arith.constant 2.000000e-01 : f32
    %mul3A_21 = vector.broadcast %mul3A_20 : f32 to vector<2048x128xf32>
    %mul3A_22 = arith.mulf %mul3A_21, %add3A_17 : vector<2048x128xf32>
    %select_n3A = arith.select %gt3A_19, %add3A_17, %mul3A_22 : vector<2048x128xi1>, vector<2048x128xf32>
    %swap3A = arith.constant 0 : index
    %swap3A_23 = arith.constant 0 : index
    %swap3A_24 = vector.load %arg6[%swap3A, %swap3A_23] : memref<2048x128xf32, #tpu.memory_space<vmem>>, vector<2048x128xf32>
    tpu.vector_store %arg6[%swap3A, %swap3A_23], %select_n3A {strides = array<i32>} : memref<2048x128xf32, #tpu.memory_space<vmem>>, vector<2048x128xf32>,
    return
  }
  func.func @transform_0(%arg0: i32) -> (i32, i32) {
    %c0_i32 = arith.constant 0 : i32
    %c0_i32_0 = arith.constant 0 : i32
    return %arg0, %c0_i32 : i32, i32
  }
  func.func @transform_1(%arg0: i32) -> (i32, i32) {
    %c0_i32 = arith.constant 0 : i32
    %c0_i32_0 = arith.constant 0 : i32
    %c0_i32_1 = arith.constant 0 : i32
    return %c0_i32, %c0_i32_0 : i32, i32
  }
  func.func @transform_2(%arg0: i32) -> (i32, i32) {
    %c0_i32 = arith.constant 0 : i32
    %c0_i32_0 = arith.constant 0 : i32
    %c0_i32_1 = arith.constant 0 : i32
    return %c0_i32, %c0_i32_0 : i32, i32
  }
  func.func @transform_3(%arg0: i32) -> (i32, i32) {
    %c0_i32 = arith.constant 0 : i32
    %c0_i32_0 = arith.constant 0 : i32
    %c0_i32_1 = arith.constant 0 : i32
    return %c0_i32, %c0_i32_0 : i32, i32
  }
  func.func @transform_4(%arg0: i32) -> (i32, i32) {
    %c0_i32 = arith.constant 0 : i32
    %c0_i32_0 = arith.constant 0 : i32
    %c0_i32_1 = arith.constant 0 : i32
    return %c0_i32, %c0_i32_0 : i32, i32
  }
  func.func @transform_5(%arg0: i32) -> (i32, i32) {
    %c0_i32 = arith.constant 0 : i32
    %c0_i32_0 = arith.constant 0 : i32
    return %arg0, %c0_i32 : i32, i32
  }
}

module attributes {stable_mosaic.version = 14 : i64} {
  func.func @body(%arg0: i32, %arg1: i32, %arg2: memref<1x256x128xf32, #tpu.memory_space<vmem>>, %arg3: memref<1x2048x128xf32, #tpu.memory_space<vmem>>, %arg4: memref<1x256x20xi32, #tpu.memory_space<vmem>>) attributes {dimension_semantics = [#tpu.dimension_semantics<arbitrary>, #tpu.dimension_semantics<arbitrary>], iteration_bounds = array<i64: 8, 8>, scalar_prefetch = 0 : i64, scratch_operands = 0 : i64, tpu.core_type = #tpu.core_type<tc>, window_params = [{transform_indices = @transform_0, window_bounds = array<i64: 1, 256, 128>}, {transform_indices = @transform_1, window_bounds = array<i64: 1, 2048, 128>}, {transform_indices = @transform_2, window_bounds = array<i64: 1, 256, 20>}]} {
    %get3A = arith.constant 0 : index
    %get3A_0 = arith.constant 0 : index
    %get3A_1 = arith.constant 0 : index
    %get3A_2 = vector.load %arg2[%get3A, %get3A_0, %get3A_1] : memref<1x256x128xf32, #tpu.memory_space<vmem>>, vector<1x256x128xf32>
    %get3A_3 = vector.shape_cast %get3A_2 : vector<1x256x128xf32> to vector<256x128xf32>
    %get3A_4 = arith.constant 0 : index
    %get3A_5 = arith.constant 0 : index
    %get3A_6 = arith.constant 0 : index
    %get3A_7 = vector.load %arg3[%get3A_4, %get3A_5, %get3A_6] : memref<1x2048x128xf32, #tpu.memory_space<vmem>>, vector<1x2048x128xf32>
    %get3A_8 = vector.shape_cast %get3A_7 : vector<1x2048x128xf32> to vector<2048x128xf32>
    %dot_general3A = arith.constant dense<0.000000e+00> : vector<256x2048xf32>
    %dot_general3A_9 = tpu.matmul %get3A_3, %get3A_8, %dot_general3A {dimension_numbers = #tpu.dot_dimension_numbers<[1], [1], [0], [0], [0, 0, 1, 0], [], []>, transpose_lhs_hint = false} : vector<256x128xf32>, vector<2048x128xf32>, vector<256x2048xf32> -> vector<256x2048xf32>
    %mul3A = arith.mulf %get3A_3, %get3A_3 : vector<256x128xf32>
    %reduce_sum3A = arith.constant dense<0.000000e+00> : vector<256xf32>
    %reduce_sum3A_10 = vector.multi_reduction <add>, %mul3A, %reduce_sum3A [1] : vector<256x128xf32> to vector<256xf32>
    %mul3A_11 = arith.mulf %get3A_8, %get3A_8 : vector<2048x128xf32>
    %reduce_sum3A_12 = arith.constant dense<0.000000e+00> : vector<2048xf32>
    %reduce_sum3A_13 = vector.multi_reduction <add>, %mul3A_11, %reduce_sum3A_12 [1] : vector<2048x128xf32> to vector<2048xf32>
    %mul3A_14 = arith.constant 2.000000e+00 : f32
    %mul3A_15 = vector.broadcast %mul3A_14 : f32 to vector<256x2048xf32>
    %mul3A_16 = arith.mulf %mul3A_15, %dot_general3A_9 : vector<256x2048xf32>
    %broadcast_in_dim3A = vector.shape_cast %reduce_sum3A_10 : vector<256xf32> to vector<256x1xf32>
    %sub3A = vector.broadcast %broadcast_in_dim3A : vector<256x1xf32> to vector<256x2048xf32>
    %sub3A_17 = arith.subf %mul3A_16, %sub3A : vector<256x2048xf32>
    %broadcast_in_dim3A_18 = vector.shape_cast %reduce_sum3A_13 : vector<2048xf32> to vector<1x2048xf32>
    %sub3A_19 = vector.broadcast %broadcast_in_dim3A_18 : vector<1x2048xf32> to vector<256x2048xf32>
    %sub3A_20 = arith.subf %sub3A_17, %sub3A_19 : vector<256x2048xf32>
    %iota3A = tpu.iota {dimensions = array<i32: 1>} : vector<256x2048xi32>
    %iota3A_21 = tpu.iota {dimensions = array<i32: 1>} : vector<256x20xi32>
    %broadcast_in_dim3A_22 = arith.constant 0 : i32
    %broadcast_in_dim3A_23 = vector.broadcast %broadcast_in_dim3A_22 : i32 to vector<256x20xi32>
    %reduce_max3A = arith.constant dense<0xFF800000> : vector<256xf32>
    %reduce_max3A_24 = vector.multi_reduction <maximumf>, %sub3A_20, %reduce_max3A [1] : vector<256x2048xf32> to vector<256xf32>
    %broadcast_in_dim3A_25 = vector.shape_cast %reduce_max3A_24 : vector<256xf32> to vector<256x1xf32>
    %eq3A = vector.broadcast %broadcast_in_dim3A_25 : vector<256x1xf32> to vector<256x2048xf32>
    %eq3A_26 = arith.cmpf oeq, %sub3A_20, %eq3A : vector<256x2048xf32>
    %jit3A = arith.constant 1073741824 : i32
    %broadcast_in_dim3A_27 = vector.broadcast %jit3A : i32 to vector<256x2048xi32>
    %select_n3A = arith.select %eq3A_26, %iota3A, %broadcast_in_dim3A_27 : vector<256x2048xi1>, vector<256x2048xi32>
    %reduce_min3A = arith.constant dense<2147483647> : vector<256xi32>
    %reduce_min3A_28 = vector.multi_reduction <minsi>, %select_n3A, %reduce_min3A [1] : vector<256x2048xi32> to vector<256xi32>
    %eq3A_29 = arith.constant 0 : i32
    %eq3A_30 = vector.broadcast %eq3A_29 : i32 to vector<256x20xi32>
    %eq3A_31 = arith.cmpi eq, %iota3A_21, %eq3A_30 : vector<256x20xi32>
    %broadcast_in_dim3A_32 = vector.shape_cast %reduce_min3A_28 : vector<256xi32> to vector<256x1xi32>
    %broadcast_in_dim3A_33 = vector.shape_cast %broadcast_in_dim3A_32 : vector<256x1xi32> to vector<256x1xi32>
    %broadcast_in_dim3A_34 = vector.broadcast %broadcast_in_dim3A_33 : vector<256x1xi32> to vector<256x20xi32>
    %select_n3A_35 = arith.select %eq3A_31, %broadcast_in_dim3A_34, %broadcast_in_dim3A_23 : vector<256x20xi1>, vector<256x20xi32>
    %broadcast_in_dim3A_36 = vector.shape_cast %reduce_min3A_28 : vector<256xi32> to vector<256x1xi32>
    %eq3A_37 = vector.broadcast %broadcast_in_dim3A_36 : vector<256x1xi32> to vector<256x2048xi32>
    %eq3A_38 = arith.cmpi eq, %iota3A, %eq3A_37 : vector<256x2048xi32>
    %jit3A_39 = arith.constant 0xFF800000 : f32
    %broadcast_in_dim3A_40 = vector.broadcast %jit3A_39 : f32 to vector<256x2048xf32>
    %select_n3A_41 = arith.select %eq3A_38, %broadcast_in_dim3A_40, %sub3A_20 : vector<256x2048xi1>, vector<256x2048xf32>
    %reduce_max3A_42 = arith.constant dense<0xFF800000> : vector<256xf32>
    %reduce_max3A_43 = vector.multi_reduction <maximumf>, %select_n3A_41, %reduce_max3A_42 [1] : vector<256x2048xf32> to vector<256xf32>
    %broadcast_in_dim3A_44 = vector.shape_cast %reduce_max3A_43 : vector<256xf32> to vector<256x1xf32>
    %eq3A_45 = vector.broadcast %broadcast_in_dim3A_44 : vector<256x1xf32> to vector<256x2048xf32>
    %eq3A_46 = arith.cmpf oeq, %select_n3A_41, %eq3A_45 : vector<256x2048xf32>
    %jit3A_47 = arith.constant 1073741824 : i32
    %broadcast_in_dim3A_48 = vector.broadcast %jit3A_47 : i32 to vector<256x2048xi32>
    %select_n3A_49 = arith.select %eq3A_46, %iota3A, %broadcast_in_dim3A_48 : vector<256x2048xi1>, vector<256x2048xi32>
    %reduce_min3A_50 = arith.constant dense<2147483647> : vector<256xi32>
    %reduce_min3A_51 = vector.multi_reduction <minsi>, %select_n3A_49, %reduce_min3A_50 [1] : vector<256x2048xi32> to vector<256xi32>
    %eq3A_52 = arith.constant 1 : i32
    %eq3A_53 = vector.broadcast %eq3A_52 : i32 to vector<256x20xi32>
    %eq3A_54 = arith.cmpi eq, %iota3A_21, %eq3A_53 : vector<256x20xi32>
    %broadcast_in_dim3A_55 = vector.shape_cast %reduce_min3A_51 : vector<256xi32> to vector<256x1xi32>
    %broadcast_in_dim3A_56 = vector.shape_cast %broadcast_in_dim3A_55 : vector<256x1xi32> to vector<256x1xi32>
    %broadcast_in_dim3A_57 = vector.broadcast %broadcast_in_dim3A_56 : vector<256x1xi32> to vector<256x20xi32>
    %select_n3A_58 = arith.select %eq3A_54, %broadcast_in_dim3A_57, %select_n3A_35 : vector<256x20xi1>, vector<256x20xi32>
    %broadcast_in_dim3A_59 = vector.shape_cast %reduce_min3A_51 : vector<256xi32> to vector<256x1xi32>
    %eq3A_60 = vector.broadcast %broadcast_in_dim3A_59 : vector<256x1xi32> to vector<256x2048xi32>
    %eq3A_61 = arith.cmpi eq, %iota3A, %eq3A_60 : vector<256x2048xi32>
    %jit3A_62 = arith.constant 0xFF800000 : f32
    %broadcast_in_dim3A_63 = vector.broadcast %jit3A_62 : f32 to vector<256x2048xf32>
    %select_n3A_64 = arith.select %eq3A_61, %broadcast_in_dim3A_63, %select_n3A_41 : vector<256x2048xi1>, vector<256x2048xf32>
    %reduce_max3A_65 = arith.constant dense<0xFF800000> : vector<256xf32>
    %reduce_max3A_66 = vector.multi_reduction <maximumf>, %select_n3A_64, %reduce_max3A_65 [1] : vector<256x2048xf32> to vector<256xf32>
    %broadcast_in_dim3A_67 = vector.shape_cast %reduce_max3A_66 : vector<256xf32> to vector<256x1xf32>
    %eq3A_68 = vector.broadcast %broadcast_in_dim3A_67 : vector<256x1xf32> to vector<256x2048xf32>
    %eq3A_69 = arith.cmpf oeq, %select_n3A_64, %eq3A_68 : vector<256x2048xf32>
    %jit3A_70 = arith.constant 1073741824 : i32
    %broadcast_in_dim3A_71 = vector.broadcast %jit3A_70 : i32 to vector<256x2048xi32>
    %select_n3A_72 = arith.select %eq3A_69, %iota3A, %broadcast_in_dim3A_71 : vector<256x2048xi1>, vector<256x2048xi32>
    %reduce_min3A_73 = arith.constant dense<2147483647> : vector<256xi32>
    %reduce_min3A_74 = vector.multi_reduction <minsi>, %select_n3A_72, %reduce_min3A_73 [1] : vector<256x2048xi32> to vector<256xi32>
    %eq3A_75 = arith.constant 2 : i32
    %eq3A_76 = vector.broadcast %eq3A_75 : i32 to vector<256x20xi32>
    %eq3A_77 = arith.cmpi eq, %iota3A_21, %eq3A_76 : vector<256x20xi32>
    %broadcast_in_dim3A_78 = vector.shape_cast %reduce_min3A_74 : vector<256xi32> to vector<256x1xi32>
    %broadcast_in_dim3A_79 = vector.shape_cast %broadcast_in_dim3A_78 : vector<256x1xi32> to vector<256x1xi32>
    %broadcast_in_dim3A_80 = vector.broadcast %broadcast_in_dim3A_79 : vector<256x1xi32> to vector<256x20xi32>
    %select_n3A_81 = arith.select %eq3A_77, %broadcast_in_dim3A_80, %select_n3A_58 : vector<256x20xi1>, vector<256x20xi32>
    %broadcast_in_dim3A_82 = vector.shape_cast %reduce_min3A_74 : vector<256xi32> to vector<256x1xi32>
    %eq3A_83 = vector.broadcast %broadcast_in_dim3A_82 : vector<256x1xi32> to vector<256x2048xi32>
    %eq3A_84 = arith.cmpi eq, %iota3A, %eq3A_83 : vector<256x2048xi32>
    %jit3A_85 = arith.constant 0xFF800000 : f32
    %broadcast_in_dim3A_86 = vector.broadcast %jit3A_85 : f32 to vector<256x2048xf32>
    %select_n3A_87 = arith.select %eq3A_84, %broadcast_in_dim3A_86, %select_n3A_64 : vector<256x2048xi1>, vector<256x2048xf32>
    %reduce_max3A_88 = arith.constant dense<0xFF800000> : vector<256xf32>
    %reduce_max3A_89 = vector.multi_reduction <maximumf>, %select_n3A_87, %reduce_max3A_88 [1] : vector<256x2048xf32> to vector<256xf32>
    %broadcast_in_dim3A_90 = vector.shape_cast %reduce_max3A_89 : vector<256xf32> to vector<256x1xf32>
    %eq3A_91 = vector.broadcast %broadcast_in_dim3A_90 : vector<256x1xf32> to vector<256x2048xf32>
    %eq3A_92 = arith.cmpf oeq, %select_n3A_87, %eq3A_91 : vector<256x2048xf32>
    %jit3A_93 = arith.constant 1073741824 : i32
    %broadcast_in_dim3A_94 = vector.broadcast %jit3A_93 : i32 to vector<256x2048xi32>
    %select_n3A_95 = arith.select %eq3A_92, %iota3A, %broadcast_in_dim3A_94 : vector<256x2048xi1>, vector<256x2048xi32>
    %reduce_min3A_96 = arith.constant dense<2147483647> : vector<256xi32>
    %reduce_min3A_97 = vector.multi_reduction <minsi>, %select_n3A_95, %reduce_min3A_96 [1] : vector<256x2048xi32> to vector<256xi32>
    %eq3A_98 = arith.constant 3 : i32
    %eq3A_99 = vector.broadcast %eq3A_98 : i32 to vector<256x20xi32>
    %eq3A_100 = arith.cmpi eq, %iota3A_21, %eq3A_99 : vector<256x20xi32>
    %broadcast_in_dim3A_101 = vector.shape_cast %reduce_min3A_97 : vector<256xi32> to vector<256x1xi32>
    %broadcast_in_dim3A_102 = vector.shape_cast %broadcast_in_dim3A_101 : vector<256x1xi32> to vector<256x1xi32>
    %broadcast_in_dim3A_103 = vector.broadcast %broadcast_in_dim3A_102 : vector<256x1xi32> to vector<256x20xi32>
    %select_n3A_104 = arith.select %eq3A_100, %broadcast_in_dim3A_103, %select_n3A_81 : vector<256x20xi1>, vector<256x20xi32>
    %broadcast_in_dim3A_105 = vector.shape_cast %reduce_min3A_97 : vector<256xi32> to vector<256x1xi32>
    %eq3A_106 = vector.broadcast %broadcast_in_dim3A_105 : vector<256x1xi32> to vector<256x2048xi32>
    %eq3A_107 = arith.cmpi eq, %iota3A, %eq3A_106 : vector<256x2048xi32>
    %jit3A_108 = arith.constant 0xFF800000 : f32
    %broadcast_in_dim3A_109 = vector.broadcast %jit3A_108 : f32 to vector<256x2048xf32>
    %select_n3A_110 = arith.select %eq3A_107, %broadcast_in_dim3A_109, %select_n3A_87 : vector<256x2048xi1>, vector<256x2048xf32>
    %reduce_max3A_111 = arith.constant dense<0xFF800000> : vector<256xf32>
    %reduce_max3A_112 = vector.multi_reduction <maximumf>, %select_n3A_110, %reduce_max3A_111 [1] : vector<256x2048xf32> to vector<256xf32>
    %broadcast_in_dim3A_113 = vector.shape_cast %reduce_max3A_112 : vector<256xf32> to vector<256x1xf32>
    %eq3A_114 = vector.broadcast %broadcast_in_dim3A_113 : vector<256x1xf32> to vector<256x2048xf32>
    %eq3A_115 = arith.cmpf oeq, %select_n3A_110, %eq3A_114 : vector<256x2048xf32>
    %jit3A_116 = arith.constant 1073741824 : i32
    %broadcast_in_dim3A_117 = vector.broadcast %jit3A_116 : i32 to vector<256x2048xi32>
    %select_n3A_118 = arith.select %eq3A_115, %iota3A, %broadcast_in_dim3A_117 : vector<256x2048xi1>, vector<256x2048xi32>
    %reduce_min3A_119 = arith.constant dense<2147483647> : vector<256xi32>
    %reduce_min3A_120 = vector.multi_reduction <minsi>, %select_n3A_118, %reduce_min3A_119 [1] : vector<256x2048xi32> to vector<256xi32>
    %eq3A_121 = arith.constant 4 : i32
    %eq3A_122 = vector.broadcast %eq3A_121 : i32 to vector<256x20xi32>
    %eq3A_123 = arith.cmpi eq, %iota3A_21, %eq3A_122 : vector<256x20xi32>
    %broadcast_in_dim3A_124 = vector.shape_cast %reduce_min3A_120 : vector<256xi32> to vector<256x1xi32>
    %broadcast_in_dim3A_125 = vector.shape_cast %broadcast_in_dim3A_124 : vector<256x1xi32> to vector<256x1xi32>
    %broadcast_in_dim3A_126 = vector.broadcast %broadcast_in_dim3A_125 : vector<256x1xi32> to vector<256x20xi32>
    %select_n3A_127 = arith.select %eq3A_123, %broadcast_in_dim3A_126, %select_n3A_104 : vector<256x20xi1>, vector<256x20xi32>
    %broadcast_in_dim3A_128 = vector.shape_cast %reduce_min3A_120 : vector<256xi32> to vector<256x1xi32>
    %eq3A_129 = vector.broadcast %broadcast_in_dim3A_128 : vector<256x1xi32> to vector<256x2048xi32>
    %eq3A_130 = arith.cmpi eq, %iota3A, %eq3A_129 : vector<256x2048xi32>
    %jit3A_131 = arith.constant 0xFF800000 : f32
    %broadcast_in_dim3A_132 = vector.broadcast %jit3A_131 : f32 to vector<256x2048xf32>
    %select_n3A_133 = arith.select %eq3A_130, %broadcast_in_dim3A_132, %select_n3A_110 : vector<256x2048xi1>, vector<256x2048xf32>
    %reduce_max3A_134 = arith.constant dense<0xFF800000> : vector<256xf32>
    %reduce_max3A_135 = vector.multi_reduction <maximumf>, %select_n3A_133, %reduce_max3A_134 [1] : vector<256x2048xf32> to vector<256xf32>
    %broadcast_in_dim3A_136 = vector.shape_cast %reduce_max3A_135 : vector<256xf32> to vector<256x1xf32>
    %eq3A_137 = vector.broadcast %broadcast_in_dim3A_136 : vector<256x1xf32> to vector<256x2048xf32>
    %eq3A_138 = arith.cmpf oeq, %select_n3A_133, %eq3A_137 : vector<256x2048xf32>
    %jit3A_139 = arith.constant 1073741824 : i32
    %broadcast_in_dim3A_140 = vector.broadcast %jit3A_139 : i32 to vector<256x2048xi32>
    %select_n3A_141 = arith.select %eq3A_138, %iota3A, %broadcast_in_dim3A_140 : vector<256x2048xi1>, vector<256x2048xi32>
    %reduce_min3A_142 = arith.constant dense<2147483647> : vector<256xi32>
    %reduce_min3A_143 = vector.multi_reduction <minsi>, %select_n3A_141, %reduce_min3A_142 [1] : vector<256x2048xi32> to vector<256xi32>
    %eq3A_144 = arith.constant 5 : i32
    %eq3A_145 = vector.broadcast %eq3A_144 : i32 to vector<256x20xi32>
    %eq3A_146 = arith.cmpi eq, %iota3A_21, %eq3A_145 : vector<256x20xi32>
    %broadcast_in_dim3A_147 = vector.shape_cast %reduce_min3A_143 : vector<256xi32> to vector<256x1xi32>
    %broadcast_in_dim3A_148 = vector.shape_cast %broadcast_in_dim3A_147 : vector<256x1xi32> to vector<256x1xi32>
    %broadcast_in_dim3A_149 = vector.broadcast %broadcast_in_dim3A_148 : vector<256x1xi32> to vector<256x20xi32>
    %select_n3A_150 = arith.select %eq3A_146, %broadcast_in_dim3A_149, %select_n3A_127 : vector<256x20xi1>, vector<256x20xi32>
    %broadcast_in_dim3A_151 = vector.shape_cast %reduce_min3A_143 : vector<256xi32> to vector<256x1xi32>
    %eq3A_152 = vector.broadcast %broadcast_in_dim3A_151 : vector<256x1xi32> to vector<256x2048xi32>
    %eq3A_153 = arith.cmpi eq, %iota3A, %eq3A_152 : vector<256x2048xi32>
    %jit3A_154 = arith.constant 0xFF800000 : f32
    %broadcast_in_dim3A_155 = vector.broadcast %jit3A_154 : f32 to vector<256x2048xf32>
    %select_n3A_156 = arith.select %eq3A_153, %broadcast_in_dim3A_155, %select_n3A_133 : vector<256x2048xi1>, vector<256x2048xf32>
    %reduce_max3A_157 = arith.constant dense<0xFF800000> : vector<256xf32>
    %reduce_max3A_158 = vector.multi_reduction <maximumf>, %select_n3A_156, %reduce_max3A_157 [1] : vector<256x2048xf32> to vector<256xf32>
    %broadcast_in_dim3A_159 = vector.shape_cast %reduce_max3A_158 : vector<256xf32> to vector<256x1xf32>
    %eq3A_160 = vector.broadcast %broadcast_in_dim3A_159 : vector<256x1xf32> to vector<256x2048xf32>
    %eq3A_161 = arith.cmpf oeq, %select_n3A_156, %eq3A_160 : vector<256x2048xf32>
    %jit3A_162 = arith.constant 1073741824 : i32
    %broadcast_in_dim3A_163 = vector.broadcast %jit3A_162 : i32 to vector<256x2048xi32>
    %select_n3A_164 = arith.select %eq3A_161, %iota3A, %broadcast_in_dim3A_163 : vector<256x2048xi1>, vector<256x2048xi32>
    %reduce_min3A_165 = arith.constant dense<2147483647> : vector<256xi32>
    %reduce_min3A_166 = vector.multi_reduction <minsi>, %select_n3A_164, %reduce_min3A_165 [1] : vector<256x2048xi32> to vector<256xi32>
    %eq3A_167 = arith.constant 6 : i32
    %eq3A_168 = vector.broadcast %eq3A_167 : i32 to vector<256x20xi32>
    %eq3A_169 = arith.cmpi eq, %iota3A_21, %eq3A_168 : vector<256x20xi32>
    %broadcast_in_dim3A_170 = vector.shape_cast %reduce_min3A_166 : vector<256xi32> to vector<256x1xi32>
    %broadcast_in_dim3A_171 = vector.shape_cast %broadcast_in_dim3A_170 : vector<256x1xi32> to vector<256x1xi32>
    %broadcast_in_dim3A_172 = vector.broadcast %broadcast_in_dim3A_171 : vector<256x1xi32> to vector<256x20xi32>
    %select_n3A_173 = arith.select %eq3A_169, %broadcast_in_dim3A_172, %select_n3A_150 : vector<256x20xi1>, vector<256x20xi32>
    %broadcast_in_dim3A_174 = vector.shape_cast %reduce_min3A_166 : vector<256xi32> to vector<256x1xi32>
    %eq3A_175 = vector.broadcast %broadcast_in_dim3A_174 : vector<256x1xi32> to vector<256x2048xi32>
    %eq3A_176 = arith.cmpi eq, %iota3A, %eq3A_175 : vector<256x2048xi32>
    %jit3A_177 = arith.constant 0xFF800000 : f32
    %broadcast_in_dim3A_178 = vector.broadcast %jit3A_177 : f32 to vector<256x2048xf32>
    %select_n3A_179 = arith.select %eq3A_176, %broadcast_in_dim3A_178, %select_n3A_156 : vector<256x2048xi1>, vector<256x2048xf32>
    %reduce_max3A_180 = arith.constant dense<0xFF800000> : vector<256xf32>
    %reduce_max3A_181 = vector.multi_reduction <maximumf>, %select_n3A_179, %reduce_max3A_180 [1] : vector<256x2048xf32> to vector<256xf32>
    %broadcast_in_dim3A_182 = vector.shape_cast %reduce_max3A_181 : vector<256xf32> to vector<256x1xf32>
    %eq3A_183 = vector.broadcast %broadcast_in_dim3A_182 : vector<256x1xf32> to vector<256x2048xf32>
    %eq3A_184 = arith.cmpf oeq, %select_n3A_179, %eq3A_183 : vector<256x2048xf32>
    %jit3A_185 = arith.constant 1073741824 : i32
    %broadcast_in_dim3A_186 = vector.broadcast %jit3A_185 : i32 to vector<256x2048xi32>
    %select_n3A_187 = arith.select %eq3A_184, %iota3A, %broadcast_in_dim3A_186 : vector<256x2048xi1>, vector<256x2048xi32>
    %reduce_min3A_188 = arith.constant dense<2147483647> : vector<256xi32>
    %reduce_min3A_189 = vector.multi_reduction <minsi>, %select_n3A_187, %reduce_min3A_188 [1] : vector<256x2048xi32> to vector<256xi32>
    %eq3A_190 = arith.constant 7 : i32
    %eq3A_191 = vector.broadcast %eq3A_190 : i32 to vector<256x20xi32>
    %eq3A_192 = arith.cmpi eq, %iota3A_21, %eq3A_191 : vector<256x20xi32>
    %broadcast_in_dim3A_193 = vector.shape_cast %reduce_min3A_189 : vector<256xi32> to vector<256x1xi32>
    %broadcast_in_dim3A_194 = vector.shape_cast %broadcast_in_dim3A_193 : vector<256x1xi32> to vector<256x1xi32>
    %broadcast_in_dim3A_195 = vector.broadcast %broadcast_in_dim3A_194 : vector<256x1xi32> to vector<256x20xi32>
    %select_n3A_196 = arith.select %eq3A_192, %broadcast_in_dim3A_195, %select_n3A_173 : vector<256x20xi1>, vector<256x20xi32>
    %broadcast_in_dim3A_197 = vector.shape_cast %reduce_min3A_189 : vector<256xi32> to vector<256x1xi32>
    %eq3A_198 = vector.broadcast %broadcast_in_dim3A_197 : vector<256x1xi32> to vector<256x2048xi32>
    %eq3A_199 = arith.cmpi eq, %iota3A, %eq3A_198 : vector<256x2048xi32>
    %jit3A_200 = arith.constant 0xFF800000 : f32
    %broadcast_in_dim3A_201 = vector.broadcast %jit3A_200 : f32 to vector<256x2048xf32>
    %select_n3A_202 = arith.select %eq3A_199, %broadcast_in_dim3A_201, %select_n3A_179 : vector<256x2048xi1>, vector<256x2048xf32>
    %reduce_max3A_203 = arith.constant dense<0xFF800000> : vector<256xf32>
    %reduce_max3A_204 = vector.multi_reduction <maximumf>, %select_n3A_202, %reduce_max3A_203 [1] : vector<256x2048xf32> to vector<256xf32>
    %broadcast_in_dim3A_205 = vector.shape_cast %reduce_max3A_204 : vector<256xf32> to vector<256x1xf32>
    %eq3A_206 = vector.broadcast %broadcast_in_dim3A_205 : vector<256x1xf32> to vector<256x2048xf32>
    %eq3A_207 = arith.cmpf oeq, %select_n3A_202, %eq3A_206 : vector<256x2048xf32>
    %jit3A_208 = arith.constant 1073741824 : i32
    %broadcast_in_dim3A_209 = vector.broadcast %jit3A_208 : i32 to vector<256x2048xi32>
    %select_n3A_210 = arith.select %eq3A_207, %iota3A, %broadcast_in_dim3A_209 : vector<256x2048xi1>, vector<256x2048xi32>
    %reduce_min3A_211 = arith.constant dense<2147483647> : vector<256xi32>
    %reduce_min3A_212 = vector.multi_reduction <minsi>, %select_n3A_210, %reduce_min3A_211 [1] : vector<256x2048xi32> to vector<256xi32>
    %eq3A_213 = arith.constant 8 : i32
    %eq3A_214 = vector.broadcast %eq3A_213 : i32 to vector<256x20xi32>
    %eq3A_215 = arith.cmpi eq, %iota3A_21, %eq3A_214 : vector<256x20xi32>
    %broadcast_in_dim3A_216 = vector.shape_cast %reduce_min3A_212 : vector<256xi32> to vector<256x1xi32>
    %broadcast_in_dim3A_217 = vector.shape_cast %broadcast_in_dim3A_216 : vector<256x1xi32> to vector<256x1xi32>
    %broadcast_in_dim3A_218 = vector.broadcast %broadcast_in_dim3A_217 : vector<256x1xi32> to vector<256x20xi32>
    %select_n3A_219 = arith.select %eq3A_215, %broadcast_in_dim3A_218, %select_n3A_196 : vector<256x20xi1>, vector<256x20xi32>
    %broadcast_in_dim3A_220 = vector.shape_cast %reduce_min3A_212 : vector<256xi32> to vector<256x1xi32>
    %eq3A_221 = vector.broadcast %broadcast_in_dim3A_220 : vector<256x1xi32> to vector<256x2048xi32>
    %eq3A_222 = arith.cmpi eq, %iota3A, %eq3A_221 : vector<256x2048xi32>
    %jit3A_223 = arith.constant 0xFF800000 : f32
    %broadcast_in_dim3A_224 = vector.broadcast %jit3A_223 : f32 to vector<256x2048xf32>
    %select_n3A_225 = arith.select %eq3A_222, %broadcast_in_dim3A_224, %select_n3A_202 : vector<256x2048xi1>, vector<256x2048xf32>
    %reduce_max3A_226 = arith.constant dense<0xFF800000> : vector<256xf32>
    %reduce_max3A_227 = vector.multi_reduction <maximumf>, %select_n3A_225, %reduce_max3A_226 [1] : vector<256x2048xf32> to vector<256xf32>
    %broadcast_in_dim3A_228 = vector.shape_cast %reduce_max3A_227 : vector<256xf32> to vector<256x1xf32>
    %eq3A_229 = vector.broadcast %broadcast_in_dim3A_228 : vector<256x1xf32> to vector<256x2048xf32>
    %eq3A_230 = arith.cmpf oeq, %select_n3A_225, %eq3A_229 : vector<256x2048xf32>
    %jit3A_231 = arith.constant 1073741824 : i32
    %broadcast_in_dim3A_232 = vector.broadcast %jit3A_231 : i32 to vector<256x2048xi32>
    %select_n3A_233 = arith.select %eq3A_230, %iota3A, %broadcast_in_dim3A_232 : vector<256x2048xi1>, vector<256x2048xi32>
    %reduce_min3A_234 = arith.constant dense<2147483647> : vector<256xi32>
    %reduce_min3A_235 = vector.multi_reduction <minsi>, %select_n3A_233, %reduce_min3A_234 [1] : vector<256x2048xi32> to vector<256xi32>
    %eq3A_236 = arith.constant 9 : i32
    %eq3A_237 = vector.broadcast %eq3A_236 : i32 to vector<256x20xi32>
    %eq3A_238 = arith.cmpi eq, %iota3A_21, %eq3A_237 : vector<256x20xi32>
    %broadcast_in_dim3A_239 = vector.shape_cast %reduce_min3A_235 : vector<256xi32> to vector<256x1xi32>
    %broadcast_in_dim3A_240 = vector.shape_cast %broadcast_in_dim3A_239 : vector<256x1xi32> to vector<256x1xi32>
    %broadcast_in_dim3A_241 = vector.broadcast %broadcast_in_dim3A_240 : vector<256x1xi32> to vector<256x20xi32>
    %select_n3A_242 = arith.select %eq3A_238, %broadcast_in_dim3A_241, %select_n3A_219 : vector<256x20xi1>, vector<256x20xi32>
    %broadcast_in_dim3A_243 = vector.shape_cast %reduce_min3A_235 : vector<256xi32> to vector<256x1xi32>
    %eq3A_244 = vector.broadcast %broadcast_in_dim3A_243 : vector<256x1xi32> to vector<256x2048xi32>
    %eq3A_245 = arith.cmpi eq, %iota3A, %eq3A_244 : vector<256x2048xi32>
    %jit3A_246 = arith.constant 0xFF800000 : f32
    %broadcast_in_dim3A_247 = vector.broadcast %jit3A_246 : f32 to vector<256x2048xf32>
    %select_n3A_248 = arith.select %eq3A_245, %broadcast_in_dim3A_247, %select_n3A_225 : vector<256x2048xi1>, vector<256x2048xf32>
    %reduce_max3A_249 = arith.constant dense<0xFF800000> : vector<256xf32>
    %reduce_max3A_250 = vector.multi_reduction <maximumf>, %select_n3A_248, %reduce_max3A_249 [1] : vector<256x2048xf32> to vector<256xf32>
    %broadcast_in_dim3A_251 = vector.shape_cast %reduce_max3A_250 : vector<256xf32> to vector<256x1xf32>
    %eq3A_252 = vector.broadcast %broadcast_in_dim3A_251 : vector<256x1xf32> to vector<256x2048xf32>
    %eq3A_253 = arith.cmpf oeq, %select_n3A_248, %eq3A_252 : vector<256x2048xf32>
    %jit3A_254 = arith.constant 1073741824 : i32
    %broadcast_in_dim3A_255 = vector.broadcast %jit3A_254 : i32 to vector<256x2048xi32>
    %select_n3A_256 = arith.select %eq3A_253, %iota3A, %broadcast_in_dim3A_255 : vector<256x2048xi1>, vector<256x2048xi32>
    %reduce_min3A_257 = arith.constant dense<2147483647> : vector<256xi32>
    %reduce_min3A_258 = vector.multi_reduction <minsi>, %select_n3A_256, %reduce_min3A_257 [1] : vector<256x2048xi32> to vector<256xi32>
    %eq3A_259 = arith.constant 10 : i32
    %eq3A_260 = vector.broadcast %eq3A_259 : i32 to vector<256x20xi32>
    %eq3A_261 = arith.cmpi eq, %iota3A_21, %eq3A_260 : vector<256x20xi32>
    %broadcast_in_dim3A_262 = vector.shape_cast %reduce_min3A_258 : vector<256xi32> to vector<256x1xi32>
    %broadcast_in_dim3A_263 = vector.shape_cast %broadcast_in_dim3A_262 : vector<256x1xi32> to vector<256x1xi32>
    %broadcast_in_dim3A_264 = vector.broadcast %broadcast_in_dim3A_263 : vector<256x1xi32> to vector<256x20xi32>
    %select_n3A_265 = arith.select %eq3A_261, %broadcast_in_dim3A_264, %select_n3A_242 : vector<256x20xi1>, vector<256x20xi32>
    %broadcast_in_dim3A_266 = vector.shape_cast %reduce_min3A_258 : vector<256xi32> to vector<256x1xi32>
    %eq3A_267 = vector.broadcast %broadcast_in_dim3A_266 : vector<256x1xi32> to vector<256x2048xi32>
    %eq3A_268 = arith.cmpi eq, %iota3A, %eq3A_267 : vector<256x2048xi32>
    %jit3A_269 = arith.constant 0xFF800000 : f32
    %broadcast_in_dim3A_270 = vector.broadcast %jit3A_269 : f32 to vector<256x2048xf32>
    %select_n3A_271 = arith.select %eq3A_268, %broadcast_in_dim3A_270, %select_n3A_248 : vector<256x2048xi1>, vector<256x2048xf32>
    %reduce_max3A_272 = arith.constant dense<0xFF800000> : vector<256xf32>
    %reduce_max3A_273 = vector.multi_reduction <maximumf>, %select_n3A_271, %reduce_max3A_272 [1] : vector<256x2048xf32> to vector<256xf32>
    %broadcast_in_dim3A_274 = vector.shape_cast %reduce_max3A_273 : vector<256xf32> to vector<256x1xf32>
    %eq3A_275 = vector.broadcast %broadcast_in_dim3A_274 : vector<256x1xf32> to vector<256x2048xf32>
    %eq3A_276 = arith.cmpf oeq, %select_n3A_271, %eq3A_275 : vector<256x2048xf32>
    %jit3A_277 = arith.constant 1073741824 : i32
    %broadcast_in_dim3A_278 = vector.broadcast %jit3A_277 : i32 to vector<256x2048xi32>
    %select_n3A_279 = arith.select %eq3A_276, %iota3A, %broadcast_in_dim3A_278 : vector<256x2048xi1>, vector<256x2048xi32>
    %reduce_min3A_280 = arith.constant dense<2147483647> : vector<256xi32>
    %reduce_min3A_281 = vector.multi_reduction <minsi>, %select_n3A_279, %reduce_min3A_280 [1] : vector<256x2048xi32> to vector<256xi32>
    %eq3A_282 = arith.constant 11 : i32
    %eq3A_283 = vector.broadcast %eq3A_282 : i32 to vector<256x20xi32>
    %eq3A_284 = arith.cmpi eq, %iota3A_21, %eq3A_283 : vector<256x20xi32>
    %broadcast_in_dim3A_285 = vector.shape_cast %reduce_min3A_281 : vector<256xi32> to vector<256x1xi32>
    %broadcast_in_dim3A_286 = vector.shape_cast %broadcast_in_dim3A_285 : vector<256x1xi32> to vector<256x1xi32>
    %broadcast_in_dim3A_287 = vector.broadcast %broadcast_in_dim3A_286 : vector<256x1xi32> to vector<256x20xi32>
    %select_n3A_288 = arith.select %eq3A_284, %broadcast_in_dim3A_287, %select_n3A_265 : vector<256x20xi1>, vector<256x20xi32>
    %broadcast_in_dim3A_289 = vector.shape_cast %reduce_min3A_281 : vector<256xi32> to vector<256x1xi32>
    %eq3A_290 = vector.broadcast %broadcast_in_dim3A_289 : vector<256x1xi32> to vector<256x2048xi32>
    %eq3A_291 = arith.cmpi eq, %iota3A, %eq3A_290 : vector<256x2048xi32>
    %jit3A_292 = arith.constant 0xFF800000 : f32
    %broadcast_in_dim3A_293 = vector.broadcast %jit3A_292 : f32 to vector<256x2048xf32>
    %select_n3A_294 = arith.select %eq3A_291, %broadcast_in_dim3A_293, %select_n3A_271 : vector<256x2048xi1>, vector<256x2048xf32>
    %reduce_max3A_295 = arith.constant dense<0xFF800000> : vector<256xf32>
    %reduce_max3A_296 = vector.multi_reduction <maximumf>, %select_n3A_294, %reduce_max3A_295 [1] : vector<256x2048xf32> to vector<256xf32>
    %broadcast_in_dim3A_297 = vector.shape_cast %reduce_max3A_296 : vector<256xf32> to vector<256x1xf32>
    %eq3A_298 = vector.broadcast %broadcast_in_dim3A_297 : vector<256x1xf32> to vector<256x2048xf32>
    %eq3A_299 = arith.cmpf oeq, %select_n3A_294, %eq3A_298 : vector<256x2048xf32>
    %jit3A_300 = arith.constant 1073741824 : i32
    %broadcast_in_dim3A_301 = vector.broadcast %jit3A_300 : i32 to vector<256x2048xi32>
    %select_n3A_302 = arith.select %eq3A_299, %iota3A, %broadcast_in_dim3A_301 : vector<256x2048xi1>, vector<256x2048xi32>
    %reduce_min3A_303 = arith.constant dense<2147483647> : vector<256xi32>
    %reduce_min3A_304 = vector.multi_reduction <minsi>, %select_n3A_302, %reduce_min3A_303 [1] : vector<256x2048xi32> to vector<256xi32>
    %eq3A_305 = arith.constant 12 : i32
    %eq3A_306 = vector.broadcast %eq3A_305 : i32 to vector<256x20xi32>
    %eq3A_307 = arith.cmpi eq, %iota3A_21, %eq3A_306 : vector<256x20xi32>
    %broadcast_in_dim3A_308 = vector.shape_cast %reduce_min3A_304 : vector<256xi32> to vector<256x1xi32>
    %broadcast_in_dim3A_309 = vector.shape_cast %broadcast_in_dim3A_308 : vector<256x1xi32> to vector<256x1xi32>
    %broadcast_in_dim3A_310 = vector.broadcast %broadcast_in_dim3A_309 : vector<256x1xi32> to vector<256x20xi32>
    %select_n3A_311 = arith.select %eq3A_307, %broadcast_in_dim3A_310, %select_n3A_288 : vector<256x20xi1>, vector<256x20xi32>
    %broadcast_in_dim3A_312 = vector.shape_cast %reduce_min3A_304 : vector<256xi32> to vector<256x1xi32>
    %eq3A_313 = vector.broadcast %broadcast_in_dim3A_312 : vector<256x1xi32> to vector<256x2048xi32>
    %eq3A_314 = arith.cmpi eq, %iota3A, %eq3A_313 : vector<256x2048xi32>
    %jit3A_315 = arith.constant 0xFF800000 : f32
    %broadcast_in_dim3A_316 = vector.broadcast %jit3A_315 : f32 to vector<256x2048xf32>
    %select_n3A_317 = arith.select %eq3A_314, %broadcast_in_dim3A_316, %select_n3A_294 : vector<256x2048xi1>, vector<256x2048xf32>
    %reduce_max3A_318 = arith.constant dense<0xFF800000> : vector<256xf32>
    %reduce_max3A_319 = vector.multi_reduction <maximumf>, %select_n3A_317, %reduce_max3A_318 [1] : vector<256x2048xf32> to vector<256xf32>
    %broadcast_in_dim3A_320 = vector.shape_cast %reduce_max3A_319 : vector<256xf32> to vector<256x1xf32>
    %eq3A_321 = vector.broadcast %broadcast_in_dim3A_320 : vector<256x1xf32> to vector<256x2048xf32>
    %eq3A_322 = arith.cmpf oeq, %select_n3A_317, %eq3A_321 : vector<256x2048xf32>
    %jit3A_323 = arith.constant 1073741824 : i32
    %broadcast_in_dim3A_324 = vector.broadcast %jit3A_323 : i32 to vector<256x2048xi32>
    %select_n3A_325 = arith.select %eq3A_322, %iota3A, %broadcast_in_dim3A_324 : vector<256x2048xi1>, vector<256x2048xi32>
    %reduce_min3A_326 = arith.constant dense<2147483647> : vector<256xi32>
    %reduce_min3A_327 = vector.multi_reduction <minsi>, %select_n3A_325, %reduce_min3A_326 [1] : vector<256x2048xi32> to vector<256xi32>
    %eq3A_328 = arith.constant 13 : i32
    %eq3A_329 = vector.broadcast %eq3A_328 : i32 to vector<256x20xi32>
    %eq3A_330 = arith.cmpi eq, %iota3A_21, %eq3A_329 : vector<256x20xi32>
    %broadcast_in_dim3A_331 = vector.shape_cast %reduce_min3A_327 : vector<256xi32> to vector<256x1xi32>
    %broadcast_in_dim3A_332 = vector.shape_cast %broadcast_in_dim3A_331 : vector<256x1xi32> to vector<256x1xi32>
    %broadcast_in_dim3A_333 = vector.broadcast %broadcast_in_dim3A_332 : vector<256x1xi32> to vector<256x20xi32>
    %select_n3A_334 = arith.select %eq3A_330, %broadcast_in_dim3A_333, %select_n3A_311 : vector<256x20xi1>, vector<256x20xi32>
    %broadcast_in_dim3A_335 = vector.shape_cast %reduce_min3A_327 : vector<256xi32> to vector<256x1xi32>
    %eq3A_336 = vector.broadcast %broadcast_in_dim3A_335 : vector<256x1xi32> to vector<256x2048xi32>
    %eq3A_337 = arith.cmpi eq, %iota3A, %eq3A_336 : vector<256x2048xi32>
    %jit3A_338 = arith.constant 0xFF800000 : f32
    %broadcast_in_dim3A_339 = vector.broadcast %jit3A_338 : f32 to vector<256x2048xf32>
    %select_n3A_340 = arith.select %eq3A_337, %broadcast_in_dim3A_339, %select_n3A_317 : vector<256x2048xi1>, vector<256x2048xf32>
    %reduce_max3A_341 = arith.constant dense<0xFF800000> : vector<256xf32>
    %reduce_max3A_342 = vector.multi_reduction <maximumf>, %select_n3A_340, %reduce_max3A_341 [1] : vector<256x2048xf32> to vector<256xf32>
    %broadcast_in_dim3A_343 = vector.shape_cast %reduce_max3A_342 : vector<256xf32> to vector<256x1xf32>
    %eq3A_344 = vector.broadcast %broadcast_in_dim3A_343 : vector<256x1xf32> to vector<256x2048xf32>
    %eq3A_345 = arith.cmpf oeq, %select_n3A_340, %eq3A_344 : vector<256x2048xf32>
    %jit3A_346 = arith.constant 1073741824 : i32
    %broadcast_in_dim3A_347 = vector.broadcast %jit3A_346 : i32 to vector<256x2048xi32>
    %select_n3A_348 = arith.select %eq3A_345, %iota3A, %broadcast_in_dim3A_347 : vector<256x2048xi1>, vector<256x2048xi32>
    %reduce_min3A_349 = arith.constant dense<2147483647> : vector<256xi32>
    %reduce_min3A_350 = vector.multi_reduction <minsi>, %select_n3A_348, %reduce_min3A_349 [1] : vector<256x2048xi32> to vector<256xi32>
    %eq3A_351 = arith.constant 14 : i32
    %eq3A_352 = vector.broadcast %eq3A_351 : i32 to vector<256x20xi32>
    %eq3A_353 = arith.cmpi eq, %iota3A_21, %eq3A_352 : vector<256x20xi32>
    %broadcast_in_dim3A_354 = vector.shape_cast %reduce_min3A_350 : vector<256xi32> to vector<256x1xi32>
    %broadcast_in_dim3A_355 = vector.shape_cast %broadcast_in_dim3A_354 : vector<256x1xi32> to vector<256x1xi32>
    %broadcast_in_dim3A_356 = vector.broadcast %broadcast_in_dim3A_355 : vector<256x1xi32> to vector<256x20xi32>
    %select_n3A_357 = arith.select %eq3A_353, %broadcast_in_dim3A_356, %select_n3A_334 : vector<256x20xi1>, vector<256x20xi32>
    %broadcast_in_dim3A_358 = vector.shape_cast %reduce_min3A_350 : vector<256xi32> to vector<256x1xi32>
    %eq3A_359 = vector.broadcast %broadcast_in_dim3A_358 : vector<256x1xi32> to vector<256x2048xi32>
    %eq3A_360 = arith.cmpi eq, %iota3A, %eq3A_359 : vector<256x2048xi32>
    %jit3A_361 = arith.constant 0xFF800000 : f32
    %broadcast_in_dim3A_362 = vector.broadcast %jit3A_361 : f32 to vector<256x2048xf32>
    %select_n3A_363 = arith.select %eq3A_360, %broadcast_in_dim3A_362, %select_n3A_340 : vector<256x2048xi1>, vector<256x2048xf32>
    %reduce_max3A_364 = arith.constant dense<0xFF800000> : vector<256xf32>
    %reduce_max3A_365 = vector.multi_reduction <maximumf>, %select_n3A_363, %reduce_max3A_364 [1] : vector<256x2048xf32> to vector<256xf32>
    %broadcast_in_dim3A_366 = vector.shape_cast %reduce_max3A_365 : vector<256xf32> to vector<256x1xf32>
    %eq3A_367 = vector.broadcast %broadcast_in_dim3A_366 : vector<256x1xf32> to vector<256x2048xf32>
    %eq3A_368 = arith.cmpf oeq, %select_n3A_363, %eq3A_367 : vector<256x2048xf32>
    %jit3A_369 = arith.constant 1073741824 : i32
    %broadcast_in_dim3A_370 = vector.broadcast %jit3A_369 : i32 to vector<256x2048xi32>
    %select_n3A_371 = arith.select %eq3A_368, %iota3A, %broadcast_in_dim3A_370 : vector<256x2048xi1>, vector<256x2048xi32>
    %reduce_min3A_372 = arith.constant dense<2147483647> : vector<256xi32>
    %reduce_min3A_373 = vector.multi_reduction <minsi>, %select_n3A_371, %reduce_min3A_372 [1] : vector<256x2048xi32> to vector<256xi32>
    %eq3A_374 = arith.constant 15 : i32
    %eq3A_375 = vector.broadcast %eq3A_374 : i32 to vector<256x20xi32>
    %eq3A_376 = arith.cmpi eq, %iota3A_21, %eq3A_375 : vector<256x20xi32>
    %broadcast_in_dim3A_377 = vector.shape_cast %reduce_min3A_373 : vector<256xi32> to vector<256x1xi32>
    %broadcast_in_dim3A_378 = vector.shape_cast %broadcast_in_dim3A_377 : vector<256x1xi32> to vector<256x1xi32>
    %broadcast_in_dim3A_379 = vector.broadcast %broadcast_in_dim3A_378 : vector<256x1xi32> to vector<256x20xi32>
    %select_n3A_380 = arith.select %eq3A_376, %broadcast_in_dim3A_379, %select_n3A_357 : vector<256x20xi1>, vector<256x20xi32>
    %broadcast_in_dim3A_381 = vector.shape_cast %reduce_min3A_373 : vector<256xi32> to vector<256x1xi32>
    %eq3A_382 = vector.broadcast %broadcast_in_dim3A_381 : vector<256x1xi32> to vector<256x2048xi32>
    %eq3A_383 = arith.cmpi eq, %iota3A, %eq3A_382 : vector<256x2048xi32>
    %jit3A_384 = arith.constant 0xFF800000 : f32
    %broadcast_in_dim3A_385 = vector.broadcast %jit3A_384 : f32 to vector<256x2048xf32>
    %select_n3A_386 = arith.select %eq3A_383, %broadcast_in_dim3A_385, %select_n3A_363 : vector<256x2048xi1>, vector<256x2048xf32>
    %reduce_max3A_387 = arith.constant dense<0xFF800000> : vector<256xf32>
    %reduce_max3A_388 = vector.multi_reduction <maximumf>, %select_n3A_386, %reduce_max3A_387 [1] : vector<256x2048xf32> to vector<256xf32>
    %broadcast_in_dim3A_389 = vector.shape_cast %reduce_max3A_388 : vector<256xf32> to vector<256x1xf32>
    %eq3A_390 = vector.broadcast %broadcast_in_dim3A_389 : vector<256x1xf32> to vector<256x2048xf32>
    %eq3A_391 = arith.cmpf oeq, %select_n3A_386, %eq3A_390 : vector<256x2048xf32>
    %jit3A_392 = arith.constant 1073741824 : i32
    %broadcast_in_dim3A_393 = vector.broadcast %jit3A_392 : i32 to vector<256x2048xi32>
    %select_n3A_394 = arith.select %eq3A_391, %iota3A, %broadcast_in_dim3A_393 : vector<256x2048xi1>, vector<256x2048xi32>
    %reduce_min3A_395 = arith.constant dense<2147483647> : vector<256xi32>
    %reduce_min3A_396 = vector.multi_reduction <minsi>, %select_n3A_394, %reduce_min3A_395 [1] : vector<256x2048xi32> to vector<256xi32>
    %eq3A_397 = arith.constant 16 : i32
    %eq3A_398 = vector.broadcast %eq3A_397 : i32 to vector<256x20xi32>
    %eq3A_399 = arith.cmpi eq, %iota3A_21, %eq3A_398 : vector<256x20xi32>
    %broadcast_in_dim3A_400 = vector.shape_cast %reduce_min3A_396 : vector<256xi32> to vector<256x1xi32>
    %broadcast_in_dim3A_401 = vector.shape_cast %broadcast_in_dim3A_400 : vector<256x1xi32> to vector<256x1xi32>
    %broadcast_in_dim3A_402 = vector.broadcast %broadcast_in_dim3A_401 : vector<256x1xi32> to vector<256x20xi32>
    %select_n3A_403 = arith.select %eq3A_399, %broadcast_in_dim3A_402, %select_n3A_380 : vector<256x20xi1>, vector<256x20xi32>
    %broadcast_in_dim3A_404 = vector.shape_cast %reduce_min3A_396 : vector<256xi32> to vector<256x1xi32>
    %eq3A_405 = vector.broadcast %broadcast_in_dim3A_404 : vector<256x1xi32> to vector<256x2048xi32>
    %eq3A_406 = arith.cmpi eq, %iota3A, %eq3A_405 : vector<256x2048xi32>
    %jit3A_407 = arith.constant 0xFF800000 : f32
    %broadcast_in_dim3A_408 = vector.broadcast %jit3A_407 : f32 to vector<256x2048xf32>
    %select_n3A_409 = arith.select %eq3A_406, %broadcast_in_dim3A_408, %select_n3A_386 : vector<256x2048xi1>, vector<256x2048xf32>
    %reduce_max3A_410 = arith.constant dense<0xFF800000> : vector<256xf32>
    %reduce_max3A_411 = vector.multi_reduction <maximumf>, %select_n3A_409, %reduce_max3A_410 [1] : vector<256x2048xf32> to vector<256xf32>
    %broadcast_in_dim3A_412 = vector.shape_cast %reduce_max3A_411 : vector<256xf32> to vector<256x1xf32>
    %eq3A_413 = vector.broadcast %broadcast_in_dim3A_412 : vector<256x1xf32> to vector<256x2048xf32>
    %eq3A_414 = arith.cmpf oeq, %select_n3A_409, %eq3A_413 : vector<256x2048xf32>
    %jit3A_415 = arith.constant 1073741824 : i32
    %broadcast_in_dim3A_416 = vector.broadcast %jit3A_415 : i32 to vector<256x2048xi32>
    %select_n3A_417 = arith.select %eq3A_414, %iota3A, %broadcast_in_dim3A_416 : vector<256x2048xi1>, vector<256x2048xi32>
    %reduce_min3A_418 = arith.constant dense<2147483647> : vector<256xi32>
    %reduce_min3A_419 = vector.multi_reduction <minsi>, %select_n3A_417, %reduce_min3A_418 [1] : vector<256x2048xi32> to vector<256xi32>
    %eq3A_420 = arith.constant 17 : i32
    %eq3A_421 = vector.broadcast %eq3A_420 : i32 to vector<256x20xi32>
    %eq3A_422 = arith.cmpi eq, %iota3A_21, %eq3A_421 : vector<256x20xi32>
    %broadcast_in_dim3A_423 = vector.shape_cast %reduce_min3A_419 : vector<256xi32> to vector<256x1xi32>
    %broadcast_in_dim3A_424 = vector.shape_cast %broadcast_in_dim3A_423 : vector<256x1xi32> to vector<256x1xi32>
    %broadcast_in_dim3A_425 = vector.broadcast %broadcast_in_dim3A_424 : vector<256x1xi32> to vector<256x20xi32>
    %select_n3A_426 = arith.select %eq3A_422, %broadcast_in_dim3A_425, %select_n3A_403 : vector<256x20xi1>, vector<256x20xi32>
    %broadcast_in_dim3A_427 = vector.shape_cast %reduce_min3A_419 : vector<256xi32> to vector<256x1xi32>
    %eq3A_428 = vector.broadcast %broadcast_in_dim3A_427 : vector<256x1xi32> to vector<256x2048xi32>
    %eq3A_429 = arith.cmpi eq, %iota3A, %eq3A_428 : vector<256x2048xi32>
    %jit3A_430 = arith.constant 0xFF800000 : f32
    %broadcast_in_dim3A_431 = vector.broadcast %jit3A_430 : f32 to vector<256x2048xf32>
    %select_n3A_432 = arith.select %eq3A_429, %broadcast_in_dim3A_431, %select_n3A_409 : vector<256x2048xi1>, vector<256x2048xf32>
    %reduce_max3A_433 = arith.constant dense<0xFF800000> : vector<256xf32>
    %reduce_max3A_434 = vector.multi_reduction <maximumf>, %select_n3A_432, %reduce_max3A_433 [1] : vector<256x2048xf32> to vector<256xf32>
    %broadcast_in_dim3A_435 = vector.shape_cast %reduce_max3A_434 : vector<256xf32> to vector<256x1xf32>
    %eq3A_436 = vector.broadcast %broadcast_in_dim3A_435 : vector<256x1xf32> to vector<256x2048xf32>
    %eq3A_437 = arith.cmpf oeq, %select_n3A_432, %eq3A_436 : vector<256x2048xf32>
    %jit3A_438 = arith.constant 1073741824 : i32
    %broadcast_in_dim3A_439 = vector.broadcast %jit3A_438 : i32 to vector<256x2048xi32>
    %select_n3A_440 = arith.select %eq3A_437, %iota3A, %broadcast_in_dim3A_439 : vector<256x2048xi1>, vector<256x2048xi32>
    %reduce_min3A_441 = arith.constant dense<2147483647> : vector<256xi32>
    %reduce_min3A_442 = vector.multi_reduction <minsi>, %select_n3A_440, %reduce_min3A_441 [1] : vector<256x2048xi32> to vector<256xi32>
    %eq3A_443 = arith.constant 18 : i32
    %eq3A_444 = vector.broadcast %eq3A_443 : i32 to vector<256x20xi32>
    %eq3A_445 = arith.cmpi eq, %iota3A_21, %eq3A_444 : vector<256x20xi32>
    %broadcast_in_dim3A_446 = vector.shape_cast %reduce_min3A_442 : vector<256xi32> to vector<256x1xi32>
    %broadcast_in_dim3A_447 = vector.shape_cast %broadcast_in_dim3A_446 : vector<256x1xi32> to vector<256x1xi32>
    %broadcast_in_dim3A_448 = vector.broadcast %broadcast_in_dim3A_447 : vector<256x1xi32> to vector<256x20xi32>
    %select_n3A_449 = arith.select %eq3A_445, %broadcast_in_dim3A_448, %select_n3A_426 : vector<256x20xi1>, vector<256x20xi32>
    %broadcast_in_dim3A_450 = vector.shape_cast %reduce_min3A_442 : vector<256xi32> to vector<256x1xi32>
    %eq3A_451 = vector.broadcast %broadcast_in_dim3A_450 : vector<256x1xi32> to vector<256x2048xi32>
    %eq3A_452 = arith.cmpi eq, %iota3A, %eq3A_451 : vector<256x2048xi32>
    %jit3A_453 = arith.constant 0xFF800000 : f32
    %broadcast_in_dim3A_454 = vector.broadcast %jit3A_453 : f32 to vector<256x2048xf32>
    %select_n3A_455 = arith.select %eq3A_452, %broadcast_in_dim3A_454, %select_n3A_432 : vector<256x2048xi1>, vector<256x2048xf32>
    %reduce_max3A_456 = arith.constant dense<0xFF800000> : vector<256xf32>
    %reduce_max3A_457 = vector.multi_reduction <maximumf>, %select_n3A_455, %reduce_max3A_456 [1] : vector<256x2048xf32> to vector<256xf32>
    %broadcast_in_dim3A_458 = vector.shape_cast %reduce_max3A_457 : vector<256xf32> to vector<256x1xf32>
    %eq3A_459 = vector.broadcast %broadcast_in_dim3A_458 : vector<256x1xf32> to vector<256x2048xf32>
    %eq3A_460 = arith.cmpf oeq, %select_n3A_455, %eq3A_459 : vector<256x2048xf32>
    %jit3A_461 = arith.constant 1073741824 : i32
    %broadcast_in_dim3A_462 = vector.broadcast %jit3A_461 : i32 to vector<256x2048xi32>
    %select_n3A_463 = arith.select %eq3A_460, %iota3A, %broadcast_in_dim3A_462 : vector<256x2048xi1>, vector<256x2048xi32>
    %reduce_min3A_464 = arith.constant dense<2147483647> : vector<256xi32>
    %reduce_min3A_465 = vector.multi_reduction <minsi>, %select_n3A_463, %reduce_min3A_464 [1] : vector<256x2048xi32> to vector<256xi32>
    %eq3A_466 = arith.constant 19 : i32
    %eq3A_467 = vector.broadcast %eq3A_466 : i32 to vector<256x20xi32>
    %eq3A_468 = arith.cmpi eq, %iota3A_21, %eq3A_467 : vector<256x20xi32>
    %broadcast_in_dim3A_469 = vector.shape_cast %reduce_min3A_465 : vector<256xi32> to vector<256x1xi32>
    %broadcast_in_dim3A_470 = vector.shape_cast %broadcast_in_dim3A_469 : vector<256x1xi32> to vector<256x1xi32>
    %broadcast_in_dim3A_471 = vector.broadcast %broadcast_in_dim3A_470 : vector<256x1xi32> to vector<256x20xi32>
    %select_n3A_472 = arith.select %eq3A_468, %broadcast_in_dim3A_471, %select_n3A_449 : vector<256x20xi1>, vector<256x20xi32>
    %mul3A_473 = arith.constant 2048 : i32
    %mul3A_474 = arith.muli %arg0, %mul3A_473 : i32
    %add3A = vector.broadcast %mul3A_474 : i32 to vector<256x20xi32>
    %add3A_475 = arith.addi %select_n3A_472, %add3A : vector<256x20xi32>
    %swap3A = arith.constant 0 : index
    %swap3A_476 = arith.constant 0 : index
    %swap3A_477 = arith.constant 0 : index
    %swap3A_478 = vector.load %arg4[%swap3A, %swap3A_476, %swap3A_477] : memref<1x256x20xi32, #tpu.memory_space<vmem>>, vector<1x256x20xi32>
    %swap3A_479 = vector.shape_cast %swap3A_478 : vector<1x256x20xi32> to vector<256x20xi32>
    %swap3A_480 = vector.shape_cast %add3A_475 : vector<256x20xi32> to vector<1x256x20xi32>
    tpu.vector_store %arg4[%swap3A, %swap3A_476, %swap3A_477], %swap3A_480 {strides = array<i32>} : memref<1x256x20xi32, #tpu.memory_space<vmem>>, vector<1x256x20xi32>,
    return
  }
  func.func @transform_0(%arg0: i32, %arg1: i32) -> (i32, i32, i32) {
    %c0_i32 = arith.constant 0 : i32
    %c0_i32_0 = arith.constant 0 : i32
    return %arg0, %arg1, %c0_i32 : i32, i32, i32
  }
  func.func @transform_1(%arg0: i32, %arg1: i32) -> (i32, i32, i32) {
    %c0_i32 = arith.constant 0 : i32
    %c0_i32_0 = arith.constant 0 : i32
    %c0_i32_1 = arith.constant 0 : i32
    return %arg0, %c0_i32, %c0_i32_0 : i32, i32, i32
  }
  func.func @transform_2(%arg0: i32, %arg1: i32) -> (i32, i32, i32) {
    %c0_i32 = arith.constant 0 : i32
    %c0_i32_0 = arith.constant 0 : i32
    return %arg0, %arg1, %c0_i32 : i32, i32, i32
  }
}

module attributes {stable_mosaic.version = 14 : i64} {
  func.func @body(%arg0: i32, %arg1: memref<256x20x128xf32, #tpu.memory_space<vmem>>, %arg2: memref<256x128xf32, #tpu.memory_space<vmem>>, %arg3: memref<256x128xf32, #tpu.memory_space<vmem>>, %arg4: memref<256x128xf32, #tpu.memory_space<vmem>>) attributes {dimension_semantics = [#tpu.dimension_semantics<arbitrary>], iteration_bounds = array<i64: 64>, scalar_prefetch = 0 : i64, scratch_operands = 0 : i64, tpu.core_type = #tpu.core_type<tc>, window_params = [{transform_indices = @transform_0, window_bounds = array<i64: 256, 20, 128>}, {transform_indices = @transform_1, window_bounds = array<i64: 256, 128>}, {pipeline_mode = #tpu.pipeline_mode<synchronous>, transform_indices = @transform_2, window_bounds = array<i64: 256, 128>}, {transform_indices = @transform_3, window_bounds = array<i64: 256, 128>}]} {
    %get3A = arith.constant 0 : index
    %get3A_0 = arith.constant 0 : index
    %get3A_1 = vector.load %arg2[%get3A, %get3A_0] : memref<256x128xf32, #tpu.memory_space<vmem>>, vector<256x128xf32>
    %get3A_2 = arith.constant 0 : index
    %get3A_3 = arith.constant 0 : index
    %get3A_4 = vector.load %arg3[%get3A_2, %get3A_3] : memref<256x128xf32, #tpu.memory_space<vmem>>, vector<256x128xf32>
    %get3A_5 = arith.constant 0 : index
    %get3A_6 = arith.constant 0 : index
    %get3A_7 = arith.constant 0 : index
    %get3A_8 = vector.load %arg1[%get3A_5, %get3A_6, %get3A_7] : memref<256x20x128xf32, #tpu.memory_space<vmem>>, vector<256x1x128xf32>
    %get3A_9 = vector.shape_cast %get3A_8 : vector<256x1x128xf32> to vector<256x128xf32>
    %sub3A = arith.subf %get3A_9, %get3A_1 : vector<256x128xf32>
    %concatenate3A = tpu.concatenate %sub3A, %get3A_1 in 1 : vector<256x128xf32>, vector<256x128xf32> -> vector<256x256xf32>
    %dot_general3A = arith.constant dense<0.000000e+00> : vector<256x128xf32>
    %dot_general3A_10 = tpu.matmul %concatenate3A, %get3A_4, %dot_general3A {dimension_numbers = #tpu.dot_dimension_numbers<[1], [0], [0], [1], [0, 0, 1, 1], [], []>, transpose_lhs_hint = false} : vector<256x256xf32>, vector<256x128xf32>, vector<256x128xf32> -> vector<256x128xf32>
    %get3A_11 = arith.constant 0 : index
    %get3A_12 = arith.constant 1 : index
    %get3A_13 = arith.constant 0 : index
    %get3A_14 = vector.load %arg1[%get3A_11, %get3A_12, %get3A_13] : memref<256x20x128xf32, #tpu.memory_space<vmem>>, vector<256x1x128xf32>
    %get3A_15 = vector.shape_cast %get3A_14 : vector<256x1x128xf32> to vector<256x128xf32>
    %sub3A_16 = arith.subf %get3A_15, %get3A_1 : vector<256x128xf32>
    %concatenate3A_17 = tpu.concatenate %sub3A_16, %get3A_1 in 1 : vector<256x128xf32>, vector<256x128xf32> -> vector<256x256xf32>
    %dot_general3A_18 = arith.constant dense<0.000000e+00> : vector<256x128xf32>
    %dot_general3A_19 = tpu.matmul %concatenate3A_17, %get3A_4, %dot_general3A_18 {dimension_numbers = #tpu.dot_dimension_numbers<[1], [0], [0], [1], [0, 0, 1, 1], [], []>, transpose_lhs_hint = false} : vector<256x256xf32>, vector<256x128xf32>, vector<256x128xf32> -> vector<256x128xf32>
    %max3A = arith.maximumf %dot_general3A_10, %dot_general3A_19 : vector<256x128xf32>
    %get3A_20 = arith.constant 0 : index
    %get3A_21 = arith.constant 2 : index
    %get3A_22 = arith.constant 0 : index
    %get3A_23 = vector.load %arg1[%get3A_20, %get3A_21, %get3A_22] : memref<256x20x128xf32, #tpu.memory_space<vmem>>, vector<256x1x128xf32>
    %get3A_24 = vector.shape_cast %get3A_23 : vector<256x1x128xf32> to vector<256x128xf32>
    %sub3A_25 = arith.subf %get3A_24, %get3A_1 : vector<256x128xf32>
    %concatenate3A_26 = tpu.concatenate %sub3A_25, %get3A_1 in 1 : vector<256x128xf32>, vector<256x128xf32> -> vector<256x256xf32>
    %dot_general3A_27 = arith.constant dense<0.000000e+00> : vector<256x128xf32>
    %dot_general3A_28 = tpu.matmul %concatenate3A_26, %get3A_4, %dot_general3A_27 {dimension_numbers = #tpu.dot_dimension_numbers<[1], [0], [0], [1], [0, 0, 1, 1], [], []>, transpose_lhs_hint = false} : vector<256x256xf32>, vector<256x128xf32>, vector<256x128xf32> -> vector<256x128xf32>
    %max3A_29 = arith.maximumf %max3A, %dot_general3A_28 : vector<256x128xf32>
    %get3A_30 = arith.constant 0 : index
    %get3A_31 = arith.constant 3 : index
    %get3A_32 = arith.constant 0 : index
    %get3A_33 = vector.load %arg1[%get3A_30, %get3A_31, %get3A_32] : memref<256x20x128xf32, #tpu.memory_space<vmem>>, vector<256x1x128xf32>
    %get3A_34 = vector.shape_cast %get3A_33 : vector<256x1x128xf32> to vector<256x128xf32>
    %sub3A_35 = arith.subf %get3A_34, %get3A_1 : vector<256x128xf32>
    %concatenate3A_36 = tpu.concatenate %sub3A_35, %get3A_1 in 1 : vector<256x128xf32>, vector<256x128xf32> -> vector<256x256xf32>
    %dot_general3A_37 = arith.constant dense<0.000000e+00> : vector<256x128xf32>
    %dot_general3A_38 = tpu.matmul %concatenate3A_36, %get3A_4, %dot_general3A_37 {dimension_numbers = #tpu.dot_dimension_numbers<[1], [0], [0], [1], [0, 0, 1, 1], [], []>, transpose_lhs_hint = false} : vector<256x256xf32>, vector<256x128xf32>, vector<256x128xf32> -> vector<256x128xf32>
    %max3A_39 = arith.maximumf %max3A_29, %dot_general3A_38 : vector<256x128xf32>
    %get3A_40 = arith.constant 0 : index
    %get3A_41 = arith.constant 4 : index
    %get3A_42 = arith.constant 0 : index
    %get3A_43 = vector.load %arg1[%get3A_40, %get3A_41, %get3A_42] : memref<256x20x128xf32, #tpu.memory_space<vmem>>, vector<256x1x128xf32>
    %get3A_44 = vector.shape_cast %get3A_43 : vector<256x1x128xf32> to vector<256x128xf32>
    %sub3A_45 = arith.subf %get3A_44, %get3A_1 : vector<256x128xf32>
    %concatenate3A_46 = tpu.concatenate %sub3A_45, %get3A_1 in 1 : vector<256x128xf32>, vector<256x128xf32> -> vector<256x256xf32>
    %dot_general3A_47 = arith.constant dense<0.000000e+00> : vector<256x128xf32>
    %dot_general3A_48 = tpu.matmul %concatenate3A_46, %get3A_4, %dot_general3A_47 {dimension_numbers = #tpu.dot_dimension_numbers<[1], [0], [0], [1], [0, 0, 1, 1], [], []>, transpose_lhs_hint = false} : vector<256x256xf32>, vector<256x128xf32>, vector<256x128xf32> -> vector<256x128xf32>
    %max3A_49 = arith.maximumf %max3A_39, %dot_general3A_48 : vector<256x128xf32>
    %get3A_50 = arith.constant 0 : index
    %get3A_51 = arith.constant 5 : index
    %get3A_52 = arith.constant 0 : index
    %get3A_53 = vector.load %arg1[%get3A_50, %get3A_51, %get3A_52] : memref<256x20x128xf32, #tpu.memory_space<vmem>>, vector<256x1x128xf32>
    %get3A_54 = vector.shape_cast %get3A_53 : vector<256x1x128xf32> to vector<256x128xf32>
    %sub3A_55 = arith.subf %get3A_54, %get3A_1 : vector<256x128xf32>
    %concatenate3A_56 = tpu.concatenate %sub3A_55, %get3A_1 in 1 : vector<256x128xf32>, vector<256x128xf32> -> vector<256x256xf32>
    %dot_general3A_57 = arith.constant dense<0.000000e+00> : vector<256x128xf32>
    %dot_general3A_58 = tpu.matmul %concatenate3A_56, %get3A_4, %dot_general3A_57 {dimension_numbers = #tpu.dot_dimension_numbers<[1], [0], [0], [1], [0, 0, 1, 1], [], []>, transpose_lhs_hint = false} : vector<256x256xf32>, vector<256x128xf32>, vector<256x128xf32> -> vector<256x128xf32>
    %max3A_59 = arith.maximumf %max3A_49, %dot_general3A_58 : vector<256x128xf32>
    %get3A_60 = arith.constant 0 : index
    %get3A_61 = arith.constant 6 : index
    %get3A_62 = arith.constant 0 : index
    %get3A_63 = vector.load %arg1[%get3A_60, %get3A_61, %get3A_62] : memref<256x20x128xf32, #tpu.memory_space<vmem>>, vector<256x1x128xf32>
    %get3A_64 = vector.shape_cast %get3A_63 : vector<256x1x128xf32> to vector<256x128xf32>
    %sub3A_65 = arith.subf %get3A_64, %get3A_1 : vector<256x128xf32>
    %concatenate3A_66 = tpu.concatenate %sub3A_65, %get3A_1 in 1 : vector<256x128xf32>, vector<256x128xf32> -> vector<256x256xf32>
    %dot_general3A_67 = arith.constant dense<0.000000e+00> : vector<256x128xf32>
    %dot_general3A_68 = tpu.matmul %concatenate3A_66, %get3A_4, %dot_general3A_67 {dimension_numbers = #tpu.dot_dimension_numbers<[1], [0], [0], [1], [0, 0, 1, 1], [], []>, transpose_lhs_hint = false} : vector<256x256xf32>, vector<256x128xf32>, vector<256x128xf32> -> vector<256x128xf32>
    %max3A_69 = arith.maximumf %max3A_59, %dot_general3A_68 : vector<256x128xf32>
    %get3A_70 = arith.constant 0 : index
    %get3A_71 = arith.constant 7 : index
    %get3A_72 = arith.constant 0 : index
    %get3A_73 = vector.load %arg1[%get3A_70, %get3A_71, %get3A_72] : memref<256x20x128xf32, #tpu.memory_space<vmem>>, vector<256x1x128xf32>
    %get3A_74 = vector.shape_cast %get3A_73 : vector<256x1x128xf32> to vector<256x128xf32>
    %sub3A_75 = arith.subf %get3A_74, %get3A_1 : vector<256x128xf32>
    %concatenate3A_76 = tpu.concatenate %sub3A_75, %get3A_1 in 1 : vector<256x128xf32>, vector<256x128xf32> -> vector<256x256xf32>
    %dot_general3A_77 = arith.constant dense<0.000000e+00> : vector<256x128xf32>
    %dot_general3A_78 = tpu.matmul %concatenate3A_76, %get3A_4, %dot_general3A_77 {dimension_numbers = #tpu.dot_dimension_numbers<[1], [0], [0], [1], [0, 0, 1, 1], [], []>, transpose_lhs_hint = false} : vector<256x256xf32>, vector<256x128xf32>, vector<256x128xf32> -> vector<256x128xf32>
    %max3A_79 = arith.maximumf %max3A_69, %dot_general3A_78 : vector<256x128xf32>
    %get3A_80 = arith.constant 0 : index
    %get3A_81 = arith.constant 8 : index
    %get3A_82 = arith.constant 0 : index
    %get3A_83 = vector.load %arg1[%get3A_80, %get3A_81, %get3A_82] : memref<256x20x128xf32, #tpu.memory_space<vmem>>, vector<256x1x128xf32>
    %get3A_84 = vector.shape_cast %get3A_83 : vector<256x1x128xf32> to vector<256x128xf32>
    %sub3A_85 = arith.subf %get3A_84, %get3A_1 : vector<256x128xf32>
    %concatenate3A_86 = tpu.concatenate %sub3A_85, %get3A_1 in 1 : vector<256x128xf32>, vector<256x128xf32> -> vector<256x256xf32>
    %dot_general3A_87 = arith.constant dense<0.000000e+00> : vector<256x128xf32>
    %dot_general3A_88 = tpu.matmul %concatenate3A_86, %get3A_4, %dot_general3A_87 {dimension_numbers = #tpu.dot_dimension_numbers<[1], [0], [0], [1], [0, 0, 1, 1], [], []>, transpose_lhs_hint = false} : vector<256x256xf32>, vector<256x128xf32>, vector<256x128xf32> -> vector<256x128xf32>
    %max3A_89 = arith.maximumf %max3A_79, %dot_general3A_88 : vector<256x128xf32>
    %get3A_90 = arith.constant 0 : index
    %get3A_91 = arith.constant 9 : index
    %get3A_92 = arith.constant 0 : index
    %get3A_93 = vector.load %arg1[%get3A_90, %get3A_91, %get3A_92] : memref<256x20x128xf32, #tpu.memory_space<vmem>>, vector<256x1x128xf32>
    %get3A_94 = vector.shape_cast %get3A_93 : vector<256x1x128xf32> to vector<256x128xf32>
    %sub3A_95 = arith.subf %get3A_94, %get3A_1 : vector<256x128xf32>
    %concatenate3A_96 = tpu.concatenate %sub3A_95, %get3A_1 in 1 : vector<256x128xf32>, vector<256x128xf32> -> vector<256x256xf32>
    %dot_general3A_97 = arith.constant dense<0.000000e+00> : vector<256x128xf32>
    %dot_general3A_98 = tpu.matmul %concatenate3A_96, %get3A_4, %dot_general3A_97 {dimension_numbers = #tpu.dot_dimension_numbers<[1], [0], [0], [1], [0, 0, 1, 1], [], []>, transpose_lhs_hint = false} : vector<256x256xf32>, vector<256x128xf32>, vector<256x128xf32> -> vector<256x128xf32>
    %max3A_99 = arith.maximumf %max3A_89, %dot_general3A_98 : vector<256x128xf32>
    %get3A_100 = arith.constant 0 : index
    %get3A_101 = arith.constant 10 : index
    %get3A_102 = arith.constant 0 : index
    %get3A_103 = vector.load %arg1[%get3A_100, %get3A_101, %get3A_102] : memref<256x20x128xf32, #tpu.memory_space<vmem>>, vector<256x1x128xf32>
    %get3A_104 = vector.shape_cast %get3A_103 : vector<256x1x128xf32> to vector<256x128xf32>
    %sub3A_105 = arith.subf %get3A_104, %get3A_1 : vector<256x128xf32>
    %concatenate3A_106 = tpu.concatenate %sub3A_105, %get3A_1 in 1 : vector<256x128xf32>, vector<256x128xf32> -> vector<256x256xf32>
    %dot_general3A_107 = arith.constant dense<0.000000e+00> : vector<256x128xf32>
    %dot_general3A_108 = tpu.matmul %concatenate3A_106, %get3A_4, %dot_general3A_107 {dimension_numbers = #tpu.dot_dimension_numbers<[1], [0], [0], [1], [0, 0, 1, 1], [], []>, transpose_lhs_hint = false} : vector<256x256xf32>, vector<256x128xf32>, vector<256x128xf32> -> vector<256x128xf32>
    %max3A_109 = arith.maximumf %max3A_99, %dot_general3A_108 : vector<256x128xf32>
    %get3A_110 = arith.constant 0 : index
    %get3A_111 = arith.constant 11 : index
    %get3A_112 = arith.constant 0 : index
    %get3A_113 = vector.load %arg1[%get3A_110, %get3A_111, %get3A_112] : memref<256x20x128xf32, #tpu.memory_space<vmem>>, vector<256x1x128xf32>
    %get3A_114 = vector.shape_cast %get3A_113 : vector<256x1x128xf32> to vector<256x128xf32>
    %sub3A_115 = arith.subf %get3A_114, %get3A_1 : vector<256x128xf32>
    %concatenate3A_116 = tpu.concatenate %sub3A_115, %get3A_1 in 1 : vector<256x128xf32>, vector<256x128xf32> -> vector<256x256xf32>
    %dot_general3A_117 = arith.constant dense<0.000000e+00> : vector<256x128xf32>
    %dot_general3A_118 = tpu.matmul %concatenate3A_116, %get3A_4, %dot_general3A_117 {dimension_numbers = #tpu.dot_dimension_numbers<[1], [0], [0], [1], [0, 0, 1, 1], [], []>, transpose_lhs_hint = false} : vector<256x256xf32>, vector<256x128xf32>, vector<256x128xf32> -> vector<256x128xf32>
    %max3A_119 = arith.maximumf %max3A_109, %dot_general3A_118 : vector<256x128xf32>
    %get3A_120 = arith.constant 0 : index
    %get3A_121 = arith.constant 12 : index
    %get3A_122 = arith.constant 0 : index
    %get3A_123 = vector.load %arg1[%get3A_120, %get3A_121, %get3A_122] : memref<256x20x128xf32, #tpu.memory_space<vmem>>, vector<256x1x128xf32>
    %get3A_124 = vector.shape_cast %get3A_123 : vector<256x1x128xf32> to vector<256x128xf32>
    %sub3A_125 = arith.subf %get3A_124, %get3A_1 : vector<256x128xf32>
    %concatenate3A_126 = tpu.concatenate %sub3A_125, %get3A_1 in 1 : vector<256x128xf32>, vector<256x128xf32> -> vector<256x256xf32>
    %dot_general3A_127 = arith.constant dense<0.000000e+00> : vector<256x128xf32>
    %dot_general3A_128 = tpu.matmul %concatenate3A_126, %get3A_4, %dot_general3A_127 {dimension_numbers = #tpu.dot_dimension_numbers<[1], [0], [0], [1], [0, 0, 1, 1], [], []>, transpose_lhs_hint = false} : vector<256x256xf32>, vector<256x128xf32>, vector<256x128xf32> -> vector<256x128xf32>
    %max3A_129 = arith.maximumf %max3A_119, %dot_general3A_128 : vector<256x128xf32>
    %get3A_130 = arith.constant 0 : index
    %get3A_131 = arith.constant 13 : index
    %get3A_132 = arith.constant 0 : index
    %get3A_133 = vector.load %arg1[%get3A_130, %get3A_131, %get3A_132] : memref<256x20x128xf32, #tpu.memory_space<vmem>>, vector<256x1x128xf32>
    %get3A_134 = vector.shape_cast %get3A_133 : vector<256x1x128xf32> to vector<256x128xf32>
    %sub3A_135 = arith.subf %get3A_134, %get3A_1 : vector<256x128xf32>
    %concatenate3A_136 = tpu.concatenate %sub3A_135, %get3A_1 in 1 : vector<256x128xf32>, vector<256x128xf32> -> vector<256x256xf32>
    %dot_general3A_137 = arith.constant dense<0.000000e+00> : vector<256x128xf32>
    %dot_general3A_138 = tpu.matmul %concatenate3A_136, %get3A_4, %dot_general3A_137 {dimension_numbers = #tpu.dot_dimension_numbers<[1], [0], [0], [1], [0, 0, 1, 1], [], []>, transpose_lhs_hint = false} : vector<256x256xf32>, vector<256x128xf32>, vector<256x128xf32> -> vector<256x128xf32>
    %max3A_139 = arith.maximumf %max3A_129, %dot_general3A_138 : vector<256x128xf32>
    %get3A_140 = arith.constant 0 : index
    %get3A_141 = arith.constant 14 : index
    %get3A_142 = arith.constant 0 : index
    %get3A_143 = vector.load %arg1[%get3A_140, %get3A_141, %get3A_142] : memref<256x20x128xf32, #tpu.memory_space<vmem>>, vector<256x1x128xf32>
    %get3A_144 = vector.shape_cast %get3A_143 : vector<256x1x128xf32> to vector<256x128xf32>
    %sub3A_145 = arith.subf %get3A_144, %get3A_1 : vector<256x128xf32>
    %concatenate3A_146 = tpu.concatenate %sub3A_145, %get3A_1 in 1 : vector<256x128xf32>, vector<256x128xf32> -> vector<256x256xf32>
    %dot_general3A_147 = arith.constant dense<0.000000e+00> : vector<256x128xf32>
    %dot_general3A_148 = tpu.matmul %concatenate3A_146, %get3A_4, %dot_general3A_147 {dimension_numbers = #tpu.dot_dimension_numbers<[1], [0], [0], [1], [0, 0, 1, 1], [], []>, transpose_lhs_hint = false} : vector<256x256xf32>, vector<256x128xf32>, vector<256x128xf32> -> vector<256x128xf32>
    %max3A_149 = arith.maximumf %max3A_139, %dot_general3A_148 : vector<256x128xf32>
    %get3A_150 = arith.constant 0 : index
    %get3A_151 = arith.constant 15 : index
    %get3A_152 = arith.constant 0 : index
    %get3A_153 = vector.load %arg1[%get3A_150, %get3A_151, %get3A_152] : memref<256x20x128xf32, #tpu.memory_space<vmem>>, vector<256x1x128xf32>
    %get3A_154 = vector.shape_cast %get3A_153 : vector<256x1x128xf32> to vector<256x128xf32>
    %sub3A_155 = arith.subf %get3A_154, %get3A_1 : vector<256x128xf32>
    %concatenate3A_156 = tpu.concatenate %sub3A_155, %get3A_1 in 1 : vector<256x128xf32>, vector<256x128xf32> -> vector<256x256xf32>
    %dot_general3A_157 = arith.constant dense<0.000000e+00> : vector<256x128xf32>
    %dot_general3A_158 = tpu.matmul %concatenate3A_156, %get3A_4, %dot_general3A_157 {dimension_numbers = #tpu.dot_dimension_numbers<[1], [0], [0], [1], [0, 0, 1, 1], [], []>, transpose_lhs_hint = false} : vector<256x256xf32>, vector<256x128xf32>, vector<256x128xf32> -> vector<256x128xf32>
    %max3A_159 = arith.maximumf %max3A_149, %dot_general3A_158 : vector<256x128xf32>
    %get3A_160 = arith.constant 0 : index
    %get3A_161 = arith.constant 16 : index
    %get3A_162 = arith.constant 0 : index
    %get3A_163 = vector.load %arg1[%get3A_160, %get3A_161, %get3A_162] : memref<256x20x128xf32, #tpu.memory_space<vmem>>, vector<256x1x128xf32>
    %get3A_164 = vector.shape_cast %get3A_163 : vector<256x1x128xf32> to vector<256x128xf32>
    %sub3A_165 = arith.subf %get3A_164, %get3A_1 : vector<256x128xf32>
    %concatenate3A_166 = tpu.concatenate %sub3A_165, %get3A_1 in 1 : vector<256x128xf32>, vector<256x128xf32> -> vector<256x256xf32>
    %dot_general3A_167 = arith.constant dense<0.000000e+00> : vector<256x128xf32>
    %dot_general3A_168 = tpu.matmul %concatenate3A_166, %get3A_4, %dot_general3A_167 {dimension_numbers = #tpu.dot_dimension_numbers<[1], [0], [0], [1], [0, 0, 1, 1], [], []>, transpose_lhs_hint = false} : vector<256x256xf32>, vector<256x128xf32>, vector<256x128xf32> -> vector<256x128xf32>
    %max3A_169 = arith.maximumf %max3A_159, %dot_general3A_168 : vector<256x128xf32>
    %get3A_170 = arith.constant 0 : index
    %get3A_171 = arith.constant 17 : index
    %get3A_172 = arith.constant 0 : index
    %get3A_173 = vector.load %arg1[%get3A_170, %get3A_171, %get3A_172] : memref<256x20x128xf32, #tpu.memory_space<vmem>>, vector<256x1x128xf32>
    %get3A_174 = vector.shape_cast %get3A_173 : vector<256x1x128xf32> to vector<256x128xf32>
    %sub3A_175 = arith.subf %get3A_174, %get3A_1 : vector<256x128xf32>
    %concatenate3A_176 = tpu.concatenate %sub3A_175, %get3A_1 in 1 : vector<256x128xf32>, vector<256x128xf32> -> vector<256x256xf32>
    %dot_general3A_177 = arith.constant dense<0.000000e+00> : vector<256x128xf32>
    %dot_general3A_178 = tpu.matmul %concatenate3A_176, %get3A_4, %dot_general3A_177 {dimension_numbers = #tpu.dot_dimension_numbers<[1], [0], [0], [1], [0, 0, 1, 1], [], []>, transpose_lhs_hint = false} : vector<256x256xf32>, vector<256x128xf32>, vector<256x128xf32> -> vector<256x128xf32>
    %max3A_179 = arith.maximumf %max3A_169, %dot_general3A_178 : vector<256x128xf32>
    %get3A_180 = arith.constant 0 : index
    %get3A_181 = arith.constant 18 : index
    %get3A_182 = arith.constant 0 : index
    %get3A_183 = vector.load %arg1[%get3A_180, %get3A_181, %get3A_182] : memref<256x20x128xf32, #tpu.memory_space<vmem>>, vector<256x1x128xf32>
    %get3A_184 = vector.shape_cast %get3A_183 : vector<256x1x128xf32> to vector<256x128xf32>
    %sub3A_185 = arith.subf %get3A_184, %get3A_1 : vector<256x128xf32>
    %concatenate3A_186 = tpu.concatenate %sub3A_185, %get3A_1 in 1 : vector<256x128xf32>, vector<256x128xf32> -> vector<256x256xf32>
    %dot_general3A_187 = arith.constant dense<0.000000e+00> : vector<256x128xf32>
    %dot_general3A_188 = tpu.matmul %concatenate3A_186, %get3A_4, %dot_general3A_187 {dimension_numbers = #tpu.dot_dimension_numbers<[1], [0], [0], [1], [0, 0, 1, 1], [], []>, transpose_lhs_hint = false} : vector<256x256xf32>, vector<256x128xf32>, vector<256x128xf32> -> vector<256x128xf32>
    %max3A_189 = arith.maximumf %max3A_179, %dot_general3A_188 : vector<256x128xf32>
    %get3A_190 = arith.constant 0 : index
    %get3A_191 = arith.constant 19 : index
    %get3A_192 = arith.constant 0 : index
    %get3A_193 = vector.load %arg1[%get3A_190, %get3A_191, %get3A_192] : memref<256x20x128xf32, #tpu.memory_space<vmem>>, vector<256x1x128xf32>
    %get3A_194 = vector.shape_cast %get3A_193 : vector<256x1x128xf32> to vector<256x128xf32>
    %sub3A_195 = arith.subf %get3A_194, %get3A_1 : vector<256x128xf32>
    %concatenate3A_196 = tpu.concatenate %sub3A_195, %get3A_1 in 1 : vector<256x128xf32>, vector<256x128xf32> -> vector<256x256xf32>
    %dot_general3A_197 = arith.constant dense<0.000000e+00> : vector<256x128xf32>
    %dot_general3A_198 = tpu.matmul %concatenate3A_196, %get3A_4, %dot_general3A_197 {dimension_numbers = #tpu.dot_dimension_numbers<[1], [0], [0], [1], [0, 0, 1, 1], [], []>, transpose_lhs_hint = false} : vector<256x256xf32>, vector<256x128xf32>, vector<256x128xf32> -> vector<256x128xf32>
    %max3A_199 = arith.maximumf %max3A_189, %dot_general3A_198 : vector<256x128xf32>
    %swap3A = arith.constant 0 : index
    %swap3A_200 = arith.constant 0 : index
    %swap3A_201 = vector.load %arg4[%swap3A, %swap3A_200] : memref<256x128xf32, #tpu.memory_space<vmem>>, vector<256x128xf32>
    tpu.vector_store %arg4[%swap3A, %swap3A_200], %max3A_199 {strides = array<i32>} : memref<256x128xf32, #tpu.memory_space<vmem>>, vector<256x128xf32>,
    return
  }
  func.func @transform_0(%arg0: i32) -> (i32, i32, i32) {
    %c0_i32 = arith.constant 0 : i32
    %c0_i32_0 = arith.constant 0 : i32
    %c0_i32_1 = arith.constant 0 : i32
    return %arg0, %c0_i32, %c0_i32_0 : i32, i32, i32
  }
  func.func @transform_1(%arg0: i32) -> (i32, i32) {
    %c0_i32 = arith.constant 0 : i32
    %c0_i32_0 = arith.constant 0 : i32
    return %arg0, %c0_i32 : i32, i32
  }
  func.func @transform_2(%arg0: i32) -> (i32, i32) {
    %c0_i32 = arith.constant 0 : i32
    %c0_i32_0 = arith.constant 0 : i32
    %c0_i32_1 = arith.constant 0 : i32
    return %c0_i32, %c0_i32_0 : i32, i32
  }
  func.func @transform_3(%arg0: i32) -> (i32, i32) {
    %c0_i32 = arith.constant 0 : i32
    %c0_i32_0 = arith.constant 0 : i32
    return %arg0, %c0_i32 : i32, i32
  }
}

</mosaic_0001>

<sc_bundles>
// kernel: kernel.18.cloned.1.call-start
scs
__scs_entry_jumppad:
0x0: {  	(pc) =	sbr.rel $0x88, $3  }
0x1: {  	(tag) =	ssettag $0x0;
	lr =	simm.s32 $0x1  }
0x2: {  	[smem:$0x3F94] =	sst lr;
	_ =	strace $0xD0000000  }
0x3: {  	_ = 	snop  }
0x4: {  	_ = 	snop  }
0x5: {  	_ = 	snop  }
0x6: {  	_ = 	snop  }
0x7: {  	_ = 	snop  }
__scs_overlays_trampoline_lowered:
0x8: {  	[smem:$0x3FA3] =	sst s0  }
0x9: {  	[smem:$0x3FA4] =	sst s1  }
0xa: {  	[smem:$0x3FA5] =	sst s2  }
0xb: {  	[smem:$0x3FA6] =	sst s3  }
0xc: {  	[smem:$0x3FA7] =	sst s4  }
0xd: {  	[smem:$0x3FA8] =	sst s5  }
0xe: {  	[smem:$0x3FA9] =	sst s6  }
0xf: {  	[smem:$0x3FAA] =	sst s7  }
0x10: {  	[smem:$0x3FAB] =	sst s8  }
0x11: {  	[smem:$0x3FAC] =	sst s9;
	s0 =	simm.s32 @!p0 $0x0  }
0x12: {  	s1 =	sld [smem:$0x3F92];
	s0 =	simm.s32 @p0 $0x1  }
0x13: {  	[smem:$0x3FAD] =	sst s0;
	s0 =	simm.s32 @!p1 $0x0  }
0x14: {  	s2 =	sld [smem:$0x3F91];
	s0 =	simm.s32 @p1 $0x1  }
0x15: {  	[smem:$0x3FAE] =	sst s0;
	s0 =	simm.s32 @!p2 $0x0  }
0x16: {  	s3 =	sld [smem:$0x3FDB];
	s0 =	simm.s32 @p2 $0x1  }
0x17: {  	s4 =	simm.s32 $0x1BF5;
	[smem:$0x3FB0] =	sst s0  }
0x18: {  	s0 =	sld [smem:$0x3F93];
	_ =	swait.ge [sflag:s4], $0x0  }
0x19: {  	s7 =	sld [smem:$0x3F94]  }
0x1a: {  	s8 =	sadd.s32 $0xFFFFE003, lr  }
0x1b: {  	s9 =	sadd.s32 $0xFFFFFEF7, lr;
	s5 =	simm.s32 $0xFFFFFFFF;
	p2 =	slt.u32 s8, $0xFFFFF086  }
0x1c: {  	p1 =	slt.u32 s9, $0xF7A;
	s5 =	simm.s32 @!p2 $0x0  }
0x1d: {  	s5 =	simm.s32 @p1 $0x1;
	p0 =	seq.s32 s7, s2  }
0x1e: {  	s7 =	smul.u32 @!p0 $0xF7A, s2;
	p2 =	seq.s32 @!p0 s5, $0x0  }
0x1f: {  	s9 =	smul.u32 $0xF7A, s1;
	s8 =	simm.s32 @!p0 $0x1BF5;
	p2 =	por !p2, p0  }
0x20: {  	[sflag:s8] =	ssyncset.s32 @!p0 $0xFFFFF086;
	s6 =	sadd.s32 @!p0 s3, s7;
	s7 =	simm.s32 @!p0 $0x108  }
0x21: {  	s3 =	sadd.s32 s3, s9;
	s6 =	sadd.s32 @!p0 $0x88, s6;
	s7 =	simm.s32 @p2 $0x1082  }
0x22: {  	[simem:s7], [sflag:s8] =	dma.local @!p0 [hbm:s6], $0xF7A  }
0x23: {  	s9 =	sor.u32 $0xD0000000, s2;
	s6 =	simm.s32 $0x108;
	_ =	swait.ge @!p0 [sflag:s8], $0x0  }
0x24: {  	s3 =	sadd.s32 $0x88, s3;
	s6 =	simm.s32 @!p1 $0x1082;
	[sflag:s4] =	ssyncset.s32 $0xFFFFF086  }
0x25: {  	[simem:s6], [sflag:s4] =	dma.local [hbm:s3], $0xF7A  }
0x26: {  	[smem:$0x3F94] =	sst s1;
	(tag) =	ssettag s2;
	_ =	strace s9  }
0x27: {  	s1 =	sld [smem:$0x3FA4]  }
0x28: {  	s2 =	sld [smem:$0x3FA5]  }
0x29: {  	s4 =	sld [smem:$0x3FA7]  }
0x2a: {  	p0 =	seq.s32 s5, $0x0;
	s5 =	sld [smem:$0x3FA8]  }
0x2b: {  	s6 =	sld [smem:$0x3FA9]  }
0x2c: {  	s7 =	sld [smem:$0x3FAA]  }
0x2d: {  	s3 =	simm.s32 $0x108;
	s8 =	sld [smem:$0x3FAB]  }
0x2e: {  	s3 =	simm.s32 @!p0 $0x1082;
	s9 =	sld [smem:$0x3FAC]  }
0x2f: {  	lr =	sadd.s32 s0, s3;
	s0 =	sld [smem:$0x3FA3]  }
0x30: {  	s3 =	sld [smem:$0x3FA6]  }
0x31: {  	[smem:$0x3FAF] =	sst s10  }
0x32: {  	s10 =	sld [smem:$0x3FAD];
	_ =	sdelay $0x3  }
0x33: {  	p0 =	seq.s32 s10, $0x1;
	s10 =	sld [smem:$0x3FAF];
	_ =	sdelay $0x3  }
0x34: {  	[smem:$0x3FAF] =	sst s10  }
0x35: {  	s10 =	sld [smem:$0x3FAE];
	_ =	sdelay $0x3  }
0x36: {  	p1 =	seq.s32 s10, $0x1;
	s10 =	sld [smem:$0x3FAF];
	_ =	sdelay $0x3  }
0x37: {  	[smem:$0x3FAF] =	sst s10  }
0x38: {  	s10 =	sld [smem:$0x3FB0]  }
0x39: {  	_ = 	snop;
	(pc) =	sbr.ind lr, $3  }
0x3a: {  	_ = 	snop  }
0x3b: {  	_ = 	snop  }
0x3c: {  	p2 =	seq.s32 s10, $0x1;
	s10 =	sld [smem:$0x3FAF]  }
0x3d: {  	_ =	shalt  }
0x3e: {  	_ =	shalt  }
0x3f: {  	_ =	shalt  }
0x40: {  	_ =	shalt  }
0x41: {  	_ =	shalt  }
0x42: {  	_ =	shalt  }
0x43: {  	_ =	shalt  }
0x44: {  	_ =	shalt  }
0x45: {  	_ =	shalt  }
0x46: {  	_ =	shalt  }
0x47: {  	_ =	shalt  }
0x48: {  	_ =	shalt  }
0x49: {  	_ =	shalt  }
0x4a: {  	_ =	shalt  }
0x4b: {  	_ =	shalt  }
0x4c: {  	_ =	shalt  }
0x4d: {  	_ =	shalt  }
0x4e: {  	_ =	shalt  }
0x4f: {  	_ =	shalt  }
0x50: {  	_ =	shalt  }
0x51: {  	_ =	shalt  }
0x52: {  	_ =	shalt  }
0x53: {  	_ =	shalt  }
0x54: {  	_ =	shalt  }
0x55: {  	_ =	shalt  }
0x56: {  	_ =	shalt  }
0x57: {  	_ =	shalt  }
0x58: {  	_ =	shalt  }
0x59: {  	_ =	shalt  }
0x5a: {  	_ =	shalt  }
0x5b: {  	_ =	shalt  }
0x5c: {  	_ =	shalt  }
0x5d: {  	_ =	shalt  }
0x5e: {  	_ =	shalt  }
0x5f: {  	_ =	shalt  }
0x60: {  	_ =	shalt  }
0x61: {  	_ =	shalt  }
0x62: {  	_ =	shalt  }
0x63: {  	_ =	shalt  }
0x64: {  	_ =	shalt  }
0x65: {  	_ =	shalt  }
0x66: {  	_ =	shalt  }
0x67: {  	_ =	shalt  }
0x68: {  	_ =	shalt  }
0x69: {  	_ =	shalt  }
0x6a: {  	_ =	shalt  }
0x6b: {  	_ =	shalt  }
0x6c: {  	_ =	shalt  }
0x6d: {  	_ =	shalt  }
0x6e: {  	_ =	shalt  }
0x6f: {  	_ =	shalt  }
0x70: {  	_ =	shalt  }
0x71: {  	_ =	shalt  }
0x72: {  	_ =	shalt  }
0x73: {  	_ =	shalt  }
0x74: {  	_ =	shalt  }
0x75: {  	_ =	shalt  }
0x76: {  	_ =	shalt  }
0x77: {  	_ =	shalt  }
0x78: {  	_ =	shalt  }
0x79: {  	_ =	shalt  }
0x7a: {  	_ =	shalt  }
0x7b: {  	_ =	shalt  }
0x7c: {  	_ =	shalt  }
0x7d: {  	_ =	shalt  }
0x7e: {  	_ =	shalt  }
0x7f: {  	_ =	shalt  }
0x80: {  	_ =	shalt  }
0x81: {  	_ =	shalt  }
0x82: {  	_ =	shalt  }
0x83: {  	_ =	shalt  }
0x84: {  	_ =	shalt  }
0x85: {  	_ =	shalt  }
0x86: {  	_ =	shalt  }
0x87: {  	_ =	shalt  }
.Lfunc_end0:
.L_simem_size_0:
called_computation.1_lowered:
.L_overlay_start_0:
0x88: {  	s2 =	sld [smem:$0x3FD9]  }
0x89: {  	s3 =	sld [smem:$0x3FFE];
	_ =	sdelay $0x1  }
0x8a: {  	s1 =	srdreg.scid  }
0x8b: {  	s0 =	sand.u32 $0x1, s1  }
0x8c: {  	s17 =	sshll.u32 s0, $0xA;
	s2 =	sadd.s32 s3, s2  }
0x8d: {  	s2 =	sadd.s32 s2, s17  }
0x8e: {  	[smem:$0x3FBB] =	sst s2  }
0x8f: {  	_ = 	snop  }
0x90: {  	s2 =	sld [smem:$0x3FD0];
	(tm) =	ssettm $0x1  }
0x91: {  	s18 =	sld [smem:$0x3FFB];
	_ =	sdelay $0x3  }
0x92: {  	_ =	strace s18  }
0x93: {  	s3 =	sld [smem:$0x3FFC];
	_ =	sdelay $0x3  }
0x94: {  	_ =	strace s3  }
0x95: {  	s3 =	sld [smem:$0x3FFD];
	_ =	sdelay $0x3  }
0x96: {  	_ =	strace s3  }
0x97: {  	_ =	strace $0x8FFFFFFF  }
0x98: {  	s19 =	sld [smem:$0x3FDB];
	_ =	sdelay $0x1  }
0x99: {  	s4 =	simm.s32 $_scs_section_size  }
0x9a: {  	s5 =	simm.s32 $_size__tile_overlayer_lowered;
	s6 =	simm.s32 $_tile_overlayer_lowered  }
0x9b: {  	s22 =	simm.s32 $0x1BFF;
	s21 =	sshll.u32 s6, $0x1;
	s3 =	sadd.s32 s4, s19  }
0x9c: {  	s7 =	simm.s32 $0x0;
	s20 =	sshll.u32 s5, $0x1;
	s5 =	sadd.s32 s21, s3  }
0x9d: {  	[timem:s7], [sflag:s22] =	dma.local [hbm:s5], s20  }
0x9e: {  	_ =	swait.ge [sflag:s22], s20  }
0x9f: {  	s4 =	ssub.s32 $0x0, s20;
	[sflag:s22] =	ssyncset.done $0x0  }
0xa0: {  	[sflag:s22] =	ssyncadd.s32 s4;
	_ =	sdelay $0x1  }
0xa1: {  	s23 =	simm.s32 $0x1B8B  }
0xa2: {  	_ =	swait.ge [sflag:s23], $0x1  }
0xa3: {  	[sflag:s23] =	ssyncset.done $0x0  }
0xa4: {  	s25 =	simm.s32 $0x1B8E;
	s24 =	sld [smem:$0x3FFE];
	[sflag:s23] =	ssyncadd.s32 $0xFFFFFFFF  }
0xa5: {  	s26 =	simm.s32 $execute0_lowered;
	[smem:$0x3FD2] =	sst s25  }
0xa6: {  	s5 =	sshll.u32 s26, $0x1;
	_ =	strace $0x80000046;
	[dreg:$0x1] =	wrdreg $0xFFFFFFFF  }
0xa7: {  	s28 =	simm.s32 $_size_execute0_lowered;
	s3 =	sadd.s32 s3, s5;
	[dreg:$0x0] =	wrdreg $0x0  }
0xa8: {  	s5 =	sshll.u32 s28, $0x1;
	[dreg:$0x2] =	wrdreg s3  }
0xa9: {  	[dreg:$0x3] =	wrdreg s5  }
0xaa: {  	[dreg:$0x4] =	wrdreg $0xC0  }
0xab: {  	_ =	task [dreg:s7], $0x5FFFF  }
0xac: {  	[dreg:$0x1] =	wrdreg $0xFFFFFFFF  }
0xad: {  	[dreg:$0x0] =	wrdreg $0x60  }
0xae: {  	[dreg:$0x2] =	wrdreg s2  }
0xaf: {  	[dreg:$0x3] =	wrdreg s24  }
0xb0: {  	[dreg:$0x4] =	wrdreg $0x9  }
0xb1: {  	_ =	task.clear_ibuf [dreg:s7], $0x5FFFF;
	_ =	strace $0x90000046  }
0xb2: {  	s29 =	simm.s32 $0x9;
	_ =	strace $0x80000048  }
0xb3: {  	_ =	swait.ge [sflag:s29], $0x1  }
0xb4: {  	[sflag:s29] =	ssyncadd.s32 $0xFFFFFFFF  }
0xb5: {  	_ =	strace $0x90000048  }
0xb6: {  	_ =	sfence  }
0xb7: {  	s30 =	sld [smem:$0x0];
	_ =	sdelay $0x2  }
0xb8: {  	s31 =	sshll.u32 s1, $0xD;
	s1 =	sshrl.u32 s1, $0x2  }
0xb9: {  	s3 =	sand.u32 $0x4000, s31;
	s1 =	sadd.s32 s1, s30  }
0xba: {  	s0 =	sor.u32 s3, s0;
	s1 =	sshll.u32 s1, $0x11  }
0xbb: {  	s0 =	sor.u32 s1, s0  }
0xbc: {  	s0 =	sadd.s32 $0x8F2B, s0  }
0xbd: {  	[sflag:s0] =	ssyncadd.remote.s32 $0x1  }
0xbe: {  	_ =	sfence.sel $0xFFFF  }
0xbf: {  	[dreg:$0x0] =	wrdreg $0xFFFFFFFF;
	(pc) =	sbr.abs _section_cstart, $3  }
0xc0: {  	[dreg:$0x1] =	wrdreg $0xFFFFFFFF  }
0xc1: {  	_ =	task.clear_ibuf [dreg:s7], $0x2FFFF;
	_ =	strace $0x9FFFFFFF  }
0xc2: {  	(tm) =	ssettm $0x7FFFFFFF  }
0xc3: {  	_ =	shalt  }
tec
execute0_lowered:
.L_overlay_start_1:
0x0: {  	(tag) =	ssettag $0x1  }
0x1: {  	s2 =	rddreg [dreg:$0x0]  }
0x2: {  	s1 =	srdreg.scid;
	s0 =	stileid.u32  }
0x3: {  	s4 =	rddreg [dreg:$0x1];
	s3 =	simm.s32 $0x0;
	s15 =	simm.s32 $0x4100  }
0x4: {  	s16 =	simm.s32 $0x1;
	s17 =	simm.s32 $0x2;
	s18 =	simm.s32 $0x0  }
0x5: {  	s9 =	sand.u32 $0x1, s1;
	s1 =	rddreg [dreg:$0x2];
	s12 =	smul.u32 $0x5000, s0  }
0x6: {  	s5 =	sshll.u32 s0, $0x1;
	[smem:$0x7FF] =	sst s3;
	s14 =	smul.u32 $0x50000, s0  }
0x7: {  	s11 =	sadd.s32 $0x3C00, s4;
	s5 =	sor.u32 s9, s5;
	s13 =	smul.u32 $0x2800, s9  }
0x8: {  	s10 =	sadd.s32 $0xDC00, s4;
	s6 =	ssub.s32 $0x2, s9;
	s7 =	smul.u32 $0x2800, s5  }
0x9: {  	_ =	strace $0x80000047;
	s9 =	smul.u32 $0x28000, s9;
	s28 =	sshrl.u32 s6, $0x1  }
0xa: {  	s5 =	ssub.s32 s6, s28;
	s12 =	sadd.s32 s13, s12;
	s29 =	sshrl.u32 s7, $0x3  }
0xb: {  	s5 =	smax.u32 s5, $0x1;
	s8 =	sadd.s32 $0x2780, s7;
	s7 =	sshll.u32 s7, $0x4  }
0xc: {  	s13 =	sor.u32 $0x80, s12;
	s12 =	sor.u32 $0x100, s12;
	s4 =	sadd.s32 s11, s29  }
0xd: {  	s30 =	sshrl.u32 s8, $0x3;
	s7 =	sadd.s32 s10, s7;
	s8 =	sshll.u32 s8, $0x4  }
0xe: {  	s31 =	sshrl.u32 s13, $0x3;
	s12 =	sshrl.u32 s12, $0x3;
	s13 =	simm.s32 $0x80  }
0xf: {  	s6 =	sadd.s32 s11, s30;
	s8 =	sadd.s32 s10, s8;
	s10 =	sadd.s32 s14, s10  }
0x10: {  	s7 =	sadd.s32 $0x27000, s7;
	s14 =	simm.s32 $0x100;
	s9 =	sadd.s32 s9, s10  }
0x11: {  	s10 =	sadd.s32 s31, s11;
	s11 =	sadd.s32 s12, s11;
	s12 =	simm.s32 $0x3  }
.LBB2_1:
0x12: {  	[tilespmem:s3], [sflag:$0x3] =	stream.linear.gather [hbm4b:s4+s3], $0x80, $0x38;
	[tilespmem:$0x8100] =	vst v63  }
0x13: {  	_ =	swait.ge [sflag:s12], $0x80  }
0x14: {  	[sflag:s12] =	ssyncset.done $0x0  }
0x15: {  	[sflag:s12] =	ssyncadd.s32 $0xFFFFFF80  }
0x16: {  	[tilespmem:s14], [sflag:$0x1] =	stream.indirect.gather [hbm4b:s2+s13], $0x80, s3, s13, $0xb8;
	[tilespmem:$0x8100] =	vst v63  }
0x17: {  	s19 =	sadd.s32 $0x0, s10  }
0x18: {  	[tilespmem:s13], [sflag:$0x3] =	stream.linear.gather [hbm4b:s19+s3], $0x80, $0x38;
	[tilespmem:$0x8100] =	vst v63  }
0x19: {  	_ =	swait.ge [sflag:s12], $0x80  }
0x1a: {  	[sflag:s12] =	ssyncset.done $0x0  }
0x1b: {  	[sflag:s12] =	ssyncadd.s32 $0xFFFFFF80  }
0x1c: {  	[tilespmem:s15], [sflag:$0x2] =	stream.indirect.gather [hbm4b:s2+s13], $0x80, s13, s13, $0xb8;
	[tilespmem:$0x8100] =	vst v63  }
0x1d: {  	_ =	swait.ge [sflag:s16], $0x4000  }
0x1e: {  	[sflag:s16] =	ssyncset.done $0x0  }
0x1f: {  	[sflag:s16] =	ssyncadd.s32 $0xFFFFC000  }
0x20: {  	[hbm4b:s9+s3] =	stream.linear.scatter [tilespmem:s14], [sflag:$0x3], $0x4000, $0x38;
	[tilespmem:$0x8100] =	vst v63  }
0x21: {  	_ =	swait.ge [sflag:s12], $0x4000  }
0x22: {  	[sflag:s12] =	ssyncset.done $0x0  }
0x23: {  	s30 =	sadd.s32 $0x0, s11;
	[sflag:s12] =	ssyncadd.s32 $0xFFFFC000  }
0x24: {  	[tilespmem:s3], [sflag:$0x3] =	stream.linear.gather [hbm4b:s30+s3], $0x80, $0x38;
	[tilespmem:$0x8100] =	vst v63  }
0x25: {  	_ =	swait.ge [sflag:s12], $0x80  }
0x26: {  	[sflag:s12] =	ssyncset.done $0x0  }
0x27: {  	[sflag:s12] =	ssyncadd.s32 $0xFFFFFF80  }
0x28: {  	[tilespmem:s14], [sflag:$0x1] =	stream.indirect.gather [hbm4b:s2+s13], $0x80, s3, s13, $0xb8;
	[tilespmem:$0x8100] =	vst v63  }
0x29: {  	_ =	swait.ge [sflag:s17], $0x4000  }
0x2a: {  	[sflag:s17] =	ssyncset.done $0x0  }
0x2b: {  	s31 =	sadd.s32 $0x800, s9;
	[sflag:s17] =	ssyncadd.s32 $0xFFFFC000  }
0x2c: {  	[hbm4b:s31+s3] =	stream.linear.scatter [tilespmem:s15], [sflag:$0x3], $0x4000, $0x38;
	[tilespmem:$0x8100] =	vst v63  }
0x2d: {  	s20 =	simm.s32 $0x20;
	_ =	swait.ge [sflag:s12], $0x4000  }
0x2e: {  	s21 =	simm.s32 $0x40;
	s19 =	sadd.s32 $0x1000, s9;
	[sflag:s12] =	ssyncset.done $0x0  }
.LBB2_2:
0x2f: {  	s22 =	sadd.s32 s20, s10  }
0x30: {  	[sflag:s12] =	ssyncadd.s32 $0xFFFFC000;
	s23 =	smov.u32 s21;
	s24 =	sadd.s32 $0x20, s21  }
0x31: {  	[tilespmem:s13], [sflag:$0x3] =	stream.linear.gather [hbm4b:s22+s3], $0x80, $0x38;
	[tilespmem:$0x8100] =	vst v63  }
0x32: {  	p0 =	sne.s32 s21, $0x4C0;
	_ =	swait.ge [sflag:s12], $0x80  }
0x33: {  	[sflag:s12] =	ssyncset.done $0x0  }
0x34: {  	[sflag:s12] =	ssyncadd.s32 $0xFFFFFF80  }
0x35: {  	[tilespmem:s15], [sflag:$0x2] =	stream.indirect.gather [hbm4b:s2+s13], $0x80, s13, s13, $0xb8;
	[tilespmem:$0x8100] =	vst v63  }
0x36: {  	_ =	swait.ge [sflag:s16], $0x4000  }
0x37: {  	[sflag:s16] =	ssyncset.done $0x0  }
0x38: {  	[sflag:s16] =	ssyncadd.s32 $0xFFFFC000  }
0x39: {  	[hbm4b:s19+s3] =	stream.linear.scatter [tilespmem:s14], [sflag:$0x3], $0x4000, $0x38;
	[tilespmem:$0x8100] =	vst v63  }
0x3a: {  	_ =	swait.ge [sflag:s12], $0x4000  }
0x3b: {  	[sflag:s12] =	ssyncset.done $0x0  }
0x3c: {  	s21 =	sadd.s32 s20, s11;
	s20 =	smov.u32 s23;
	[sflag:s12] =	ssyncadd.s32 $0xFFFFC000  }
0x3d: {  	[tilespmem:s3], [sflag:$0x3] =	stream.linear.gather [hbm4b:s21+s3], $0x80, $0x38;
	[tilespmem:$0x8100] =	vst v63  }
0x3e: {  	_ =	swait.ge [sflag:s12], $0x80  }
0x3f: {  	[sflag:s12] =	ssyncset.done $0x0  }
0x40: {  	[sflag:s12] =	ssyncadd.s32 $0xFFFFFF80  }
0x41: {  	[tilespmem:s14], [sflag:$0x1] =	stream.indirect.gather [hbm4b:s2+s13], $0x80, s3, s13, $0xb8;
	[tilespmem:$0x8100] =	vst v63  }
0x42: {  	_ =	swait.ge [sflag:s17], $0x4000  }
.Ltmp0:
0x43: {  	[sflag:s17] =	ssyncset.done $0x0;
	(pc) =	sbr.rel @p0 .LBB2_2-.Ltmp0, $4  }
0x44: {  	s21 =	sadd.s32 $0x800, s19;
	[sflag:s17] =	ssyncadd.s32 $0xFFFFC000  }
0x45: {  	[hbm4b:s21+s3] =	stream.linear.scatter [tilespmem:s15], [sflag:$0x3], $0x4000, $0x38;
	[tilespmem:$0x8100] =	vst v63  }
0x46: {  	_ =	swait.ge [sflag:s12], $0x4000  }
0x47: {  	s19 =	sadd.s32 $0x1000, s19;
	s21 =	smov.u32 s24;
	[sflag:s12] =	ssyncset.done $0x0  }
0x48: {  	s21 =	sadd.s32 s20, s10;
	[sflag:s12] =	ssyncadd.s32 $0xFFFFC000  }
0x49: {  	[tilespmem:s13], [sflag:$0x3] =	stream.linear.gather [hbm4b:s21+s3], $0x80, $0x38;
	[tilespmem:$0x8100] =	vst v63  }
0x4a: {  	_ =	swait.ge [sflag:s12], $0x80  }
0x4b: {  	[sflag:s12] =	ssyncset.done $0x0  }
0x4c: {  	[sflag:s12] =	ssyncadd.s32 $0xFFFFFF80  }
0x4d: {  	[tilespmem:s15], [sflag:$0x2] =	stream.indirect.gather [hbm4b:s2+s13], $0x80, s13, s13, $0xb8;
	[tilespmem:$0x8100] =	vst v63  }
0x4e: {  	_ =	swait.ge [sflag:s16], $0x4000  }
0x4f: {  	[sflag:s16] =	ssyncset.done $0x0  }
0x50: {  	[sflag:s16] =	ssyncadd.s32 $0xFFFFC000  }
0x51: {  	[hbm4b:s19+s3] =	stream.linear.scatter [tilespmem:s14], [sflag:$0x3], $0x4000, $0x38;
	[tilespmem:$0x8100] =	vst v63  }
0x52: {  	_ =	swait.ge [sflag:s12], $0x4000  }
0x53: {  	[sflag:s12] =	ssyncset.done $0x0  }
0x54: {  	s30 =	sadd.s32 s20, s11;
	[sflag:s12] =	ssyncadd.s32 $0xFFFFC000  }
0x55: {  	[tilespmem:s3], [sflag:$0x3] =	stream.linear.gather [hbm4b:s30+s3], $0x80, $0x38;
	[tilespmem:$0x8100] =	vst v63  }
0x56: {  	_ =	swait.ge [sflag:s12], $0x80  }
0x57: {  	[sflag:s12] =	ssyncset.done $0x0  }
0x58: {  	[sflag:s12] =	ssyncadd.s32 $0xFFFFFF80  }
0x59: {  	[tilespmem:s14], [sflag:$0x1] =	stream.indirect.gather [hbm4b:s2+s13], $0x80, s3, s13, $0xb8;
	[tilespmem:$0x8100] =	vst v63  }
0x5a: {  	_ =	swait.ge [sflag:s17], $0x4000  }
0x5b: {  	[sflag:s17] =	ssyncset.done $0x0  }
0x5c: {  	s31 =	sadd.s32 $0x800, s19;
	[sflag:s17] =	ssyncadd.s32 $0xFFFFC000  }
0x5d: {  	[hbm4b:s31+s3] =	stream.linear.scatter [tilespmem:s15], [sflag:$0x3], $0x4000, $0x38;
	[tilespmem:$0x8100] =	vst v63  }
0x5e: {  	_ =	swait.ge [sflag:s12], $0x4000  }
0x5f: {  	[sflag:s12] =	ssyncset.done $0x0  }
0x60: {  	[sflag:s12] =	ssyncadd.s32 $0xFFFFC000  }
0x61: {  	[tilespmem:s13], [sflag:$0x3] =	stream.linear.gather [hbm4b:s6+s3], $0x80, $0x38;
	[tilespmem:$0x8100] =	vst v63  }
0x62: {  	_ =	swait.ge [sflag:s12], $0x80  }
0x63: {  	[sflag:s12] =	ssyncset.done $0x0  }
0x64: {  	[sflag:s12] =	ssyncadd.s32 $0xFFFFFF80  }
0x65: {  	[tilespmem:s15], [sflag:$0x2] =	stream.indirect.gather [hbm4b:s2+s13], $0x80, s13, s13, $0xb8;
	[tilespmem:$0x8100] =	vst v63  }
0x66: {  	_ =	swait.ge [sflag:s16], $0x4000  }
0x67: {  	[sflag:s16] =	ssyncset.done $0x0  }
0x68: {  	[sflag:s16] =	ssyncadd.s32 $0xFFFFC000  }
0x69: {  	[hbm4b:s7+s3] =	stream.linear.scatter [tilespmem:s14], [sflag:$0x3], $0x4000, $0x38;
	[tilespmem:$0x8100] =	vst v63  }
0x6a: {  	_ =	swait.ge [sflag:s12], $0x4000  }
0x6b: {  	[sflag:s12] =	ssyncset.done $0x0  }
0x6c: {  	[sflag:s12] =	ssyncadd.s32 $0xFFFFC000  }
0x6d: {  	s18 =	sadd.s32 $0x1, s18;
	_ =	swait.ge [sflag:s17], $0x4000  }
0x6e: {  	p0 =	sne.s32 s18, s5;
	[sflag:s17] =	ssyncset.done $0x0  }
.Ltmp1:
0x6f: {  	[sflag:s17] =	ssyncadd.s32 $0xFFFFC000;
	(pc) =	sbr.rel @p0 .LBB2_1-.Ltmp1, $4  }
0x70: {  	[hbm4b:s8+s3] =	stream.linear.scatter [tilespmem:s15], [sflag:$0x3], $0x4000, $0x38;
	[tilespmem:$0x8100] =	vst v63  }
0x71: {  	_ =	swait.ge [sflag:s12], $0x4000  }
0x72: {  	[sflag:s12] =	ssyncset.done $0x0  }
0x73: {  	[sflag:s12] =	ssyncadd.s32 $0xFFFFC000  }
0x74: {  	_ =	sfence.sel $0x180000  }
0x75: {  	[bflag:$0x0] =	sbarrier.arrive $0xFFFF  }
0x76: {  	p0 =	sne.s32 s0, $0x0;
	_ =	strace $0x90000047  }
0x77: {  	s0 =	sadd.s32 @!p0 $0x100000, s1;
	[bflag:$0x2] =	sbarrier.arrive $0xFFFF  }
0x78: {  	[sflag:s0] =	ssyncadd.tile.s32 @!p0 $0x1;
	_ =	shalt  }
.Lfunc_end2:
_tile_overlayer_lowered:
.L_overlay_start_2:
0x79: {  	(tag) =	ssettag $0x2  }
0x7a: {  	s0 =	rddreg [dreg:$0x0];
	s2 =	stileid.u32  }
0x7b: {  	s1 =	rddreg [dreg:$0x1];
	p0 =	sne.s32 s2, $0x0  }
0x7c: {  	s3 =	rddreg [dreg:$0x2];
	[bflag:$0x3] =	sbarrier.arrive $0xFFFF;
	s2 =	simm.s32 @!p0 $0x1C03  }
0x7d: {  	[timem:s3], [sflag:s2] =	dma.local @!p0 [hbm:s0], s1  }
0x7e: {  	s0 =	simm.s32 @!p0 $0x3  }
0x7f: {  	_ =	swait.ge @!p0 [sflag:s0], s1  }
0x80: {  	s1 =	ssub.s32 @!p0 $0x0, s1;
	[sflag:s0] =	ssyncset.done @!p0 $0x0  }
0x81: {  	[sflag:s0] =	ssyncadd.s32 @!p0 s1  }
0x82: {  	[bflag:$0x3] =	sbarrier.arrive $0xFFFF  }
0x83: {  	_ =	shalt  }

// kernel: kernel.21.cloned.1.call-start
scs
__scs_entry_jumppad:
0x0: {  	(pc) =	sbr.rel $0x88, $3  }
0x1: {  	(tag) =	ssettag $0x0;
	lr =	simm.s32 $0x1  }
0x2: {  	[smem:$0x3F94] =	sst lr;
	_ =	strace $0xD0000000  }
0x3: {  	_ = 	snop  }
0x4: {  	_ = 	snop  }
0x5: {  	_ = 	snop  }
0x6: {  	_ = 	snop  }
0x7: {  	_ = 	snop  }
__scs_overlays_trampoline_lowered:
0x8: {  	[smem:$0x3FA3] =	sst s0  }
0x9: {  	[smem:$0x3FA4] =	sst s1  }
0xa: {  	[smem:$0x3FA5] =	sst s2  }
0xb: {  	[smem:$0x3FA6] =	sst s3  }
0xc: {  	[smem:$0x3FA7] =	sst s4  }
0xd: {  	[smem:$0x3FA8] =	sst s5  }
0xe: {  	[smem:$0x3FA9] =	sst s6  }
0xf: {  	[smem:$0x3FAA] =	sst s7  }
0x10: {  	[smem:$0x3FAB] =	sst s8  }
0x11: {  	[smem:$0x3FAC] =	sst s9;
	s0 =	simm.s32 @!p0 $0x0  }
0x12: {  	s1 =	sld [smem:$0x3F92];
	s0 =	simm.s32 @p0 $0x1  }
0x13: {  	[smem:$0x3FAD] =	sst s0;
	s0 =	simm.s32 @!p1 $0x0  }
0x14: {  	s2 =	sld [smem:$0x3F91];
	s0 =	simm.s32 @p1 $0x1  }
0x15: {  	[smem:$0x3FAE] =	sst s0;
	s0 =	simm.s32 @!p2 $0x0  }
0x16: {  	s3 =	sld [smem:$0x3FDB];
	s0 =	simm.s32 @p2 $0x1  }
0x17: {  	s4 =	simm.s32 $0x1BF5;
	[smem:$0x3FB0] =	sst s0  }
0x18: {  	s0 =	sld [smem:$0x3F93];
	_ =	swait.ge [sflag:s4], $0x0  }
0x19: {  	s7 =	sld [smem:$0x3F94]  }
0x1a: {  	s8 =	sadd.s32 $0xFFFFE003, lr  }
0x1b: {  	s9 =	sadd.s32 $0xFFFFFEF7, lr;
	s5 =	simm.s32 $0xFFFFFFFF;
	p2 =	slt.u32 s8, $0xFFFFF086  }
0x1c: {  	p1 =	slt.u32 s9, $0xF7A;
	s5 =	simm.s32 @!p2 $0x0  }
0x1d: {  	s5 =	simm.s32 @p1 $0x1;
	p0 =	seq.s32 s7, s2  }
0x1e: {  	s7 =	smul.u32 @!p0 $0xF7A, s2;
	p2 =	seq.s32 @!p0 s5, $0x0  }
0x1f: {  	s9 =	smul.u32 $0xF7A, s1;
	s8 =	simm.s32 @!p0 $0x1BF5;
	p2 =	por !p2, p0  }
0x20: {  	[sflag:s8] =	ssyncset.s32 @!p0 $0xFFFFF086;
	s6 =	sadd.s32 @!p0 s3, s7;
	s7 =	simm.s32 @!p0 $0x108  }
0x21: {  	s3 =	sadd.s32 s3, s9;
	s6 =	sadd.s32 @!p0 $0x88, s6;
	s7 =	simm.s32 @p2 $0x1082  }
0x22: {  	[simem:s7], [sflag:s8] =	dma.local @!p0 [hbm:s6], $0xF7A  }
0x23: {  	s9 =	sor.u32 $0xD0000000, s2;
	s6 =	simm.s32 $0x108;
	_ =	swait.ge @!p0 [sflag:s8], $0x0  }
0x24: {  	s3 =	sadd.s32 $0x88, s3;
	s6 =	simm.s32 @!p1 $0x1082;
	[sflag:s4] =	ssyncset.s32 $0xFFFFF086  }
0x25: {  	[simem:s6], [sflag:s4] =	dma.local [hbm:s3], $0xF7A  }
0x26: {  	[smem:$0x3F94] =	sst s1;
	(tag) =	ssettag s2;
	_ =	strace s9  }
0x27: {  	s1 =	sld [smem:$0x3FA4]  }
0x28: {  	s2 =	sld [smem:$0x3FA5]  }
0x29: {  	s4 =	sld [smem:$0x3FA7]  }
0x2a: {  	p0 =	seq.s32 s5, $0x0;
	s5 =	sld [smem:$0x3FA8]  }
0x2b: {  	s6 =	sld [smem:$0x3FA9]  }
0x2c: {  	s7 =	sld [smem:$0x3FAA]  }
0x2d: {  	s3 =	simm.s32 $0x108;
	s8 =	sld [smem:$0x3FAB]  }
0x2e: {  	s3 =	simm.s32 @!p0 $0x1082;
	s9 =	sld [smem:$0x3FAC]  }
0x2f: {  	lr =	sadd.s32 s0, s3;
	s0 =	sld [smem:$0x3FA3]  }
0x30: {  	s3 =	sld [smem:$0x3FA6]  }
0x31: {  	[smem:$0x3FAF] =	sst s10  }
0x32: {  	s10 =	sld [smem:$0x3FAD];
	_ =	sdelay $0x3  }
0x33: {  	p0 =	seq.s32 s10, $0x1;
	s10 =	sld [smem:$0x3FAF];
	_ =	sdelay $0x3  }
0x34: {  	[smem:$0x3FAF] =	sst s10  }
0x35: {  	s10 =	sld [smem:$0x3FAE];
	_ =	sdelay $0x3  }
0x36: {  	p1 =	seq.s32 s10, $0x1;
	s10 =	sld [smem:$0x3FAF];
	_ =	sdelay $0x3  }
0x37: {  	[smem:$0x3FAF] =	sst s10  }
0x38: {  	s10 =	sld [smem:$0x3FB0]  }
0x39: {  	_ = 	snop;
	(pc) =	sbr.ind lr, $3  }
0x3a: {  	_ = 	snop  }
0x3b: {  	_ = 	snop  }
0x3c: {  	p2 =	seq.s32 s10, $0x1;
	s10 =	sld [smem:$0x3FAF]  }
0x3d: {  	_ =	shalt  }
0x3e: {  	_ =	shalt  }
0x3f: {  	_ =	shalt  }
0x40: {  	_ =	shalt  }
0x41: {  	_ =	shalt  }
0x42: {  	_ =	shalt  }
0x43: {  	_ =	shalt  }
0x44: {  	_ =	shalt  }
0x45: {  	_ =	shalt  }
0x46: {  	_ =	shalt  }
0x47: {  	_ =	shalt  }
0x48: {  	_ =	shalt  }
0x49: {  	_ =	shalt  }
0x4a: {  	_ =	shalt  }
0x4b: {  	_ =	shalt  }
0x4c: {  	_ =	shalt  }
0x4d: {  	_ =	shalt  }
0x4e: {  	_ =	shalt  }
0x4f: {  	_ =	shalt  }
0x50: {  	_ =	shalt  }
0x51: {  	_ =	shalt  }
0x52: {  	_ =	shalt  }
0x53: {  	_ =	shalt  }
0x54: {  	_ =	shalt  }
0x55: {  	_ =	shalt  }
0x56: {  	_ =	shalt  }
0x57: {  	_ =	shalt  }
0x58: {  	_ =	shalt  }
0x59: {  	_ =	shalt  }
0x5a: {  	_ =	shalt  }
0x5b: {  	_ =	shalt  }
0x5c: {  	_ =	shalt  }
0x5d: {  	_ =	shalt  }
0x5e: {  	_ =	shalt  }
0x5f: {  	_ =	shalt  }
0x60: {  	_ =	shalt  }
0x61: {  	_ =	shalt  }
0x62: {  	_ =	shalt  }
0x63: {  	_ =	shalt  }
0x64: {  	_ =	shalt  }
0x65: {  	_ =	shalt  }
0x66: {  	_ =	shalt  }
0x67: {  	_ =	shalt  }
0x68: {  	_ =	shalt  }
0x69: {  	_ =	shalt  }
0x6a: {  	_ =	shalt  }
0x6b: {  	_ =	shalt  }
0x6c: {  	_ =	shalt  }
0x6d: {  	_ =	shalt  }
0x6e: {  	_ =	shalt  }
0x6f: {  	_ =	shalt  }
0x70: {  	_ =	shalt  }
0x71: {  	_ =	shalt  }
0x72: {  	_ =	shalt  }
0x73: {  	_ =	shalt  }
0x74: {  	_ =	shalt  }
0x75: {  	_ =	shalt  }
0x76: {  	_ =	shalt  }
0x77: {  	_ =	shalt  }
0x78: {  	_ =	shalt  }
0x79: {  	_ =	shalt  }
0x7a: {  	_ =	shalt  }
0x7b: {  	_ =	shalt  }
0x7c: {  	_ =	shalt  }
0x7d: {  	_ =	shalt  }
0x7e: {  	_ =	shalt  }
0x7f: {  	_ =	shalt  }
0x80: {  	_ =	shalt  }
0x81: {  	_ =	shalt  }
0x82: {  	_ =	shalt  }
0x83: {  	_ =	shalt  }
0x84: {  	_ =	shalt  }
0x85: {  	_ =	shalt  }
0x86: {  	_ =	shalt  }
0x87: {  	_ =	shalt  }
.Lfunc_end0:
.L_simem_size_0:
called_computation.2_lowered:
.L_overlay_start_0:
0x88: {  	s2 =	sld [smem:$0x3FD9]  }
0x89: {  	s3 =	sld [smem:$0x3FFE];
	_ =	sdelay $0x1  }
0x8a: {  	s1 =	srdreg.scid  }
0x8b: {  	s0 =	sand.u32 $0x1, s1  }
0x8c: {  	s17 =	sshll.u32 s0, $0xA;
	s2 =	sadd.s32 s3, s2  }
0x8d: {  	s2 =	sadd.s32 s2, s17  }
0x8e: {  	[smem:$0x3FBB] =	sst s2  }
0x8f: {  	_ = 	snop  }
0x90: {  	s2 =	sld [smem:$0x3FD0];
	(tm) =	ssettm $0x1  }
0x91: {  	s18 =	sld [smem:$0x3FFB];
	_ =	sdelay $0x3  }
0x92: {  	_ =	strace s18  }
0x93: {  	s3 =	sld [smem:$0x3FFC];
	_ =	sdelay $0x3  }
0x94: {  	_ =	strace s3  }
0x95: {  	s3 =	sld [smem:$0x3FFD];
	_ =	sdelay $0x3  }
0x96: {  	_ =	strace s3  }
0x97: {  	_ =	strace $0x8FFFFFFF  }
0x98: {  	s19 =	sld [smem:$0x3FDB];
	_ =	sdelay $0x1  }
0x99: {  	s4 =	simm.s32 $_scs_section_size  }
0x9a: {  	s5 =	simm.s32 $_size__tile_overlayer_lowered;
	s6 =	simm.s32 $_tile_overlayer_lowered  }
0x9b: {  	s22 =	simm.s32 $0x1BFF;
	s21 =	sshll.u32 s6, $0x1;
	s3 =	sadd.s32 s4, s19  }
0x9c: {  	s7 =	simm.s32 $0x0;
	s20 =	sshll.u32 s5, $0x1;
	s5 =	sadd.s32 s21, s3  }
0x9d: {  	[timem:s7], [sflag:s22] =	dma.local [hbm:s5], s20  }
0x9e: {  	_ =	swait.ge [sflag:s22], s20  }
0x9f: {  	s4 =	ssub.s32 $0x0, s20;
	[sflag:s22] =	ssyncset.done $0x0  }
0xa0: {  	[sflag:s22] =	ssyncadd.s32 s4;
	_ =	sdelay $0x1  }
0xa1: {  	s23 =	simm.s32 $0x1B8B  }
0xa2: {  	_ =	swait.ge [sflag:s23], $0x1  }
0xa3: {  	[sflag:s23] =	ssyncset.done $0x0  }
0xa4: {  	s25 =	simm.s32 $0x1B8E;
	s24 =	sld [smem:$0x3FFE];
	[sflag:s23] =	ssyncadd.s32 $0xFFFFFFFF  }
0xa5: {  	s26 =	simm.s32 $execute0_lowered;
	[smem:$0x3FD2] =	sst s25  }
0xa6: {  	s5 =	sshll.u32 s26, $0x1;
	_ =	strace $0x80000049;
	[dreg:$0x1] =	wrdreg $0xFFFFFFFF  }
0xa7: {  	s28 =	simm.s32 $_size_execute0_lowered;
	s3 =	sadd.s32 s3, s5;
	[dreg:$0x0] =	wrdreg $0x0  }
0xa8: {  	s5 =	sshll.u32 s28, $0x1;
	[dreg:$0x2] =	wrdreg s3  }
0xa9: {  	[dreg:$0x3] =	wrdreg s5  }
0xaa: {  	[dreg:$0x4] =	wrdreg $0xC0  }
0xab: {  	_ =	task [dreg:s7], $0x5FFFF  }
0xac: {  	[dreg:$0x1] =	wrdreg $0xFFFFFFFF  }
0xad: {  	[dreg:$0x0] =	wrdreg $0x60  }
0xae: {  	[dreg:$0x2] =	wrdreg s2  }
0xaf: {  	[dreg:$0x3] =	wrdreg s24  }
0xb0: {  	[dreg:$0x4] =	wrdreg $0x9  }
0xb1: {  	_ =	task.clear_ibuf [dreg:s7], $0x5FFFF;
	_ =	strace $0x90000049  }
0xb2: {  	s29 =	simm.s32 $0x9;
	_ =	strace $0x8000004B  }
0xb3: {  	_ =	swait.ge [sflag:s29], $0x1  }
0xb4: {  	[sflag:s29] =	ssyncadd.s32 $0xFFFFFFFF  }
0xb5: {  	_ =	strace $0x9000004B  }
0xb6: {  	_ =	sfence  }
0xb7: {  	s30 =	sld [smem:$0x0];
	_ =	sdelay $0x2  }
0xb8: {  	s31 =	sshll.u32 s1, $0xD;
	s1 =	sshrl.u32 s1, $0x2  }
0xb9: {  	s3 =	sand.u32 $0x4000, s31;
	s1 =	sadd.s32 s1, s30  }
0xba: {  	s0 =	sor.u32 s3, s0;
	s1 =	sshll.u32 s1, $0x11  }
0xbb: {  	s0 =	sor.u32 s1, s0  }
0xbc: {  	s0 =	sadd.s32 $0x8F2B, s0  }
0xbd: {  	[sflag:s0] =	ssyncadd.remote.s32 $0x1  }
0xbe: {  	_ =	sfence.sel $0xFFFF  }
0xbf: {  	[dreg:$0x0] =	wrdreg $0xFFFFFFFF;
	(pc) =	sbr.abs _section_cstart, $3  }
0xc0: {  	[dreg:$0x1] =	wrdreg $0xFFFFFFFF  }
0xc1: {  	_ =	task.clear_ibuf [dreg:s7], $0x2FFFF;
	_ =	strace $0x9FFFFFFF  }
0xc2: {  	(tm) =	ssettm $0x7FFFFFFF  }
0xc3: {  	_ =	shalt  }
tec
execute0_lowered:
.L_overlay_start_1:
0x0: {  	(tag) =	ssettag $0x1  }
0x1: {  	s2 =	rddreg [dreg:$0x0]  }
0x2: {  	s1 =	srdreg.scid;
	s0 =	stileid.u32  }
0x3: {  	s4 =	rddreg [dreg:$0x1];
	s3 =	simm.s32 $0x0;
	s15 =	simm.s32 $0x4100  }
0x4: {  	s16 =	simm.s32 $0x1;
	s17 =	simm.s32 $0x2;
	s18 =	simm.s32 $0x0  }
0x5: {  	s9 =	sand.u32 $0x1, s1;
	s1 =	rddreg [dreg:$0x2];
	s12 =	smul.u32 $0x5000, s0  }
0x6: {  	s5 =	sshll.u32 s0, $0x1;
	[smem:$0x7FF] =	sst s3;
	s14 =	smul.u32 $0x50000, s0  }
0x7: {  	s11 =	sadd.s32 $0x3C00, s4;
	s5 =	sor.u32 s9, s5;
	s13 =	smul.u32 $0x2800, s9  }
0x8: {  	s10 =	sadd.s32 $0xDC00, s4;
	s6 =	ssub.s32 $0x2, s9;
	s7 =	smul.u32 $0x2800, s5  }
0x9: {  	_ =	strace $0x8000004A;
	s9 =	smul.u32 $0x28000, s9;
	s28 =	sshrl.u32 s6, $0x1  }
0xa: {  	s5 =	ssub.s32 s6, s28;
	s12 =	sadd.s32 s13, s12;
	s29 =	sshrl.u32 s7, $0x3  }
0xb: {  	s5 =	smax.u32 s5, $0x1;
	s8 =	sadd.s32 $0x2780, s7;
	s7 =	sshll.u32 s7, $0x4  }
0xc: {  	s13 =	sor.u32 $0x80, s12;
	s12 =	sor.u32 $0x100, s12;
	s4 =	sadd.s32 s11, s29  }
0xd: {  	s30 =	sshrl.u32 s8, $0x3;
	s7 =	sadd.s32 s10, s7;
	s8 =	sshll.u32 s8, $0x4  }
0xe: {  	s31 =	sshrl.u32 s13, $0x3;
	s12 =	sshrl.u32 s12, $0x3;
	s13 =	simm.s32 $0x80  }
0xf: {  	s6 =	sadd.s32 s11, s30;
	s8 =	sadd.s32 s10, s8;
	s10 =	sadd.s32 s14, s10  }
0x10: {  	s7 =	sadd.s32 $0x27000, s7;
	s14 =	simm.s32 $0x100;
	s9 =	sadd.s32 s9, s10  }
0x11: {  	s10 =	sadd.s32 s31, s11;
	s11 =	sadd.s32 s12, s11;
	s12 =	simm.s32 $0x3  }
.LBB2_1:
0x12: {  	[tilespmem:s3], [sflag:$0x3] =	stream.linear.gather [hbm4b:s4+s3], $0x80, $0x38;
	[tilespmem:$0x8100] =	vst v63  }
0x13: {  	_ =	swait.ge [sflag:s12], $0x80  }
0x14: {  	[sflag:s12] =	ssyncset.done $0x0  }
0x15: {  	[sflag:s12] =	ssyncadd.s32 $0xFFFFFF80  }
0x16: {  	[tilespmem:s14], [sflag:$0x1] =	stream.indirect.gather [hbm4b:s2+s13], $0x80, s3, s13, $0xb8;
	[tilespmem:$0x8100] =	vst v63  }
0x17: {  	s19 =	sadd.s32 $0x0, s10  }
0x18: {  	[tilespmem:s13], [sflag:$0x3] =	stream.linear.gather [hbm4b:s19+s3], $0x80, $0x38;
	[tilespmem:$0x8100] =	vst v63  }
0x19: {  	_ =	swait.ge [sflag:s12], $0x80  }
0x1a: {  	[sflag:s12] =	ssyncset.done $0x0  }
0x1b: {  	[sflag:s12] =	ssyncadd.s32 $0xFFFFFF80  }
0x1c: {  	[tilespmem:s15], [sflag:$0x2] =	stream.indirect.gather [hbm4b:s2+s13], $0x80, s13, s13, $0xb8;
	[tilespmem:$0x8100] =	vst v63  }
0x1d: {  	_ =	swait.ge [sflag:s16], $0x4000  }
0x1e: {  	[sflag:s16] =	ssyncset.done $0x0  }
0x1f: {  	[sflag:s16] =	ssyncadd.s32 $0xFFFFC000  }
0x20: {  	[hbm4b:s9+s3] =	stream.linear.scatter [tilespmem:s14], [sflag:$0x3], $0x4000, $0x38;
	[tilespmem:$0x8100] =	vst v63  }
0x21: {  	_ =	swait.ge [sflag:s12], $0x4000  }
0x22: {  	[sflag:s12] =	ssyncset.done $0x0  }
0x23: {  	s30 =	sadd.s32 $0x0, s11;
	[sflag:s12] =	ssyncadd.s32 $0xFFFFC000  }
0x24: {  	[tilespmem:s3], [sflag:$0x3] =	stream.linear.gather [hbm4b:s30+s3], $0x80, $0x38;
	[tilespmem:$0x8100] =	vst v63  }
0x25: {  	_ =	swait.ge [sflag:s12], $0x80  }
0x26: {  	[sflag:s12] =	ssyncset.done $0x0  }
0x27: {  	[sflag:s12] =	ssyncadd.s32 $0xFFFFFF80  }
0x28: {  	[tilespmem:s14], [sflag:$0x1] =	stream.indirect.gather [hbm4b:s2+s13], $0x80, s3, s13, $0xb8;
	[tilespmem:$0x8100] =	vst v63  }
0x29: {  	_ =	swait.ge [sflag:s17], $0x4000  }
0x2a: {  	[sflag:s17] =	ssyncset.done $0x0  }
0x2b: {  	s31 =	sadd.s32 $0x800, s9;
	[sflag:s17] =	ssyncadd.s32 $0xFFFFC000  }
0x2c: {  	[hbm4b:s31+s3] =	stream.linear.scatter [tilespmem:s15], [sflag:$0x3], $0x4000, $0x38;
	[tilespmem:$0x8100] =	vst v63  }
0x2d: {  	s20 =	simm.s32 $0x20;
	_ =	swait.ge [sflag:s12], $0x4000  }
0x2e: {  	s21 =	simm.s32 $0x40;
	s19 =	sadd.s32 $0x1000, s9;
	[sflag:s12] =	ssyncset.done $0x0  }
.LBB2_2:
0x2f: {  	s22 =	sadd.s32 s20, s10  }
0x30: {  	[sflag:s12] =	ssyncadd.s32 $0xFFFFC000;
	s23 =	smov.u32 s21;
	s24 =	sadd.s32 $0x20, s21  }
0x31: {  	[tilespmem:s13], [sflag:$0x3] =	stream.linear.gather [hbm4b:s22+s3], $0x80, $0x38;
	[tilespmem:$0x8100] =	vst v63  }
0x32: {  	p0 =	sne.s32 s21, $0x4C0;
	_ =	swait.ge [sflag:s12], $0x80  }
0x33: {  	[sflag:s12] =	ssyncset.done $0x0  }
0x34: {  	[sflag:s12] =	ssyncadd.s32 $0xFFFFFF80  }
0x35: {  	[tilespmem:s15], [sflag:$0x2] =	stream.indirect.gather [hbm4b:s2+s13], $0x80, s13, s13, $0xb8;
	[tilespmem:$0x8100] =	vst v63  }
0x36: {  	_ =	swait.ge [sflag:s16], $0x4000  }
0x37: {  	[sflag:s16] =	ssyncset.done $0x0  }
0x38: {  	[sflag:s16] =	ssyncadd.s32 $0xFFFFC000  }
0x39: {  	[hbm4b:s19+s3] =	stream.linear.scatter [tilespmem:s14], [sflag:$0x3], $0x4000, $0x38;
	[tilespmem:$0x8100] =	vst v63  }
0x3a: {  	_ =	swait.ge [sflag:s12], $0x4000  }
0x3b: {  	[sflag:s12] =	ssyncset.done $0x0  }
0x3c: {  	s21 =	sadd.s32 s20, s11;
	s20 =	smov.u32 s23;
	[sflag:s12] =	ssyncadd.s32 $0xFFFFC000  }
0x3d: {  	[tilespmem:s3], [sflag:$0x3] =	stream.linear.gather [hbm4b:s21+s3], $0x80, $0x38;
	[tilespmem:$0x8100] =	vst v63  }
0x3e: {  	_ =	swait.ge [sflag:s12], $0x80  }
0x3f: {  	[sflag:s12] =	ssyncset.done $0x0  }
0x40: {  	[sflag:s12] =	ssyncadd.s32 $0xFFFFFF80  }
0x41: {  	[tilespmem:s14], [sflag:$0x1] =	stream.indirect.gather [hbm4b:s2+s13], $0x80, s3, s13, $0xb8;
	[tilespmem:$0x8100] =	vst v63  }
0x42: {  	_ =	swait.ge [sflag:s17], $0x4000  }
.Ltmp0:
0x43: {  	[sflag:s17] =	ssyncset.done $0x0;
	(pc) =	sbr.rel @p0 .LBB2_2-.Ltmp0, $4  }
0x44: {  	s21 =	sadd.s32 $0x800, s19;
	[sflag:s17] =	ssyncadd.s32 $0xFFFFC000  }
0x45: {  	[hbm4b:s21+s3] =	stream.linear.scatter [tilespmem:s15], [sflag:$0x3], $0x4000, $0x38;
	[tilespmem:$0x8100] =	vst v63  }
0x46: {  	_ =	swait.ge [sflag:s12], $0x4000  }
0x47: {  	s19 =	sadd.s32 $0x1000, s19;
	s21 =	smov.u32 s24;
	[sflag:s12] =	ssyncset.done $0x0  }
0x48: {  	s21 =	sadd.s32 s20, s10;
	[sflag:s12] =	ssyncadd.s32 $0xFFFFC000  }
0x49: {  	[tilespmem:s13], [sflag:$0x3] =	stream.linear.gather [hbm4b:s21+s3], $0x80, $0x38;
	[tilespmem:$0x8100] =	vst v63  }
0x4a: {  	_ =	swait.ge [sflag:s12], $0x80  }
0x4b: {  	[sflag:s12] =	ssyncset.done $0x0  }
0x4c: {  	[sflag:s12] =	ssyncadd.s32 $0xFFFFFF80  }
0x4d: {  	[tilespmem:s15], [sflag:$0x2] =	stream.indirect.gather [hbm4b:s2+s13], $0x80, s13, s13, $0xb8;
	[tilespmem:$0x8100] =	vst v63  }
0x4e: {  	_ =	swait.ge [sflag:s16], $0x4000  }
0x4f: {  	[sflag:s16] =	ssyncset.done $0x0  }
0x50: {  	[sflag:s16] =	ssyncadd.s32 $0xFFFFC000  }
0x51: {  	[hbm4b:s19+s3] =	stream.linear.scatter [tilespmem:s14], [sflag:$0x3], $0x4000, $0x38;
	[tilespmem:$0x8100] =	vst v63  }
0x52: {  	_ =	swait.ge [sflag:s12], $0x4000  }
0x53: {  	[sflag:s12] =	ssyncset.done $0x0  }
0x54: {  	s30 =	sadd.s32 s20, s11;
	[sflag:s12] =	ssyncadd.s32 $0xFFFFC000  }
0x55: {  	[tilespmem:s3], [sflag:$0x3] =	stream.linear.gather [hbm4b:s30+s3], $0x80, $0x38;
	[tilespmem:$0x8100] =	vst v63  }
0x56: {  	_ =	swait.ge [sflag:s12], $0x80  }
0x57: {  	[sflag:s12] =	ssyncset.done $0x0  }
0x58: {  	[sflag:s12] =	ssyncadd.s32 $0xFFFFFF80  }
0x59: {  	[tilespmem:s14], [sflag:$0x1] =	stream.indirect.gather [hbm4b:s2+s13], $0x80, s3, s13, $0xb8;
	[tilespmem:$0x8100] =	vst v63  }
0x5a: {  	_ =	swait.ge [sflag:s17], $0x4000  }
0x5b: {  	[sflag:s17] =	ssyncset.done $0x0  }
0x5c: {  	s31 =	sadd.s32 $0x800, s19;
	[sflag:s17] =	ssyncadd.s32 $0xFFFFC000  }
0x5d: {  	[hbm4b:s31+s3] =	stream.linear.scatter [tilespmem:s15], [sflag:$0x3], $0x4000, $0x38;
	[tilespmem:$0x8100] =	vst v63  }
0x5e: {  	_ =	swait.ge [sflag:s12], $0x4000  }
0x5f: {  	[sflag:s12] =	ssyncset.done $0x0  }
0x60: {  	[sflag:s12] =	ssyncadd.s32 $0xFFFFC000  }
0x61: {  	[tilespmem:s13], [sflag:$0x3] =	stream.linear.gather [hbm4b:s6+s3], $0x80, $0x38;
	[tilespmem:$0x8100] =	vst v63  }
0x62: {  	_ =	swait.ge [sflag:s12], $0x80  }
0x63: {  	[sflag:s12] =	ssyncset.done $0x0  }
0x64: {  	[sflag:s12] =	ssyncadd.s32 $0xFFFFFF80  }
0x65: {  	[tilespmem:s15], [sflag:$0x2] =	stream.indirect.gather [hbm4b:s2+s13], $0x80, s13, s13, $0xb8;
	[tilespmem:$0x8100] =	vst v63  }
0x66: {  	_ =	swait.ge [sflag:s16], $0x4000  }
0x67: {  	[sflag:s16] =	ssyncset.done $0x0  }
0x68: {  	[sflag:s16] =	ssyncadd.s32 $0xFFFFC000  }
0x69: {  	[hbm4b:s7+s3] =	stream.linear.scatter [tilespmem:s14], [sflag:$0x3], $0x4000, $0x38;
	[tilespmem:$0x8100] =	vst v63  }
0x6a: {  	_ =	swait.ge [sflag:s12], $0x4000  }
0x6b: {  	[sflag:s12] =	ssyncset.done $0x0  }
0x6c: {  	[sflag:s12] =	ssyncadd.s32 $0xFFFFC000  }
0x6d: {  	s18 =	sadd.s32 $0x1, s18;
	_ =	swait.ge [sflag:s17], $0x4000  }
0x6e: {  	p0 =	sne.s32 s18, s5;
	[sflag:s17] =	ssyncset.done $0x0  }
.Ltmp1:
0x6f: {  	[sflag:s17] =	ssyncadd.s32 $0xFFFFC000;
	(pc) =	sbr.rel @p0 .LBB2_1-.Ltmp1, $4  }
0x70: {  	[hbm4b:s8+s3] =	stream.linear.scatter [tilespmem:s15], [sflag:$0x3], $0x4000, $0x38;
	[tilespmem:$0x8100] =	vst v63  }
0x71: {  	_ =	swait.ge [sflag:s12], $0x4000  }
0x72: {  	[sflag:s12] =	ssyncset.done $0x0  }
0x73: {  	[sflag:s12] =	ssyncadd.s32 $0xFFFFC000  }
0x74: {  	_ =	sfence.sel $0x180000  }
0x75: {  	[bflag:$0x0] =	sbarrier.arrive $0xFFFF  }
0x76: {  	p0 =	sne.s32 s0, $0x0;
	_ =	strace $0x9000004A  }
0x77: {  	s0 =	sadd.s32 @!p0 $0x100000, s1;
	[bflag:$0x2] =	sbarrier.arrive $0xFFFF  }
0x78: {  	[sflag:s0] =	ssyncadd.tile.s32 @!p0 $0x1;
	_ =	shalt  }
.Lfunc_end2:
_tile_overlayer_lowered:
.L_overlay_start_2:
0x79: {  	(tag) =	ssettag $0x2  }
0x7a: {  	s0 =	rddreg [dreg:$0x0];
	s2 =	stileid.u32  }
0x7b: {  	s1 =	rddreg [dreg:$0x1];
	p0 =	sne.s32 s2, $0x0  }
0x7c: {  	s3 =	rddreg [dreg:$0x2];
	[bflag:$0x3] =	sbarrier.arrive $0xFFFF;
	s2 =	simm.s32 @!p0 $0x1C03  }
0x7d: {  	[timem:s3], [sflag:s2] =	dma.local @!p0 [hbm:s0], s1  }
0x7e: {  	s0 =	simm.s32 @!p0 $0x3  }
0x7f: {  	_ =	swait.ge @!p0 [sflag:s0], s1  }
0x80: {  	s1 =	ssub.s32 @!p0 $0x0, s1;
	[sflag:s0] =	ssyncset.done @!p0 $0x0  }
0x81: {  	[sflag:s0] =	ssyncadd.s32 @!p0 s1  }
0x82: {  	[bflag:$0x3] =	sbarrier.arrive $0xFFFF  }
0x83: {  	_ =	shalt  }

// kernel: kernel.24.cloned.1.call-start
scs
__scs_entry_jumppad:
0x0: {  	(pc) =	sbr.rel $0x88, $3  }
0x1: {  	(tag) =	ssettag $0x0;
	lr =	simm.s32 $0x1  }
0x2: {  	[smem:$0x3F94] =	sst lr;
	_ =	strace $0xD0000000  }
0x3: {  	_ = 	snop  }
0x4: {  	_ = 	snop  }
0x5: {  	_ = 	snop  }
0x6: {  	_ = 	snop  }
0x7: {  	_ = 	snop  }
__scs_overlays_trampoline_lowered:
0x8: {  	[smem:$0x3FA3] =	sst s0  }
0x9: {  	[smem:$0x3FA4] =	sst s1  }
0xa: {  	[smem:$0x3FA5] =	sst s2  }
0xb: {  	[smem:$0x3FA6] =	sst s3  }
0xc: {  	[smem:$0x3FA7] =	sst s4  }
0xd: {  	[smem:$0x3FA8] =	sst s5  }
0xe: {  	[smem:$0x3FA9] =	sst s6  }
0xf: {  	[smem:$0x3FAA] =	sst s7  }
0x10: {  	[smem:$0x3FAB] =	sst s8  }
0x11: {  	[smem:$0x3FAC] =	sst s9;
	s0 =	simm.s32 @!p0 $0x0  }
0x12: {  	s1 =	sld [smem:$0x3F92];
	s0 =	simm.s32 @p0 $0x1  }
0x13: {  	[smem:$0x3FAD] =	sst s0;
	s0 =	simm.s32 @!p1 $0x0  }
0x14: {  	s2 =	sld [smem:$0x3F91];
	s0 =	simm.s32 @p1 $0x1  }
0x15: {  	[smem:$0x3FAE] =	sst s0;
	s0 =	simm.s32 @!p2 $0x0  }
0x16: {  	s3 =	sld [smem:$0x3FDB];
	s0 =	simm.s32 @p2 $0x1  }
0x17: {  	s4 =	simm.s32 $0x1BF5;
	[smem:$0x3FB0] =	sst s0  }
0x18: {  	s0 =	sld [smem:$0x3F93];
	_ =	swait.ge [sflag:s4], $0x0  }
0x19: {  	s7 =	sld [smem:$0x3F94]  }
0x1a: {  	s8 =	sadd.s32 $0xFFFFE003, lr  }
0x1b: {  	s9 =	sadd.s32 $0xFFFFFEF7, lr;
	s5 =	simm.s32 $0xFFFFFFFF;
	p2 =	slt.u32 s8, $0xFFFFF086  }
0x1c: {  	p1 =	slt.u32 s9, $0xF7A;
	s5 =	simm.s32 @!p2 $0x0  }
0x1d: {  	s5 =	simm.s32 @p1 $0x1;
	p0 =	seq.s32 s7, s2  }
0x1e: {  	s7 =	smul.u32 @!p0 $0xF7A, s2;
	p2 =	seq.s32 @!p0 s5, $0x0  }
0x1f: {  	s9 =	smul.u32 $0xF7A, s1;
	s8 =	simm.s32 @!p0 $0x1BF5;
	p2 =	por !p2, p0  }
0x20: {  	[sflag:s8] =	ssyncset.s32 @!p0 $0xFFFFF086;
	s6 =	sadd.s32 @!p0 s3, s7;
	s7 =	simm.s32 @!p0 $0x108  }
0x21: {  	s3 =	sadd.s32 s3, s9;
	s6 =	sadd.s32 @!p0 $0x88, s6;
	s7 =	simm.s32 @p2 $0x1082  }
0x22: {  	[simem:s7], [sflag:s8] =	dma.local @!p0 [hbm:s6], $0xF7A  }
0x23: {  	s9 =	sor.u32 $0xD0000000, s2;
	s6 =	simm.s32 $0x108;
	_ =	swait.ge @!p0 [sflag:s8], $0x0  }
0x24: {  	s3 =	sadd.s32 $0x88, s3;
	s6 =	simm.s32 @!p1 $0x1082;
	[sflag:s4] =	ssyncset.s32 $0xFFFFF086  }
0x25: {  	[simem:s6], [sflag:s4] =	dma.local [hbm:s3], $0xF7A  }
0x26: {  	[smem:$0x3F94] =	sst s1;
	(tag) =	ssettag s2;
	_ =	strace s9  }
0x27: {  	s1 =	sld [smem:$0x3FA4]  }
0x28: {  	s2 =	sld [smem:$0x3FA5]  }
0x29: {  	s4 =	sld [smem:$0x3FA7]  }
0x2a: {  	p0 =	seq.s32 s5, $0x0;
	s5 =	sld [smem:$0x3FA8]  }
0x2b: {  	s6 =	sld [smem:$0x3FA9]  }
0x2c: {  	s7 =	sld [smem:$0x3FAA]  }
0x2d: {  	s3 =	simm.s32 $0x108;
	s8 =	sld [smem:$0x3FAB]  }
0x2e: {  	s3 =	simm.s32 @!p0 $0x1082;
	s9 =	sld [smem:$0x3FAC]  }
0x2f: {  	lr =	sadd.s32 s0, s3;
	s0 =	sld [smem:$0x3FA3]  }
0x30: {  	s3 =	sld [smem:$0x3FA6]  }
0x31: {  	[smem:$0x3FAF] =	sst s10  }
0x32: {  	s10 =	sld [smem:$0x3FAD];
	_ =	sdelay $0x3  }
0x33: {  	p0 =	seq.s32 s10, $0x1;
	s10 =	sld [smem:$0x3FAF];
	_ =	sdelay $0x3  }
0x34: {  	[smem:$0x3FAF] =	sst s10  }
0x35: {  	s10 =	sld [smem:$0x3FAE];
	_ =	sdelay $0x3  }
0x36: {  	p1 =	seq.s32 s10, $0x1;
	s10 =	sld [smem:$0x3FAF];
	_ =	sdelay $0x3  }
0x37: {  	[smem:$0x3FAF] =	sst s10  }
0x38: {  	s10 =	sld [smem:$0x3FB0]  }
0x39: {  	_ = 	snop;
	(pc) =	sbr.ind lr, $3  }
0x3a: {  	_ = 	snop  }
0x3b: {  	_ = 	snop  }
0x3c: {  	p2 =	seq.s32 s10, $0x1;
	s10 =	sld [smem:$0x3FAF]  }
0x3d: {  	_ =	shalt  }
0x3e: {  	_ =	shalt  }
0x3f: {  	_ =	shalt  }
0x40: {  	_ =	shalt  }
0x41: {  	_ =	shalt  }
0x42: {  	_ =	shalt  }
0x43: {  	_ =	shalt  }
0x44: {  	_ =	shalt  }
0x45: {  	_ =	shalt  }
0x46: {  	_ =	shalt  }
0x47: {  	_ =	shalt  }
0x48: {  	_ =	shalt  }
0x49: {  	_ =	shalt  }
0x4a: {  	_ =	shalt  }
0x4b: {  	_ =	shalt  }
0x4c: {  	_ =	shalt  }
0x4d: {  	_ =	shalt  }
0x4e: {  	_ =	shalt  }
0x4f: {  	_ =	shalt  }
0x50: {  	_ =	shalt  }
0x51: {  	_ =	shalt  }
0x52: {  	_ =	shalt  }
0x53: {  	_ =	shalt  }
0x54: {  	_ =	shalt  }
0x55: {  	_ =	shalt  }
0x56: {  	_ =	shalt  }
0x57: {  	_ =	shalt  }
0x58: {  	_ =	shalt  }
0x59: {  	_ =	shalt  }
0x5a: {  	_ =	shalt  }
0x5b: {  	_ =	shalt  }
0x5c: {  	_ =	shalt  }
0x5d: {  	_ =	shalt  }
0x5e: {  	_ =	shalt  }
0x5f: {  	_ =	shalt  }
0x60: {  	_ =	shalt  }
0x61: {  	_ =	shalt  }
0x62: {  	_ =	shalt  }
0x63: {  	_ =	shalt  }
0x64: {  	_ =	shalt  }
0x65: {  	_ =	shalt  }
0x66: {  	_ =	shalt  }
0x67: {  	_ =	shalt  }
0x68: {  	_ =	shalt  }
0x69: {  	_ =	shalt  }
0x6a: {  	_ =	shalt  }
0x6b: {  	_ =	shalt  }
0x6c: {  	_ =	shalt  }
0x6d: {  	_ =	shalt  }
0x6e: {  	_ =	shalt  }
0x6f: {  	_ =	shalt  }
0x70: {  	_ =	shalt  }
0x71: {  	_ =	shalt  }
0x72: {  	_ =	shalt  }
0x73: {  	_ =	shalt  }
0x74: {  	_ =	shalt  }
0x75: {  	_ =	shalt  }
0x76: {  	_ =	shalt  }
0x77: {  	_ =	shalt  }
0x78: {  	_ =	shalt  }
0x79: {  	_ =	shalt  }
0x7a: {  	_ =	shalt  }
0x7b: {  	_ =	shalt  }
0x7c: {  	_ =	shalt  }
0x7d: {  	_ =	shalt  }
0x7e: {  	_ =	shalt  }
0x7f: {  	_ =	shalt  }
0x80: {  	_ =	shalt  }
0x81: {  	_ =	shalt  }
0x82: {  	_ =	shalt  }
0x83: {  	_ =	shalt  }
0x84: {  	_ =	shalt  }
0x85: {  	_ =	shalt  }
0x86: {  	_ =	shalt  }
0x87: {  	_ =	shalt  }
.Lfunc_end0:
.L_simem_size_0:
called_computation.3_lowered:
.L_overlay_start_0:
0x88: {  	s2 =	sld [smem:$0x3FD9]  }
0x89: {  	s3 =	sld [smem:$0x3FFE];
	_ =	sdelay $0x1  }
0x8a: {  	s1 =	srdreg.scid  }
0x8b: {  	s0 =	sand.u32 $0x1, s1  }
0x8c: {  	s17 =	sshll.u32 s0, $0xA;
	s2 =	sadd.s32 s3, s2  }
0x8d: {  	s2 =	sadd.s32 s2, s17  }
0x8e: {  	[smem:$0x3FBB] =	sst s2  }
0x8f: {  	_ = 	snop  }
0x90: {  	s2 =	sld [smem:$0x3FD0];
	(tm) =	ssettm $0x1  }
0x91: {  	s18 =	sld [smem:$0x3FFB];
	_ =	sdelay $0x3  }
0x92: {  	_ =	strace s18  }
0x93: {  	s3 =	sld [smem:$0x3FFC];
	_ =	sdelay $0x3  }
0x94: {  	_ =	strace s3  }
0x95: {  	s3 =	sld [smem:$0x3FFD];
	_ =	sdelay $0x3  }
0x96: {  	_ =	strace s3  }
0x97: {  	_ =	strace $0x8FFFFFFF  }
0x98: {  	s19 =	sld [smem:$0x3FDB];
	_ =	sdelay $0x1  }
0x99: {  	s4 =	simm.s32 $_scs_section_size  }
0x9a: {  	s5 =	simm.s32 $_size__tile_overlayer_lowered;
	s6 =	simm.s32 $_tile_overlayer_lowered  }
0x9b: {  	s22 =	simm.s32 $0x1BFF;
	s21 =	sshll.u32 s6, $0x1;
	s3 =	sadd.s32 s4, s19  }
0x9c: {  	s7 =	simm.s32 $0x0;
	s20 =	sshll.u32 s5, $0x1;
	s5 =	sadd.s32 s21, s3  }
0x9d: {  	[timem:s7], [sflag:s22] =	dma.local [hbm:s5], s20  }
0x9e: {  	_ =	swait.ge [sflag:s22], s20  }
0x9f: {  	s4 =	ssub.s32 $0x0, s20;
	[sflag:s22] =	ssyncset.done $0x0  }
0xa0: {  	[sflag:s22] =	ssyncadd.s32 s4;
	_ =	sdelay $0x1  }
0xa1: {  	s23 =	simm.s32 $0x1B8B  }
0xa2: {  	_ =	swait.ge [sflag:s23], $0x1  }
0xa3: {  	[sflag:s23] =	ssyncset.done $0x0  }
0xa4: {  	s25 =	simm.s32 $0x1B8E;
	s24 =	sld [smem:$0x3FFE];
	[sflag:s23] =	ssyncadd.s32 $0xFFFFFFFF  }
0xa5: {  	s26 =	simm.s32 $execute0_lowered;
	[smem:$0x3FD2] =	sst s25  }
0xa6: {  	s5 =	sshll.u32 s26, $0x1;
	_ =	strace $0x8000004F;
	[dreg:$0x1] =	wrdreg $0xFFFFFFFF  }
0xa7: {  	s28 =	simm.s32 $_size_execute0_lowered;
	s3 =	sadd.s32 s3, s5;
	[dreg:$0x0] =	wrdreg $0x0  }
0xa8: {  	s5 =	sshll.u32 s28, $0x1;
	[dreg:$0x2] =	wrdreg s3  }
0xa9: {  	[dreg:$0x3] =	wrdreg s5  }
0xaa: {  	[dreg:$0x4] =	wrdreg $0xC0  }
0xab: {  	_ =	task [dreg:s7], $0x5FFFF  }
0xac: {  	[dreg:$0x1] =	wrdreg $0xFFFFFFFF  }
0xad: {  	[dreg:$0x0] =	wrdreg $0x60  }
0xae: {  	[dreg:$0x2] =	wrdreg s2  }
0xaf: {  	[dreg:$0x3] =	wrdreg s24  }
0xb0: {  	[dreg:$0x4] =	wrdreg $0x9  }
0xb1: {  	_ =	task.clear_ibuf [dreg:s7], $0x5FFFF;
	_ =	strace $0x9000004F  }
0xb2: {  	s29 =	simm.s32 $0x9;
	_ =	strace $0x80000051  }
0xb3: {  	_ =	swait.ge [sflag:s29], $0x1  }
0xb4: {  	[sflag:s29] =	ssyncadd.s32 $0xFFFFFFFF  }
0xb5: {  	_ =	strace $0x90000051  }
0xb6: {  	_ =	sfence  }
0xb7: {  	s30 =	sld [smem:$0x0];
	_ =	sdelay $0x2  }
0xb8: {  	s31 =	sshll.u32 s1, $0xD;
	s1 =	sshrl.u32 s1, $0x2  }
0xb9: {  	s3 =	sand.u32 $0x4000, s31;
	s1 =	sadd.s32 s1, s30  }
0xba: {  	s0 =	sor.u32 s3, s0;
	s1 =	sshll.u32 s1, $0x11  }
0xbb: {  	s0 =	sor.u32 s1, s0  }
0xbc: {  	s0 =	sadd.s32 $0x8F2B, s0  }
0xbd: {  	[sflag:s0] =	ssyncadd.remote.s32 $0x1  }
0xbe: {  	_ =	sfence.sel $0xFFFF  }
0xbf: {  	[dreg:$0x0] =	wrdreg $0xFFFFFFFF;
	(pc) =	sbr.abs _section_cstart, $3  }
0xc0: {  	[dreg:$0x1] =	wrdreg $0xFFFFFFFF  }
0xc1: {  	_ =	task.clear_ibuf [dreg:s7], $0x2FFFF;
	_ =	strace $0x9FFFFFFF  }
0xc2: {  	(tm) =	ssettm $0x7FFFFFFF  }
0xc3: {  	_ =	shalt  }
tec
execute0_lowered:
.L_overlay_start_1:
0x0: {  	(tag) =	ssettag $0x1  }
0x1: {  	s2 =	rddreg [dreg:$0x0]  }
0x2: {  	s1 =	srdreg.scid;
	s0 =	stileid.u32  }
0x3: {  	s4 =	rddreg [dreg:$0x1];
	s3 =	simm.s32 $0x0;
	s15 =	simm.s32 $0x4100  }
0x4: {  	s16 =	simm.s32 $0x1;
	s17 =	simm.s32 $0x2;
	s18 =	simm.s32 $0x0  }
0x5: {  	s9 =	sand.u32 $0x1, s1;
	s1 =	rddreg [dreg:$0x2];
	s12 =	smul.u32 $0x5000, s0  }
0x6: {  	s5 =	sshll.u32 s0, $0x1;
	[smem:$0x7FF] =	sst s3;
	s14 =	smul.u32 $0x50000, s0  }
0x7: {  	s11 =	sadd.s32 $0x3C00, s4;
	s5 =	sor.u32 s9, s5;
	s13 =	smul.u32 $0x2800, s9  }
0x8: {  	s10 =	sadd.s32 $0xDC00, s4;
	s6 =	ssub.s32 $0x2, s9;
	s7 =	smul.u32 $0x2800, s5  }
0x9: {  	_ =	strace $0x80000050;
	s9 =	smul.u32 $0x28000, s9;
	s28 =	sshrl.u32 s6, $0x1  }
0xa: {  	s5 =	ssub.s32 s6, s28;
	s12 =	sadd.s32 s13, s12;
	s29 =	sshrl.u32 s7, $0x3  }
0xb: {  	s5 =	smax.u32 s5, $0x1;
	s8 =	sadd.s32 $0x2780, s7;
	s7 =	sshll.u32 s7, $0x4  }
0xc: {  	s13 =	sor.u32 $0x80, s12;
	s12 =	sor.u32 $0x100, s12;
	s4 =	sadd.s32 s11, s29  }
0xd: {  	s30 =	sshrl.u32 s8, $0x3;
	s7 =	sadd.s32 s10, s7;
	s8 =	sshll.u32 s8, $0x4  }
0xe: {  	s31 =	sshrl.u32 s13, $0x3;
	s12 =	sshrl.u32 s12, $0x3;
	s13 =	simm.s32 $0x80  }
0xf: {  	s6 =	sadd.s32 s11, s30;
	s8 =	sadd.s32 s10, s8;
	s10 =	sadd.s32 s14, s10  }
0x10: {  	s7 =	sadd.s32 $0x27000, s7;
	s14 =	simm.s32 $0x100;
	s9 =	sadd.s32 s9, s10  }
0x11: {  	s10 =	sadd.s32 s31, s11;
	s11 =	sadd.s32 s12, s11;
	s12 =	simm.s32 $0x3  }
.LBB2_1:
0x12: {  	[tilespmem:s3], [sflag:$0x3] =	stream.linear.gather [hbm4b:s4+s3], $0x80, $0x38;
	[tilespmem:$0x8100] =	vst v63  }
0x13: {  	_ =	swait.ge [sflag:s12], $0x80  }
0x14: {  	[sflag:s12] =	ssyncset.done $0x0  }
0x15: {  	[sflag:s12] =	ssyncadd.s32 $0xFFFFFF80  }
0x16: {  	[tilespmem:s14], [sflag:$0x1] =	stream.indirect.gather [hbm4b:s2+s13], $0x80, s3, s13, $0xb8;
	[tilespmem:$0x8100] =	vst v63  }
0x17: {  	s19 =	sadd.s32 $0x0, s10  }
0x18: {  	[tilespmem:s13], [sflag:$0x3] =	stream.linear.gather [hbm4b:s19+s3], $0x80, $0x38;
	[tilespmem:$0x8100] =	vst v63  }
0x19: {  	_ =	swait.ge [sflag:s12], $0x80  }
0x1a: {  	[sflag:s12] =	ssyncset.done $0x0  }
0x1b: {  	[sflag:s12] =	ssyncadd.s32 $0xFFFFFF80  }
0x1c: {  	[tilespmem:s15], [sflag:$0x2] =	stream.indirect.gather [hbm4b:s2+s13], $0x80, s13, s13, $0xb8;
	[tilespmem:$0x8100] =	vst v63  }
0x1d: {  	_ =	swait.ge [sflag:s16], $0x4000  }
0x1e: {  	[sflag:s16] =	ssyncset.done $0x0  }
0x1f: {  	[sflag:s16] =	ssyncadd.s32 $0xFFFFC000  }
0x20: {  	[hbm4b:s9+s3] =	stream.linear.scatter [tilespmem:s14], [sflag:$0x3], $0x4000, $0x38;
	[tilespmem:$0x8100] =	vst v63  }
0x21: {  	_ =	swait.ge [sflag:s12], $0x4000  }
0x22: {  	[sflag:s12] =	ssyncset.done $0x0  }
0x23: {  	s30 =	sadd.s32 $0x0, s11;
	[sflag:s12] =	ssyncadd.s32 $0xFFFFC000  }
0x24: {  	[tilespmem:s3], [sflag:$0x3] =	stream.linear.gather [hbm4b:s30+s3], $0x80, $0x38;
	[tilespmem:$0x8100] =	vst v63  }
0x25: {  	_ =	swait.ge [sflag:s12], $0x80  }
0x26: {  	[sflag:s12] =	ssyncset.done $0x0  }
0x27: {  	[sflag:s12] =	ssyncadd.s32 $0xFFFFFF80  }
0x28: {  	[tilespmem:s14], [sflag:$0x1] =	stream.indirect.gather [hbm4b:s2+s13], $0x80, s3, s13, $0xb8;
	[tilespmem:$0x8100] =	vst v63  }
0x29: {  	_ =	swait.ge [sflag:s17], $0x4000  }
0x2a: {  	[sflag:s17] =	ssyncset.done $0x0  }
0x2b: {  	s31 =	sadd.s32 $0x800, s9;
	[sflag:s17] =	ssyncadd.s32 $0xFFFFC000  }
0x2c: {  	[hbm4b:s31+s3] =	stream.linear.scatter [tilespmem:s15], [sflag:$0x3], $0x4000, $0x38;
	[tilespmem:$0x8100] =	vst v63  }
0x2d: {  	s20 =	simm.s32 $0x20;
	_ =	swait.ge [sflag:s12], $0x4000  }
0x2e: {  	s21 =	simm.s32 $0x40;
	s19 =	sadd.s32 $0x1000, s9;
	[sflag:s12] =	ssyncset.done $0x0  }
.LBB2_2:
0x2f: {  	s22 =	sadd.s32 s20, s10  }
0x30: {  	[sflag:s12] =	ssyncadd.s32 $0xFFFFC000;
	s23 =	smov.u32 s21;
	s24 =	sadd.s32 $0x20, s21  }
0x31: {  	[tilespmem:s13], [sflag:$0x3] =	stream.linear.gather [hbm4b:s22+s3], $0x80, $0x38;
	[tilespmem:$0x8100] =	vst v63  }
0x32: {  	p0 =	sne.s32 s21, $0x4C0;
	_ =	swait.ge [sflag:s12], $0x80  }
0x33: {  	[sflag:s12] =	ssyncset.done $0x0  }
0x34: {  	[sflag:s12] =	ssyncadd.s32 $0xFFFFFF80  }
0x35: {  	[tilespmem:s15], [sflag:$0x2] =	stream.indirect.gather [hbm4b:s2+s13], $0x80, s13, s13, $0xb8;
	[tilespmem:$0x8100] =	vst v63  }
0x36: {  	_ =	swait.ge [sflag:s16], $0x4000  }
0x37: {  	[sflag:s16] =	ssyncset.done $0x0  }
0x38: {  	[sflag:s16] =	ssyncadd.s32 $0xFFFFC000  }
0x39: {  	[hbm4b:s19+s3] =	stream.linear.scatter [tilespmem:s14], [sflag:$0x3], $0x4000, $0x38;
	[tilespmem:$0x8100] =	vst v63  }
0x3a: {  	_ =	swait.ge [sflag:s12], $0x4000  }
0x3b: {  	[sflag:s12] =	ssyncset.done $0x0  }
0x3c: {  	s21 =	sadd.s32 s20, s11;
	s20 =	smov.u32 s23;
	[sflag:s12] =	ssyncadd.s32 $0xFFFFC000  }
0x3d: {  	[tilespmem:s3], [sflag:$0x3] =	stream.linear.gather [hbm4b:s21+s3], $0x80, $0x38;
	[tilespmem:$0x8100] =	vst v63  }
0x3e: {  	_ =	swait.ge [sflag:s12], $0x80  }
0x3f: {  	[sflag:s12] =	ssyncset.done $0x0  }
0x40: {  	[sflag:s12] =	ssyncadd.s32 $0xFFFFFF80  }
0x41: {  	[tilespmem:s14], [sflag:$0x1] =	stream.indirect.gather [hbm4b:s2+s13], $0x80, s3, s13, $0xb8;
	[tilespmem:$0x8100] =	vst v63  }
0x42: {  	_ =	swait.ge [sflag:s17], $0x4000  }
.Ltmp0:
0x43: {  	[sflag:s17] =	ssyncset.done $0x0;
	(pc) =	sbr.rel @p0 .LBB2_2-.Ltmp0, $4  }
0x44: {  	s21 =	sadd.s32 $0x800, s19;
	[sflag:s17] =	ssyncadd.s32 $0xFFFFC000  }
0x45: {  	[hbm4b:s21+s3] =	stream.linear.scatter [tilespmem:s15], [sflag:$0x3], $0x4000, $0x38;
	[tilespmem:$0x8100] =	vst v63  }
0x46: {  	_ =	swait.ge [sflag:s12], $0x4000  }
0x47: {  	s19 =	sadd.s32 $0x1000, s19;
	s21 =	smov.u32 s24;
	[sflag:s12] =	ssyncset.done $0x0  }
0x48: {  	s21 =	sadd.s32 s20, s10;
	[sflag:s12] =	ssyncadd.s32 $0xFFFFC000  }
0x49: {  	[tilespmem:s13], [sflag:$0x3] =	stream.linear.gather [hbm4b:s21+s3], $0x80, $0x38;
	[tilespmem:$0x8100] =	vst v63  }
0x4a: {  	_ =	swait.ge [sflag:s12], $0x80  }
0x4b: {  	[sflag:s12] =	ssyncset.done $0x0  }
0x4c: {  	[sflag:s12] =	ssyncadd.s32 $0xFFFFFF80  }
0x4d: {  	[tilespmem:s15], [sflag:$0x2] =	stream.indirect.gather [hbm4b:s2+s13], $0x80, s13, s13, $0xb8;
	[tilespmem:$0x8100] =	vst v63  }
0x4e: {  	_ =	swait.ge [sflag:s16], $0x4000  }
0x4f: {  	[sflag:s16] =	ssyncset.done $0x0  }
0x50: {  	[sflag:s16] =	ssyncadd.s32 $0xFFFFC000  }
0x51: {  	[hbm4b:s19+s3] =	stream.linear.scatter [tilespmem:s14], [sflag:$0x3], $0x4000, $0x38;
	[tilespmem:$0x8100] =	vst v63  }
0x52: {  	_ =	swait.ge [sflag:s12], $0x4000  }
0x53: {  	[sflag:s12] =	ssyncset.done $0x0  }
0x54: {  	s30 =	sadd.s32 s20, s11;
	[sflag:s12] =	ssyncadd.s32 $0xFFFFC000  }
0x55: {  	[tilespmem:s3], [sflag:$0x3] =	stream.linear.gather [hbm4b:s30+s3], $0x80, $0x38;
	[tilespmem:$0x8100] =	vst v63  }
0x56: {  	_ =	swait.ge [sflag:s12], $0x80  }
0x57: {  	[sflag:s12] =	ssyncset.done $0x0  }
0x58: {  	[sflag:s12] =	ssyncadd.s32 $0xFFFFFF80  }
0x59: {  	[tilespmem:s14], [sflag:$0x1] =	stream.indirect.gather [hbm4b:s2+s13], $0x80, s3, s13, $0xb8;
	[tilespmem:$0x8100] =	vst v63  }
0x5a: {  	_ =	swait.ge [sflag:s17], $0x4000  }
0x5b: {  	[sflag:s17] =	ssyncset.done $0x0  }
0x5c: {  	s31 =	sadd.s32 $0x800, s19;
	[sflag:s17] =	ssyncadd.s32 $0xFFFFC000  }
0x5d: {  	[hbm4b:s31+s3] =	stream.linear.scatter [tilespmem:s15], [sflag:$0x3], $0x4000, $0x38;
	[tilespmem:$0x8100] =	vst v63  }
0x5e: {  	_ =	swait.ge [sflag:s12], $0x4000  }
0x5f: {  	[sflag:s12] =	ssyncset.done $0x0  }
0x60: {  	[sflag:s12] =	ssyncadd.s32 $0xFFFFC000  }
0x61: {  	[tilespmem:s13], [sflag:$0x3] =	stream.linear.gather [hbm4b:s6+s3], $0x80, $0x38;
	[tilespmem:$0x8100] =	vst v63  }
0x62: {  	_ =	swait.ge [sflag:s12], $0x80  }
0x63: {  	[sflag:s12] =	ssyncset.done $0x0  }
0x64: {  	[sflag:s12] =	ssyncadd.s32 $0xFFFFFF80  }
0x65: {  	[tilespmem:s15], [sflag:$0x2] =	stream.indirect.gather [hbm4b:s2+s13], $0x80, s13, s13, $0xb8;
	[tilespmem:$0x8100] =	vst v63  }
0x66: {  	_ =	swait.ge [sflag:s16], $0x4000  }
0x67: {  	[sflag:s16] =	ssyncset.done $0x0  }
0x68: {  	[sflag:s16] =	ssyncadd.s32 $0xFFFFC000  }
0x69: {  	[hbm4b:s7+s3] =	stream.linear.scatter [tilespmem:s14], [sflag:$0x3], $0x4000, $0x38;
	[tilespmem:$0x8100] =	vst v63  }
0x6a: {  	_ =	swait.ge [sflag:s12], $0x4000  }
0x6b: {  	[sflag:s12] =	ssyncset.done $0x0  }
0x6c: {  	[sflag:s12] =	ssyncadd.s32 $0xFFFFC000  }
0x6d: {  	s18 =	sadd.s32 $0x1, s18;
	_ =	swait.ge [sflag:s17], $0x4000  }
0x6e: {  	p0 =	sne.s32 s18, s5;
	[sflag:s17] =	ssyncset.done $0x0  }
.Ltmp1:
0x6f: {  	[sflag:s17] =	ssyncadd.s32 $0xFFFFC000;
	(pc) =	sbr.rel @p0 .LBB2_1-.Ltmp1, $4  }
0x70: {  	[hbm4b:s8+s3] =	stream.linear.scatter [tilespmem:s15], [sflag:$0x3], $0x4000, $0x38;
	[tilespmem:$0x8100] =	vst v63  }
0x71: {  	_ =	swait.ge [sflag:s12], $0x4000  }
0x72: {  	[sflag:s12] =	ssyncset.done $0x0  }
0x73: {  	[sflag:s12] =	ssyncadd.s32 $0xFFFFC000  }
0x74: {  	_ =	sfence.sel $0x180000  }
0x75: {  	[bflag:$0x0] =	sbarrier.arrive $0xFFFF  }
0x76: {  	p0 =	sne.s32 s0, $0x0;
	_ =	strace $0x90000050  }
0x77: {  	s0 =	sadd.s32 @!p0 $0x100000, s1;
	[bflag:$0x2] =	sbarrier.arrive $0xFFFF  }
0x78: {  	[sflag:s0] =	ssyncadd.tile.s32 @!p0 $0x1;
	_ =	shalt  }
.Lfunc_end2:
_tile_overlayer_lowered:
.L_overlay_start_2:
0x79: {  	(tag) =	ssettag $0x2  }
0x7a: {  	s0 =	rddreg [dreg:$0x0];
	s2 =	stileid.u32  }
0x7b: {  	s1 =	rddreg [dreg:$0x1];
	p0 =	sne.s32 s2, $0x0  }
0x7c: {  	s3 =	rddreg [dreg:$0x2];
	[bflag:$0x3] =	sbarrier.arrive $0xFFFF;
	s2 =	simm.s32 @!p0 $0x1C03  }
0x7d: {  	[timem:s3], [sflag:s2] =	dma.local @!p0 [hbm:s0], s1  }
0x7e: {  	s0 =	simm.s32 @!p0 $0x3  }
0x7f: {  	_ =	swait.ge @!p0 [sflag:s0], s1  }
0x80: {  	s1 =	ssub.s32 @!p0 $0x0, s1;
	[sflag:s0] =	ssyncset.done @!p0 $0x0  }
0x81: {  	[sflag:s0] =	ssyncadd.s32 @!p0 s1  }
0x82: {  	[bflag:$0x3] =	sbarrier.arrive $0xFFFF  }
0x83: {  	_ =	shalt  }

// kernel: kernel.27.cloned.1.call-start
scs
__scs_entry_jumppad:
0x0: {  	(pc) =	sbr.rel $0x88, $3  }
0x1: {  	(tag) =	ssettag $0x0;
	lr =	simm.s32 $0x1  }
0x2: {  	[smem:$0x3F94] =	sst lr;
	_ =	strace $0xD0000000  }
0x3: {  	_ = 	snop  }
0x4: {  	_ = 	snop  }
0x5: {  	_ = 	snop  }
0x6: {  	_ = 	snop  }
0x7: {  	_ = 	snop  }
__scs_overlays_trampoline_lowered:
0x8: {  	[smem:$0x3FA3] =	sst s0  }
0x9: {  	[smem:$0x3FA4] =	sst s1  }
0xa: {  	[smem:$0x3FA5] =	sst s2  }
0xb: {  	[smem:$0x3FA6] =	sst s3  }
0xc: {  	[smem:$0x3FA7] =	sst s4  }
0xd: {  	[smem:$0x3FA8] =	sst s5  }
0xe: {  	[smem:$0x3FA9] =	sst s6  }
0xf: {  	[smem:$0x3FAA] =	sst s7  }
0x10: {  	[smem:$0x3FAB] =	sst s8  }
0x11: {  	[smem:$0x3FAC] =	sst s9;
	s0 =	simm.s32 @!p0 $0x0  }
0x12: {  	s1 =	sld [smem:$0x3F92];
	s0 =	simm.s32 @p0 $0x1  }
0x13: {  	[smem:$0x3FAD] =	sst s0;
	s0 =	simm.s32 @!p1 $0x0  }
0x14: {  	s2 =	sld [smem:$0x3F91];
	s0 =	simm.s32 @p1 $0x1  }
0x15: {  	[smem:$0x3FAE] =	sst s0;
	s0 =	simm.s32 @!p2 $0x0  }
0x16: {  	s3 =	sld [smem:$0x3FDB];
	s0 =	simm.s32 @p2 $0x1  }
0x17: {  	s4 =	simm.s32 $0x1BF5;
	[smem:$0x3FB0] =	sst s0  }
0x18: {  	s0 =	sld [smem:$0x3F93];
	_ =	swait.ge [sflag:s4], $0x0  }
0x19: {  	s7 =	sld [smem:$0x3F94]  }
0x1a: {  	s8 =	sadd.s32 $0xFFFFE003, lr  }
0x1b: {  	s9 =	sadd.s32 $0xFFFFFEF7, lr;
	s5 =	simm.s32 $0xFFFFFFFF;
	p2 =	slt.u32 s8, $0xFFFFF086  }
0x1c: {  	p1 =	slt.u32 s9, $0xF7A;
	s5 =	simm.s32 @!p2 $0x0  }
0x1d: {  	s5 =	simm.s32 @p1 $0x1;
	p0 =	seq.s32 s7, s2  }
0x1e: {  	s7 =	smul.u32 @!p0 $0xF7A, s2;
	p2 =	seq.s32 @!p0 s5, $0x0  }
0x1f: {  	s9 =	smul.u32 $0xF7A, s1;
	s8 =	simm.s32 @!p0 $0x1BF5;
	p2 =	por !p2, p0  }
0x20: {  	[sflag:s8] =	ssyncset.s32 @!p0 $0xFFFFF086;
	s6 =	sadd.s32 @!p0 s3, s7;
	s7 =	simm.s32 @!p0 $0x108  }
0x21: {  	s3 =	sadd.s32 s3, s9;
	s6 =	sadd.s32 @!p0 $0x88, s6;
	s7 =	simm.s32 @p2 $0x1082  }
0x22: {  	[simem:s7], [sflag:s8] =	dma.local @!p0 [hbm:s6], $0xF7A  }
0x23: {  	s9 =	sor.u32 $0xD0000000, s2;
	s6 =	simm.s32 $0x108;
	_ =	swait.ge @!p0 [sflag:s8], $0x0  }
0x24: {  	s3 =	sadd.s32 $0x88, s3;
	s6 =	simm.s32 @!p1 $0x1082;
	[sflag:s4] =	ssyncset.s32 $0xFFFFF086  }
0x25: {  	[simem:s6], [sflag:s4] =	dma.local [hbm:s3], $0xF7A  }
0x26: {  	[smem:$0x3F94] =	sst s1;
	(tag) =	ssettag s2;
	_ =	strace s9  }
0x27: {  	s1 =	sld [smem:$0x3FA4]  }
0x28: {  	s2 =	sld [smem:$0x3FA5]  }
0x29: {  	s4 =	sld [smem:$0x3FA7]  }
0x2a: {  	p0 =	seq.s32 s5, $0x0;
	s5 =	sld [smem:$0x3FA8]  }
0x2b: {  	s6 =	sld [smem:$0x3FA9]  }
0x2c: {  	s7 =	sld [smem:$0x3FAA]  }
0x2d: {  	s3 =	simm.s32 $0x108;
	s8 =	sld [smem:$0x3FAB]  }
0x2e: {  	s3 =	simm.s32 @!p0 $0x1082;
	s9 =	sld [smem:$0x3FAC]  }
0x2f: {  	lr =	sadd.s32 s0, s3;
	s0 =	sld [smem:$0x3FA3]  }
0x30: {  	s3 =	sld [smem:$0x3FA6]  }
0x31: {  	[smem:$0x3FAF] =	sst s10  }
0x32: {  	s10 =	sld [smem:$0x3FAD];
	_ =	sdelay $0x3  }
0x33: {  	p0 =	seq.s32 s10, $0x1;
	s10 =	sld [smem:$0x3FAF];
	_ =	sdelay $0x3  }
0x34: {  	[smem:$0x3FAF] =	sst s10  }
0x35: {  	s10 =	sld [smem:$0x3FAE];
	_ =	sdelay $0x3  }
0x36: {  	p1 =	seq.s32 s10, $0x1;
	s10 =	sld [smem:$0x3FAF];
	_ =	sdelay $0x3  }
0x37: {  	[smem:$0x3FAF] =	sst s10  }
0x38: {  	s10 =	sld [smem:$0x3FB0]  }
0x39: {  	_ = 	snop;
	(pc) =	sbr.ind lr, $3  }
0x3a: {  	_ = 	snop  }
0x3b: {  	_ = 	snop  }
0x3c: {  	p2 =	seq.s32 s10, $0x1;
	s10 =	sld [smem:$0x3FAF]  }
0x3d: {  	_ =	shalt  }
0x3e: {  	_ =	shalt  }
0x3f: {  	_ =	shalt  }
0x40: {  	_ =	shalt  }
0x41: {  	_ =	shalt  }
0x42: {  	_ =	shalt  }
0x43: {  	_ =	shalt  }
0x44: {  	_ =	shalt  }
0x45: {  	_ =	shalt  }
0x46: {  	_ =	shalt  }
0x47: {  	_ =	shalt  }
0x48: {  	_ =	shalt  }
0x49: {  	_ =	shalt  }
0x4a: {  	_ =	shalt  }
0x4b: {  	_ =	shalt  }
0x4c: {  	_ =	shalt  }
0x4d: {  	_ =	shalt  }
0x4e: {  	_ =	shalt  }
0x4f: {  	_ =	shalt  }
0x50: {  	_ =	shalt  }
0x51: {  	_ =	shalt  }
0x52: {  	_ =	shalt  }
0x53: {  	_ =	shalt  }
0x54: {  	_ =	shalt  }
0x55: {  	_ =	shalt  }
0x56: {  	_ =	shalt  }
0x57: {  	_ =	shalt  }
0x58: {  	_ =	shalt  }
0x59: {  	_ =	shalt  }
0x5a: {  	_ =	shalt  }
0x5b: {  	_ =	shalt  }
0x5c: {  	_ =	shalt  }
0x5d: {  	_ =	shalt  }
0x5e: {  	_ =	shalt  }
0x5f: {  	_ =	shalt  }
0x60: {  	_ =	shalt  }
0x61: {  	_ =	shalt  }
0x62: {  	_ =	shalt  }
0x63: {  	_ =	shalt  }
0x64: {  	_ =	shalt  }
0x65: {  	_ =	shalt  }
0x66: {  	_ =	shalt  }
0x67: {  	_ =	shalt  }
0x68: {  	_ =	shalt  }
0x69: {  	_ =	shalt  }
0x6a: {  	_ =	shalt  }
0x6b: {  	_ =	shalt  }
0x6c: {  	_ =	shalt  }
0x6d: {  	_ =	shalt  }
0x6e: {  	_ =	shalt  }
0x6f: {  	_ =	shalt  }
0x70: {  	_ =	shalt  }
0x71: {  	_ =	shalt  }
0x72: {  	_ =	shalt  }
0x73: {  	_ =	shalt  }
0x74: {  	_ =	shalt  }
0x75: {  	_ =	shalt  }
0x76: {  	_ =	shalt  }
0x77: {  	_ =	shalt  }
0x78: {  	_ =	shalt  }
0x79: {  	_ =	shalt  }
0x7a: {  	_ =	shalt  }
0x7b: {  	_ =	shalt  }
0x7c: {  	_ =	shalt  }
0x7d: {  	_ =	shalt  }
0x7e: {  	_ =	shalt  }
0x7f: {  	_ =	shalt  }
0x80: {  	_ =	shalt  }
0x81: {  	_ =	shalt  }
0x82: {  	_ =	shalt  }
0x83: {  	_ =	shalt  }
0x84: {  	_ =	shalt  }
0x85: {  	_ =	shalt  }
0x86: {  	_ =	shalt  }
0x87: {  	_ =	shalt  }
.Lfunc_end0:
.L_simem_size_0:
called_computation.4_lowered:
.L_overlay_start_0:
0x88: {  	s2 =	sld [smem:$0x3FD9]  }
0x89: {  	s3 =	sld [smem:$0x3FFE];
	_ =	sdelay $0x1  }
0x8a: {  	s1 =	srdreg.scid  }
0x8b: {  	s0 =	sand.u32 $0x1, s1  }
0x8c: {  	s17 =	sshll.u32 s0, $0xA;
	s2 =	sadd.s32 s3, s2  }
0x8d: {  	s2 =	sadd.s32 s2, s17  }
0x8e: {  	[smem:$0x3FBB] =	sst s2  }
0x8f: {  	_ = 	snop  }
0x90: {  	s2 =	sld [smem:$0x3FD0];
	(tm) =	ssettm $0x1  }
0x91: {  	s18 =	sld [smem:$0x3FFB];
	_ =	sdelay $0x3  }
0x92: {  	_ =	strace s18  }
0x93: {  	s3 =	sld [smem:$0x3FFC];
	_ =	sdelay $0x3  }
0x94: {  	_ =	strace s3  }
0x95: {  	s3 =	sld [smem:$0x3FFD];
	_ =	sdelay $0x3  }
0x96: {  	_ =	strace s3  }
0x97: {  	_ =	strace $0x8FFFFFFF  }
0x98: {  	s19 =	sld [smem:$0x3FDB];
	_ =	sdelay $0x1  }
0x99: {  	s4 =	simm.s32 $_scs_section_size  }
0x9a: {  	s5 =	simm.s32 $_size__tile_overlayer_lowered;
	s6 =	simm.s32 $_tile_overlayer_lowered  }
0x9b: {  	s22 =	simm.s32 $0x1BFF;
	s21 =	sshll.u32 s6, $0x1;
	s3 =	sadd.s32 s4, s19  }
0x9c: {  	s7 =	simm.s32 $0x0;
	s20 =	sshll.u32 s5, $0x1;
	s5 =	sadd.s32 s21, s3  }
0x9d: {  	[timem:s7], [sflag:s22] =	dma.local [hbm:s5], s20  }
0x9e: {  	_ =	swait.ge [sflag:s22], s20  }
0x9f: {  	s4 =	ssub.s32 $0x0, s20;
	[sflag:s22] =	ssyncset.done $0x0  }
0xa0: {  	[sflag:s22] =	ssyncadd.s32 s4;
	_ =	sdelay $0x1  }
0xa1: {  	s23 =	simm.s32 $0x1B8B  }
0xa2: {  	_ =	swait.ge [sflag:s23], $0x1  }
0xa3: {  	[sflag:s23] =	ssyncset.done $0x0  }
0xa4: {  	s25 =	simm.s32 $0x1B8E;
	s24 =	sld [smem:$0x3FFE];
	[sflag:s23] =	ssyncadd.s32 $0xFFFFFFFF  }
0xa5: {  	s26 =	simm.s32 $execute0_lowered;
	[smem:$0x3FD2] =	sst s25  }
0xa6: {  	s5 =	sshll.u32 s26, $0x1;
	_ =	strace $0x80000052;
	[dreg:$0x1] =	wrdreg $0xFFFFFFFF  }
0xa7: {  	s28 =	simm.s32 $_size_execute0_lowered;
	s3 =	sadd.s32 s3, s5;
	[dreg:$0x0] =	wrdreg $0x0  }
0xa8: {  	s5 =	sshll.u32 s28, $0x1;
	[dreg:$0x2] =	wrdreg s3  }
0xa9: {  	[dreg:$0x3] =	wrdreg s5  }
0xaa: {  	[dreg:$0x4] =	wrdreg $0xC0  }
0xab: {  	_ =	task [dreg:s7], $0x5FFFF  }
0xac: {  	[dreg:$0x1] =	wrdreg $0xFFFFFFFF  }
0xad: {  	[dreg:$0x0] =	wrdreg $0x60  }
0xae: {  	[dreg:$0x2] =	wrdreg s2  }
0xaf: {  	[dreg:$0x3] =	wrdreg s24  }
0xb0: {  	[dreg:$0x4] =	wrdreg $0x9  }
0xb1: {  	_ =	task.clear_ibuf [dreg:s7], $0x5FFFF;
	_ =	strace $0x90000052  }
0xb2: {  	s29 =	simm.s32 $0x9;
	_ =	strace $0x80000054  }
0xb3: {  	_ =	swait.ge [sflag:s29], $0x1  }
0xb4: {  	[sflag:s29] =	ssyncadd.s32 $0xFFFFFFFF  }
0xb5: {  	_ =	strace $0x90000054  }
0xb6: {  	_ =	sfence  }
0xb7: {  	s30 =	sld [smem:$0x0];
	_ =	sdelay $0x2  }
0xb8: {  	s31 =	sshll.u32 s1, $0xD;
	s1 =	sshrl.u32 s1, $0x2  }
0xb9: {  	s3 =	sand.u32 $0x4000, s31;
	s1 =	sadd.s32 s1, s30  }
0xba: {  	s0 =	sor.u32 s3, s0;
	s1 =	sshll.u32 s1, $0x11  }
0xbb: {  	s0 =	sor.u32 s1, s0  }
0xbc: {  	s0 =	sadd.s32 $0x8F2B, s0  }
0xbd: {  	[sflag:s0] =	ssyncadd.remote.s32 $0x1  }
0xbe: {  	_ =	sfence.sel $0xFFFF  }
0xbf: {  	[dreg:$0x0] =	wrdreg $0xFFFFFFFF;
	(pc) =	sbr.abs _section_cstart, $3  }
0xc0: {  	[dreg:$0x1] =	wrdreg $0xFFFFFFFF  }
0xc1: {  	_ =	task.clear_ibuf [dreg:s7], $0x2FFFF;
	_ =	strace $0x9FFFFFFF  }
0xc2: {  	(tm) =	ssettm $0x7FFFFFFF  }
0xc3: {  	_ =	shalt  }
tec
execute0_lowered:
.L_overlay_start_1:
0x0: {  	(tag) =	ssettag $0x1  }
0x1: {  	s2 =	rddreg [dreg:$0x0]  }
0x2: {  	s1 =	srdreg.scid;
	s0 =	stileid.u32  }
0x3: {  	s4 =	rddreg [dreg:$0x1];
	s3 =	simm.s32 $0x0;
	s15 =	simm.s32 $0x4100  }
0x4: {  	s16 =	simm.s32 $0x1;
	s17 =	simm.s32 $0x2;
	s18 =	simm.s32 $0x0  }
0x5: {  	s9 =	sand.u32 $0x1, s1;
	s1 =	rddreg [dreg:$0x2];
	s12 =	smul.u32 $0x5000, s0  }
0x6: {  	s5 =	sshll.u32 s0, $0x1;
	[smem:$0x7FF] =	sst s3;
	s14 =	smul.u32 $0x50000, s0  }
0x7: {  	s11 =	sadd.s32 $0x3C00, s4;
	s5 =	sor.u32 s9, s5;
	s13 =	smul.u32 $0x2800, s9  }
0x8: {  	s10 =	sadd.s32 $0xDC00, s4;
	s6 =	ssub.s32 $0x2, s9;
	s7 =	smul.u32 $0x2800, s5  }
0x9: {  	_ =	strace $0x80000053;
	s9 =	smul.u32 $0x28000, s9;
	s28 =	sshrl.u32 s6, $0x1  }
0xa: {  	s5 =	ssub.s32 s6, s28;
	s12 =	sadd.s32 s13, s12;
	s29 =	sshrl.u32 s7, $0x3  }
0xb: {  	s5 =	smax.u32 s5, $0x1;
	s8 =	sadd.s32 $0x2780, s7;
	s7 =	sshll.u32 s7, $0x4  }
0xc: {  	s13 =	sor.u32 $0x80, s12;
	s12 =	sor.u32 $0x100, s12;
	s4 =	sadd.s32 s11, s29  }
0xd: {  	s30 =	sshrl.u32 s8, $0x3;
	s7 =	sadd.s32 s10, s7;
	s8 =	sshll.u32 s8, $0x4  }
0xe: {  	s31 =	sshrl.u32 s13, $0x3;
	s12 =	sshrl.u32 s12, $0x3;
	s13 =	simm.s32 $0x80  }
0xf: {  	s6 =	sadd.s32 s11, s30;
	s8 =	sadd.s32 s10, s8;
	s10 =	sadd.s32 s14, s10  }
0x10: {  	s7 =	sadd.s32 $0x27000, s7;
	s14 =	simm.s32 $0x100;
	s9 =	sadd.s32 s9, s10  }
0x11: {  	s10 =	sadd.s32 s31, s11;
	s11 =	sadd.s32 s12, s11;
	s12 =	simm.s32 $0x3  }
.LBB2_1:
0x12: {  	[tilespmem:s3], [sflag:$0x3] =	stream.linear.gather [hbm4b:s4+s3], $0x80, $0x38;
	[tilespmem:$0x8100] =	vst v63  }
0x13: {  	_ =	swait.ge [sflag:s12], $0x80  }
0x14: {  	[sflag:s12] =	ssyncset.done $0x0  }
0x15: {  	[sflag:s12] =	ssyncadd.s32 $0xFFFFFF80  }
0x16: {  	[tilespmem:s14], [sflag:$0x1] =	stream.indirect.gather [hbm4b:s2+s13], $0x80, s3, s13, $0xb8;
	[tilespmem:$0x8100] =	vst v63  }
0x17: {  	s19 =	sadd.s32 $0x0, s10  }
0x18: {  	[tilespmem:s13], [sflag:$0x3] =	stream.linear.gather [hbm4b:s19+s3], $0x80, $0x38;
	[tilespmem:$0x8100] =	vst v63  }
0x19: {  	_ =	swait.ge [sflag:s12], $0x80  }
0x1a: {  	[sflag:s12] =	ssyncset.done $0x0  }
0x1b: {  	[sflag:s12] =	ssyncadd.s32 $0xFFFFFF80  }
0x1c: {  	[tilespmem:s15], [sflag:$0x2] =	stream.indirect.gather [hbm4b:s2+s13], $0x80, s13, s13, $0xb8;
	[tilespmem:$0x8100] =	vst v63  }
0x1d: {  	_ =	swait.ge [sflag:s16], $0x4000  }
0x1e: {  	[sflag:s16] =	ssyncset.done $0x0  }
0x1f: {  	[sflag:s16] =	ssyncadd.s32 $0xFFFFC000  }
0x20: {  	[hbm4b:s9+s3] =	stream.linear.scatter [tilespmem:s14], [sflag:$0x3], $0x4000, $0x38;
	[tilespmem:$0x8100] =	vst v63  }
0x21: {  	_ =	swait.ge [sflag:s12], $0x4000  }
0x22: {  	[sflag:s12] =	ssyncset.done $0x0  }
0x23: {  	s30 =	sadd.s32 $0x0, s11;
	[sflag:s12] =	ssyncadd.s32 $0xFFFFC000  }
0x24: {  	[tilespmem:s3], [sflag:$0x3] =	stream.linear.gather [hbm4b:s30+s3], $0x80, $0x38;
	[tilespmem:$0x8100] =	vst v63  }
0x25: {  	_ =	swait.ge [sflag:s12], $0x80  }
0x26: {  	[sflag:s12] =	ssyncset.done $0x0  }
0x27: {  	[sflag:s12] =	ssyncadd.s32 $0xFFFFFF80  }
0x28: {  	[tilespmem:s14], [sflag:$0x1] =	stream.indirect.gather [hbm4b:s2+s13], $0x80, s3, s13, $0xb8;
	[tilespmem:$0x8100] =	vst v63  }
0x29: {  	_ =	swait.ge [sflag:s17], $0x4000  }
0x2a: {  	[sflag:s17] =	ssyncset.done $0x0  }
0x2b: {  	s31 =	sadd.s32 $0x800, s9;
	[sflag:s17] =	ssyncadd.s32 $0xFFFFC000  }
0x2c: {  	[hbm4b:s31+s3] =	stream.linear.scatter [tilespmem:s15], [sflag:$0x3], $0x4000, $0x38;
	[tilespmem:$0x8100] =	vst v63  }
0x2d: {  	s20 =	simm.s32 $0x20;
	_ =	swait.ge [sflag:s12], $0x4000  }
0x2e: {  	s21 =	simm.s32 $0x40;
	s19 =	sadd.s32 $0x1000, s9;
	[sflag:s12] =	ssyncset.done $0x0  }
.LBB2_2:
0x2f: {  	s22 =	sadd.s32 s20, s10  }
0x30: {  	[sflag:s12] =	ssyncadd.s32 $0xFFFFC000;
	s23 =	smov.u32 s21;
	s24 =	sadd.s32 $0x20, s21  }
0x31: {  	[tilespmem:s13], [sflag:$0x3] =	stream.linear.gather [hbm4b:s22+s3], $0x80, $0x38;
	[tilespmem:$0x8100] =	vst v63  }
0x32: {  	p0 =	sne.s32 s21, $0x4C0;
	_ =	swait.ge [sflag:s12], $0x80  }
0x33: {  	[sflag:s12] =	ssyncset.done $0x0  }
0x34: {  	[sflag:s12] =	ssyncadd.s32 $0xFFFFFF80  }
0x35: {  	[tilespmem:s15], [sflag:$0x2] =	stream.indirect.gather [hbm4b:s2+s13], $0x80, s13, s13, $0xb8;
	[tilespmem:$0x8100] =	vst v63  }
0x36: {  	_ =	swait.ge [sflag:s16], $0x4000  }
0x37: {  	[sflag:s16] =	ssyncset.done $0x0  }
0x38: {  	[sflag:s16] =	ssyncadd.s32 $0xFFFFC000  }
0x39: {  	[hbm4b:s19+s3] =	stream.linear.scatter [tilespmem:s14], [sflag:$0x3], $0x4000, $0x38;
	[tilespmem:$0x8100] =	vst v63  }
0x3a: {  	_ =	swait.ge [sflag:s12], $0x4000  }
0x3b: {  	[sflag:s12] =	ssyncset.done $0x0  }
0x3c: {  	s21 =	sadd.s32 s20, s11;
	s20 =	smov.u32 s23;
	[sflag:s12] =	ssyncadd.s32 $0xFFFFC000  }
0x3d: {  	[tilespmem:s3], [sflag:$0x3] =	stream.linear.gather [hbm4b:s21+s3], $0x80, $0x38;
	[tilespmem:$0x8100] =	vst v63  }
0x3e: {  	_ =	swait.ge [sflag:s12], $0x80  }
0x3f: {  	[sflag:s12] =	ssyncset.done $0x0  }
0x40: {  	[sflag:s12] =	ssyncadd.s32 $0xFFFFFF80  }
0x41: {  	[tilespmem:s14], [sflag:$0x1] =	stream.indirect.gather [hbm4b:s2+s13], $0x80, s3, s13, $0xb8;
	[tilespmem:$0x8100] =	vst v63  }
0x42: {  	_ =	swait.ge [sflag:s17], $0x4000  }
.Ltmp0:
0x43: {  	[sflag:s17] =	ssyncset.done $0x0;
	(pc) =	sbr.rel @p0 .LBB2_2-.Ltmp0, $4  }
0x44: {  	s21 =	sadd.s32 $0x800, s19;
	[sflag:s17] =	ssyncadd.s32 $0xFFFFC000  }
0x45: {  	[hbm4b:s21+s3] =	stream.linear.scatter [tilespmem:s15], [sflag:$0x3], $0x4000, $0x38;
	[tilespmem:$0x8100] =	vst v63  }
0x46: {  	_ =	swait.ge [sflag:s12], $0x4000  }
0x47: {  	s19 =	sadd.s32 $0x1000, s19;
	s21 =	smov.u32 s24;
	[sflag:s12] =	ssyncset.done $0x0  }
0x48: {  	s21 =	sadd.s32 s20, s10;
	[sflag:s12] =	ssyncadd.s32 $0xFFFFC000  }
0x49: {  	[tilespmem:s13], [sflag:$0x3] =	stream.linear.gather [hbm4b:s21+s3], $0x80, $0x38;
	[tilespmem:$0x8100] =	vst v63  }
0x4a: {  	_ =	swait.ge [sflag:s12], $0x80  }
0x4b: {  	[sflag:s12] =	ssyncset.done $0x0  }
0x4c: {  	[sflag:s12] =	ssyncadd.s32 $0xFFFFFF80  }
0x4d: {  	[tilespmem:s15], [sflag:$0x2] =	stream.indirect.gather [hbm4b:s2+s13], $0x80, s13, s13, $0xb8;
	[tilespmem:$0x8100] =	vst v63  }
0x4e: {  	_ =	swait.ge [sflag:s16], $0x4000  }
0x4f: {  	[sflag:s16] =	ssyncset.done $0x0  }
0x50: {  	[sflag:s16] =	ssyncadd.s32 $0xFFFFC000  }
0x51: {  	[hbm4b:s19+s3] =	stream.linear.scatter [tilespmem:s14], [sflag:$0x3], $0x4000, $0x38;
	[tilespmem:$0x8100] =	vst v63  }
0x52: {  	_ =	swait.ge [sflag:s12], $0x4000  }
0x53: {  	[sflag:s12] =	ssyncset.done $0x0  }
0x54: {  	s30 =	sadd.s32 s20, s11;
	[sflag:s12] =	ssyncadd.s32 $0xFFFFC000  }
0x55: {  	[tilespmem:s3], [sflag:$0x3] =	stream.linear.gather [hbm4b:s30+s3], $0x80, $0x38;
	[tilespmem:$0x8100] =	vst v63  }
0x56: {  	_ =	swait.ge [sflag:s12], $0x80  }
0x57: {  	[sflag:s12] =	ssyncset.done $0x0  }
0x58: {  	[sflag:s12] =	ssyncadd.s32 $0xFFFFFF80  }
0x59: {  	[tilespmem:s14], [sflag:$0x1] =	stream.indirect.gather [hbm4b:s2+s13], $0x80, s3, s13, $0xb8;
	[tilespmem:$0x8100] =	vst v63  }
0x5a: {  	_ =	swait.ge [sflag:s17], $0x4000  }
0x5b: {  	[sflag:s17] =	ssyncset.done $0x0  }
0x5c: {  	s31 =	sadd.s32 $0x800, s19;
	[sflag:s17] =	ssyncadd.s32 $0xFFFFC000  }
0x5d: {  	[hbm4b:s31+s3] =	stream.linear.scatter [tilespmem:s15], [sflag:$0x3], $0x4000, $0x38;
	[tilespmem:$0x8100] =	vst v63  }
0x5e: {  	_ =	swait.ge [sflag:s12], $0x4000  }
0x5f: {  	[sflag:s12] =	ssyncset.done $0x0  }
0x60: {  	[sflag:s12] =	ssyncadd.s32 $0xFFFFC000  }
0x61: {  	[tilespmem:s13], [sflag:$0x3] =	stream.linear.gather [hbm4b:s6+s3], $0x80, $0x38;
	[tilespmem:$0x8100] =	vst v63  }
0x62: {  	_ =	swait.ge [sflag:s12], $0x80  }
0x63: {  	[sflag:s12] =	ssyncset.done $0x0  }
0x64: {  	[sflag:s12] =	ssyncadd.s32 $0xFFFFFF80  }
0x65: {  	[tilespmem:s15], [sflag:$0x2] =	stream.indirect.gather [hbm4b:s2+s13], $0x80, s13, s13, $0xb8;
	[tilespmem:$0x8100] =	vst v63  }
0x66: {  	_ =	swait.ge [sflag:s16], $0x4000  }
0x67: {  	[sflag:s16] =	ssyncset.done $0x0  }
0x68: {  	[sflag:s16] =	ssyncadd.s32 $0xFFFFC000  }
0x69: {  	[hbm4b:s7+s3] =	stream.linear.scatter [tilespmem:s14], [sflag:$0x3], $0x4000, $0x38;
	[tilespmem:$0x8100] =	vst v63  }
0x6a: {  	_ =	swait.ge [sflag:s12], $0x4000  }
0x6b: {  	[sflag:s12] =	ssyncset.done $0x0  }
0x6c: {  	[sflag:s12] =	ssyncadd.s32 $0xFFFFC000  }
0x6d: {  	s18 =	sadd.s32 $0x1, s18;
	_ =	swait.ge [sflag:s17], $0x4000  }
0x6e: {  	p0 =	sne.s32 s18, s5;
	[sflag:s17] =	ssyncset.done $0x0  }
.Ltmp1:
0x6f: {  	[sflag:s17] =	ssyncadd.s32 $0xFFFFC000;
	(pc) =	sbr.rel @p0 .LBB2_1-.Ltmp1, $4  }
0x70: {  	[hbm4b:s8+s3] =	stream.linear.scatter [tilespmem:s15], [sflag:$0x3], $0x4000, $0x38;
	[tilespmem:$0x8100] =	vst v63  }
0x71: {  	_ =	swait.ge [sflag:s12], $0x4000  }
0x72: {  	[sflag:s12] =	ssyncset.done $0x0  }
0x73: {  	[sflag:s12] =	ssyncadd.s32 $0xFFFFC000  }
0x74: {  	_ =	sfence.sel $0x180000  }
0x75: {  	[bflag:$0x0] =	sbarrier.arrive $0xFFFF  }
0x76: {  	p0 =	sne.s32 s0, $0x0;
	_ =	strace $0x90000053  }
0x77: {  	s0 =	sadd.s32 @!p0 $0x100000, s1;
	[bflag:$0x2] =	sbarrier.arrive $0xFFFF  }
0x78: {  	[sflag:s0] =	ssyncadd.tile.s32 @!p0 $0x1;
	_ =	shalt  }
.Lfunc_end2:
_tile_overlayer_lowered:
.L_overlay_start_2:
0x79: {  	(tag) =	ssettag $0x2  }
0x7a: {  	s0 =	rddreg [dreg:$0x0];
	s2 =	stileid.u32  }
0x7b: {  	s1 =	rddreg [dreg:$0x1];
	p0 =	sne.s32 s2, $0x0  }
0x7c: {  	s3 =	rddreg [dreg:$0x2];
	[bflag:$0x3] =	sbarrier.arrive $0xFFFF;
	s2 =	simm.s32 @!p0 $0x1C03  }
0x7d: {  	[timem:s3], [sflag:s2] =	dma.local @!p0 [hbm:s0], s1  }
0x7e: {  	s0 =	simm.s32 @!p0 $0x3  }
0x7f: {  	_ =	swait.ge @!p0 [sflag:s0], s1  }
0x80: {  	s1 =	ssub.s32 @!p0 $0x0, s1;
	[sflag:s0] =	ssyncset.done @!p0 $0x0  }
0x81: {  	[sflag:s0] =	ssyncadd.s32 @!p0 s1  }
0x82: {  	[bflag:$0x3] =	sbarrier.arrive $0xFFFF  }
0x83: {  	_ =	shalt  }

// kernel: sparse-core-data-format-call.cloned.1.call-start
scs
called_computation_lowered:
.L_overlay_start_0:
0x0: {  	s1 =	sld [smem:$0x3FD9]  }
0x1: {  	s2 =	sld [smem:$0x3FFE];
	_ =	sdelay $0x1  }
0x2: {  	s3 =	srdreg.scid  }
0x3: {  	s0 =	sand.u32 $0x1, s3  }
0x4: {  	s17 =	sshll.u32 s0, $0xA;
	s1 =	sadd.s32 s2, s1  }
0x5: {  	s1 =	sadd.s32 s1, s17  }
0x6: {  	[smem:$0x3FBB] =	sst s1  }
0x7: {  	_ = 	snop  }
0x8: {  	(tm) =	ssettm $0x1  }
0x9: {  	s18 =	sld [smem:$0x3FFB];
	_ =	sdelay $0x3  }
0xa: {  	_ =	strace s18  }
0xb: {  	s1 =	sld [smem:$0x3FFC];
	_ =	sdelay $0x3  }
0xc: {  	_ =	strace s1  }
0xd: {  	s1 =	sld [smem:$0x3FFD];
	_ =	sdelay $0x3  }
0xe: {  	_ =	strace s1  }
0xf: {  	_ =	strace $0x8FFFFFFF  }
0x10: {  	s19 =	sld [smem:$0x3FDB];
	_ =	sdelay $0x1  }
0x11: {  	s20 =	simm.s32 $_scs_section_size  }
0x12: {  	s4 =	simm.s32 $_size__tile_overlayer_lowered;
	s5 =	simm.s32 $_tile_overlayer_lowered  }
0x13: {  	s23 =	simm.s32 $0x1BFF;
	s22 =	sshll.u32 s5, $0x1;
	s1 =	sadd.s32 s20, s19  }
0x14: {  	s6 =	simm.s32 $0x0;
	s21 =	sshll.u32 s4, $0x1;
	s4 =	sadd.s32 s22, s1  }
0x15: {  	[timem:s6], [sflag:s23] =	dma.local [hbm:s4], s21  }
0x16: {  	_ =	swait.ge [sflag:s23], s21  }
0x17: {  	s2 =	ssub.s32 $0x0, s21;
	[sflag:s23] =	ssyncset.done $0x0  }
0x18: {  	[sflag:s23] =	ssyncadd.s32 s2;
	_ =	sdelay $0x1  }
0x19: {  	s24 =	simm.s32 $0x1B8B  }
0x1a: {  	_ =	swait.ge [sflag:s24], $0x1  }
0x1b: {  	[sflag:s24] =	ssyncset.done $0x0  }
0x1c: {  	s26 =	simm.s32 $0x1B8E;
	s25 =	sld [smem:$0x3FFE];
	[sflag:s24] =	ssyncadd.s32 $0xFFFFFFFF  }
0x1d: {  	s27 =	simm.s32 $execute0_lowered;
	[smem:$0x3FD2] =	sst s26  }
0x1e: {  	s4 =	sshll.u32 s27, $0x1;
	_ =	strace $0x8000004C;
	[dreg:$0x1] =	wrdreg $0xFFFFFFFF  }
0x1f: {  	s28 =	simm.s32 $_size_execute0_lowered;
	s1 =	sadd.s32 s1, s4;
	[dreg:$0x0] =	wrdreg $0x0  }
0x20: {  	s4 =	sshll.u32 s28, $0x1;
	[dreg:$0x2] =	wrdreg s1  }
0x21: {  	[dreg:$0x3] =	wrdreg s4  }
0x22: {  	[dreg:$0x4] =	wrdreg $0xC0  }
0x23: {  	_ =	task [dreg:s6], $0x5FFFF  }
0x24: {  	[dreg:$0x1] =	wrdreg $0xFFFFFFFF  }
0x25: {  	[dreg:$0x0] =	wrdreg $0x60  }
0x26: {  	[dreg:$0x2] =	wrdreg s25  }
0x27: {  	[dreg:$0x3] =	wrdreg $0x9  }
0x28: {  	_ =	task.clear_ibuf [dreg:s6], $0x4FFFF;
	_ =	strace $0x9000004C  }
0x29: {  	s29 =	simm.s32 $0x9;
	_ =	strace $0x8000004E  }
0x2a: {  	_ =	swait.ge [sflag:s29], $0x1  }
0x2b: {  	[sflag:s29] =	ssyncadd.s32 $0xFFFFFFFF  }
0x2c: {  	_ =	strace $0x9000004E  }
0x2d: {  	_ =	sfence  }
0x2e: {  	s30 =	sld [smem:$0x0];
	_ =	sdelay $0x2  }
0x2f: {  	s31 =	sshll.u32 s3, $0xD;
	s3 =	sshrl.u32 s3, $0x2  }
0x30: {  	s2 =	sand.u32 $0x4000, s31;
	s1 =	sadd.s32 s3, s30  }
0x31: {  	s0 =	sor.u32 s2, s0;
	s1 =	sshll.u32 s1, $0x11  }
0x32: {  	s0 =	sor.u32 s1, s0  }
0x33: {  	s0 =	sadd.s32 $0x8F2B, s0  }
0x34: {  	[sflag:s0] =	ssyncadd.remote.s32 $0x1  }
0x35: {  	_ =	sfence.sel $0xFFFF  }
0x36: {  	[dreg:$0x0] =	wrdreg $0xFFFFFFFF;
	(pc) =	sbr.abs _section_cstart, $3  }
0x37: {  	[dreg:$0x1] =	wrdreg $0xFFFFFFFF  }
0x38: {  	_ =	task.clear_ibuf [dreg:s6], $0x2FFFF;
	_ =	strace $0x9FFFFFFF  }
0x39: {  	(tm) =	ssettm $0x7FFFFFFF  }
tec
execute0_lowered:
.L_overlay_start_1:
0x0: {  	(tag) =	ssettag $0x1  }
0x1: {  	s0 =	stileid.u32;
	s1 =	srdreg.scid  }
0x2: {  	s4 =	rddreg [dreg:$0x0];
	s2 =	sshll.u32 s0, $0x4;
	s1 =	sshll.u32 s1, $0x8  }
0x3: {  	s5 =	simm.s32 $0x1;
	s8 =	simm.s32 $0x2;
	s1 =	sor.u32 s2, s1  }
0x4: {  	s14 =	simm.s32 $0x0;
	s9 =	simm.s32 $0x4000;
	s2 =	sand.u32 $0x180, s1  }
0x5: {  	s15 =	simm.s32 $0x0;
	s16 =	simm.s32 $0x0;
	s3 =	ssub.s32 $0x800, s2  }
0x6: {  	s10 =	simm.s32 $0x0;
	s7 =	sand.u32 $0x7, s0;
	s31 =	sand.u32 $0x180, s3  }
0x7: {  	s13 =	simm.s32 $0x0;
	s12 =	smov.u32 s7;
	p0 =	sne.s32 s31, $0x0  }
.Ltmp0:
0x8: {  	s6 =	sshrl.u32 s3, $0x9;
	s5 =	simm.s32 @!p0 $0x0;
	(pc) =	sbr.rel .LBB1_1-.Ltmp0, $4  }
0x9: {  	s1 =	rddreg [dreg:$0x1];
	_ =	strace $0x8000004D;
	s6 =	sadd.s32 s5, s6  }
0xa: {  	s11 =	smov.u32 s2;
	s5 =	simm.s32 $0x1;
	s6 =	smul.u32 $0x14, s6  }
0xb: {  	s3 =	sadd.s32 $0x50DC00, s4;
	s4 =	sadd.s32 $0xB0DC00, s4;
	[sflag:s5] =	ssyncpa.u1 $0x0  }
0xc: {  	p0 =	por $0x0, $0x0;
	[sflag:s8] =	ssyncpa.u1 $0x0;
	s8 =	sor.u32 $0x1, s6  }
.LBB1_4:
0xd: {  	s16 =	smul.u32 $0x50000, s16  }
0xe: {  	s19 =	sshll.u32 s15, $0x3;
	s20 =	sand.u32 $0x78, s15;
	s30 =	sand.u32 $0x3F00, s15  }
0xf: {  	s14 =	sshll.u32 s14, $0xE;
	s19 =	sand.u32 $0x400, s19;
	s16 =	sadd.s32 s4, s16  }
0x10: {  	[tilespmem:s18+$0x810 ss:$0x81] =	vst.msk $0xffff, v2;
	s31 =	sand.u32 $0x7, s15;
	s19 =	sor.u32 s20, s19;
	s16 =	sadd.s32 s30, s16  }
0x11: {  	[tilespmem:s18+$0x1020 ss:$0x81] =	vst.msk $0xffff, v0;
	s15 =	sshll.u32 s31, $0x12;
	s19 =	sshrl.u32 s19, $0x3;
	s14 =	sadd.s32 s14, s16  }
0x12: {  	[tilespmem:s18+$0x0 ss:$0x81] =	vst.msk $0xffff, v1;
	s15 =	sor.u32 $0x400, s15;
	s14 =	sadd.s32 s19, s14  }
0x13: {  	[hbm4b:s14+s15] =	stream.strided.scatter [tilespmem:s17], [sflag:$0x2], $0x2000, s9, s15, $0x20;
	[tilespmem:$0x8080] =	vst v63  }
.LBB1_5:
0x14: {  	s17 =	sadd.s32 $0x1, s10  }
0x15: {  	s14 =	sadd.s32 $0x200, s11;
	s18 =	smov.u32 s11;
	p2 =	sgt.s32 s17, $0x13  }
0x16: {  	s18 =	smov.u32 @p2 s14  }
0x17: {  	s20 =	smov.u32 s12;
	s14 =	sadd.s32 $0x8, s12;
	p3 =	sgt.s32 s18, $0x7FF  }
0x18: {  	s20 =	smov.u32 @p3 s14  }
0x19: {  	s17 =	simm.s32 @p2 $0x0;
	p2 =	sgt.s32 s20, $0x7  }
0x1a: {  	p1 =	slt.u32 s13, $0x2;
	s20 =	smov.u32 @p2 s7;
	p2 =	sne.s32 s13, s8  }
.Ltmp1:
0x1b: {  	s19 =	simm.s32 @!p1 $0x2;
	(pc) =	sbr.rel @!p2 .LBB1_6-.Ltmp1, $4  }
0x1c: {  	s15 =	smov.u32 s11;
	s16 =	smov.u32 s12;
	_ =	swait.ge @!p1 [sflag:s19], $0x2000  }
0x1d: {  	p0 =	por !p0, !p0;
	[sflag:s19] =	ssyncset.done @!p1 $0x0;
	s18 =	smov.u32 @p3 s2  }
0x1e: {  	s14 =	smov.u32 s10;
	[sflag:s19] =	ssyncadd.s32 @!p1 $0xFFFFE000;
	s10 =	smov.u32 s17  }
0x1f: {  	s11 =	smov.u32 s18;
	s13 =	sadd.s32 $0x1, s13;
	s12 =	smov.u32 s20  }
.LBB1_1:
0x20: {  	p1 =	sge.u32 s13, s6  }
0x21: {  	s17 =	sand.u32 @!p1 $0x1FFFFFF, s10;
	s19 =	smul.u32 @!p1 $0xC0000, s12  }
0x22: {  	s18 =	smulhi.u32 @!p1 $0xAAAAAAB, s17  }
0x23: {  	s21 =	smul.u32 @!p1 $0x180, s11  }
0x24: {  	s18 =	smul.u32 @!p1 $0x18, s18  }
0x25: {  	s31 =	sadd.s32 $0xFFFFFFFF, s13;
	s19 =	sadd.s32 @!p1 s3, s19  }
0x26: {  	s20 =	sxor.u32 @!p1 $0xFFFFFFFF, s13;
	s19 =	sadd.s32 @!p1 s21, s19;
	s17 =	ssub.s32 @!p1 s17, s18  }
0x27: {  	s18 =	sshll.u32 @!p1 s20, $0xD;
	s20 =	simm.s32 @!p1 $0xC00;
	s17 =	sshll.u32 @!p1 s17, $0x4  }
0x28: {  	s18 =	sand.u32 @!p1 $0x2000, s18;
	s17 =	sadd.s32 @!p1 s17, s19;
	s19 =	simm.s32 @!p1 $0x40  }
0x29: {  	[tilespmem:s18], [sflag:$0x1] =	stream.strided.gather @!p1 [hbm4b:s17+s19], $0x2000, s20, s19, $0x38;
	[tilespmem:$0x8080] =	vst v63  }
0x2a: {  	p1 =	sge.u32 s31, s6  }
.Ltmp2:
0x2b: {  	_ = 	snop;
	(pc) =	sbr.rel @p1 .LBB1_5-.Ltmp2, $1  }
0x2c: {  	_ =	sdelay $0x3  }
0x2d: {  	s17 =	simm.s32 $0x1  }
0x2e: {  	_ =	swait.ge [sflag:s5], $0x2000;
	s17 =	simm.s32 @!p0 $0x0  }
0x2f: {  	[sflag:s5] =	ssyncset.done $0x0;
	s18 =	sshll.u32 s17, $0xD  }
0x30: {  	[sflag:s5] =	ssyncadd.s32 $0xFFFFE000;
	s21 =	sor.u32 $0x20, s18  }
0x31: {  	s17 =	smul.u32 $0x8100, s17;
	v3 =	vld [tilespmem:s21+$0x10]  }
0x32: {  	s30 =	sand.u32 $0x1, s13;
	v2 =	vld [tilespmem:s21+$0xFFFFFFF0]  }
0x33: {  	s18 =	smul.u32 $0x8100, s30;
	s17 =	sshrl.u32 s17, $0x2;
	v0 =	vld [tilespmem:s21+$0x0]  }
0x34: {  	v1 =	vld [tilespmem:s21+$0xFFFFFFE0];
	s19 =	sor.u32 $0x4000, s17  }
0x35: {  	s31 =	sshrl.u32 s18, $0x2;
	s18 =	sadd.s32 $0x0, s19  }
0x36: {  	s20 =	simm.s32 $0x4;
	s21 =	sadd.s32 $0x40, s21;
	s17 =	sor.u32 $0x4000, s31;
	[tilespmem:s18+$0x1830 ss:$0x81] =	vst.msk $0xffff, v3  }
.LBB1_3:
0x37: {  	v3 =	vld [tilespmem:s21+$0x10];
	p1 =	sne.s32 s20, $0x1FC;
	[tilespmem:s18+$0x810 ss:$0x81] =	vst.msk $0xffff, v2;
	s22 =	smov.u32 s20;
	s20 =	sadd.s32 $0x4, s20  }
.Ltmp3:
0x38: {  	v2 =	vld [tilespmem:s21+$0xFFFFFFF0];
	[tilespmem:s18+$0x1020 ss:$0x81] =	vst.msk $0xffff, v0;
	(pc) =	sbr.rel @p1 .LBB1_3-.Ltmp3, $4  }
0x39: {  	v0 =	vld [tilespmem:s21+$0x0];
	[tilespmem:s18+$0x0 ss:$0x81] =	vst.msk $0xffff, v1  }
0x3a: {  	s18 =	sshra.s32 s22, $0x2;
	v1 =	vld [tilespmem:s21+$0xFFFFFFE0]  }
0x3b: {  	s18 =	sadd.s32 s18, s19  }
0x3c: {  	s21 =	sadd.s32 $0x40, s21;
	[tilespmem:s18+$0x1830 ss:$0x81] =	vst.msk $0xffff, v3  }
.Ltmp4:
0x3d: {  	_ = 	snop;
	(pc) =	sbr.rel .LBB1_4-.Ltmp4, $1  }
0x3e: {  	_ =	sdelay $0x3  }
.LBB1_6:
0x3f: {  	_ =	sfence.sel $0x180000  }
0x40: {  	s2 =	simm.s32 $0x1;
	[bflag:$0x0] =	sbarrier.arrive $0xFFFF  }
0x41: {  	s31 =	simm.s32 $0x2;
	[sflag:s2] =	ssyncpa.u1 $0x1  }
0x42: {  	[sflag:s31] =	ssyncpa.u1 $0x1  }
0x43: {  	p0 =	sne.s32 s0, $0x0;
	_ =	strace $0x9000004D  }
0x44: {  	s0 =	sadd.s32 @!p0 $0x100000, s1;
	[bflag:$0x2] =	sbarrier.arrive $0xFFFF  }
0x45: {  	[sflag:s0] =	ssyncadd.tile.s32 @!p0 $0x1;
	_ =	shalt  }
.Lfunc_end1:
_tile_overlayer_lowered:
.L_overlay_start_2:
0x46: {  	(tag) =	ssettag $0x2  }
0x47: {  	s0 =	rddreg [dreg:$0x0];
	s2 =	stileid.u32  }
0x48: {  	s1 =	rddreg [dreg:$0x1];
	p0 =	sne.s32 s2, $0x0  }
0x49: {  	s3 =	rddreg [dreg:$0x2];
	[bflag:$0x3] =	sbarrier.arrive $0xFFFF;
	s2 =	simm.s32 @!p0 $0x1C01  }
0x4a: {  	[timem:s3], [sflag:s2] =	dma.local @!p0 [hbm:s0], s1  }
0x4b: {  	s0 =	simm.s32 @!p0 $0x1  }
0x4c: {  	_ =	swait.ge @!p0 [sflag:s0], s1  }
0x4d: {  	s1 =	ssub.s32 @!p0 $0x0, s1;
	[sflag:s0] =	ssyncset.done @!p0 $0x0  }
0x4e: {  	[sflag:s0] =	ssyncadd.s32 @!p0 s1  }
0x4f: {  	[bflag:$0x3] =	sbarrier.arrive $0xFFFF  }
0x50: {  	_ =	shalt  }

</sc_bundles>
